<compile_context>
chip_gen: v7x
topology: tpu7x:2x2x1
jax: 0.10.2.dev20260603
libtpu: 0.0.44.dev20260713+nightly
codegen_flags: <defaults>
</compile_context>

<pallas_src>
import functools

import jax
import jax.numpy as jnp
from jax import lax
from jax.experimental import pallas as pl
from jax.experimental.pallas import tpu as pltpu
from jax.experimental.pallas import tpu_sc as plsc

NC = 2
NS = 16
NW = NC * NS


@functools.lru_cache(maxsize=None)
def _make_agg_kernel(n, e, d):
    ew = e // NW
    chunk = 80
    assert e % NW == 0 and ew % chunk == 0 and n % (NS * 8) == 0
    nchunks = ew // chunk
    rows_per_tile = n // NS

    mesh = plsc.VectorSubcoreMesh(core_axis_name="c", subcore_axis_name="s")
    npairs = nchunks // 2
    tail = nchunks - 2 * npairs

    @functools.partial(
        pl.kernel,
        out_type=jax.ShapeDtypeStruct((NC, n, d), jnp.float32),
        mesh=mesh,
        scratch_types=[
            pltpu.VMEM((nchunks, chunk), jnp.int32),
            pltpu.VMEM((2, chunk), jnp.int32),
            pltpu.VMEM((2, chunk), jnp.int32),
            pltpu.VMEM((2, chunk, d), jnp.float32),
            pltpu.VMEM_SHARED((n, d), jnp.float32),
            pltpu.SemaphoreType.DMA,
            pltpu.SemaphoreType.DMA,
        ],
    )
    def agg_kernel(h_hbm, pidx_hbm, zeros_hbm, out_hbm,
                   pidx, sidx, didx, rows, acc, sem0, sem1):
        c = lax.axis_index("c")
        s = lax.axis_index("s")
        w = s * NC + c
        pltpu.sync_copy(pidx_hbm.at[w], pidx)
        pltpu.sync_copy(zeros_hbm.at[pl.ds(s * rows_per_tile, rows_per_tile)],
                        acc.at[pl.ds(s * rows_per_tile, rows_per_tile)])
        plsc.subcore_barrier()

        sems = (sem0, sem1)

        def fire(cc, p):
            for k in range(chunk // 16):
                v = pidx[cc, pl.ds(16 * k, 16)]
                sidx[p, pl.ds(16 * k, 16)] = lax.bitwise_and(v, 0xFFFF)
                didx[p, pl.ds(16 * k, 16)] = lax.shift_right_logical(v, 16)
            pltpu.async_copy(h_hbm.at[sidx.at[p]], rows.at[p], sems[p])

        def drain(p):
            pltpu.make_async_copy(h_hbm.at[sidx.at[p]], rows.at[p],
                                  sems[p]).wait()
            pltpu.sync_copy(rows.at[p], acc.at[didx.at[p]], add=True)

        for p in range(2):
            if p < nchunks:
                fire(p, p)

        def body(j, carry):
            for p in range(2):
                cchunk = 2 * j + p
                drain(p)
                nxt = cchunk + 2

                @pl.when(nxt < nchunks)
                def _():
                    fire(nxt, p)
            return carry

        lax.fori_loop(0, npairs, body, 0)
        if tail:
            drain(0)
        plsc.subcore_barrier()
        pltpu.sync_copy(acc.at[pl.ds(s * rows_per_tile, rows_per_tile)],
                        out_hbm.at[c, pl.ds(s * rows_per_tile, rows_per_tile)])

    return agg_kernel


def _enc_body(x_ref, w_ref, b_ref, g_ref, be_ref, o_ref):
    y = jnp.dot(x_ref[...], w_ref[...], preferred_element_type=jnp.float32)
    y = y + b_ref[...]
    mu = jnp.mean(y, axis=-1, keepdims=True)
    var = jnp.mean((y - mu) * (y - mu), axis=-1, keepdims=True)
    yn = (y - mu) * lax.rsqrt(var + 1e-5) * g_ref[...] + be_ref[...]
    o_ref[...] = yn * jax.nn.sigmoid(yn)


def _mlp_body(h_ref, p0_ref, p1_ref, w1_ref, b1_ref, w2_ref, b2_ref,
              sc_ref, bi_ref, o_ref):
    m = h_ref[...] + p0_ref[0] + p1_ref[0]
    t = jnp.dot(m, w1_ref[...], preferred_element_type=jnp.float32) + b1_ref[...]
    t = t * jax.nn.sigmoid(t)
    y = jnp.dot(t, w2_ref[...], preferred_element_type=jnp.float32) + b2_ref[...]
    y = y * sc_ref[...] + bi_ref[...]
    o_ref[...] = y * jax.nn.sigmoid(y)


def _head_body(h_ref, batch_ref, u_ref, wp_ref, bp_ref, gp_ref, bpl_ref,
               wf1g_ref, wf1p_ref, bf1_ref, gf1_ref, bl1_ref,
               wf2_ref, bf2_ref, gf2_ref, bl2_ref,
               wt_ref, bt_ref, wz_ref, bz_ref,
               theta_ref, z_ref):
    nb = theta_ref.shape[0]
    n = h_ref.shape[0]
    seg = batch_ref[...]
    row_ids = lax.broadcasted_iota(jnp.int32, (nb, n), 0)
    oh = (row_ids == seg).astype(jnp.float32)
    sums = jnp.dot(oh, h_ref[...], preferred_element_type=jnp.float32)
    cnt = jnp.sum(oh, axis=-1, keepdims=True)
    h_graph = sums / jnp.maximum(cnt, 1.0)

    def ln_silu(v, g, b):
        mu = jnp.mean(v, axis=-1, keepdims=True)
        var = jnp.mean((v - mu) * (v - mu), axis=-1, keepdims=True)
        vn = (v - mu) * lax.rsqrt(var + 1e-5) * g + b
        return vn * jax.nn.sigmoid(vn)

    hp = jnp.dot(u_ref[...], wp_ref[...], preferred_element_type=jnp.float32)
    h_phys = ln_silu(hp + bp_ref[...], gp_ref[...], bpl_ref[...])

    h1 = (jnp.dot(h_graph, wf1g_ref[...], preferred_element_type=jnp.float32)
          + jnp.dot(h_phys, wf1p_ref[...], preferred_element_type=jnp.float32)
          + bf1_ref[...])
    h1 = ln_silu(h1, gf1_ref[...], bl1_ref[...])
    h2 = jnp.dot(h1, wf2_ref[...], preferred_element_type=jnp.float32) + bf2_ref[...]
    h2 = ln_silu(h2, gf2_ref[...], bl2_ref[...])
    theta_ref[...] = (jnp.sum(h2 * wt_ref[...], axis=-1, keepdims=True)
                      + bt_ref[...])
    z_ref[...] = jnp.dot(h2, wz_ref[...], preferred_element_type=jnp.float32) + bz_ref[...]


def _row2d(v):
    return v.reshape(1, -1)


def kernel(x, edge_index, batch, u, W_enc, b_enc, g_enc, be_enc, W1s, b1s,
           W2s, b2s, bn_g, bn_b, Wp, bp, gp, bpl, Wf1, bf1, gf1, bl1, Wf2,
           bf2, gf2, bl2, Wt, bt, Wz, bz):
    n, d = x.shape
    e = edge_index.shape[1]
    nb, p = u.shape
    m_dim = Wf1.shape[1]
    num_layers = W1s.shape[0]

    blk = 2000
    assert n % blk == 0
    grid = n // blk
    n_pad = ((n + NS * 8 - 1) // (NS * 8)) * (NS * 8)

    chunk = 80
    ew = e // NW
    nchunks = ew // chunk
    packed = jnp.bitwise_or(
        edge_index[0], jnp.left_shift(edge_index[1], 16)
    ).astype(jnp.int32).reshape(NW, nchunks, chunk)
    zeros_nd = jnp.zeros((n_pad, d), jnp.float32)

    enc = pl.pallas_call(
        _enc_body,
        grid=(grid,),
        in_specs=[
            pl.BlockSpec((blk, d), lambda i: (i, 0)),
            pl.BlockSpec((d, d), lambda i: (0, 0)),
            pl.BlockSpec((1, d), lambda i: (0, 0)),
            pl.BlockSpec((1, d), lambda i: (0, 0)),
            pl.BlockSpec((1, d), lambda i: (0, 0)),
        ],
        out_specs=pl.BlockSpec((blk, d), lambda i: (i, 0)),
        out_shape=jax.ShapeDtypeStruct((n_pad, d), jnp.float32),
    )
    h = enc(x, W_enc, _row2d(b_enc), _row2d(g_enc), _row2d(be_enc))

    agg_fn = _make_agg_kernel(n_pad, e, d)
    bn_scale = bn_g / jnp.sqrt(1.0 + 1e-5)

    mlp = pl.pallas_call(
        _mlp_body,
        grid=(grid,),
        in_specs=[
            pl.BlockSpec((blk, d), lambda i: (i, 0)),
            pl.BlockSpec((1, blk, d), lambda i: (0, i, 0)),
            pl.BlockSpec((1, blk, d), lambda i: (1, i, 0)),
            pl.BlockSpec((d, d), lambda i: (0, 0)),
            pl.BlockSpec((1, d), lambda i: (0, 0)),
            pl.BlockSpec((d, d), lambda i: (0, 0)),
            pl.BlockSpec((1, d), lambda i: (0, 0)),
            pl.BlockSpec((1, d), lambda i: (0, 0)),
            pl.BlockSpec((1, d), lambda i: (0, 0)),
        ],
        out_specs=pl.BlockSpec((blk, d), lambda i: (i, 0)),
        out_shape=jax.ShapeDtypeStruct((n_pad, d), jnp.float32),
    )

    for i in range(num_layers):
        parts = agg_fn(h, packed, zeros_nd)
        h = mlp(h, parts, parts, W1s[i], _row2d(b1s[i]), W2s[i],
                _row2d(b2s[i]), _row2d(bn_scale[i]), _row2d(bn_b[i]))

    Wf1g = Wf1[:d]
    Wf1p = Wf1[d:]
    head = pl.pallas_call(
        _head_body,
        out_shape=[
            jax.ShapeDtypeStruct((nb, 1), jnp.float32),
            jax.ShapeDtypeStruct((nb, d), jnp.float32),
        ],
    )
    theta, z = head(
        h[:n], batch.reshape(1, n).astype(jnp.int32), u,
        Wp, _row2d(bp), _row2d(gp), _row2d(bpl),
        Wf1g, Wf1p, _row2d(bf1), _row2d(gf1), _row2d(bl1),
        Wf2, _row2d(bf2), _row2d(gf2), _row2d(bl2),
        _row2d(Wt.reshape(-1)), bt.reshape(1, 1), Wz, _row2d(bz))
    return (theta, z)

# --- scband reference (transcript-rebuilt; emitter-appended) ---
"""Pipeline reference for scband-pignn-61521111547997 (READ-ONLY COPY).

The authoritative reference and input builder live on the scoring server;
editing this copy changes nothing except your own understanding.
"""

import jax, jax.numpy as jnp
import numpy as np

N = 10000; E = 320000; D = 128; B = 64; P = 8; H = 128; M = 256; Z = 128; L = 5


def silu(v):
    return v * jax.nn.sigmoid(v)


def ln(v, g, b):
    mu = v.mean(-1, keepdims=True)
    var = v.var(-1, keepdims=True)
    return (v - mu) / jnp.sqrt(var + 1e-5) * g + b


def setup_inputs(seed: int = 0):
    key = jax.random.key(seed)
    ks = jax.random.split(key, 16)
    s = 0.05
    inp = {}
    inp["x"] = jax.random.normal(ks[0], (N, D), jnp.float32)
    inp["edge_index"] = jax.random.randint(ks[1], (2, E), 0, N)
    inp["batch"] = jnp.sort(jax.random.randint(ks[2], (N,), 0, B))
    inp["u"] = jax.random.normal(ks[3], (B, P), jnp.float32)
    inp["W_enc"] = jax.random.normal(ks[4], (D, H), jnp.float32) * s
    inp["b_enc"] = jnp.zeros((H,), jnp.float32)
    inp["g_enc"] = jnp.ones((H,), jnp.float32)
    inp["be_enc"] = jnp.zeros((H,), jnp.float32)
    inp["W1s"] = jax.random.normal(ks[5], (L, H, H), jnp.float32) * s
    inp["b1s"] = jnp.zeros((L, H), jnp.float32)
    inp["W2s"] = jax.random.normal(ks[6], (L, H, H), jnp.float32) * s
    inp["b2s"] = jnp.zeros((L, H), jnp.float32)
    inp["bn_g"] = jnp.ones((L, H), jnp.float32)
    inp["bn_b"] = jnp.zeros((L, H), jnp.float32)
    inp["Wp"] = jax.random.normal(ks[7], (P, H), jnp.float32) * s
    inp["bp"] = jnp.zeros((H,), jnp.float32)
    inp["gp"] = jnp.ones((H,), jnp.float32)
    inp["bpl"] = jnp.zeros((H,), jnp.float32)
    inp["Wf1"] = jax.random.normal(ks[8], (2 * H, M), jnp.float32) * s
    inp["bf1"] = jnp.zeros((M,), jnp.float32)
    inp["gf1"] = jnp.ones((M,), jnp.float32)
    inp["bl1"] = jnp.zeros((M,), jnp.float32)
    inp["Wf2"] = jax.random.normal(ks[9], (M, M), jnp.float32) * s
    inp["bf2"] = jnp.zeros((M,), jnp.float32)
    inp["gf2"] = jnp.ones((M,), jnp.float32)
    inp["bl2"] = jnp.zeros((M,), jnp.float32)
    inp["Wt"] = jax.random.normal(ks[10], (M, 1), jnp.float32) * s
    inp["bt"] = jnp.zeros((1,), jnp.float32)
    inp["Wz"] = jax.random.normal(ks[11], (M, Z), jnp.float32) * s
    inp["bz"] = jnp.zeros((Z,), jnp.float32)
    return inp


def reference(x, edge_index, batch, u, W_enc, b_enc, g_enc, be_enc, W1s, b1s, W2s, b2s, bn_g, bn_b, Wp, bp, gp, bpl, Wf1, bf1, gf1, bl1, Wf2, bf2, gf2, bl2, Wt, bt, Wz, bz):
    n = x.shape[0]
    nb = u.shape[0]
    h = silu(ln(x @ W_enc + b_enc, g_enc, be_enc))
    src = edge_index[0]
    dst = edge_index[1]
    for i in range(W1s.shape[0]):
        agg = jax.ops.segment_sum(h[src], dst, num_segments=n)
        m = h + agg  # GIN with eps=0: (1+eps)*x_i + sum_j x_j
        m = silu(m @ W1s[i] + b1s[i]) @ W2s[i] + b2s[i]
        # BatchNorm1d in eval mode with fresh running stats (mean=0, var=1)
        m = m / jnp.sqrt(1.0 + 1e-5) * bn_g[i] + bn_b[i]
        h = silu(m)
    sums = jax.ops.segment_sum(h, batch, num_segments=nb)
    cnt = jax.ops.segment_sum(jnp.ones((n,), jnp.float32), batch, num_segments=nb)
    h_graph = sums / jnp.clip(cnt, 1.0)[:, None]
    h_phys = silu(ln(u @ Wp + bp, gp, bpl))
    hc = jnp.concatenate([h_graph, h_phys], axis=-1)
    h1 = silu(ln(hc @ Wf1 + bf1, gf1, bl1))
    h2 = silu(ln(h1 @ Wf2 + bf2, gf2, bl2))
    theta_pred = h2 @ Wt + bt
    z_chem = h2 @ Wz + bz
    return (theta_pred, z_chem)

if __name__ == "__main__":
    import jax
    _d = setup_inputs()
    print(jax.jit(kernel)(*tuple(_d.values())))

</pallas_src>

<mosaic_0001>
#map = affine_map<(d0, d1) -> (0, 0)>
#map1 = affine_map<(d0, d1) -> (0, 0, 0)>
module attributes {stable_mosaic.version = 14 : i64} {
  func.func @agg_kernel(%arg0: i32, %arg1: i32, %arg2: memref<10112x128xf32, #tpu.memory_space<hbm>>, %arg3: memref<32x125x80xi32, #tpu.memory_space<hbm>>, %arg4: memref<10112x128xf32, #tpu.memory_space<hbm>>, %arg5: memref<2x10112x128xf32, #tpu.memory_space<hbm>>, %arg6: memref<125x80xi32, #tpu.memory_space<vmem>>, %arg7: memref<2x80xi32, #tpu.memory_space<vmem>>, %arg8: memref<2x80xi32, #tpu.memory_space<vmem>>, %arg9: memref<2x80x128xf32, #tpu.memory_space<vmem>>, %arg10: memref<10112x128xf32, #tpu.memory_space<vmem_shared>>, %arg11: memref<!tpu.dma_semaphore, #tpu.memory_space<semaphore_mem>>, %arg12: memref<!tpu.dma_semaphore, #tpu.memory_space<semaphore_mem>>) attributes {dimension_semantics = [#tpu.dimension_semantics<core_parallel>, #tpu.dimension_semantics<subcore_parallel>], iteration_bounds = array<i64: 2, 16>, scalar_prefetch = 0 : i64, scratch_operands = 7 : i64, tpu.core_type = #tpu.core_type<sc_vector_subcore>, window_params = [{transform_indices = #map}, {transform_indices = #map1}, {transform_indices = #map}, {transform_indices = #map1}]} {
    %mul3A = arith.constant 2 : i32
    %mul3A_0 = arith.muli %arg1, %mul3A : i32
    %add3A = arith.addi %mul3A_0, %arg0 : i32
    "tpu.region"() ({
      %run_scoped3A_276 = tpu.sem_alloc : memref<!tpu.dma_semaphore, #tpu.memory_space<semaphore_mem>>
      %dma_start3A_277 = arith.constant 0 : i32
      %dma_start3A_278 = arith.constant 0 : i32
      %dma_start3A_279 = tpu.memref_slice %arg3[%add3A, %dma_start3A_277, %dma_start3A_278] : memref<32x125x80xi32, #tpu.memory_space<hbm>> -> memref<1x125x80xi32, #tpu.memory_space<hbm>>
      %dma_start3A_280 = tpu.memref_squeeze %dma_start3A_279 : memref<1x125x80xi32, #tpu.memory_space<hbm>> -> memref<125x80xi32, #tpu.memory_space<hbm>>
      %dma_start3A_281 = arith.constant 0 : i32
      %dma_start3A_282 = arith.constant 0 : i32
      %dma_start3A_283 = tpu.memref_slice %arg3[%add3A, %dma_start3A_281, %dma_start3A_282] : memref<32x125x80xi32, #tpu.memory_space<hbm>> -> memref<1x125x80xi32, #tpu.memory_space<hbm>>
      %dma_start3A_284 = tpu.memref_squeeze %dma_start3A_283 : memref<1x125x80xi32, #tpu.memory_space<hbm>> -> memref<125x80xi32, #tpu.memory_space<hbm>>
      tpu.enqueue_dma source(%dma_start3A_284 : memref<125x80xi32, #tpu.memory_space<hbm>>) target(%arg6 : memref<125x80xi32, #tpu.memory_space<vmem>>) target_semaphore(%run_scoped3A_276 : memref<!tpu.dma_semaphore, #tpu.memory_space<semaphore_mem>>)
      %dma_wait3A_285 = arith.constant 0 : i32
      %dma_wait3A_286 = arith.constant 0 : i32
      %dma_wait3A_287 = tpu.memref_slice %arg3[%add3A, %dma_wait3A_285, %dma_wait3A_286] : memref<32x125x80xi32, #tpu.memory_space<hbm>> -> memref<1x125x80xi32, #tpu.memory_space<hbm>>
      %dma_wait3A_288 = tpu.memref_squeeze %dma_wait3A_287 : memref<1x125x80xi32, #tpu.memory_space<hbm>> -> memref<125x80xi32, #tpu.memory_space<hbm>>
      %dma_wait3A_289 = arith.constant 0 : i32
      %dma_wait3A_290 = arith.constant 0 : i32
      %dma_wait3A_291 = tpu.memref_slice %arg3[%add3A, %dma_wait3A_289, %dma_wait3A_290] : memref<32x125x80xi32, #tpu.memory_space<hbm>> -> memref<1x125x80xi32, #tpu.memory_space<hbm>>
      %dma_wait3A_292 = tpu.memref_squeeze %dma_wait3A_291 : memref<1x125x80xi32, #tpu.memory_space<hbm>> -> memref<125x80xi32, #tpu.memory_space<hbm>>
      tpu.wait_dma2 semaphore(%run_scoped3A_276 : memref<!tpu.dma_semaphore, #tpu.memory_space<semaphore_mem>>) src(%dma_wait3A_292 : memref<125x80xi32, #tpu.memory_space<hbm>>) dst(%arg6 : memref<125x80xi32, #tpu.memory_space<vmem>>)
      tpu.yield
    }) : () -> ()
    %mul3A_1 = arith.constant 632 : i32
    %mul3A_2 = arith.muli %arg1, %mul3A_1 : i32
    %mul3A_3 = arith.constant 632 : i32
    %mul3A_4 = arith.muli %arg1, %mul3A_3 : i32
    "tpu.region"() ({
      %run_scoped3A_276 = tpu.sem_alloc : memref<!tpu.dma_semaphore, #tpu.memory_space<semaphore_mem>>
      %dma_start3A_277 = arith.constant 0 : i32
      %dma_start3A_278 = tpu.memref_slice %arg10[%mul3A_4, %dma_start3A_277] : memref<10112x128xf32, #tpu.memory_space<vmem_shared>> -> memref<632x128xf32, #tpu.memory_space<vmem_shared>>
      %dma_start3A_279 = arith.constant 0 : i32
      %dma_start3A_280 = tpu.memref_slice %arg4[%mul3A_2, %dma_start3A_279] : memref<10112x128xf32, #tpu.memory_space<hbm>> -> memref<632x128xf32, #tpu.memory_space<hbm>>
      tpu.enqueue_dma source(%dma_start3A_280 : memref<632x128xf32, #tpu.memory_space<hbm>>) target(%dma_start3A_278 : memref<632x128xf32, #tpu.memory_space<vmem_shared>>) target_semaphore(%run_scoped3A_276 : memref<!tpu.dma_semaphore, #tpu.memory_space<semaphore_mem>>)
      %dma_wait3A_281 = arith.constant 0 : i32
      %dma_wait3A_282 = tpu.memref_slice %arg10[%mul3A_4, %dma_wait3A_281] : memref<10112x128xf32, #tpu.memory_space<vmem_shared>> -> memref<632x128xf32, #tpu.memory_space<vmem_shared>>
      %dma_wait3A_283 = arith.constant 0 : i32
      %dma_wait3A_284 = tpu.memref_slice %arg4[%mul3A_2, %dma_wait3A_283] : memref<10112x128xf32, #tpu.memory_space<hbm>> -> memref<632x128xf32, #tpu.memory_space<hbm>>
      tpu.wait_dma2 semaphore(%run_scoped3A_276 : memref<!tpu.dma_semaphore, #tpu.memory_space<semaphore_mem>>) src(%dma_wait3A_284 : memref<632x128xf32, #tpu.memory_space<hbm>>) dst(%dma_wait3A_282 : memref<632x128xf32, #tpu.memory_space<vmem_shared>>)
      tpu.yield
    }) : () -> ()
    %barrier3A = arith.constant 0 : index
    tpu.barrier barrier_id(%barrier3A)
    %get3A = arith.constant 0 : i32
    %get3A_5 = arith.index_cast %get3A : i32 to index
    %get3A_6 = arith.constant 0 : index
    %get3A_7 = tpu.vector_load %arg6[%get3A_5, %get3A_6] {strides = array<i32>} : memref<125x80xi32, #tpu.memory_space<vmem>>, vector<1x16xi32>,
    %get3A_8 = vector.shape_cast %get3A_7 : vector<1x16xi32> to vector<16xi32>
    %and3A = arith.constant 65535 : i32
    %and3A_9 = vector.broadcast %and3A : i32 to vector<16xi32>
    %and3A_10 = arith.andi %get3A_8, %and3A_9 : vector<16xi32>
    %swap3A = arith.constant 0 : i32
    %swap3A_11 = arith.index_cast %swap3A : i32 to index
    %swap3A_12 = arith.constant 0 : index
    %swap3A_13 = tpu.vector_load %arg7[%swap3A_11, %swap3A_12] {strides = array<i32>} : memref<2x80xi32, #tpu.memory_space<vmem>>, vector<1x16xi32>,
    %swap3A_14 = vector.shape_cast %swap3A_13 : vector<1x16xi32> to vector<16xi32>
    %swap3A_15 = vector.shape_cast %and3A_10 : vector<16xi32> to vector<1x16xi32>
    tpu.vector_store %arg7[%swap3A_11, %swap3A_12], %swap3A_15 {strides = array<i32>} : memref<2x80xi32, #tpu.memory_space<vmem>>, vector<1x16xi32>,
    %shift_right_logical3A = arith.constant 16 : i32
    %shift_right_logical3A_16 = vector.broadcast %shift_right_logical3A : i32 to vector<16xi32>
    %shift_right_logical3A_17 = arith.shrui %get3A_8, %shift_right_logical3A_16 : vector<16xi32>
    %swap3A_18 = arith.constant 0 : i32
    %swap3A_19 = arith.index_cast %swap3A_18 : i32 to index
    %swap3A_20 = arith.constant 0 : index
    %swap3A_21 = tpu.vector_load %arg8[%swap3A_19, %swap3A_20] {strides = array<i32>} : memref<2x80xi32, #tpu.memory_space<vmem>>, vector<1x16xi32>,
    %swap3A_22 = vector.shape_cast %swap3A_21 : vector<1x16xi32> to vector<16xi32>
    %swap3A_23 = vector.shape_cast %shift_right_logical3A_17 : vector<16xi32> to vector<1x16xi32>
    tpu.vector_store %arg8[%swap3A_19, %swap3A_20], %swap3A_23 {strides = array<i32>} : memref<2x80xi32, #tpu.memory_space<vmem>>, vector<1x16xi32>,
    %get3A_24 = arith.constant 0 : i32
    %get3A_25 = arith.index_cast %get3A_24 : i32 to index
    %get3A_26 = arith.constant 16 : index
    %get3A_27 = tpu.vector_load %arg6[%get3A_25, %get3A_26] {strides = array<i32>} : memref<125x80xi32, #tpu.memory_space<vmem>>, vector<1x16xi32>,
    %get3A_28 = vector.shape_cast %get3A_27 : vector<1x16xi32> to vector<16xi32>
    %and3A_29 = arith.constant 65535 : i32
    %and3A_30 = vector.broadcast %and3A_29 : i32 to vector<16xi32>
    %and3A_31 = arith.andi %get3A_28, %and3A_30 : vector<16xi32>
    %swap3A_32 = arith.constant 0 : i32
    %swap3A_33 = arith.index_cast %swap3A_32 : i32 to index
    %swap3A_34 = arith.constant 16 : index
    %swap3A_35 = tpu.vector_load %arg7[%swap3A_33, %swap3A_34] {strides = array<i32>} : memref<2x80xi32, #tpu.memory_space<vmem>>, vector<1x16xi32>,
    %swap3A_36 = vector.shape_cast %swap3A_35 : vector<1x16xi32> to vector<16xi32>
    %swap3A_37 = vector.shape_cast %and3A_31 : vector<16xi32> to vector<1x16xi32>
    tpu.vector_store %arg7[%swap3A_33, %swap3A_34], %swap3A_37 {strides = array<i32>} : memref<2x80xi32, #tpu.memory_space<vmem>>, vector<1x16xi32>,
    %shift_right_logical3A_38 = arith.constant 16 : i32
    %shift_right_logical3A_39 = vector.broadcast %shift_right_logical3A_38 : i32 to vector<16xi32>
    %shift_right_logical3A_40 = arith.shrui %get3A_28, %shift_right_logical3A_39 : vector<16xi32>
    %swap3A_41 = arith.constant 0 : i32
    %swap3A_42 = arith.index_cast %swap3A_41 : i32 to index
    %swap3A_43 = arith.constant 16 : index
    %swap3A_44 = tpu.vector_load %arg8[%swap3A_42, %swap3A_43] {strides = array<i32>} : memref<2x80xi32, #tpu.memory_space<vmem>>, vector<1x16xi32>,
    %swap3A_45 = vector.shape_cast %swap3A_44 : vector<1x16xi32> to vector<16xi32>
    %swap3A_46 = vector.shape_cast %shift_right_logical3A_40 : vector<16xi32> to vector<1x16xi32>
    tpu.vector_store %arg8[%swap3A_42, %swap3A_43], %swap3A_46 {strides = array<i32>} : memref<2x80xi32, #tpu.memory_space<vmem>>, vector<1x16xi32>,
    %get3A_47 = arith.constant 0 : i32
    %get3A_48 = arith.index_cast %get3A_47 : i32 to index
    %get3A_49 = arith.constant 32 : index
    %get3A_50 = tpu.vector_load %arg6[%get3A_48, %get3A_49] {strides = array<i32>} : memref<125x80xi32, #tpu.memory_space<vmem>>, vector<1x16xi32>,
    %get3A_51 = vector.shape_cast %get3A_50 : vector<1x16xi32> to vector<16xi32>
    %and3A_52 = arith.constant 65535 : i32
    %and3A_53 = vector.broadcast %and3A_52 : i32 to vector<16xi32>
    %and3A_54 = arith.andi %get3A_51, %and3A_53 : vector<16xi32>
    %swap3A_55 = arith.constant 0 : i32
    %swap3A_56 = arith.index_cast %swap3A_55 : i32 to index
    %swap3A_57 = arith.constant 32 : index
    %swap3A_58 = tpu.vector_load %arg7[%swap3A_56, %swap3A_57] {strides = array<i32>} : memref<2x80xi32, #tpu.memory_space<vmem>>, vector<1x16xi32>,
    %swap3A_59 = vector.shape_cast %swap3A_58 : vector<1x16xi32> to vector<16xi32>
    %swap3A_60 = vector.shape_cast %and3A_54 : vector<16xi32> to vector<1x16xi32>
    tpu.vector_store %arg7[%swap3A_56, %swap3A_57], %swap3A_60 {strides = array<i32>} : memref<2x80xi32, #tpu.memory_space<vmem>>, vector<1x16xi32>,
    %shift_right_logical3A_61 = arith.constant 16 : i32
    %shift_right_logical3A_62 = vector.broadcast %shift_right_logical3A_61 : i32 to vector<16xi32>
    %shift_right_logical3A_63 = arith.shrui %get3A_51, %shift_right_logical3A_62 : vector<16xi32>
    %swap3A_64 = arith.constant 0 : i32
    %swap3A_65 = arith.index_cast %swap3A_64 : i32 to index
    %swap3A_66 = arith.constant 32 : index
    %swap3A_67 = tpu.vector_load %arg8[%swap3A_65, %swap3A_66] {strides = array<i32>} : memref<2x80xi32, #tpu.memory_space<vmem>>, vector<1x16xi32>,
    %swap3A_68 = vector.shape_cast %swap3A_67 : vector<1x16xi32> to vector<16xi32>
    %swap3A_69 = vector.shape_cast %shift_right_logical3A_63 : vector<16xi32> to vector<1x16xi32>
    tpu.vector_store %arg8[%swap3A_65, %swap3A_66], %swap3A_69 {strides = array<i32>} : memref<2x80xi32, #tpu.memory_space<vmem>>, vector<1x16xi32>,
    %get3A_70 = arith.constant 0 : i32
    %get3A_71 = arith.index_cast %get3A_70 : i32 to index
    %get3A_72 = arith.constant 48 : index
    %get3A_73 = tpu.vector_load %arg6[%get3A_71, %get3A_72] {strides = array<i32>} : memref<125x80xi32, #tpu.memory_space<vmem>>, vector<1x16xi32>,
    %get3A_74 = vector.shape_cast %get3A_73 : vector<1x16xi32> to vector<16xi32>
    %and3A_75 = arith.constant 65535 : i32
    %and3A_76 = vector.broadcast %and3A_75 : i32 to vector<16xi32>
    %and3A_77 = arith.andi %get3A_74, %and3A_76 : vector<16xi32>
    %swap3A_78 = arith.constant 0 : i32
    %swap3A_79 = arith.index_cast %swap3A_78 : i32 to index
    %swap3A_80 = arith.constant 48 : index
    %swap3A_81 = tpu.vector_load %arg7[%swap3A_79, %swap3A_80] {strides = array<i32>} : memref<2x80xi32, #tpu.memory_space<vmem>>, vector<1x16xi32>,
    %swap3A_82 = vector.shape_cast %swap3A_81 : vector<1x16xi32> to vector<16xi32>
    %swap3A_83 = vector.shape_cast %and3A_77 : vector<16xi32> to vector<1x16xi32>
    tpu.vector_store %arg7[%swap3A_79, %swap3A_80], %swap3A_83 {strides = array<i32>} : memref<2x80xi32, #tpu.memory_space<vmem>>, vector<1x16xi32>,
    %shift_right_logical3A_84 = arith.constant 16 : i32
    %shift_right_logical3A_85 = vector.broadcast %shift_right_logical3A_84 : i32 to vector<16xi32>
    %shift_right_logical3A_86 = arith.shrui %get3A_74, %shift_right_logical3A_85 : vector<16xi32>
    %swap3A_87 = arith.constant 0 : i32
    %swap3A_88 = arith.index_cast %swap3A_87 : i32 to index
    %swap3A_89 = arith.constant 48 : index
    %swap3A_90 = tpu.vector_load %arg8[%swap3A_88, %swap3A_89] {strides = array<i32>} : memref<2x80xi32, #tpu.memory_space<vmem>>, vector<1x16xi32>,
    %swap3A_91 = vector.shape_cast %swap3A_90 : vector<1x16xi32> to vector<16xi32>
    %swap3A_92 = vector.shape_cast %shift_right_logical3A_86 : vector<16xi32> to vector<1x16xi32>
    tpu.vector_store %arg8[%swap3A_88, %swap3A_89], %swap3A_92 {strides = array<i32>} : memref<2x80xi32, #tpu.memory_space<vmem>>, vector<1x16xi32>,
    %get3A_93 = arith.constant 0 : i32
    %get3A_94 = arith.index_cast %get3A_93 : i32 to index
    %get3A_95 = arith.constant 64 : index
    %get3A_96 = tpu.vector_load %arg6[%get3A_94, %get3A_95] {strides = array<i32>} : memref<125x80xi32, #tpu.memory_space<vmem>>, vector<1x16xi32>,
    %get3A_97 = vector.shape_cast %get3A_96 : vector<1x16xi32> to vector<16xi32>
    %and3A_98 = arith.constant 65535 : i32
    %and3A_99 = vector.broadcast %and3A_98 : i32 to vector<16xi32>
    %and3A_100 = arith.andi %get3A_97, %and3A_99 : vector<16xi32>
    %swap3A_101 = arith.constant 0 : i32
    %swap3A_102 = arith.index_cast %swap3A_101 : i32 to index
    %swap3A_103 = arith.constant 64 : index
    %swap3A_104 = tpu.vector_load %arg7[%swap3A_102, %swap3A_103] {strides = array<i32>} : memref<2x80xi32, #tpu.memory_space<vmem>>, vector<1x16xi32>,
    %swap3A_105 = vector.shape_cast %swap3A_104 : vector<1x16xi32> to vector<16xi32>
    %swap3A_106 = vector.shape_cast %and3A_100 : vector<16xi32> to vector<1x16xi32>
    tpu.vector_store %arg7[%swap3A_102, %swap3A_103], %swap3A_106 {strides = array<i32>} : memref<2x80xi32, #tpu.memory_space<vmem>>, vector<1x16xi32>,
    %shift_right_logical3A_107 = arith.constant 16 : i32
    %shift_right_logical3A_108 = vector.broadcast %shift_right_logical3A_107 : i32 to vector<16xi32>
    %shift_right_logical3A_109 = arith.shrui %get3A_97, %shift_right_logical3A_108 : vector<16xi32>
    %swap3A_110 = arith.constant 0 : i32
    %swap3A_111 = arith.index_cast %swap3A_110 : i32 to index
    %swap3A_112 = arith.constant 64 : index
    %swap3A_113 = tpu.vector_load %arg8[%swap3A_111, %swap3A_112] {strides = array<i32>} : memref<2x80xi32, #tpu.memory_space<vmem>>, vector<1x16xi32>,
    %swap3A_114 = vector.shape_cast %swap3A_113 : vector<1x16xi32> to vector<16xi32>
    %swap3A_115 = vector.shape_cast %shift_right_logical3A_109 : vector<16xi32> to vector<1x16xi32>
    tpu.vector_store %arg8[%swap3A_111, %swap3A_112], %swap3A_115 {strides = array<i32>} : memref<2x80xi32, #tpu.memory_space<vmem>>, vector<1x16xi32>,
    %dma_start3A = arith.constant 0 : i32
    %dma_start3A_116 = arith.constant 0 : i32
    %dma_start3A_117 = arith.constant 0 : i32
    %dma_start3A_118 = arith.constant 0 : i32
    %dma_start3A_119 = tpu.memref_slice %arg9[%dma_start3A_116, %dma_start3A_117, %dma_start3A_118] : memref<2x80x128xf32, #tpu.memory_space<vmem>> -> memref<1x80x128xf32, #tpu.memory_space<vmem>>
    %dma_start3A_120 = tpu.memref_squeeze %dma_start3A_119 : memref<1x80x128xf32, #tpu.memory_space<vmem>> -> memref<80x128xf32, #tpu.memory_space<vmem>>
    %dma_start3A_121 = arith.constant 0 : i32
    %dma_start3A_122 = tpu.memref_slice %arg7[%dma_start3A, %dma_start3A_121] : memref<2x80xi32, #tpu.memory_space<vmem>> -> memref<1x80xi32, #tpu.memory_space<vmem>>
    %dma_start3A_123 = tpu.memref_squeeze %dma_start3A_122 : memref<1x80xi32, #tpu.memory_space<vmem>> -> memref<80xi32, #tpu.memory_space<vmem>>
    %dma_start3A_124 = arith.constant 0 : i32
    %dma_start3A_125 = arith.constant 0 : i32
    %dma_start3A_126 = tpu.memref_slice %arg2[%dma_start3A_124, %dma_start3A_125] : memref<10112x128xf32, #tpu.memory_space<hbm>> -> memref<10112x128xf32, #tpu.memory_space<hbm>>
    tpu.enqueue_indirect_dma source(%dma_start3A_126 : memref<10112x128xf32, #tpu.memory_space<hbm>>) target(%dma_start3A_120 : memref<80x128xf32, #tpu.memory_space<vmem>>) offsets(%dma_start3A_123 : memref<80xi32, #tpu.memory_space<vmem>>) semaphore(%arg11 : memref<!tpu.dma_semaphore, #tpu.memory_space<semaphore_mem>>)
    %get3A_127 = arith.constant 1 : i32
    %get3A_128 = arith.index_cast %get3A_127 : i32 to index
    %get3A_129 = arith.constant 0 : index
    %get3A_130 = tpu.vector_load %arg6[%get3A_128, %get3A_129] {strides = array<i32>} : memref<125x80xi32, #tpu.memory_space<vmem>>, vector<1x16xi32>,
    %get3A_131 = vector.shape_cast %get3A_130 : vector<1x16xi32> to vector<16xi32>
    %and3A_132 = arith.constant 65535 : i32
    %and3A_133 = vector.broadcast %and3A_132 : i32 to vector<16xi32>
    %and3A_134 = arith.andi %get3A_131, %and3A_133 : vector<16xi32>
    %swap3A_135 = arith.constant 1 : i32
    %swap3A_136 = arith.index_cast %swap3A_135 : i32 to index
    %swap3A_137 = arith.constant 0 : index
    %swap3A_138 = tpu.vector_load %arg7[%swap3A_136, %swap3A_137] {strides = array<i32>} : memref<2x80xi32, #tpu.memory_space<vmem>>, vector<1x16xi32>,
    %swap3A_139 = vector.shape_cast %swap3A_138 : vector<1x16xi32> to vector<16xi32>
    %swap3A_140 = vector.shape_cast %and3A_134 : vector<16xi32> to vector<1x16xi32>
    tpu.vector_store %arg7[%swap3A_136, %swap3A_137], %swap3A_140 {strides = array<i32>} : memref<2x80xi32, #tpu.memory_space<vmem>>, vector<1x16xi32>,
    %shift_right_logical3A_141 = arith.constant 16 : i32
    %shift_right_logical3A_142 = vector.broadcast %shift_right_logical3A_141 : i32 to vector<16xi32>
    %shift_right_logical3A_143 = arith.shrui %get3A_131, %shift_right_logical3A_142 : vector<16xi32>
    %swap3A_144 = arith.constant 1 : i32
    %swap3A_145 = arith.index_cast %swap3A_144 : i32 to index
    %swap3A_146 = arith.constant 0 : index
    %swap3A_147 = tpu.vector_load %arg8[%swap3A_145, %swap3A_146] {strides = array<i32>} : memref<2x80xi32, #tpu.memory_space<vmem>>, vector<1x16xi32>,
    %swap3A_148 = vector.shape_cast %swap3A_147 : vector<1x16xi32> to vector<16xi32>
    %swap3A_149 = vector.shape_cast %shift_right_logical3A_143 : vector<16xi32> to vector<1x16xi32>
    tpu.vector_store %arg8[%swap3A_145, %swap3A_146], %swap3A_149 {strides = array<i32>} : memref<2x80xi32, #tpu.memory_space<vmem>>, vector<1x16xi32>,
    %get3A_150 = arith.constant 1 : i32
    %get3A_151 = arith.index_cast %get3A_150 : i32 to index
    %get3A_152 = arith.constant 16 : index
    %get3A_153 = tpu.vector_load %arg6[%get3A_151, %get3A_152] {strides = array<i32>} : memref<125x80xi32, #tpu.memory_space<vmem>>, vector<1x16xi32>,
    %get3A_154 = vector.shape_cast %get3A_153 : vector<1x16xi32> to vector<16xi32>
    %and3A_155 = arith.constant 65535 : i32
    %and3A_156 = vector.broadcast %and3A_155 : i32 to vector<16xi32>
    %and3A_157 = arith.andi %get3A_154, %and3A_156 : vector<16xi32>
    %swap3A_158 = arith.constant 1 : i32
    %swap3A_159 = arith.index_cast %swap3A_158 : i32 to index
    %swap3A_160 = arith.constant 16 : index
    %swap3A_161 = tpu.vector_load %arg7[%swap3A_159, %swap3A_160] {strides = array<i32>} : memref<2x80xi32, #tpu.memory_space<vmem>>, vector<1x16xi32>,
    %swap3A_162 = vector.shape_cast %swap3A_161 : vector<1x16xi32> to vector<16xi32>
    %swap3A_163 = vector.shape_cast %and3A_157 : vector<16xi32> to vector<1x16xi32>
    tpu.vector_store %arg7[%swap3A_159, %swap3A_160], %swap3A_163 {strides = array<i32>} : memref<2x80xi32, #tpu.memory_space<vmem>>, vector<1x16xi32>,
    %shift_right_logical3A_164 = arith.constant 16 : i32
    %shift_right_logical3A_165 = vector.broadcast %shift_right_logical3A_164 : i32 to vector<16xi32>
    %shift_right_logical3A_166 = arith.shrui %get3A_154, %shift_right_logical3A_165 : vector<16xi32>
    %swap3A_167 = arith.constant 1 : i32
    %swap3A_168 = arith.index_cast %swap3A_167 : i32 to index
    %swap3A_169 = arith.constant 16 : index
    %swap3A_170 = tpu.vector_load %arg8[%swap3A_168, %swap3A_169] {strides = array<i32>} : memref<2x80xi32, #tpu.memory_space<vmem>>, vector<1x16xi32>,
    %swap3A_171 = vector.shape_cast %swap3A_170 : vector<1x16xi32> to vector<16xi32>
    %swap3A_172 = vector.shape_cast %shift_right_logical3A_166 : vector<16xi32> to vector<1x16xi32>
    tpu.vector_store %arg8[%swap3A_168, %swap3A_169], %swap3A_172 {strides = array<i32>} : memref<2x80xi32, #tpu.memory_space<vmem>>, vector<1x16xi32>,
    %get3A_173 = arith.constant 1 : i32
    %get3A_174 = arith.index_cast %get3A_173 : i32 to index
    %get3A_175 = arith.constant 32 : index
    %get3A_176 = tpu.vector_load %arg6[%get3A_174, %get3A_175] {strides = array<i32>} : memref<125x80xi32, #tpu.memory_space<vmem>>, vector<1x16xi32>,
    %get3A_177 = vector.shape_cast %get3A_176 : vector<1x16xi32> to vector<16xi32>
    %and3A_178 = arith.constant 65535 : i32
    %and3A_179 = vector.broadcast %and3A_178 : i32 to vector<16xi32>
    %and3A_180 = arith.andi %get3A_177, %and3A_179 : vector<16xi32>
    %swap3A_181 = arith.constant 1 : i32
    %swap3A_182 = arith.index_cast %swap3A_181 : i32 to index
    %swap3A_183 = arith.constant 32 : index
    %swap3A_184 = tpu.vector_load %arg7[%swap3A_182, %swap3A_183] {strides = array<i32>} : memref<2x80xi32, #tpu.memory_space<vmem>>, vector<1x16xi32>,
    %swap3A_185 = vector.shape_cast %swap3A_184 : vector<1x16xi32> to vector<16xi32>
    %swap3A_186 = vector.shape_cast %and3A_180 : vector<16xi32> to vector<1x16xi32>
    tpu.vector_store %arg7[%swap3A_182, %swap3A_183], %swap3A_186 {strides = array<i32>} : memref<2x80xi32, #tpu.memory_space<vmem>>, vector<1x16xi32>,
    %shift_right_logical3A_187 = arith.constant 16 : i32
    %shift_right_logical3A_188 = vector.broadcast %shift_right_logical3A_187 : i32 to vector<16xi32>
    %shift_right_logical3A_189 = arith.shrui %get3A_177, %shift_right_logical3A_188 : vector<16xi32>
    %swap3A_190 = arith.constant 1 : i32
    %swap3A_191 = arith.index_cast %swap3A_190 : i32 to index
    %swap3A_192 = arith.constant 32 : index
    %swap3A_193 = tpu.vector_load %arg8[%swap3A_191, %swap3A_192] {strides = array<i32>} : memref<2x80xi32, #tpu.memory_space<vmem>>, vector<1x16xi32>,
    %swap3A_194 = vector.shape_cast %swap3A_193 : vector<1x16xi32> to vector<16xi32>
    %swap3A_195 = vector.shape_cast %shift_right_logical3A_189 : vector<16xi32> to vector<1x16xi32>
    tpu.vector_store %arg8[%swap3A_191, %swap3A_192], %swap3A_195 {strides = array<i32>} : memref<2x80xi32, #tpu.memory_space<vmem>>, vector<1x16xi32>,
    %get3A_196 = arith.constant 1 : i32
    %get3A_197 = arith.index_cast %get3A_196 : i32 to index
    %get3A_198 = arith.constant 48 : index
    %get3A_199 = tpu.vector_load %arg6[%get3A_197, %get3A_198] {strides = array<i32>} : memref<125x80xi32, #tpu.memory_space<vmem>>, vector<1x16xi32>,
    %get3A_200 = vector.shape_cast %get3A_199 : vector<1x16xi32> to vector<16xi32>
    %and3A_201 = arith.constant 65535 : i32
    %and3A_202 = vector.broadcast %and3A_201 : i32 to vector<16xi32>
    %and3A_203 = arith.andi %get3A_200, %and3A_202 : vector<16xi32>
    %swap3A_204 = arith.constant 1 : i32
    %swap3A_205 = arith.index_cast %swap3A_204 : i32 to index
    %swap3A_206 = arith.constant 48 : index
    %swap3A_207 = tpu.vector_load %arg7[%swap3A_205, %swap3A_206] {strides = array<i32>} : memref<2x80xi32, #tpu.memory_space<vmem>>, vector<1x16xi32>,
    %swap3A_208 = vector.shape_cast %swap3A_207 : vector<1x16xi32> to vector<16xi32>
    %swap3A_209 = vector.shape_cast %and3A_203 : vector<16xi32> to vector<1x16xi32>
    tpu.vector_store %arg7[%swap3A_205, %swap3A_206], %swap3A_209 {strides = array<i32>} : memref<2x80xi32, #tpu.memory_space<vmem>>, vector<1x16xi32>,
    %shift_right_logical3A_210 = arith.constant 16 : i32
    %shift_right_logical3A_211 = vector.broadcast %shift_right_logical3A_210 : i32 to vector<16xi32>
    %shift_right_logical3A_212 = arith.shrui %get3A_200, %shift_right_logical3A_211 : vector<16xi32>
    %swap3A_213 = arith.constant 1 : i32
    %swap3A_214 = arith.index_cast %swap3A_213 : i32 to index
    %swap3A_215 = arith.constant 48 : index
    %swap3A_216 = tpu.vector_load %arg8[%swap3A_214, %swap3A_215] {strides = array<i32>} : memref<2x80xi32, #tpu.memory_space<vmem>>, vector<1x16xi32>,
    %swap3A_217 = vector.shape_cast %swap3A_216 : vector<1x16xi32> to vector<16xi32>
    %swap3A_218 = vector.shape_cast %shift_right_logical3A_212 : vector<16xi32> to vector<1x16xi32>
    tpu.vector_store %arg8[%swap3A_214, %swap3A_215], %swap3A_218 {strides = array<i32>} : memref<2x80xi32, #tpu.memory_space<vmem>>, vector<1x16xi32>,
    %get3A_219 = arith.constant 1 : i32
    %get3A_220 = arith.index_cast %get3A_219 : i32 to index
    %get3A_221 = arith.constant 64 : index
    %get3A_222 = tpu.vector_load %arg6[%get3A_220, %get3A_221] {strides = array<i32>} : memref<125x80xi32, #tpu.memory_space<vmem>>, vector<1x16xi32>,
    %get3A_223 = vector.shape_cast %get3A_222 : vector<1x16xi32> to vector<16xi32>
    %and3A_224 = arith.constant 65535 : i32
    %and3A_225 = vector.broadcast %and3A_224 : i32 to vector<16xi32>
    %and3A_226 = arith.andi %get3A_223, %and3A_225 : vector<16xi32>
    %swap3A_227 = arith.constant 1 : i32
    %swap3A_228 = arith.index_cast %swap3A_227 : i32 to index
    %swap3A_229 = arith.constant 64 : index
    %swap3A_230 = tpu.vector_load %arg7[%swap3A_228, %swap3A_229] {strides = array<i32>} : memref<2x80xi32, #tpu.memory_space<vmem>>, vector<1x16xi32>,
    %swap3A_231 = vector.shape_cast %swap3A_230 : vector<1x16xi32> to vector<16xi32>
    %swap3A_232 = vector.shape_cast %and3A_226 : vector<16xi32> to vector<1x16xi32>
    tpu.vector_store %arg7[%swap3A_228, %swap3A_229], %swap3A_232 {strides = array<i32>} : memref<2x80xi32, #tpu.memory_space<vmem>>, vector<1x16xi32>,
    %shift_right_logical3A_233 = arith.constant 16 : i32
    %shift_right_logical3A_234 = vector.broadcast %shift_right_logical3A_233 : i32 to vector<16xi32>
    %shift_right_logical3A_235 = arith.shrui %get3A_223, %shift_right_logical3A_234 : vector<16xi32>
    %swap3A_236 = arith.constant 1 : i32
    %swap3A_237 = arith.index_cast %swap3A_236 : i32 to index
    %swap3A_238 = arith.constant 64 : index
    %swap3A_239 = tpu.vector_load %arg8[%swap3A_237, %swap3A_238] {strides = array<i32>} : memref<2x80xi32, #tpu.memory_space<vmem>>, vector<1x16xi32>,
    %swap3A_240 = vector.shape_cast %swap3A_239 : vector<1x16xi32> to vector<16xi32>
    %swap3A_241 = vector.shape_cast %shift_right_logical3A_235 : vector<16xi32> to vector<1x16xi32>
    tpu.vector_store %arg8[%swap3A_237, %swap3A_238], %swap3A_241 {strides = array<i32>} : memref<2x80xi32, #tpu.memory_space<vmem>>, vector<1x16xi32>,
    %dma_start3A_242 = arith.constant 1 : i32
    %dma_start3A_243 = arith.constant 1 : i32
    %dma_start3A_244 = arith.constant 0 : i32
    %dma_start3A_245 = arith.constant 0 : i32
    %dma_start3A_246 = tpu.memref_slice %arg9[%dma_start3A_243, %dma_start3A_244, %dma_start3A_245] : memref<2x80x128xf32, #tpu.memory_space<vmem>> -> memref<1x80x128xf32, #tpu.memory_space<vmem>>
    %dma_start3A_247 = tpu.memref_squeeze %dma_start3A_246 : memref<1x80x128xf32, #tpu.memory_space<vmem>> -> memref<80x128xf32, #tpu.memory_space<vmem>>
    %dma_start3A_248 = arith.constant 0 : i32
    %dma_start3A_249 = tpu.memref_slice %arg7[%dma_start3A_242, %dma_start3A_248] : memref<2x80xi32, #tpu.memory_space<vmem>> -> memref<1x80xi32, #tpu.memory_space<vmem>>
    %dma_start3A_250 = tpu.memref_squeeze %dma_start3A_249 : memref<1x80xi32, #tpu.memory_space<vmem>> -> memref<80xi32, #tpu.memory_space<vmem>>
    %dma_start3A_251 = arith.constant 0 : i32
    %dma_start3A_252 = arith.constant 0 : i32
    %dma_start3A_253 = tpu.memref_slice %arg2[%dma_start3A_251, %dma_start3A_252] : memref<10112x128xf32, #tpu.memory_space<hbm>> -> memref<10112x128xf32, #tpu.memory_space<hbm>>
    tpu.enqueue_indirect_dma source(%dma_start3A_253 : memref<10112x128xf32, #tpu.memory_space<hbm>>) target(%dma_start3A_247 : memref<80x128xf32, #tpu.memory_space<vmem>>) offsets(%dma_start3A_250 : memref<80xi32, #tpu.memory_space<vmem>>) semaphore(%arg12 : memref<!tpu.dma_semaphore, #tpu.memory_space<semaphore_mem>>)
    %scan3A = arith.constant 0 : i32
    %scan3A_254 = arith.constant 0 : i32
    %scan3A_255 = arith.constant 62 : i32
    %scan3A_256 = arith.addi %scan3A_254, %scan3A_255 : i32
    %scan3A_257 = arith.constant 1 : i32
    scf.for %scan3A_276 = %scan3A_254 to %scan3A_256 step %scan3A_257  : i32 {
      %mul3A_277 = arith.constant 2 : i32
      %mul3A_278 = arith.muli %mul3A_277, %scan3A_276 : i32
      %add3A_279 = arith.constant 0 : i32
      %add3A_280 = arith.addi %mul3A_278, %add3A_279 : i32
      %dma_wait3A_281 = arith.constant 0 : i32
      %dma_wait3A_282 = arith.constant 0 : i32
      %dma_wait3A_283 = arith.constant 0 : i32
      %dma_wait3A_284 = arith.constant 0 : i32
      %dma_wait3A_285 = tpu.memref_slice %arg9[%dma_wait3A_282, %dma_wait3A_283, %dma_wait3A_284] : memref<2x80x128xf32, #tpu.memory_space<vmem>> -> memref<1x80x128xf32, #tpu.memory_space<vmem>>
      %dma_wait3A_286 = tpu.memref_squeeze %dma_wait3A_285 : memref<1x80x128xf32, #tpu.memory_space<vmem>> -> memref<80x128xf32, #tpu.memory_space<vmem>>
      %dma_wait3A_287 = arith.constant 0 : i32
      %dma_wait3A_288 = tpu.memref_slice %arg7[%dma_wait3A_281, %dma_wait3A_287] : memref<2x80xi32, #tpu.memory_space<vmem>> -> memref<1x80xi32, #tpu.memory_space<vmem>>
      %dma_wait3A_289 = tpu.memref_squeeze %dma_wait3A_288 : memref<1x80xi32, #tpu.memory_space<vmem>> -> memref<80xi32, #tpu.memory_space<vmem>>
      %dma_wait3A_290 = arith.constant 0 : i32
      %dma_wait3A_291 = arith.constant 0 : i32
      %dma_wait3A_292 = tpu.memref_slice %arg2[%dma_wait3A_290, %dma_wait3A_291] : memref<10112x128xf32, #tpu.memory_space<hbm>> -> memref<10112x128xf32, #tpu.memory_space<hbm>>
      tpu.wait_indirect_dma semaphore(%arg11 : memref<!tpu.dma_semaphore, #tpu.memory_space<semaphore_mem>>) src(%dma_wait3A_292 : memref<10112x128xf32, #tpu.memory_space<hbm>>) dst(%dma_wait3A_286 : memref<80x128xf32, #tpu.memory_space<vmem>>)
      %run_scoped3A_293 = arith.constant 0 : i32
      %run_scoped3A_294 = arith.constant 0 : i32
      "tpu.region"() ({
        %run_scoped3A_324 = tpu.sem_alloc : memref<!tpu.dma_semaphore, #tpu.memory_space<semaphore_mem>>
        %dma_start3A_325 = arith.constant 0 : i32
        %dma_start3A_326 = arith.constant 0 : i32
        %dma_start3A_327 = tpu.memref_slice %arg9[%run_scoped3A_293, %dma_start3A_325, %dma_start3A_326] : memref<2x80x128xf32, #tpu.memory_space<vmem>> -> memref<1x80x128xf32, #tpu.memory_space<vmem>>
        %dma_start3A_328 = tpu.memref_squeeze %dma_start3A_327 : memref<1x80x128xf32, #tpu.memory_space<vmem>> -> memref<80x128xf32, #tpu.memory_space<vmem>>
        %dma_start3A_329 = arith.constant 0 : i32
        %dma_start3A_330 = tpu.memref_slice %arg8[%run_scoped3A_294, %dma_start3A_329] : memref<2x80xi32, #tpu.memory_space<vmem>> -> memref<1x80xi32, #tpu.memory_space<vmem>>
        %dma_start3A_331 = tpu.memref_squeeze %dma_start3A_330 : memref<1x80xi32, #tpu.memory_space<vmem>> -> memref<80xi32, #tpu.memory_space<vmem>>
        %dma_start3A_332 = arith.constant 0 : i32
        %dma_start3A_333 = arith.constant 0 : i32
        %dma_start3A_334 = tpu.memref_slice %arg10[%dma_start3A_332, %dma_start3A_333] : memref<10112x128xf32, #tpu.memory_space<vmem_shared>> -> memref<10112x128xf32, #tpu.memory_space<vmem_shared>>
        tpu.enqueue_indirect_dma source(%dma_start3A_328 : memref<80x128xf32, #tpu.memory_space<vmem>>) target(%dma_start3A_334 : memref<10112x128xf32, #tpu.memory_space<vmem_shared>>) offsets(%dma_start3A_331 : memref<80xi32, #tpu.memory_space<vmem>>) semaphore(%run_scoped3A_324 : memref<!tpu.dma_semaphore, #tpu.memory_space<semaphore_mem>>) {add = true}
        %dma_wait3A_335 = arith.constant 0 : i32
        %dma_wait3A_336 = arith.constant 0 : i32
        %dma_wait3A_337 = tpu.memref_slice %arg9[%run_scoped3A_293, %dma_wait3A_335, %dma_wait3A_336] : memref<2x80x128xf32, #tpu.memory_space<vmem>> -> memref<1x80x128xf32, #tpu.memory_space<vmem>>
        %dma_wait3A_338 = tpu.memref_squeeze %dma_wait3A_337 : memref<1x80x128xf32, #tpu.memory_space<vmem>> -> memref<80x128xf32, #tpu.memory_space<vmem>>
        %dma_wait3A_339 = arith.constant 0 : i32
        %dma_wait3A_340 = tpu.memref_slice %arg8[%run_scoped3A_294, %dma_wait3A_339] : memref<2x80xi32, #tpu.memory_space<vmem>> -> memref<1x80xi32, #tpu.memory_space<vmem>>
        %dma_wait3A_341 = tpu.memref_squeeze %dma_wait3A_340 : memref<1x80xi32, #tpu.memory_space<vmem>> -> memref<80xi32, #tpu.memory_space<vmem>>
        %dma_wait3A_342 = arith.constant 0 : i32
        %dma_wait3A_343 = arith.constant 0 : i32
        %dma_wait3A_344 = tpu.memref_slice %arg10[%dma_wait3A_342, %dma_wait3A_343] : memref<10112x128xf32, #tpu.memory_space<vmem_shared>> -> memref<10112x128xf32, #tpu.memory_space<vmem_shared>>
        tpu.wait_indirect_dma semaphore(%run_scoped3A_324 : memref<!tpu.dma_semaphore, #tpu.memory_space<semaphore_mem>>) src(%dma_wait3A_338 : memref<80x128xf32, #tpu.memory_space<vmem>>) dst(%dma_wait3A_344 : memref<10112x128xf32, #tpu.memory_space<vmem_shared>>)
        tpu.yield
      }) : () -> ()
      %add3A_295 = arith.constant 2 : i32
      %add3A_296 = arith.addi %add3A_280, %add3A_295 : i32
      %lt3A = arith.constant 125 : i32
      %lt3A_297 = arith.cmpi slt, %add3A_296, %lt3A : i32
      %convert_element_type3A = arith.extui %lt3A_297 : i1 to i32
      %cond3A = arith.constant 0 : i32
      %cond3A_298 = arith.cmpi ne, %convert_element_type3A, %cond3A : i32
      scf.if %cond3A_298 {
        %get3A_324 = arith.index_cast %add3A_296 : i32 to index
        %get3A_325 = arith.constant 0 : index
        %get3A_326 = tpu.vector_load %arg6[%get3A_324, %get3A_325] {strides = array<i32>} : memref<125x80xi32, #tpu.memory_space<vmem>>, vector<1x16xi32>,
        %get3A_327 = vector.shape_cast %get3A_326 : vector<1x16xi32> to vector<16xi32>
        %and3A_328 = arith.constant 65535 : i32
        %and3A_329 = vector.broadcast %and3A_328 : i32 to vector<16xi32>
        %and3A_330 = arith.andi %get3A_327, %and3A_329 : vector<16xi32>
        %swap3A_331 = arith.constant 0 : i32
        %swap3A_332 = arith.index_cast %swap3A_331 : i32 to index
        %swap3A_333 = arith.constant 0 : index
        %swap3A_334 = tpu.vector_load %arg7[%swap3A_332, %swap3A_333] {strides = array<i32>} : memref<2x80xi32, #tpu.memory_space<vmem>>, vector<1x16xi32>,
        %swap3A_335 = vector.shape_cast %swap3A_334 : vector<1x16xi32> to vector<16xi32>
        %swap3A_336 = vector.shape_cast %and3A_330 : vector<16xi32> to vector<1x16xi32>
        tpu.vector_store %arg7[%swap3A_332, %swap3A_333], %swap3A_336 {strides = array<i32>} : memref<2x80xi32, #tpu.memory_space<vmem>>, vector<1x16xi32>,
        %shift_right_logical3A_337 = arith.constant 16 : i32
        %shift_right_logical3A_338 = vector.broadcast %shift_right_logical3A_337 : i32 to vector<16xi32>
        %shift_right_logical3A_339 = arith.shrui %get3A_327, %shift_right_logical3A_338 : vector<16xi32>
        %swap3A_340 = arith.constant 0 : i32
        %swap3A_341 = arith.index_cast %swap3A_340 : i32 to index
        %swap3A_342 = arith.constant 0 : index
        %swap3A_343 = tpu.vector_load %arg8[%swap3A_341, %swap3A_342] {strides = array<i32>} : memref<2x80xi32, #tpu.memory_space<vmem>>, vector<1x16xi32>,
        %swap3A_344 = vector.shape_cast %swap3A_343 : vector<1x16xi32> to vector<16xi32>
        %swap3A_345 = vector.shape_cast %shift_right_logical3A_339 : vector<16xi32> to vector<1x16xi32>
        tpu.vector_store %arg8[%swap3A_341, %swap3A_342], %swap3A_345 {strides = array<i32>} : memref<2x80xi32, #tpu.memory_space<vmem>>, vector<1x16xi32>,
        %get3A_346 = arith.index_cast %add3A_296 : i32 to index
        %get3A_347 = arith.constant 16 : index
        %get3A_348 = tpu.vector_load %arg6[%get3A_346, %get3A_347] {strides = array<i32>} : memref<125x80xi32, #tpu.memory_space<vmem>>, vector<1x16xi32>,
        %get3A_349 = vector.shape_cast %get3A_348 : vector<1x16xi32> to vector<16xi32>
        %and3A_350 = arith.constant 65535 : i32
        %and3A_351 = vector.broadcast %and3A_350 : i32 to vector<16xi32>
        %and3A_352 = arith.andi %get3A_349, %and3A_351 : vector<16xi32>
        %swap3A_353 = arith.constant 0 : i32
        %swap3A_354 = arith.index_cast %swap3A_353 : i32 to index
        %swap3A_355 = arith.constant 16 : index
        %swap3A_356 = tpu.vector_load %arg7[%swap3A_354, %swap3A_355] {strides = array<i32>} : memref<2x80xi32, #tpu.memory_space<vmem>>, vector<1x16xi32>,
        %swap3A_357 = vector.shape_cast %swap3A_356 : vector<1x16xi32> to vector<16xi32>
        %swap3A_358 = vector.shape_cast %and3A_352 : vector<16xi32> to vector<1x16xi32>
        tpu.vector_store %arg7[%swap3A_354, %swap3A_355], %swap3A_358 {strides = array<i32>} : memref<2x80xi32, #tpu.memory_space<vmem>>, vector<1x16xi32>,
        %shift_right_logical3A_359 = arith.constant 16 : i32
        %shift_right_logical3A_360 = vector.broadcast %shift_right_logical3A_359 : i32 to vector<16xi32>
        %shift_right_logical3A_361 = arith.shrui %get3A_349, %shift_right_logical3A_360 : vector<16xi32>
        %swap3A_362 = arith.constant 0 : i32
        %swap3A_363 = arith.index_cast %swap3A_362 : i32 to index
        %swap3A_364 = arith.constant 16 : index
        %swap3A_365 = tpu.vector_load %arg8[%swap3A_363, %swap3A_364] {strides = array<i32>} : memref<2x80xi32, #tpu.memory_space<vmem>>, vector<1x16xi32>,
        %swap3A_366 = vector.shape_cast %swap3A_365 : vector<1x16xi32> to vector<16xi32>
        %swap3A_367 = vector.shape_cast %shift_right_logical3A_361 : vector<16xi32> to vector<1x16xi32>
        tpu.vector_store %arg8[%swap3A_363, %swap3A_364], %swap3A_367 {strides = array<i32>} : memref<2x80xi32, #tpu.memory_space<vmem>>, vector<1x16xi32>,
        %get3A_368 = arith.index_cast %add3A_296 : i32 to index
        %get3A_369 = arith.constant 32 : index
        %get3A_370 = tpu.vector_load %arg6[%get3A_368, %get3A_369] {strides = array<i32>} : memref<125x80xi32, #tpu.memory_space<vmem>>, vector<1x16xi32>,
        %get3A_371 = vector.shape_cast %get3A_370 : vector<1x16xi32> to vector<16xi32>
        %and3A_372 = arith.constant 65535 : i32
        %and3A_373 = vector.broadcast %and3A_372 : i32 to vector<16xi32>
        %and3A_374 = arith.andi %get3A_371, %and3A_373 : vector<16xi32>
        %swap3A_375 = arith.constant 0 : i32
        %swap3A_376 = arith.index_cast %swap3A_375 : i32 to index
        %swap3A_377 = arith.constant 32 : index
        %swap3A_378 = tpu.vector_load %arg7[%swap3A_376, %swap3A_377] {strides = array<i32>} : memref<2x80xi32, #tpu.memory_space<vmem>>, vector<1x16xi32>,
        %swap3A_379 = vector.shape_cast %swap3A_378 : vector<1x16xi32> to vector<16xi32>
        %swap3A_380 = vector.shape_cast %and3A_374 : vector<16xi32> to vector<1x16xi32>
        tpu.vector_store %arg7[%swap3A_376, %swap3A_377], %swap3A_380 {strides = array<i32>} : memref<2x80xi32, #tpu.memory_space<vmem>>, vector<1x16xi32>,
        %shift_right_logical3A_381 = arith.constant 16 : i32
        %shift_right_logical3A_382 = vector.broadcast %shift_right_logical3A_381 : i32 to vector<16xi32>
        %shift_right_logical3A_383 = arith.shrui %get3A_371, %shift_right_logical3A_382 : vector<16xi32>
        %swap3A_384 = arith.constant 0 : i32
        %swap3A_385 = arith.index_cast %swap3A_384 : i32 to index
        %swap3A_386 = arith.constant 32 : index
        %swap3A_387 = tpu.vector_load %arg8[%swap3A_385, %swap3A_386] {strides = array<i32>} : memref<2x80xi32, #tpu.memory_space<vmem>>, vector<1x16xi32>,
        %swap3A_388 = vector.shape_cast %swap3A_387 : vector<1x16xi32> to vector<16xi32>
        %swap3A_389 = vector.shape_cast %shift_right_logical3A_383 : vector<16xi32> to vector<1x16xi32>
        tpu.vector_store %arg8[%swap3A_385, %swap3A_386], %swap3A_389 {strides = array<i32>} : memref<2x80xi32, #tpu.memory_space<vmem>>, vector<1x16xi32>,
        %get3A_390 = arith.index_cast %add3A_296 : i32 to index
        %get3A_391 = arith.constant 48 : index
        %get3A_392 = tpu.vector_load %arg6[%get3A_390, %get3A_391] {strides = array<i32>} : memref<125x80xi32, #tpu.memory_space<vmem>>, vector<1x16xi32>,
        %get3A_393 = vector.shape_cast %get3A_392 : vector<1x16xi32> to vector<16xi32>
        %and3A_394 = arith.constant 65535 : i32
        %and3A_395 = vector.broadcast %and3A_394 : i32 to vector<16xi32>
        %and3A_396 = arith.andi %get3A_393, %and3A_395 : vector<16xi32>
        %swap3A_397 = arith.constant 0 : i32
        %swap3A_398 = arith.index_cast %swap3A_397 : i32 to index
        %swap3A_399 = arith.constant 48 : index
        %swap3A_400 = tpu.vector_load %arg7[%swap3A_398, %swap3A_399] {strides = array<i32>} : memref<2x80xi32, #tpu.memory_space<vmem>>, vector<1x16xi32>,
        %swap3A_401 = vector.shape_cast %swap3A_400 : vector<1x16xi32> to vector<16xi32>
        %swap3A_402 = vector.shape_cast %and3A_396 : vector<16xi32> to vector<1x16xi32>
        tpu.vector_store %arg7[%swap3A_398, %swap3A_399], %swap3A_402 {strides = array<i32>} : memref<2x80xi32, #tpu.memory_space<vmem>>, vector<1x16xi32>,
        %shift_right_logical3A_403 = arith.constant 16 : i32
        %shift_right_logical3A_404 = vector.broadcast %shift_right_logical3A_403 : i32 to vector<16xi32>
        %shift_right_logical3A_405 = arith.shrui %get3A_393, %shift_right_logical3A_404 : vector<16xi32>
        %swap3A_406 = arith.constant 0 : i32
        %swap3A_407 = arith.index_cast %swap3A_406 : i32 to index
        %swap3A_408 = arith.constant 48 : index
        %swap3A_409 = tpu.vector_load %arg8[%swap3A_407, %swap3A_408] {strides = array<i32>} : memref<2x80xi32, #tpu.memory_space<vmem>>, vector<1x16xi32>,
        %swap3A_410 = vector.shape_cast %swap3A_409 : vector<1x16xi32> to vector<16xi32>
        %swap3A_411 = vector.shape_cast %shift_right_logical3A_405 : vector<16xi32> to vector<1x16xi32>
        tpu.vector_store %arg8[%swap3A_407, %swap3A_408], %swap3A_411 {strides = array<i32>} : memref<2x80xi32, #tpu.memory_space<vmem>>, vector<1x16xi32>,
        %get3A_412 = arith.index_cast %add3A_296 : i32 to index
        %get3A_413 = arith.constant 64 : index
        %get3A_414 = tpu.vector_load %arg6[%get3A_412, %get3A_413] {strides = array<i32>} : memref<125x80xi32, #tpu.memory_space<vmem>>, vector<1x16xi32>,
        %get3A_415 = vector.shape_cast %get3A_414 : vector<1x16xi32> to vector<16xi32>
        %and3A_416 = arith.constant 65535 : i32
        %and3A_417 = vector.broadcast %and3A_416 : i32 to vector<16xi32>
        %and3A_418 = arith.andi %get3A_415, %and3A_417 : vector<16xi32>
        %swap3A_419 = arith.constant 0 : i32
        %swap3A_420 = arith.index_cast %swap3A_419 : i32 to index
        %swap3A_421 = arith.constant 64 : index
        %swap3A_422 = tpu.vector_load %arg7[%swap3A_420, %swap3A_421] {strides = array<i32>} : memref<2x80xi32, #tpu.memory_space<vmem>>, vector<1x16xi32>,
        %swap3A_423 = vector.shape_cast %swap3A_422 : vector<1x16xi32> to vector<16xi32>
        %swap3A_424 = vector.shape_cast %and3A_418 : vector<16xi32> to vector<1x16xi32>
        tpu.vector_store %arg7[%swap3A_420, %swap3A_421], %swap3A_424 {strides = array<i32>} : memref<2x80xi32, #tpu.memory_space<vmem>>, vector<1x16xi32>,
        %shift_right_logical3A_425 = arith.constant 16 : i32
        %shift_right_logical3A_426 = vector.broadcast %shift_right_logical3A_425 : i32 to vector<16xi32>
        %shift_right_logical3A_427 = arith.shrui %get3A_415, %shift_right_logical3A_426 : vector<16xi32>
        %swap3A_428 = arith.constant 0 : i32
        %swap3A_429 = arith.index_cast %swap3A_428 : i32 to index
        %swap3A_430 = arith.constant 64 : index
        %swap3A_431 = tpu.vector_load %arg8[%swap3A_429, %swap3A_430] {strides = array<i32>} : memref<2x80xi32, #tpu.memory_space<vmem>>, vector<1x16xi32>,
        %swap3A_432 = vector.shape_cast %swap3A_431 : vector<1x16xi32> to vector<16xi32>
        %swap3A_433 = vector.shape_cast %shift_right_logical3A_427 : vector<16xi32> to vector<1x16xi32>
        tpu.vector_store %arg8[%swap3A_429, %swap3A_430], %swap3A_433 {strides = array<i32>} : memref<2x80xi32, #tpu.memory_space<vmem>>, vector<1x16xi32>,
        %dma_start3A_434 = arith.constant 0 : i32
        %dma_start3A_435 = arith.constant 0 : i32
        %dma_start3A_436 = arith.constant 0 : i32
        %dma_start3A_437 = arith.constant 0 : i32
        %dma_start3A_438 = tpu.memref_slice %arg9[%dma_start3A_435, %dma_start3A_436, %dma_start3A_437] : memref<2x80x128xf32, #tpu.memory_space<vmem>> -> memref<1x80x128xf32, #tpu.memory_space<vmem>>
        %dma_start3A_439 = tpu.memref_squeeze %dma_start3A_438 : memref<1x80x128xf32, #tpu.memory_space<vmem>> -> memref<80x128xf32, #tpu.memory_space<vmem>>
        %dma_start3A_440 = arith.constant 0 : i32
        %dma_start3A_441 = tpu.memref_slice %arg7[%dma_start3A_434, %dma_start3A_440] : memref<2x80xi32, #tpu.memory_space<vmem>> -> memref<1x80xi32, #tpu.memory_space<vmem>>
        %dma_start3A_442 = tpu.memref_squeeze %dma_start3A_441 : memref<1x80xi32, #tpu.memory_space<vmem>> -> memref<80xi32, #tpu.memory_space<vmem>>
        %dma_start3A_443 = arith.constant 0 : i32
        %dma_start3A_444 = arith.constant 0 : i32
        %dma_start3A_445 = tpu.memref_slice %arg2[%dma_start3A_443, %dma_start3A_444] : memref<10112x128xf32, #tpu.memory_space<hbm>> -> memref<10112x128xf32, #tpu.memory_space<hbm>>
        tpu.enqueue_indirect_dma source(%dma_start3A_445 : memref<10112x128xf32, #tpu.memory_space<hbm>>) target(%dma_start3A_439 : memref<80x128xf32, #tpu.memory_space<vmem>>) offsets(%dma_start3A_442 : memref<80xi32, #tpu.memory_space<vmem>>) semaphore(%arg11 : memref<!tpu.dma_semaphore, #tpu.memory_space<semaphore_mem>>)
      } else {
      }
      %mul3A_299 = arith.constant 2 : i32
      %mul3A_300 = arith.muli %mul3A_299, %scan3A_276 : i32
      %add3A_301 = arith.constant 1 : i32
      %add3A_302 = arith.addi %mul3A_300, %add3A_301 : i32
      %dma_wait3A_303 = arith.constant 1 : i32
      %dma_wait3A_304 = arith.constant 1 : i32
      %dma_wait3A_305 = arith.constant 0 : i32
      %dma_wait3A_306 = arith.constant 0 : i32
      %dma_wait3A_307 = tpu.memref_slice %arg9[%dma_wait3A_304, %dma_wait3A_305, %dma_wait3A_306] : memref<2x80x128xf32, #tpu.memory_space<vmem>> -> memref<1x80x128xf32, #tpu.memory_space<vmem>>
      %dma_wait3A_308 = tpu.memref_squeeze %dma_wait3A_307 : memref<1x80x128xf32, #tpu.memory_space<vmem>> -> memref<80x128xf32, #tpu.memory_space<vmem>>
      %dma_wait3A_309 = arith.constant 0 : i32
      %dma_wait3A_310 = tpu.memref_slice %arg7[%dma_wait3A_303, %dma_wait3A_309] : memref<2x80xi32, #tpu.memory_space<vmem>> -> memref<1x80xi32, #tpu.memory_space<vmem>>
      %dma_wait3A_311 = tpu.memref_squeeze %dma_wait3A_310 : memref<1x80xi32, #tpu.memory_space<vmem>> -> memref<80xi32, #tpu.memory_space<vmem>>
      %dma_wait3A_312 = arith.constant 0 : i32
      %dma_wait3A_313 = arith.constant 0 : i32
      %dma_wait3A_314 = tpu.memref_slice %arg2[%dma_wait3A_312, %dma_wait3A_313] : memref<10112x128xf32, #tpu.memory_space<hbm>> -> memref<10112x128xf32, #tpu.memory_space<hbm>>
      tpu.wait_indirect_dma semaphore(%arg12 : memref<!tpu.dma_semaphore, #tpu.memory_space<semaphore_mem>>) src(%dma_wait3A_314 : memref<10112x128xf32, #tpu.memory_space<hbm>>) dst(%dma_wait3A_308 : memref<80x128xf32, #tpu.memory_space<vmem>>)
      %run_scoped3A_315 = arith.constant 1 : i32
      %run_scoped3A_316 = arith.constant 1 : i32
      "tpu.region"() ({
        %run_scoped3A_324 = tpu.sem_alloc : memref<!tpu.dma_semaphore, #tpu.memory_space<semaphore_mem>>
        %dma_start3A_325 = arith.constant 0 : i32
        %dma_start3A_326 = arith.constant 0 : i32
        %dma_start3A_327 = tpu.memref_slice %arg9[%run_scoped3A_315, %dma_start3A_325, %dma_start3A_326] : memref<2x80x128xf32, #tpu.memory_space<vmem>> -> memref<1x80x128xf32, #tpu.memory_space<vmem>>
        %dma_start3A_328 = tpu.memref_squeeze %dma_start3A_327 : memref<1x80x128xf32, #tpu.memory_space<vmem>> -> memref<80x128xf32, #tpu.memory_space<vmem>>
        %dma_start3A_329 = arith.constant 0 : i32
        %dma_start3A_330 = tpu.memref_slice %arg8[%run_scoped3A_316, %dma_start3A_329] : memref<2x80xi32, #tpu.memory_space<vmem>> -> memref<1x80xi32, #tpu.memory_space<vmem>>
        %dma_start3A_331 = tpu.memref_squeeze %dma_start3A_330 : memref<1x80xi32, #tpu.memory_space<vmem>> -> memref<80xi32, #tpu.memory_space<vmem>>
        %dma_start3A_332 = arith.constant 0 : i32
        %dma_start3A_333 = arith.constant 0 : i32
        %dma_start3A_334 = tpu.memref_slice %arg10[%dma_start3A_332, %dma_start3A_333] : memref<10112x128xf32, #tpu.memory_space<vmem_shared>> -> memref<10112x128xf32, #tpu.memory_space<vmem_shared>>
        tpu.enqueue_indirect_dma source(%dma_start3A_328 : memref<80x128xf32, #tpu.memory_space<vmem>>) target(%dma_start3A_334 : memref<10112x128xf32, #tpu.memory_space<vmem_shared>>) offsets(%dma_start3A_331 : memref<80xi32, #tpu.memory_space<vmem>>) semaphore(%run_scoped3A_324 : memref<!tpu.dma_semaphore, #tpu.memory_space<semaphore_mem>>) {add = true}
        %dma_wait3A_335 = arith.constant 0 : i32
        %dma_wait3A_336 = arith.constant 0 : i32
        %dma_wait3A_337 = tpu.memref_slice %arg9[%run_scoped3A_315, %dma_wait3A_335, %dma_wait3A_336] : memref<2x80x128xf32, #tpu.memory_space<vmem>> -> memref<1x80x128xf32, #tpu.memory_space<vmem>>
        %dma_wait3A_338 = tpu.memref_squeeze %dma_wait3A_337 : memref<1x80x128xf32, #tpu.memory_space<vmem>> -> memref<80x128xf32, #tpu.memory_space<vmem>>
        %dma_wait3A_339 = arith.constant 0 : i32
        %dma_wait3A_340 = tpu.memref_slice %arg8[%run_scoped3A_316, %dma_wait3A_339] : memref<2x80xi32, #tpu.memory_space<vmem>> -> memref<1x80xi32, #tpu.memory_space<vmem>>
        %dma_wait3A_341 = tpu.memref_squeeze %dma_wait3A_340 : memref<1x80xi32, #tpu.memory_space<vmem>> -> memref<80xi32, #tpu.memory_space<vmem>>
        %dma_wait3A_342 = arith.constant 0 : i32
        %dma_wait3A_343 = arith.constant 0 : i32
        %dma_wait3A_344 = tpu.memref_slice %arg10[%dma_wait3A_342, %dma_wait3A_343] : memref<10112x128xf32, #tpu.memory_space<vmem_shared>> -> memref<10112x128xf32, #tpu.memory_space<vmem_shared>>
        tpu.wait_indirect_dma semaphore(%run_scoped3A_324 : memref<!tpu.dma_semaphore, #tpu.memory_space<semaphore_mem>>) src(%dma_wait3A_338 : memref<80x128xf32, #tpu.memory_space<vmem>>) dst(%dma_wait3A_344 : memref<10112x128xf32, #tpu.memory_space<vmem_shared>>)
        tpu.yield
      }) : () -> ()
      %add3A_317 = arith.constant 2 : i32
      %add3A_318 = arith.addi %add3A_302, %add3A_317 : i32
      %lt3A_319 = arith.constant 125 : i32
      %lt3A_320 = arith.cmpi slt, %add3A_318, %lt3A_319 : i32
      %convert_element_type3A_321 = arith.extui %lt3A_320 : i1 to i32
      %cond3A_322 = arith.constant 0 : i32
      %cond3A_323 = arith.cmpi ne, %convert_element_type3A_321, %cond3A_322 : i32
      scf.if %cond3A_323 {
        %get3A_324 = arith.index_cast %add3A_318 : i32 to index
        %get3A_325 = arith.constant 0 : index
        %get3A_326 = tpu.vector_load %arg6[%get3A_324, %get3A_325] {strides = array<i32>} : memref<125x80xi32, #tpu.memory_space<vmem>>, vector<1x16xi32>,
        %get3A_327 = vector.shape_cast %get3A_326 : vector<1x16xi32> to vector<16xi32>
        %and3A_328 = arith.constant 65535 : i32
        %and3A_329 = vector.broadcast %and3A_328 : i32 to vector<16xi32>
        %and3A_330 = arith.andi %get3A_327, %and3A_329 : vector<16xi32>
        %swap3A_331 = arith.constant 1 : i32
        %swap3A_332 = arith.index_cast %swap3A_331 : i32 to index
        %swap3A_333 = arith.constant 0 : index
        %swap3A_334 = tpu.vector_load %arg7[%swap3A_332, %swap3A_333] {strides = array<i32>} : memref<2x80xi32, #tpu.memory_space<vmem>>, vector<1x16xi32>,
        %swap3A_335 = vector.shape_cast %swap3A_334 : vector<1x16xi32> to vector<16xi32>
        %swap3A_336 = vector.shape_cast %and3A_330 : vector<16xi32> to vector<1x16xi32>
        tpu.vector_store %arg7[%swap3A_332, %swap3A_333], %swap3A_336 {strides = array<i32>} : memref<2x80xi32, #tpu.memory_space<vmem>>, vector<1x16xi32>,
        %shift_right_logical3A_337 = arith.constant 16 : i32
        %shift_right_logical3A_338 = vector.broadcast %shift_right_logical3A_337 : i32 to vector<16xi32>
        %shift_right_logical3A_339 = arith.shrui %get3A_327, %shift_right_logical3A_338 : vector<16xi32>
        %swap3A_340 = arith.constant 1 : i32
        %swap3A_341 = arith.index_cast %swap3A_340 : i32 to index
        %swap3A_342 = arith.constant 0 : index
        %swap3A_343 = tpu.vector_load %arg8[%swap3A_341, %swap3A_342] {strides = array<i32>} : memref<2x80xi32, #tpu.memory_space<vmem>>, vector<1x16xi32>,
        %swap3A_344 = vector.shape_cast %swap3A_343 : vector<1x16xi32> to vector<16xi32>
        %swap3A_345 = vector.shape_cast %shift_right_logical3A_339 : vector<16xi32> to vector<1x16xi32>
        tpu.vector_store %arg8[%swap3A_341, %swap3A_342], %swap3A_345 {strides = array<i32>} : memref<2x80xi32, #tpu.memory_space<vmem>>, vector<1x16xi32>,
        %get3A_346 = arith.index_cast %add3A_318 : i32 to index
        %get3A_347 = arith.constant 16 : index
        %get3A_348 = tpu.vector_load %arg6[%get3A_346, %get3A_347] {strides = array<i32>} : memref<125x80xi32, #tpu.memory_space<vmem>>, vector<1x16xi32>,
        %get3A_349 = vector.shape_cast %get3A_348 : vector<1x16xi32> to vector<16xi32>
        %and3A_350 = arith.constant 65535 : i32
        %and3A_351 = vector.broadcast %and3A_350 : i32 to vector<16xi32>
        %and3A_352 = arith.andi %get3A_349, %and3A_351 : vector<16xi32>
        %swap3A_353 = arith.constant 1 : i32
        %swap3A_354 = arith.index_cast %swap3A_353 : i32 to index
        %swap3A_355 = arith.constant 16 : index
        %swap3A_356 = tpu.vector_load %arg7[%swap3A_354, %swap3A_355] {strides = array<i32>} : memref<2x80xi32, #tpu.memory_space<vmem>>, vector<1x16xi32>,
        %swap3A_357 = vector.shape_cast %swap3A_356 : vector<1x16xi32> to vector<16xi32>
        %swap3A_358 = vector.shape_cast %and3A_352 : vector<16xi32> to vector<1x16xi32>
        tpu.vector_store %arg7[%swap3A_354, %swap3A_355], %swap3A_358 {strides = array<i32>} : memref<2x80xi32, #tpu.memory_space<vmem>>, vector<1x16xi32>,
        %shift_right_logical3A_359 = arith.constant 16 : i32
        %shift_right_logical3A_360 = vector.broadcast %shift_right_logical3A_359 : i32 to vector<16xi32>
        %shift_right_logical3A_361 = arith.shrui %get3A_349, %shift_right_logical3A_360 : vector<16xi32>
        %swap3A_362 = arith.constant 1 : i32
        %swap3A_363 = arith.index_cast %swap3A_362 : i32 to index
        %swap3A_364 = arith.constant 16 : index
        %swap3A_365 = tpu.vector_load %arg8[%swap3A_363, %swap3A_364] {strides = array<i32>} : memref<2x80xi32, #tpu.memory_space<vmem>>, vector<1x16xi32>,
        %swap3A_366 = vector.shape_cast %swap3A_365 : vector<1x16xi32> to vector<16xi32>
        %swap3A_367 = vector.shape_cast %shift_right_logical3A_361 : vector<16xi32> to vector<1x16xi32>
        tpu.vector_store %arg8[%swap3A_363, %swap3A_364], %swap3A_367 {strides = array<i32>} : memref<2x80xi32, #tpu.memory_space<vmem>>, vector<1x16xi32>,
        %get3A_368 = arith.index_cast %add3A_318 : i32 to index
        %get3A_369 = arith.constant 32 : index
        %get3A_370 = tpu.vector_load %arg6[%get3A_368, %get3A_369] {strides = array<i32>} : memref<125x80xi32, #tpu.memory_space<vmem>>, vector<1x16xi32>,
        %get3A_371 = vector.shape_cast %get3A_370 : vector<1x16xi32> to vector<16xi32>
        %and3A_372 = arith.constant 65535 : i32
        %and3A_373 = vector.broadcast %and3A_372 : i32 to vector<16xi32>
        %and3A_374 = arith.andi %get3A_371, %and3A_373 : vector<16xi32>
        %swap3A_375 = arith.constant 1 : i32
        %swap3A_376 = arith.index_cast %swap3A_375 : i32 to index
        %swap3A_377 = arith.constant 32 : index
        %swap3A_378 = tpu.vector_load %arg7[%swap3A_376, %swap3A_377] {strides = array<i32>} : memref<2x80xi32, #tpu.memory_space<vmem>>, vector<1x16xi32>,
        %swap3A_379 = vector.shape_cast %swap3A_378 : vector<1x16xi32> to vector<16xi32>
        %swap3A_380 = vector.shape_cast %and3A_374 : vector<16xi32> to vector<1x16xi32>
        tpu.vector_store %arg7[%swap3A_376, %swap3A_377], %swap3A_380 {strides = array<i32>} : memref<2x80xi32, #tpu.memory_space<vmem>>, vector<1x16xi32>,
        %shift_right_logical3A_381 = arith.constant 16 : i32
        %shift_right_logical3A_382 = vector.broadcast %shift_right_logical3A_381 : i32 to vector<16xi32>
        %shift_right_logical3A_383 = arith.shrui %get3A_371, %shift_right_logical3A_382 : vector<16xi32>
        %swap3A_384 = arith.constant 1 : i32
        %swap3A_385 = arith.index_cast %swap3A_384 : i32 to index
        %swap3A_386 = arith.constant 32 : index
        %swap3A_387 = tpu.vector_load %arg8[%swap3A_385, %swap3A_386] {strides = array<i32>} : memref<2x80xi32, #tpu.memory_space<vmem>>, vector<1x16xi32>,
        %swap3A_388 = vector.shape_cast %swap3A_387 : vector<1x16xi32> to vector<16xi32>
        %swap3A_389 = vector.shape_cast %shift_right_logical3A_383 : vector<16xi32> to vector<1x16xi32>
        tpu.vector_store %arg8[%swap3A_385, %swap3A_386], %swap3A_389 {strides = array<i32>} : memref<2x80xi32, #tpu.memory_space<vmem>>, vector<1x16xi32>,
        %get3A_390 = arith.index_cast %add3A_318 : i32 to index
        %get3A_391 = arith.constant 48 : index
        %get3A_392 = tpu.vector_load %arg6[%get3A_390, %get3A_391] {strides = array<i32>} : memref<125x80xi32, #tpu.memory_space<vmem>>, vector<1x16xi32>,
        %get3A_393 = vector.shape_cast %get3A_392 : vector<1x16xi32> to vector<16xi32>
        %and3A_394 = arith.constant 65535 : i32
        %and3A_395 = vector.broadcast %and3A_394 : i32 to vector<16xi32>
        %and3A_396 = arith.andi %get3A_393, %and3A_395 : vector<16xi32>
        %swap3A_397 = arith.constant 1 : i32
        %swap3A_398 = arith.index_cast %swap3A_397 : i32 to index
        %swap3A_399 = arith.constant 48 : index
        %swap3A_400 = tpu.vector_load %arg7[%swap3A_398, %swap3A_399] {strides = array<i32>} : memref<2x80xi32, #tpu.memory_space<vmem>>, vector<1x16xi32>,
        %swap3A_401 = vector.shape_cast %swap3A_400 : vector<1x16xi32> to vector<16xi32>
        %swap3A_402 = vector.shape_cast %and3A_396 : vector<16xi32> to vector<1x16xi32>
        tpu.vector_store %arg7[%swap3A_398, %swap3A_399], %swap3A_402 {strides = array<i32>} : memref<2x80xi32, #tpu.memory_space<vmem>>, vector<1x16xi32>,
        %shift_right_logical3A_403 = arith.constant 16 : i32
        %shift_right_logical3A_404 = vector.broadcast %shift_right_logical3A_403 : i32 to vector<16xi32>
        %shift_right_logical3A_405 = arith.shrui %get3A_393, %shift_right_logical3A_404 : vector<16xi32>
        %swap3A_406 = arith.constant 1 : i32
        %swap3A_407 = arith.index_cast %swap3A_406 : i32 to index
        %swap3A_408 = arith.constant 48 : index
        %swap3A_409 = tpu.vector_load %arg8[%swap3A_407, %swap3A_408] {strides = array<i32>} : memref<2x80xi32, #tpu.memory_space<vmem>>, vector<1x16xi32>,
        %swap3A_410 = vector.shape_cast %swap3A_409 : vector<1x16xi32> to vector<16xi32>
        %swap3A_411 = vector.shape_cast %shift_right_logical3A_405 : vector<16xi32> to vector<1x16xi32>
        tpu.vector_store %arg8[%swap3A_407, %swap3A_408], %swap3A_411 {strides = array<i32>} : memref<2x80xi32, #tpu.memory_space<vmem>>, vector<1x16xi32>,
        %get3A_412 = arith.index_cast %add3A_318 : i32 to index
        %get3A_413 = arith.constant 64 : index
        %get3A_414 = tpu.vector_load %arg6[%get3A_412, %get3A_413] {strides = array<i32>} : memref<125x80xi32, #tpu.memory_space<vmem>>, vector<1x16xi32>,
        %get3A_415 = vector.shape_cast %get3A_414 : vector<1x16xi32> to vector<16xi32>
        %and3A_416 = arith.constant 65535 : i32
        %and3A_417 = vector.broadcast %and3A_416 : i32 to vector<16xi32>
        %and3A_418 = arith.andi %get3A_415, %and3A_417 : vector<16xi32>
        %swap3A_419 = arith.constant 1 : i32
        %swap3A_420 = arith.index_cast %swap3A_419 : i32 to index
        %swap3A_421 = arith.constant 64 : index
        %swap3A_422 = tpu.vector_load %arg7[%swap3A_420, %swap3A_421] {strides = array<i32>} : memref<2x80xi32, #tpu.memory_space<vmem>>, vector<1x16xi32>,
        %swap3A_423 = vector.shape_cast %swap3A_422 : vector<1x16xi32> to vector<16xi32>
        %swap3A_424 = vector.shape_cast %and3A_418 : vector<16xi32> to vector<1x16xi32>
        tpu.vector_store %arg7[%swap3A_420, %swap3A_421], %swap3A_424 {strides = array<i32>} : memref<2x80xi32, #tpu.memory_space<vmem>>, vector<1x16xi32>,
        %shift_right_logical3A_425 = arith.constant 16 : i32
        %shift_right_logical3A_426 = vector.broadcast %shift_right_logical3A_425 : i32 to vector<16xi32>
        %shift_right_logical3A_427 = arith.shrui %get3A_415, %shift_right_logical3A_426 : vector<16xi32>
        %swap3A_428 = arith.constant 1 : i32
        %swap3A_429 = arith.index_cast %swap3A_428 : i32 to index
        %swap3A_430 = arith.constant 64 : index
        %swap3A_431 = tpu.vector_load %arg8[%swap3A_429, %swap3A_430] {strides = array<i32>} : memref<2x80xi32, #tpu.memory_space<vmem>>, vector<1x16xi32>,
        %swap3A_432 = vector.shape_cast %swap3A_431 : vector<1x16xi32> to vector<16xi32>
        %swap3A_433 = vector.shape_cast %shift_right_logical3A_427 : vector<16xi32> to vector<1x16xi32>
        tpu.vector_store %arg8[%swap3A_429, %swap3A_430], %swap3A_433 {strides = array<i32>} : memref<2x80xi32, #tpu.memory_space<vmem>>, vector<1x16xi32>,
        %dma_start3A_434 = arith.constant 1 : i32
        %dma_start3A_435 = arith.constant 1 : i32
        %dma_start3A_436 = arith.constant 0 : i32
        %dma_start3A_437 = arith.constant 0 : i32
        %dma_start3A_438 = tpu.memref_slice %arg9[%dma_start3A_435, %dma_start3A_436, %dma_start3A_437] : memref<2x80x128xf32, #tpu.memory_space<vmem>> -> memref<1x80x128xf32, #tpu.memory_space<vmem>>
        %dma_start3A_439 = tpu.memref_squeeze %dma_start3A_438 : memref<1x80x128xf32, #tpu.memory_space<vmem>> -> memref<80x128xf32, #tpu.memory_space<vmem>>
        %dma_start3A_440 = arith.constant 0 : i32
        %dma_start3A_441 = tpu.memref_slice %arg7[%dma_start3A_434, %dma_start3A_440] : memref<2x80xi32, #tpu.memory_space<vmem>> -> memref<1x80xi32, #tpu.memory_space<vmem>>
        %dma_start3A_442 = tpu.memref_squeeze %dma_start3A_441 : memref<1x80xi32, #tpu.memory_space<vmem>> -> memref<80xi32, #tpu.memory_space<vmem>>
        %dma_start3A_443 = arith.constant 0 : i32
        %dma_start3A_444 = arith.constant 0 : i32
        %dma_start3A_445 = tpu.memref_slice %arg2[%dma_start3A_443, %dma_start3A_444] : memref<10112x128xf32, #tpu.memory_space<hbm>> -> memref<10112x128xf32, #tpu.memory_space<hbm>>
        tpu.enqueue_indirect_dma source(%dma_start3A_445 : memref<10112x128xf32, #tpu.memory_space<hbm>>) target(%dma_start3A_439 : memref<80x128xf32, #tpu.memory_space<vmem>>) offsets(%dma_start3A_442 : memref<80xi32, #tpu.memory_space<vmem>>) semaphore(%arg12 : memref<!tpu.dma_semaphore, #tpu.memory_space<semaphore_mem>>)
      } else {
      }
    }
    %scan3A_258 = arith.constant 62 : i32
    %dma_wait3A = arith.constant 0 : i32
    %dma_wait3A_259 = arith.constant 0 : i32
    %dma_wait3A_260 = arith.constant 0 : i32
    %dma_wait3A_261 = arith.constant 0 : i32
    %dma_wait3A_262 = tpu.memref_slice %arg9[%dma_wait3A_259, %dma_wait3A_260, %dma_wait3A_261] : memref<2x80x128xf32, #tpu.memory_space<vmem>> -> memref<1x80x128xf32, #tpu.memory_space<vmem>>
    %dma_wait3A_263 = tpu.memref_squeeze %dma_wait3A_262 : memref<1x80x128xf32, #tpu.memory_space<vmem>> -> memref<80x128xf32, #tpu.memory_space<vmem>>
    %dma_wait3A_264 = arith.constant 0 : i32
    %dma_wait3A_265 = tpu.memref_slice %arg7[%dma_wait3A, %dma_wait3A_264] : memref<2x80xi32, #tpu.memory_space<vmem>> -> memref<1x80xi32, #tpu.memory_space<vmem>>
    %dma_wait3A_266 = tpu.memref_squeeze %dma_wait3A_265 : memref<1x80xi32, #tpu.memory_space<vmem>> -> memref<80xi32, #tpu.memory_space<vmem>>
    %dma_wait3A_267 = arith.constant 0 : i32
    %dma_wait3A_268 = arith.constant 0 : i32
    %dma_wait3A_269 = tpu.memref_slice %arg2[%dma_wait3A_267, %dma_wait3A_268] : memref<10112x128xf32, #tpu.memory_space<hbm>> -> memref<10112x128xf32, #tpu.memory_space<hbm>>
    tpu.wait_indirect_dma semaphore(%arg11 : memref<!tpu.dma_semaphore, #tpu.memory_space<semaphore_mem>>) src(%dma_wait3A_269 : memref<10112x128xf32, #tpu.memory_space<hbm>>) dst(%dma_wait3A_263 : memref<80x128xf32, #tpu.memory_space<vmem>>)
    %run_scoped3A = arith.constant 0 : i32
    %run_scoped3A_270 = arith.constant 0 : i32
    "tpu.region"() ({
      %run_scoped3A_276 = tpu.sem_alloc : memref<!tpu.dma_semaphore, #tpu.memory_space<semaphore_mem>>
      %dma_start3A_277 = arith.constant 0 : i32
      %dma_start3A_278 = arith.constant 0 : i32
      %dma_start3A_279 = tpu.memref_slice %arg9[%run_scoped3A, %dma_start3A_277, %dma_start3A_278] : memref<2x80x128xf32, #tpu.memory_space<vmem>> -> memref<1x80x128xf32, #tpu.memory_space<vmem>>
      %dma_start3A_280 = tpu.memref_squeeze %dma_start3A_279 : memref<1x80x128xf32, #tpu.memory_space<vmem>> -> memref<80x128xf32, #tpu.memory_space<vmem>>
      %dma_start3A_281 = arith.constant 0 : i32
      %dma_start3A_282 = tpu.memref_slice %arg8[%run_scoped3A_270, %dma_start3A_281] : memref<2x80xi32, #tpu.memory_space<vmem>> -> memref<1x80xi32, #tpu.memory_space<vmem>>
      %dma_start3A_283 = tpu.memref_squeeze %dma_start3A_282 : memref<1x80xi32, #tpu.memory_space<vmem>> -> memref<80xi32, #tpu.memory_space<vmem>>
      %dma_start3A_284 = arith.constant 0 : i32
      %dma_start3A_285 = arith.constant 0 : i32
      %dma_start3A_286 = tpu.memref_slice %arg10[%dma_start3A_284, %dma_start3A_285] : memref<10112x128xf32, #tpu.memory_space<vmem_shared>> -> memref<10112x128xf32, #tpu.memory_space<vmem_shared>>
      tpu.enqueue_indirect_dma source(%dma_start3A_280 : memref<80x128xf32, #tpu.memory_space<vmem>>) target(%dma_start3A_286 : memref<10112x128xf32, #tpu.memory_space<vmem_shared>>) offsets(%dma_start3A_283 : memref<80xi32, #tpu.memory_space<vmem>>) semaphore(%run_scoped3A_276 : memref<!tpu.dma_semaphore, #tpu.memory_space<semaphore_mem>>) {add = true}
      %dma_wait3A_287 = arith.constant 0 : i32
      %dma_wait3A_288 = arith.constant 0 : i32
      %dma_wait3A_289 = tpu.memref_slice %arg9[%run_scoped3A, %dma_wait3A_287, %dma_wait3A_288] : memref<2x80x128xf32, #tpu.memory_space<vmem>> -> memref<1x80x128xf32, #tpu.memory_space<vmem>>
      %dma_wait3A_290 = tpu.memref_squeeze %dma_wait3A_289 : memref<1x80x128xf32, #tpu.memory_space<vmem>> -> memref<80x128xf32, #tpu.memory_space<vmem>>
      %dma_wait3A_291 = arith.constant 0 : i32
      %dma_wait3A_292 = tpu.memref_slice %arg8[%run_scoped3A_270, %dma_wait3A_291] : memref<2x80xi32, #tpu.memory_space<vmem>> -> memref<1x80xi32, #tpu.memory_space<vmem>>
      %dma_wait3A_293 = tpu.memref_squeeze %dma_wait3A_292 : memref<1x80xi32, #tpu.memory_space<vmem>> -> memref<80xi32, #tpu.memory_space<vmem>>
      %dma_wait3A_294 = arith.constant 0 : i32
      %dma_wait3A_295 = arith.constant 0 : i32
      %dma_wait3A_296 = tpu.memref_slice %arg10[%dma_wait3A_294, %dma_wait3A_295] : memref<10112x128xf32, #tpu.memory_space<vmem_shared>> -> memref<10112x128xf32, #tpu.memory_space<vmem_shared>>
      tpu.wait_indirect_dma semaphore(%run_scoped3A_276 : memref<!tpu.dma_semaphore, #tpu.memory_space<semaphore_mem>>) src(%dma_wait3A_290 : memref<80x128xf32, #tpu.memory_space<vmem>>) dst(%dma_wait3A_296 : memref<10112x128xf32, #tpu.memory_space<vmem_shared>>)
      tpu.yield
    }) : () -> ()
    %barrier3A_271 = arith.constant 0 : index
    tpu.barrier barrier_id(%barrier3A_271)
    %mul3A_272 = arith.constant 632 : i32
    %mul3A_273 = arith.muli %arg1, %mul3A_272 : i32
    %mul3A_274 = arith.constant 632 : i32
    %mul3A_275 = arith.muli %arg1, %mul3A_274 : i32
    "tpu.region"() ({
      %run_scoped3A_276 = tpu.sem_alloc : memref<!tpu.dma_semaphore, #tpu.memory_space<semaphore_mem>>
      %dma_start3A_277 = arith.constant 0 : i32
      %dma_start3A_278 = tpu.memref_slice %arg5[%arg0, %mul3A_275, %dma_start3A_277] : memref<2x10112x128xf32, #tpu.memory_space<hbm>> -> memref<1x632x128xf32, #tpu.memory_space<hbm>>
      %dma_start3A_279 = tpu.memref_squeeze %dma_start3A_278 : memref<1x632x128xf32, #tpu.memory_space<hbm>> -> memref<632x128xf32, #tpu.memory_space<hbm>>
      %dma_start3A_280 = arith.constant 0 : i32
      %dma_start3A_281 = tpu.memref_slice %arg10[%mul3A_273, %dma_start3A_280] : memref<10112x128xf32, #tpu.memory_space<vmem_shared>> -> memref<632x128xf32, #tpu.memory_space<vmem_shared>>
      tpu.enqueue_dma source(%dma_start3A_281 : memref<632x128xf32, #tpu.memory_space<vmem_shared>>) target(%dma_start3A_279 : memref<632x128xf32, #tpu.memory_space<hbm>>) target_semaphore(%run_scoped3A_276 : memref<!tpu.dma_semaphore, #tpu.memory_space<semaphore_mem>>)
      %dma_wait3A_282 = arith.constant 0 : i32
      %dma_wait3A_283 = tpu.memref_slice %arg5[%arg0, %mul3A_275, %dma_wait3A_282] : memref<2x10112x128xf32, #tpu.memory_space<hbm>> -> memref<1x632x128xf32, #tpu.memory_space<hbm>>
      %dma_wait3A_284 = tpu.memref_squeeze %dma_wait3A_283 : memref<1x632x128xf32, #tpu.memory_space<hbm>> -> memref<632x128xf32, #tpu.memory_space<hbm>>
      %dma_wait3A_285 = arith.constant 0 : i32
      %dma_wait3A_286 = tpu.memref_slice %arg10[%mul3A_273, %dma_wait3A_285] : memref<10112x128xf32, #tpu.memory_space<vmem_shared>> -> memref<632x128xf32, #tpu.memory_space<vmem_shared>>
      tpu.wait_dma2 semaphore(%run_scoped3A_276 : memref<!tpu.dma_semaphore, #tpu.memory_space<semaphore_mem>>) src(%dma_wait3A_286 : memref<632x128xf32, #tpu.memory_space<vmem_shared>>) dst(%dma_wait3A_284 : memref<632x128xf32, #tpu.memory_space<hbm>>)
      tpu.yield
    }) : () -> ()
    return
  }
}

#map = affine_map<(d0, d1) -> (0, 0)>
#map1 = affine_map<(d0, d1) -> (0, 0, 0)>
module attributes {stable_mosaic.version = 14 : i64} {
  func.func @agg_kernel(%arg0: i32, %arg1: i32, %arg2: memref<10112x128xf32, #tpu.memory_space<hbm>>, %arg3: memref<32x125x80xi32, #tpu.memory_space<hbm>>, %arg4: memref<10112x128xf32, #tpu.memory_space<hbm>>, %arg5: memref<2x10112x128xf32, #tpu.memory_space<hbm>>, %arg6: memref<125x80xi32, #tpu.memory_space<vmem>>, %arg7: memref<2x80xi32, #tpu.memory_space<vmem>>, %arg8: memref<2x80xi32, #tpu.memory_space<vmem>>, %arg9: memref<2x80x128xf32, #tpu.memory_space<vmem>>, %arg10: memref<10112x128xf32, #tpu.memory_space<vmem_shared>>, %arg11: memref<!tpu.dma_semaphore, #tpu.memory_space<semaphore_mem>>, %arg12: memref<!tpu.dma_semaphore, #tpu.memory_space<semaphore_mem>>) attributes {dimension_semantics = [#tpu.dimension_semantics<core_parallel>, #tpu.dimension_semantics<subcore_parallel>], iteration_bounds = array<i64: 2, 16>, scalar_prefetch = 0 : i64, scratch_operands = 7 : i64, tpu.core_type = #tpu.core_type<sc_vector_subcore>, window_params = [{transform_indices = #map}, {transform_indices = #map1}, {transform_indices = #map}, {transform_indices = #map1}]} {
    %mul3A = arith.constant 2 : i32
    %mul3A_0 = arith.muli %arg1, %mul3A : i32
    %add3A = arith.addi %mul3A_0, %arg0 : i32
    "tpu.region"() ({
      %run_scoped3A_276 = tpu.sem_alloc : memref<!tpu.dma_semaphore, #tpu.memory_space<semaphore_mem>>
      %dma_start3A_277 = arith.constant 0 : i32
      %dma_start3A_278 = arith.constant 0 : i32
      %dma_start3A_279 = tpu.memref_slice %arg3[%add3A, %dma_start3A_277, %dma_start3A_278] : memref<32x125x80xi32, #tpu.memory_space<hbm>> -> memref<1x125x80xi32, #tpu.memory_space<hbm>>
      %dma_start3A_280 = tpu.memref_squeeze %dma_start3A_279 : memref<1x125x80xi32, #tpu.memory_space<hbm>> -> memref<125x80xi32, #tpu.memory_space<hbm>>
      %dma_start3A_281 = arith.constant 0 : i32
      %dma_start3A_282 = arith.constant 0 : i32
      %dma_start3A_283 = tpu.memref_slice %arg3[%add3A, %dma_start3A_281, %dma_start3A_282] : memref<32x125x80xi32, #tpu.memory_space<hbm>> -> memref<1x125x80xi32, #tpu.memory_space<hbm>>
      %dma_start3A_284 = tpu.memref_squeeze %dma_start3A_283 : memref<1x125x80xi32, #tpu.memory_space<hbm>> -> memref<125x80xi32, #tpu.memory_space<hbm>>
      tpu.enqueue_dma source(%dma_start3A_284 : memref<125x80xi32, #tpu.memory_space<hbm>>) target(%arg6 : memref<125x80xi32, #tpu.memory_space<vmem>>) target_semaphore(%run_scoped3A_276 : memref<!tpu.dma_semaphore, #tpu.memory_space<semaphore_mem>>)
      %dma_wait3A_285 = arith.constant 0 : i32
      %dma_wait3A_286 = arith.constant 0 : i32
      %dma_wait3A_287 = tpu.memref_slice %arg3[%add3A, %dma_wait3A_285, %dma_wait3A_286] : memref<32x125x80xi32, #tpu.memory_space<hbm>> -> memref<1x125x80xi32, #tpu.memory_space<hbm>>
      %dma_wait3A_288 = tpu.memref_squeeze %dma_wait3A_287 : memref<1x125x80xi32, #tpu.memory_space<hbm>> -> memref<125x80xi32, #tpu.memory_space<hbm>>
      %dma_wait3A_289 = arith.constant 0 : i32
      %dma_wait3A_290 = arith.constant 0 : i32
      %dma_wait3A_291 = tpu.memref_slice %arg3[%add3A, %dma_wait3A_289, %dma_wait3A_290] : memref<32x125x80xi32, #tpu.memory_space<hbm>> -> memref<1x125x80xi32, #tpu.memory_space<hbm>>
      %dma_wait3A_292 = tpu.memref_squeeze %dma_wait3A_291 : memref<1x125x80xi32, #tpu.memory_space<hbm>> -> memref<125x80xi32, #tpu.memory_space<hbm>>
      tpu.wait_dma2 semaphore(%run_scoped3A_276 : memref<!tpu.dma_semaphore, #tpu.memory_space<semaphore_mem>>) src(%dma_wait3A_292 : memref<125x80xi32, #tpu.memory_space<hbm>>) dst(%arg6 : memref<125x80xi32, #tpu.memory_space<vmem>>)
      tpu.yield
    }) : () -> ()
    %mul3A_1 = arith.constant 632 : i32
    %mul3A_2 = arith.muli %arg1, %mul3A_1 : i32
    %mul3A_3 = arith.constant 632 : i32
    %mul3A_4 = arith.muli %arg1, %mul3A_3 : i32
    "tpu.region"() ({
      %run_scoped3A_276 = tpu.sem_alloc : memref<!tpu.dma_semaphore, #tpu.memory_space<semaphore_mem>>
      %dma_start3A_277 = arith.constant 0 : i32
      %dma_start3A_278 = tpu.memref_slice %arg10[%mul3A_4, %dma_start3A_277] : memref<10112x128xf32, #tpu.memory_space<vmem_shared>> -> memref<632x128xf32, #tpu.memory_space<vmem_shared>>
      %dma_start3A_279 = arith.constant 0 : i32
      %dma_start3A_280 = tpu.memref_slice %arg4[%mul3A_2, %dma_start3A_279] : memref<10112x128xf32, #tpu.memory_space<hbm>> -> memref<632x128xf32, #tpu.memory_space<hbm>>
      tpu.enqueue_dma source(%dma_start3A_280 : memref<632x128xf32, #tpu.memory_space<hbm>>) target(%dma_start3A_278 : memref<632x128xf32, #tpu.memory_space<vmem_shared>>) target_semaphore(%run_scoped3A_276 : memref<!tpu.dma_semaphore, #tpu.memory_space<semaphore_mem>>)
      %dma_wait3A_281 = arith.constant 0 : i32
      %dma_wait3A_282 = tpu.memref_slice %arg10[%mul3A_4, %dma_wait3A_281] : memref<10112x128xf32, #tpu.memory_space<vmem_shared>> -> memref<632x128xf32, #tpu.memory_space<vmem_shared>>
      %dma_wait3A_283 = arith.constant 0 : i32
      %dma_wait3A_284 = tpu.memref_slice %arg4[%mul3A_2, %dma_wait3A_283] : memref<10112x128xf32, #tpu.memory_space<hbm>> -> memref<632x128xf32, #tpu.memory_space<hbm>>
      tpu.wait_dma2 semaphore(%run_scoped3A_276 : memref<!tpu.dma_semaphore, #tpu.memory_space<semaphore_mem>>) src(%dma_wait3A_284 : memref<632x128xf32, #tpu.memory_space<hbm>>) dst(%dma_wait3A_282 : memref<632x128xf32, #tpu.memory_space<vmem_shared>>)
      tpu.yield
    }) : () -> ()
    %barrier3A = arith.constant 0 : index
    tpu.barrier barrier_id(%barrier3A)
    %get3A = arith.constant 0 : i32
    %get3A_5 = arith.index_cast %get3A : i32 to index
    %get3A_6 = arith.constant 0 : index
    %get3A_7 = tpu.vector_load %arg6[%get3A_5, %get3A_6] {strides = array<i32>} : memref<125x80xi32, #tpu.memory_space<vmem>>, vector<1x16xi32>,
    %get3A_8 = vector.shape_cast %get3A_7 : vector<1x16xi32> to vector<16xi32>
    %and3A = arith.constant 65535 : i32
    %and3A_9 = vector.broadcast %and3A : i32 to vector<16xi32>
    %and3A_10 = arith.andi %get3A_8, %and3A_9 : vector<16xi32>
    %swap3A = arith.constant 0 : i32
    %swap3A_11 = arith.index_cast %swap3A : i32 to index
    %swap3A_12 = arith.constant 0 : index
    %swap3A_13 = tpu.vector_load %arg7[%swap3A_11, %swap3A_12] {strides = array<i32>} : memref<2x80xi32, #tpu.memory_space<vmem>>, vector<1x16xi32>,
    %swap3A_14 = vector.shape_cast %swap3A_13 : vector<1x16xi32> to vector<16xi32>
    %swap3A_15 = vector.shape_cast %and3A_10 : vector<16xi32> to vector<1x16xi32>
    tpu.vector_store %arg7[%swap3A_11, %swap3A_12], %swap3A_15 {strides = array<i32>} : memref<2x80xi32, #tpu.memory_space<vmem>>, vector<1x16xi32>,
    %shift_right_logical3A = arith.constant 16 : i32
    %shift_right_logical3A_16 = vector.broadcast %shift_right_logical3A : i32 to vector<16xi32>
    %shift_right_logical3A_17 = arith.shrui %get3A_8, %shift_right_logical3A_16 : vector<16xi32>
    %swap3A_18 = arith.constant 0 : i32
    %swap3A_19 = arith.index_cast %swap3A_18 : i32 to index
    %swap3A_20 = arith.constant 0 : index
    %swap3A_21 = tpu.vector_load %arg8[%swap3A_19, %swap3A_20] {strides = array<i32>} : memref<2x80xi32, #tpu.memory_space<vmem>>, vector<1x16xi32>,
    %swap3A_22 = vector.shape_cast %swap3A_21 : vector<1x16xi32> to vector<16xi32>
    %swap3A_23 = vector.shape_cast %shift_right_logical3A_17 : vector<16xi32> to vector<1x16xi32>
    tpu.vector_store %arg8[%swap3A_19, %swap3A_20], %swap3A_23 {strides = array<i32>} : memref<2x80xi32, #tpu.memory_space<vmem>>, vector<1x16xi32>,
    %get3A_24 = arith.constant 0 : i32
    %get3A_25 = arith.index_cast %get3A_24 : i32 to index
    %get3A_26 = arith.constant 16 : index
    %get3A_27 = tpu.vector_load %arg6[%get3A_25, %get3A_26] {strides = array<i32>} : memref<125x80xi32, #tpu.memory_space<vmem>>, vector<1x16xi32>,
    %get3A_28 = vector.shape_cast %get3A_27 : vector<1x16xi32> to vector<16xi32>
    %and3A_29 = arith.constant 65535 : i32
    %and3A_30 = vector.broadcast %and3A_29 : i32 to vector<16xi32>
    %and3A_31 = arith.andi %get3A_28, %and3A_30 : vector<16xi32>
    %swap3A_32 = arith.constant 0 : i32
    %swap3A_33 = arith.index_cast %swap3A_32 : i32 to index
    %swap3A_34 = arith.constant 16 : index
    %swap3A_35 = tpu.vector_load %arg7[%swap3A_33, %swap3A_34] {strides = array<i32>} : memref<2x80xi32, #tpu.memory_space<vmem>>, vector<1x16xi32>,
    %swap3A_36 = vector.shape_cast %swap3A_35 : vector<1x16xi32> to vector<16xi32>
    %swap3A_37 = vector.shape_cast %and3A_31 : vector<16xi32> to vector<1x16xi32>
    tpu.vector_store %arg7[%swap3A_33, %swap3A_34], %swap3A_37 {strides = array<i32>} : memref<2x80xi32, #tpu.memory_space<vmem>>, vector<1x16xi32>,
    %shift_right_logical3A_38 = arith.constant 16 : i32
    %shift_right_logical3A_39 = vector.broadcast %shift_right_logical3A_38 : i32 to vector<16xi32>
    %shift_right_logical3A_40 = arith.shrui %get3A_28, %shift_right_logical3A_39 : vector<16xi32>
    %swap3A_41 = arith.constant 0 : i32
    %swap3A_42 = arith.index_cast %swap3A_41 : i32 to index
    %swap3A_43 = arith.constant 16 : index
    %swap3A_44 = tpu.vector_load %arg8[%swap3A_42, %swap3A_43] {strides = array<i32>} : memref<2x80xi32, #tpu.memory_space<vmem>>, vector<1x16xi32>,
    %swap3A_45 = vector.shape_cast %swap3A_44 : vector<1x16xi32> to vector<16xi32>
    %swap3A_46 = vector.shape_cast %shift_right_logical3A_40 : vector<16xi32> to vector<1x16xi32>
    tpu.vector_store %arg8[%swap3A_42, %swap3A_43], %swap3A_46 {strides = array<i32>} : memref<2x80xi32, #tpu.memory_space<vmem>>, vector<1x16xi32>,
    %get3A_47 = arith.constant 0 : i32
    %get3A_48 = arith.index_cast %get3A_47 : i32 to index
    %get3A_49 = arith.constant 32 : index
    %get3A_50 = tpu.vector_load %arg6[%get3A_48, %get3A_49] {strides = array<i32>} : memref<125x80xi32, #tpu.memory_space<vmem>>, vector<1x16xi32>,
    %get3A_51 = vector.shape_cast %get3A_50 : vector<1x16xi32> to vector<16xi32>
    %and3A_52 = arith.constant 65535 : i32
    %and3A_53 = vector.broadcast %and3A_52 : i32 to vector<16xi32>
    %and3A_54 = arith.andi %get3A_51, %and3A_53 : vector<16xi32>
    %swap3A_55 = arith.constant 0 : i32
    %swap3A_56 = arith.index_cast %swap3A_55 : i32 to index
    %swap3A_57 = arith.constant 32 : index
    %swap3A_58 = tpu.vector_load %arg7[%swap3A_56, %swap3A_57] {strides = array<i32>} : memref<2x80xi32, #tpu.memory_space<vmem>>, vector<1x16xi32>,
    %swap3A_59 = vector.shape_cast %swap3A_58 : vector<1x16xi32> to vector<16xi32>
    %swap3A_60 = vector.shape_cast %and3A_54 : vector<16xi32> to vector<1x16xi32>
    tpu.vector_store %arg7[%swap3A_56, %swap3A_57], %swap3A_60 {strides = array<i32>} : memref<2x80xi32, #tpu.memory_space<vmem>>, vector<1x16xi32>,
    %shift_right_logical3A_61 = arith.constant 16 : i32
    %shift_right_logical3A_62 = vector.broadcast %shift_right_logical3A_61 : i32 to vector<16xi32>
    %shift_right_logical3A_63 = arith.shrui %get3A_51, %shift_right_logical3A_62 : vector<16xi32>
    %swap3A_64 = arith.constant 0 : i32
    %swap3A_65 = arith.index_cast %swap3A_64 : i32 to index
    %swap3A_66 = arith.constant 32 : index
    %swap3A_67 = tpu.vector_load %arg8[%swap3A_65, %swap3A_66] {strides = array<i32>} : memref<2x80xi32, #tpu.memory_space<vmem>>, vector<1x16xi32>,
    %swap3A_68 = vector.shape_cast %swap3A_67 : vector<1x16xi32> to vector<16xi32>
    %swap3A_69 = vector.shape_cast %shift_right_logical3A_63 : vector<16xi32> to vector<1x16xi32>
    tpu.vector_store %arg8[%swap3A_65, %swap3A_66], %swap3A_69 {strides = array<i32>} : memref<2x80xi32, #tpu.memory_space<vmem>>, vector<1x16xi32>,
    %get3A_70 = arith.constant 0 : i32
    %get3A_71 = arith.index_cast %get3A_70 : i32 to index
    %get3A_72 = arith.constant 48 : index
    %get3A_73 = tpu.vector_load %arg6[%get3A_71, %get3A_72] {strides = array<i32>} : memref<125x80xi32, #tpu.memory_space<vmem>>, vector<1x16xi32>,
    %get3A_74 = vector.shape_cast %get3A_73 : vector<1x16xi32> to vector<16xi32>
    %and3A_75 = arith.constant 65535 : i32
    %and3A_76 = vector.broadcast %and3A_75 : i32 to vector<16xi32>
    %and3A_77 = arith.andi %get3A_74, %and3A_76 : vector<16xi32>
    %swap3A_78 = arith.constant 0 : i32
    %swap3A_79 = arith.index_cast %swap3A_78 : i32 to index
    %swap3A_80 = arith.constant 48 : index
    %swap3A_81 = tpu.vector_load %arg7[%swap3A_79, %swap3A_80] {strides = array<i32>} : memref<2x80xi32, #tpu.memory_space<vmem>>, vector<1x16xi32>,
    %swap3A_82 = vector.shape_cast %swap3A_81 : vector<1x16xi32> to vector<16xi32>
    %swap3A_83 = vector.shape_cast %and3A_77 : vector<16xi32> to vector<1x16xi32>
    tpu.vector_store %arg7[%swap3A_79, %swap3A_80], %swap3A_83 {strides = array<i32>} : memref<2x80xi32, #tpu.memory_space<vmem>>, vector<1x16xi32>,
    %shift_right_logical3A_84 = arith.constant 16 : i32
    %shift_right_logical3A_85 = vector.broadcast %shift_right_logical3A_84 : i32 to vector<16xi32>
    %shift_right_logical3A_86 = arith.shrui %get3A_74, %shift_right_logical3A_85 : vector<16xi32>
    %swap3A_87 = arith.constant 0 : i32
    %swap3A_88 = arith.index_cast %swap3A_87 : i32 to index
    %swap3A_89 = arith.constant 48 : index
    %swap3A_90 = tpu.vector_load %arg8[%swap3A_88, %swap3A_89] {strides = array<i32>} : memref<2x80xi32, #tpu.memory_space<vmem>>, vector<1x16xi32>,
    %swap3A_91 = vector.shape_cast %swap3A_90 : vector<1x16xi32> to vector<16xi32>
    %swap3A_92 = vector.shape_cast %shift_right_logical3A_86 : vector<16xi32> to vector<1x16xi32>
    tpu.vector_store %arg8[%swap3A_88, %swap3A_89], %swap3A_92 {strides = array<i32>} : memref<2x80xi32, #tpu.memory_space<vmem>>, vector<1x16xi32>,
    %get3A_93 = arith.constant 0 : i32
    %get3A_94 = arith.index_cast %get3A_93 : i32 to index
    %get3A_95 = arith.constant 64 : index
    %get3A_96 = tpu.vector_load %arg6[%get3A_94, %get3A_95] {strides = array<i32>} : memref<125x80xi32, #tpu.memory_space<vmem>>, vector<1x16xi32>,
    %get3A_97 = vector.shape_cast %get3A_96 : vector<1x16xi32> to vector<16xi32>
    %and3A_98 = arith.constant 65535 : i32
    %and3A_99 = vector.broadcast %and3A_98 : i32 to vector<16xi32>
    %and3A_100 = arith.andi %get3A_97, %and3A_99 : vector<16xi32>
    %swap3A_101 = arith.constant 0 : i32
    %swap3A_102 = arith.index_cast %swap3A_101 : i32 to index
    %swap3A_103 = arith.constant 64 : index
    %swap3A_104 = tpu.vector_load %arg7[%swap3A_102, %swap3A_103] {strides = array<i32>} : memref<2x80xi32, #tpu.memory_space<vmem>>, vector<1x16xi32>,
    %swap3A_105 = vector.shape_cast %swap3A_104 : vector<1x16xi32> to vector<16xi32>
    %swap3A_106 = vector.shape_cast %and3A_100 : vector<16xi32> to vector<1x16xi32>
    tpu.vector_store %arg7[%swap3A_102, %swap3A_103], %swap3A_106 {strides = array<i32>} : memref<2x80xi32, #tpu.memory_space<vmem>>, vector<1x16xi32>,
    %shift_right_logical3A_107 = arith.constant 16 : i32
    %shift_right_logical3A_108 = vector.broadcast %shift_right_logical3A_107 : i32 to vector<16xi32>
    %shift_right_logical3A_109 = arith.shrui %get3A_97, %shift_right_logical3A_108 : vector<16xi32>
    %swap3A_110 = arith.constant 0 : i32
    %swap3A_111 = arith.index_cast %swap3A_110 : i32 to index
    %swap3A_112 = arith.constant 64 : index
    %swap3A_113 = tpu.vector_load %arg8[%swap3A_111, %swap3A_112] {strides = array<i32>} : memref<2x80xi32, #tpu.memory_space<vmem>>, vector<1x16xi32>,
    %swap3A_114 = vector.shape_cast %swap3A_113 : vector<1x16xi32> to vector<16xi32>
    %swap3A_115 = vector.shape_cast %shift_right_logical3A_109 : vector<16xi32> to vector<1x16xi32>
    tpu.vector_store %arg8[%swap3A_111, %swap3A_112], %swap3A_115 {strides = array<i32>} : memref<2x80xi32, #tpu.memory_space<vmem>>, vector<1x16xi32>,
    %dma_start3A = arith.constant 0 : i32
    %dma_start3A_116 = arith.constant 0 : i32
    %dma_start3A_117 = arith.constant 0 : i32
    %dma_start3A_118 = arith.constant 0 : i32
    %dma_start3A_119 = tpu.memref_slice %arg9[%dma_start3A_116, %dma_start3A_117, %dma_start3A_118] : memref<2x80x128xf32, #tpu.memory_space<vmem>> -> memref<1x80x128xf32, #tpu.memory_space<vmem>>
    %dma_start3A_120 = tpu.memref_squeeze %dma_start3A_119 : memref<1x80x128xf32, #tpu.memory_space<vmem>> -> memref<80x128xf32, #tpu.memory_space<vmem>>
    %dma_start3A_121 = arith.constant 0 : i32
    %dma_start3A_122 = tpu.memref_slice %arg7[%dma_start3A, %dma_start3A_121] : memref<2x80xi32, #tpu.memory_space<vmem>> -> memref<1x80xi32, #tpu.memory_space<vmem>>
    %dma_start3A_123 = tpu.memref_squeeze %dma_start3A_122 : memref<1x80xi32, #tpu.memory_space<vmem>> -> memref<80xi32, #tpu.memory_space<vmem>>
    %dma_start3A_124 = arith.constant 0 : i32
    %dma_start3A_125 = arith.constant 0 : i32
    %dma_start3A_126 = tpu.memref_slice %arg2[%dma_start3A_124, %dma_start3A_125] : memref<10112x128xf32, #tpu.memory_space<hbm>> -> memref<10112x128xf32, #tpu.memory_space<hbm>>
    tpu.enqueue_indirect_dma source(%dma_start3A_126 : memref<10112x128xf32, #tpu.memory_space<hbm>>) target(%dma_start3A_120 : memref<80x128xf32, #tpu.memory_space<vmem>>) offsets(%dma_start3A_123 : memref<80xi32, #tpu.memory_space<vmem>>) semaphore(%arg11 : memref<!tpu.dma_semaphore, #tpu.memory_space<semaphore_mem>>)
    %get3A_127 = arith.constant 1 : i32
    %get3A_128 = arith.index_cast %get3A_127 : i32 to index
    %get3A_129 = arith.constant 0 : index
    %get3A_130 = tpu.vector_load %arg6[%get3A_128, %get3A_129] {strides = array<i32>} : memref<125x80xi32, #tpu.memory_space<vmem>>, vector<1x16xi32>,
    %get3A_131 = vector.shape_cast %get3A_130 : vector<1x16xi32> to vector<16xi32>
    %and3A_132 = arith.constant 65535 : i32
    %and3A_133 = vector.broadcast %and3A_132 : i32 to vector<16xi32>
    %and3A_134 = arith.andi %get3A_131, %and3A_133 : vector<16xi32>
    %swap3A_135 = arith.constant 1 : i32
    %swap3A_136 = arith.index_cast %swap3A_135 : i32 to index
    %swap3A_137 = arith.constant 0 : index
    %swap3A_138 = tpu.vector_load %arg7[%swap3A_136, %swap3A_137] {strides = array<i32>} : memref<2x80xi32, #tpu.memory_space<vmem>>, vector<1x16xi32>,
    %swap3A_139 = vector.shape_cast %swap3A_138 : vector<1x16xi32> to vector<16xi32>
    %swap3A_140 = vector.shape_cast %and3A_134 : vector<16xi32> to vector<1x16xi32>
    tpu.vector_store %arg7[%swap3A_136, %swap3A_137], %swap3A_140 {strides = array<i32>} : memref<2x80xi32, #tpu.memory_space<vmem>>, vector<1x16xi32>,
    %shift_right_logical3A_141 = arith.constant 16 : i32
    %shift_right_logical3A_142 = vector.broadcast %shift_right_logical3A_141 : i32 to vector<16xi32>
    %shift_right_logical3A_143 = arith.shrui %get3A_131, %shift_right_logical3A_142 : vector<16xi32>
    %swap3A_144 = arith.constant 1 : i32
    %swap3A_145 = arith.index_cast %swap3A_144 : i32 to index
    %swap3A_146 = arith.constant 0 : index
    %swap3A_147 = tpu.vector_load %arg8[%swap3A_145, %swap3A_146] {strides = array<i32>} : memref<2x80xi32, #tpu.memory_space<vmem>>, vector<1x16xi32>,
    %swap3A_148 = vector.shape_cast %swap3A_147 : vector<1x16xi32> to vector<16xi32>
    %swap3A_149 = vector.shape_cast %shift_right_logical3A_143 : vector<16xi32> to vector<1x16xi32>
    tpu.vector_store %arg8[%swap3A_145, %swap3A_146], %swap3A_149 {strides = array<i32>} : memref<2x80xi32, #tpu.memory_space<vmem>>, vector<1x16xi32>,
    %get3A_150 = arith.constant 1 : i32
    %get3A_151 = arith.index_cast %get3A_150 : i32 to index
    %get3A_152 = arith.constant 16 : index
    %get3A_153 = tpu.vector_load %arg6[%get3A_151, %get3A_152] {strides = array<i32>} : memref<125x80xi32, #tpu.memory_space<vmem>>, vector<1x16xi32>,
    %get3A_154 = vector.shape_cast %get3A_153 : vector<1x16xi32> to vector<16xi32>
    %and3A_155 = arith.constant 65535 : i32
    %and3A_156 = vector.broadcast %and3A_155 : i32 to vector<16xi32>
    %and3A_157 = arith.andi %get3A_154, %and3A_156 : vector<16xi32>
    %swap3A_158 = arith.constant 1 : i32
    %swap3A_159 = arith.index_cast %swap3A_158 : i32 to index
    %swap3A_160 = arith.constant 16 : index
    %swap3A_161 = tpu.vector_load %arg7[%swap3A_159, %swap3A_160] {strides = array<i32>} : memref<2x80xi32, #tpu.memory_space<vmem>>, vector<1x16xi32>,
    %swap3A_162 = vector.shape_cast %swap3A_161 : vector<1x16xi32> to vector<16xi32>
    %swap3A_163 = vector.shape_cast %and3A_157 : vector<16xi32> to vector<1x16xi32>
    tpu.vector_store %arg7[%swap3A_159, %swap3A_160], %swap3A_163 {strides = array<i32>} : memref<2x80xi32, #tpu.memory_space<vmem>>, vector<1x16xi32>,
    %shift_right_logical3A_164 = arith.constant 16 : i32
    %shift_right_logical3A_165 = vector.broadcast %shift_right_logical3A_164 : i32 to vector<16xi32>
    %shift_right_logical3A_166 = arith.shrui %get3A_154, %shift_right_logical3A_165 : vector<16xi32>
    %swap3A_167 = arith.constant 1 : i32
    %swap3A_168 = arith.index_cast %swap3A_167 : i32 to index
    %swap3A_169 = arith.constant 16 : index
    %swap3A_170 = tpu.vector_load %arg8[%swap3A_168, %swap3A_169] {strides = array<i32>} : memref<2x80xi32, #tpu.memory_space<vmem>>, vector<1x16xi32>,
    %swap3A_171 = vector.shape_cast %swap3A_170 : vector<1x16xi32> to vector<16xi32>
    %swap3A_172 = vector.shape_cast %shift_right_logical3A_166 : vector<16xi32> to vector<1x16xi32>
    tpu.vector_store %arg8[%swap3A_168, %swap3A_169], %swap3A_172 {strides = array<i32>} : memref<2x80xi32, #tpu.memory_space<vmem>>, vector<1x16xi32>,
    %get3A_173 = arith.constant 1 : i32
    %get3A_174 = arith.index_cast %get3A_173 : i32 to index
    %get3A_175 = arith.constant 32 : index
    %get3A_176 = tpu.vector_load %arg6[%get3A_174, %get3A_175] {strides = array<i32>} : memref<125x80xi32, #tpu.memory_space<vmem>>, vector<1x16xi32>,
    %get3A_177 = vector.shape_cast %get3A_176 : vector<1x16xi32> to vector<16xi32>
    %and3A_178 = arith.constant 65535 : i32
    %and3A_179 = vector.broadcast %and3A_178 : i32 to vector<16xi32>
    %and3A_180 = arith.andi %get3A_177, %and3A_179 : vector<16xi32>
    %swap3A_181 = arith.constant 1 : i32
    %swap3A_182 = arith.index_cast %swap3A_181 : i32 to index
    %swap3A_183 = arith.constant 32 : index
    %swap3A_184 = tpu.vector_load %arg7[%swap3A_182, %swap3A_183] {strides = array<i32>} : memref<2x80xi32, #tpu.memory_space<vmem>>, vector<1x16xi32>,
    %swap3A_185 = vector.shape_cast %swap3A_184 : vector<1x16xi32> to vector<16xi32>
    %swap3A_186 = vector.shape_cast %and3A_180 : vector<16xi32> to vector<1x16xi32>
    tpu.vector_store %arg7[%swap3A_182, %swap3A_183], %swap3A_186 {strides = array<i32>} : memref<2x80xi32, #tpu.memory_space<vmem>>, vector<1x16xi32>,
    %shift_right_logical3A_187 = arith.constant 16 : i32
    %shift_right_logical3A_188 = vector.broadcast %shift_right_logical3A_187 : i32 to vector<16xi32>
    %shift_right_logical3A_189 = arith.shrui %get3A_177, %shift_right_logical3A_188 : vector<16xi32>
    %swap3A_190 = arith.constant 1 : i32
    %swap3A_191 = arith.index_cast %swap3A_190 : i32 to index
    %swap3A_192 = arith.constant 32 : index
    %swap3A_193 = tpu.vector_load %arg8[%swap3A_191, %swap3A_192] {strides = array<i32>} : memref<2x80xi32, #tpu.memory_space<vmem>>, vector<1x16xi32>,
    %swap3A_194 = vector.shape_cast %swap3A_193 : vector<1x16xi32> to vector<16xi32>
    %swap3A_195 = vector.shape_cast %shift_right_logical3A_189 : vector<16xi32> to vector<1x16xi32>
    tpu.vector_store %arg8[%swap3A_191, %swap3A_192], %swap3A_195 {strides = array<i32>} : memref<2x80xi32, #tpu.memory_space<vmem>>, vector<1x16xi32>,
    %get3A_196 = arith.constant 1 : i32
    %get3A_197 = arith.index_cast %get3A_196 : i32 to index
    %get3A_198 = arith.constant 48 : index
    %get3A_199 = tpu.vector_load %arg6[%get3A_197, %get3A_198] {strides = array<i32>} : memref<125x80xi32, #tpu.memory_space<vmem>>, vector<1x16xi32>,
    %get3A_200 = vector.shape_cast %get3A_199 : vector<1x16xi32> to vector<16xi32>
    %and3A_201 = arith.constant 65535 : i32
    %and3A_202 = vector.broadcast %and3A_201 : i32 to vector<16xi32>
    %and3A_203 = arith.andi %get3A_200, %and3A_202 : vector<16xi32>
    %swap3A_204 = arith.constant 1 : i32
    %swap3A_205 = arith.index_cast %swap3A_204 : i32 to index
    %swap3A_206 = arith.constant 48 : index
    %swap3A_207 = tpu.vector_load %arg7[%swap3A_205, %swap3A_206] {strides = array<i32>} : memref<2x80xi32, #tpu.memory_space<vmem>>, vector<1x16xi32>,
    %swap3A_208 = vector.shape_cast %swap3A_207 : vector<1x16xi32> to vector<16xi32>
    %swap3A_209 = vector.shape_cast %and3A_203 : vector<16xi32> to vector<1x16xi32>
    tpu.vector_store %arg7[%swap3A_205, %swap3A_206], %swap3A_209 {strides = array<i32>} : memref<2x80xi32, #tpu.memory_space<vmem>>, vector<1x16xi32>,
    %shift_right_logical3A_210 = arith.constant 16 : i32
    %shift_right_logical3A_211 = vector.broadcast %shift_right_logical3A_210 : i32 to vector<16xi32>
    %shift_right_logical3A_212 = arith.shrui %get3A_200, %shift_right_logical3A_211 : vector<16xi32>
    %swap3A_213 = arith.constant 1 : i32
    %swap3A_214 = arith.index_cast %swap3A_213 : i32 to index
    %swap3A_215 = arith.constant 48 : index
    %swap3A_216 = tpu.vector_load %arg8[%swap3A_214, %swap3A_215] {strides = array<i32>} : memref<2x80xi32, #tpu.memory_space<vmem>>, vector<1x16xi32>,
    %swap3A_217 = vector.shape_cast %swap3A_216 : vector<1x16xi32> to vector<16xi32>
    %swap3A_218 = vector.shape_cast %shift_right_logical3A_212 : vector<16xi32> to vector<1x16xi32>
    tpu.vector_store %arg8[%swap3A_214, %swap3A_215], %swap3A_218 {strides = array<i32>} : memref<2x80xi32, #tpu.memory_space<vmem>>, vector<1x16xi32>,
    %get3A_219 = arith.constant 1 : i32
    %get3A_220 = arith.index_cast %get3A_219 : i32 to index
    %get3A_221 = arith.constant 64 : index
    %get3A_222 = tpu.vector_load %arg6[%get3A_220, %get3A_221] {strides = array<i32>} : memref<125x80xi32, #tpu.memory_space<vmem>>, vector<1x16xi32>,
    %get3A_223 = vector.shape_cast %get3A_222 : vector<1x16xi32> to vector<16xi32>
    %and3A_224 = arith.constant 65535 : i32
    %and3A_225 = vector.broadcast %and3A_224 : i32 to vector<16xi32>
    %and3A_226 = arith.andi %get3A_223, %and3A_225 : vector<16xi32>
    %swap3A_227 = arith.constant 1 : i32
    %swap3A_228 = arith.index_cast %swap3A_227 : i32 to index
    %swap3A_229 = arith.constant 64 : index
    %swap3A_230 = tpu.vector_load %arg7[%swap3A_228, %swap3A_229] {strides = array<i32>} : memref<2x80xi32, #tpu.memory_space<vmem>>, vector<1x16xi32>,
    %swap3A_231 = vector.shape_cast %swap3A_230 : vector<1x16xi32> to vector<16xi32>
    %swap3A_232 = vector.shape_cast %and3A_226 : vector<16xi32> to vector<1x16xi32>
    tpu.vector_store %arg7[%swap3A_228, %swap3A_229], %swap3A_232 {strides = array<i32>} : memref<2x80xi32, #tpu.memory_space<vmem>>, vector<1x16xi32>,
    %shift_right_logical3A_233 = arith.constant 16 : i32
    %shift_right_logical3A_234 = vector.broadcast %shift_right_logical3A_233 : i32 to vector<16xi32>
    %shift_right_logical3A_235 = arith.shrui %get3A_223, %shift_right_logical3A_234 : vector<16xi32>
    %swap3A_236 = arith.constant 1 : i32
    %swap3A_237 = arith.index_cast %swap3A_236 : i32 to index
    %swap3A_238 = arith.constant 64 : index
    %swap3A_239 = tpu.vector_load %arg8[%swap3A_237, %swap3A_238] {strides = array<i32>} : memref<2x80xi32, #tpu.memory_space<vmem>>, vector<1x16xi32>,
    %swap3A_240 = vector.shape_cast %swap3A_239 : vector<1x16xi32> to vector<16xi32>
    %swap3A_241 = vector.shape_cast %shift_right_logical3A_235 : vector<16xi32> to vector<1x16xi32>
    tpu.vector_store %arg8[%swap3A_237, %swap3A_238], %swap3A_241 {strides = array<i32>} : memref<2x80xi32, #tpu.memory_space<vmem>>, vector<1x16xi32>,
    %dma_start3A_242 = arith.constant 1 : i32
    %dma_start3A_243 = arith.constant 1 : i32
    %dma_start3A_244 = arith.constant 0 : i32
    %dma_start3A_245 = arith.constant 0 : i32
    %dma_start3A_246 = tpu.memref_slice %arg9[%dma_start3A_243, %dma_start3A_244, %dma_start3A_245] : memref<2x80x128xf32, #tpu.memory_space<vmem>> -> memref<1x80x128xf32, #tpu.memory_space<vmem>>
    %dma_start3A_247 = tpu.memref_squeeze %dma_start3A_246 : memref<1x80x128xf32, #tpu.memory_space<vmem>> -> memref<80x128xf32, #tpu.memory_space<vmem>>
    %dma_start3A_248 = arith.constant 0 : i32
    %dma_start3A_249 = tpu.memref_slice %arg7[%dma_start3A_242, %dma_start3A_248] : memref<2x80xi32, #tpu.memory_space<vmem>> -> memref<1x80xi32, #tpu.memory_space<vmem>>
    %dma_start3A_250 = tpu.memref_squeeze %dma_start3A_249 : memref<1x80xi32, #tpu.memory_space<vmem>> -> memref<80xi32, #tpu.memory_space<vmem>>
    %dma_start3A_251 = arith.constant 0 : i32
    %dma_start3A_252 = arith.constant 0 : i32
    %dma_start3A_253 = tpu.memref_slice %arg2[%dma_start3A_251, %dma_start3A_252] : memref<10112x128xf32, #tpu.memory_space<hbm>> -> memref<10112x128xf32, #tpu.memory_space<hbm>>
    tpu.enqueue_indirect_dma source(%dma_start3A_253 : memref<10112x128xf32, #tpu.memory_space<hbm>>) target(%dma_start3A_247 : memref<80x128xf32, #tpu.memory_space<vmem>>) offsets(%dma_start3A_250 : memref<80xi32, #tpu.memory_space<vmem>>) semaphore(%arg12 : memref<!tpu.dma_semaphore, #tpu.memory_space<semaphore_mem>>)
    %scan3A = arith.constant 0 : i32
    %scan3A_254 = arith.constant 0 : i32
    %scan3A_255 = arith.constant 62 : i32
    %scan3A_256 = arith.addi %scan3A_254, %scan3A_255 : i32
    %scan3A_257 = arith.constant 1 : i32
    scf.for %scan3A_276 = %scan3A_254 to %scan3A_256 step %scan3A_257  : i32 {
      %mul3A_277 = arith.constant 2 : i32
      %mul3A_278 = arith.muli %mul3A_277, %scan3A_276 : i32
      %add3A_279 = arith.constant 0 : i32
      %add3A_280 = arith.addi %mul3A_278, %add3A_279 : i32
      %dma_wait3A_281 = arith.constant 0 : i32
      %dma_wait3A_282 = arith.constant 0 : i32
      %dma_wait3A_283 = arith.constant 0 : i32
      %dma_wait3A_284 = arith.constant 0 : i32
      %dma_wait3A_285 = tpu.memref_slice %arg9[%dma_wait3A_282, %dma_wait3A_283, %dma_wait3A_284] : memref<2x80x128xf32, #tpu.memory_space<vmem>> -> memref<1x80x128xf32, #tpu.memory_space<vmem>>
      %dma_wait3A_286 = tpu.memref_squeeze %dma_wait3A_285 : memref<1x80x128xf32, #tpu.memory_space<vmem>> -> memref<80x128xf32, #tpu.memory_space<vmem>>
      %dma_wait3A_287 = arith.constant 0 : i32
      %dma_wait3A_288 = tpu.memref_slice %arg7[%dma_wait3A_281, %dma_wait3A_287] : memref<2x80xi32, #tpu.memory_space<vmem>> -> memref<1x80xi32, #tpu.memory_space<vmem>>
      %dma_wait3A_289 = tpu.memref_squeeze %dma_wait3A_288 : memref<1x80xi32, #tpu.memory_space<vmem>> -> memref<80xi32, #tpu.memory_space<vmem>>
      %dma_wait3A_290 = arith.constant 0 : i32
      %dma_wait3A_291 = arith.constant 0 : i32
      %dma_wait3A_292 = tpu.memref_slice %arg2[%dma_wait3A_290, %dma_wait3A_291] : memref<10112x128xf32, #tpu.memory_space<hbm>> -> memref<10112x128xf32, #tpu.memory_space<hbm>>
      tpu.wait_indirect_dma semaphore(%arg11 : memref<!tpu.dma_semaphore, #tpu.memory_space<semaphore_mem>>) src(%dma_wait3A_292 : memref<10112x128xf32, #tpu.memory_space<hbm>>) dst(%dma_wait3A_286 : memref<80x128xf32, #tpu.memory_space<vmem>>)
      %run_scoped3A_293 = arith.constant 0 : i32
      %run_scoped3A_294 = arith.constant 0 : i32
      "tpu.region"() ({
        %run_scoped3A_324 = tpu.sem_alloc : memref<!tpu.dma_semaphore, #tpu.memory_space<semaphore_mem>>
        %dma_start3A_325 = arith.constant 0 : i32
        %dma_start3A_326 = arith.constant 0 : i32
        %dma_start3A_327 = tpu.memref_slice %arg9[%run_scoped3A_293, %dma_start3A_325, %dma_start3A_326] : memref<2x80x128xf32, #tpu.memory_space<vmem>> -> memref<1x80x128xf32, #tpu.memory_space<vmem>>
        %dma_start3A_328 = tpu.memref_squeeze %dma_start3A_327 : memref<1x80x128xf32, #tpu.memory_space<vmem>> -> memref<80x128xf32, #tpu.memory_space<vmem>>
        %dma_start3A_329 = arith.constant 0 : i32
        %dma_start3A_330 = tpu.memref_slice %arg8[%run_scoped3A_294, %dma_start3A_329] : memref<2x80xi32, #tpu.memory_space<vmem>> -> memref<1x80xi32, #tpu.memory_space<vmem>>
        %dma_start3A_331 = tpu.memref_squeeze %dma_start3A_330 : memref<1x80xi32, #tpu.memory_space<vmem>> -> memref<80xi32, #tpu.memory_space<vmem>>
        %dma_start3A_332 = arith.constant 0 : i32
        %dma_start3A_333 = arith.constant 0 : i32
        %dma_start3A_334 = tpu.memref_slice %arg10[%dma_start3A_332, %dma_start3A_333] : memref<10112x128xf32, #tpu.memory_space<vmem_shared>> -> memref<10112x128xf32, #tpu.memory_space<vmem_shared>>
        tpu.enqueue_indirect_dma source(%dma_start3A_328 : memref<80x128xf32, #tpu.memory_space<vmem>>) target(%dma_start3A_334 : memref<10112x128xf32, #tpu.memory_space<vmem_shared>>) offsets(%dma_start3A_331 : memref<80xi32, #tpu.memory_space<vmem>>) semaphore(%run_scoped3A_324 : memref<!tpu.dma_semaphore, #tpu.memory_space<semaphore_mem>>) {add = true}
        %dma_wait3A_335 = arith.constant 0 : i32
        %dma_wait3A_336 = arith.constant 0 : i32
        %dma_wait3A_337 = tpu.memref_slice %arg9[%run_scoped3A_293, %dma_wait3A_335, %dma_wait3A_336] : memref<2x80x128xf32, #tpu.memory_space<vmem>> -> memref<1x80x128xf32, #tpu.memory_space<vmem>>
        %dma_wait3A_338 = tpu.memref_squeeze %dma_wait3A_337 : memref<1x80x128xf32, #tpu.memory_space<vmem>> -> memref<80x128xf32, #tpu.memory_space<vmem>>
        %dma_wait3A_339 = arith.constant 0 : i32
        %dma_wait3A_340 = tpu.memref_slice %arg8[%run_scoped3A_294, %dma_wait3A_339] : memref<2x80xi32, #tpu.memory_space<vmem>> -> memref<1x80xi32, #tpu.memory_space<vmem>>
        %dma_wait3A_341 = tpu.memref_squeeze %dma_wait3A_340 : memref<1x80xi32, #tpu.memory_space<vmem>> -> memref<80xi32, #tpu.memory_space<vmem>>
        %dma_wait3A_342 = arith.constant 0 : i32
        %dma_wait3A_343 = arith.constant 0 : i32
        %dma_wait3A_344 = tpu.memref_slice %arg10[%dma_wait3A_342, %dma_wait3A_343] : memref<10112x128xf32, #tpu.memory_space<vmem_shared>> -> memref<10112x128xf32, #tpu.memory_space<vmem_shared>>
        tpu.wait_indirect_dma semaphore(%run_scoped3A_324 : memref<!tpu.dma_semaphore, #tpu.memory_space<semaphore_mem>>) src(%dma_wait3A_338 : memref<80x128xf32, #tpu.memory_space<vmem>>) dst(%dma_wait3A_344 : memref<10112x128xf32, #tpu.memory_space<vmem_shared>>)
        tpu.yield
      }) : () -> ()
      %add3A_295 = arith.constant 2 : i32
      %add3A_296 = arith.addi %add3A_280, %add3A_295 : i32
      %lt3A = arith.constant 125 : i32
      %lt3A_297 = arith.cmpi slt, %add3A_296, %lt3A : i32
      %convert_element_type3A = arith.extui %lt3A_297 : i1 to i32
      %cond3A = arith.constant 0 : i32
      %cond3A_298 = arith.cmpi ne, %convert_element_type3A, %cond3A : i32
      scf.if %cond3A_298 {
        %get3A_324 = arith.index_cast %add3A_296 : i32 to index
        %get3A_325 = arith.constant 0 : index
        %get3A_326 = tpu.vector_load %arg6[%get3A_324, %get3A_325] {strides = array<i32>} : memref<125x80xi32, #tpu.memory_space<vmem>>, vector<1x16xi32>,
        %get3A_327 = vector.shape_cast %get3A_326 : vector<1x16xi32> to vector<16xi32>
        %and3A_328 = arith.constant 65535 : i32
        %and3A_329 = vector.broadcast %and3A_328 : i32 to vector<16xi32>
        %and3A_330 = arith.andi %get3A_327, %and3A_329 : vector<16xi32>
        %swap3A_331 = arith.constant 0 : i32
        %swap3A_332 = arith.index_cast %swap3A_331 : i32 to index
        %swap3A_333 = arith.constant 0 : index
        %swap3A_334 = tpu.vector_load %arg7[%swap3A_332, %swap3A_333] {strides = array<i32>} : memref<2x80xi32, #tpu.memory_space<vmem>>, vector<1x16xi32>,
        %swap3A_335 = vector.shape_cast %swap3A_334 : vector<1x16xi32> to vector<16xi32>
        %swap3A_336 = vector.shape_cast %and3A_330 : vector<16xi32> to vector<1x16xi32>
        tpu.vector_store %arg7[%swap3A_332, %swap3A_333], %swap3A_336 {strides = array<i32>} : memref<2x80xi32, #tpu.memory_space<vmem>>, vector<1x16xi32>,
        %shift_right_logical3A_337 = arith.constant 16 : i32
        %shift_right_logical3A_338 = vector.broadcast %shift_right_logical3A_337 : i32 to vector<16xi32>
        %shift_right_logical3A_339 = arith.shrui %get3A_327, %shift_right_logical3A_338 : vector<16xi32>
        %swap3A_340 = arith.constant 0 : i32
        %swap3A_341 = arith.index_cast %swap3A_340 : i32 to index
        %swap3A_342 = arith.constant 0 : index
        %swap3A_343 = tpu.vector_load %arg8[%swap3A_341, %swap3A_342] {strides = array<i32>} : memref<2x80xi32, #tpu.memory_space<vmem>>, vector<1x16xi32>,
        %swap3A_344 = vector.shape_cast %swap3A_343 : vector<1x16xi32> to vector<16xi32>
        %swap3A_345 = vector.shape_cast %shift_right_logical3A_339 : vector<16xi32> to vector<1x16xi32>
        tpu.vector_store %arg8[%swap3A_341, %swap3A_342], %swap3A_345 {strides = array<i32>} : memref<2x80xi32, #tpu.memory_space<vmem>>, vector<1x16xi32>,
        %get3A_346 = arith.index_cast %add3A_296 : i32 to index
        %get3A_347 = arith.constant 16 : index
        %get3A_348 = tpu.vector_load %arg6[%get3A_346, %get3A_347] {strides = array<i32>} : memref<125x80xi32, #tpu.memory_space<vmem>>, vector<1x16xi32>,
        %get3A_349 = vector.shape_cast %get3A_348 : vector<1x16xi32> to vector<16xi32>
        %and3A_350 = arith.constant 65535 : i32
        %and3A_351 = vector.broadcast %and3A_350 : i32 to vector<16xi32>
        %and3A_352 = arith.andi %get3A_349, %and3A_351 : vector<16xi32>
        %swap3A_353 = arith.constant 0 : i32
        %swap3A_354 = arith.index_cast %swap3A_353 : i32 to index
        %swap3A_355 = arith.constant 16 : index
        %swap3A_356 = tpu.vector_load %arg7[%swap3A_354, %swap3A_355] {strides = array<i32>} : memref<2x80xi32, #tpu.memory_space<vmem>>, vector<1x16xi32>,
        %swap3A_357 = vector.shape_cast %swap3A_356 : vector<1x16xi32> to vector<16xi32>
        %swap3A_358 = vector.shape_cast %and3A_352 : vector<16xi32> to vector<1x16xi32>
        tpu.vector_store %arg7[%swap3A_354, %swap3A_355], %swap3A_358 {strides = array<i32>} : memref<2x80xi32, #tpu.memory_space<vmem>>, vector<1x16xi32>,
        %shift_right_logical3A_359 = arith.constant 16 : i32
        %shift_right_logical3A_360 = vector.broadcast %shift_right_logical3A_359 : i32 to vector<16xi32>
        %shift_right_logical3A_361 = arith.shrui %get3A_349, %shift_right_logical3A_360 : vector<16xi32>
        %swap3A_362 = arith.constant 0 : i32
        %swap3A_363 = arith.index_cast %swap3A_362 : i32 to index
        %swap3A_364 = arith.constant 16 : index
        %swap3A_365 = tpu.vector_load %arg8[%swap3A_363, %swap3A_364] {strides = array<i32>} : memref<2x80xi32, #tpu.memory_space<vmem>>, vector<1x16xi32>,
        %swap3A_366 = vector.shape_cast %swap3A_365 : vector<1x16xi32> to vector<16xi32>
        %swap3A_367 = vector.shape_cast %shift_right_logical3A_361 : vector<16xi32> to vector<1x16xi32>
        tpu.vector_store %arg8[%swap3A_363, %swap3A_364], %swap3A_367 {strides = array<i32>} : memref<2x80xi32, #tpu.memory_space<vmem>>, vector<1x16xi32>,
        %get3A_368 = arith.index_cast %add3A_296 : i32 to index
        %get3A_369 = arith.constant 32 : index
        %get3A_370 = tpu.vector_load %arg6[%get3A_368, %get3A_369] {strides = array<i32>} : memref<125x80xi32, #tpu.memory_space<vmem>>, vector<1x16xi32>,
        %get3A_371 = vector.shape_cast %get3A_370 : vector<1x16xi32> to vector<16xi32>
        %and3A_372 = arith.constant 65535 : i32
        %and3A_373 = vector.broadcast %and3A_372 : i32 to vector<16xi32>
        %and3A_374 = arith.andi %get3A_371, %and3A_373 : vector<16xi32>
        %swap3A_375 = arith.constant 0 : i32
        %swap3A_376 = arith.index_cast %swap3A_375 : i32 to index
        %swap3A_377 = arith.constant 32 : index
        %swap3A_378 = tpu.vector_load %arg7[%swap3A_376, %swap3A_377] {strides = array<i32>} : memref<2x80xi32, #tpu.memory_space<vmem>>, vector<1x16xi32>,
        %swap3A_379 = vector.shape_cast %swap3A_378 : vector<1x16xi32> to vector<16xi32>
        %swap3A_380 = vector.shape_cast %and3A_374 : vector<16xi32> to vector<1x16xi32>
        tpu.vector_store %arg7[%swap3A_376, %swap3A_377], %swap3A_380 {strides = array<i32>} : memref<2x80xi32, #tpu.memory_space<vmem>>, vector<1x16xi32>,
        %shift_right_logical3A_381 = arith.constant 16 : i32
        %shift_right_logical3A_382 = vector.broadcast %shift_right_logical3A_381 : i32 to vector<16xi32>
        %shift_right_logical3A_383 = arith.shrui %get3A_371, %shift_right_logical3A_382 : vector<16xi32>
        %swap3A_384 = arith.constant 0 : i32
        %swap3A_385 = arith.index_cast %swap3A_384 : i32 to index
        %swap3A_386 = arith.constant 32 : index
        %swap3A_387 = tpu.vector_load %arg8[%swap3A_385, %swap3A_386] {strides = array<i32>} : memref<2x80xi32, #tpu.memory_space<vmem>>, vector<1x16xi32>,
        %swap3A_388 = vector.shape_cast %swap3A_387 : vector<1x16xi32> to vector<16xi32>
        %swap3A_389 = vector.shape_cast %shift_right_logical3A_383 : vector<16xi32> to vector<1x16xi32>
        tpu.vector_store %arg8[%swap3A_385, %swap3A_386], %swap3A_389 {strides = array<i32>} : memref<2x80xi32, #tpu.memory_space<vmem>>, vector<1x16xi32>,
        %get3A_390 = arith.index_cast %add3A_296 : i32 to index
        %get3A_391 = arith.constant 48 : index
        %get3A_392 = tpu.vector_load %arg6[%get3A_390, %get3A_391] {strides = array<i32>} : memref<125x80xi32, #tpu.memory_space<vmem>>, vector<1x16xi32>,
        %get3A_393 = vector.shape_cast %get3A_392 : vector<1x16xi32> to vector<16xi32>
        %and3A_394 = arith.constant 65535 : i32
        %and3A_395 = vector.broadcast %and3A_394 : i32 to vector<16xi32>
        %and3A_396 = arith.andi %get3A_393, %and3A_395 : vector<16xi32>
        %swap3A_397 = arith.constant 0 : i32
        %swap3A_398 = arith.index_cast %swap3A_397 : i32 to index
        %swap3A_399 = arith.constant 48 : index
        %swap3A_400 = tpu.vector_load %arg7[%swap3A_398, %swap3A_399] {strides = array<i32>} : memref<2x80xi32, #tpu.memory_space<vmem>>, vector<1x16xi32>,
        %swap3A_401 = vector.shape_cast %swap3A_400 : vector<1x16xi32> to vector<16xi32>
        %swap3A_402 = vector.shape_cast %and3A_396 : vector<16xi32> to vector<1x16xi32>
        tpu.vector_store %arg7[%swap3A_398, %swap3A_399], %swap3A_402 {strides = array<i32>} : memref<2x80xi32, #tpu.memory_space<vmem>>, vector<1x16xi32>,
        %shift_right_logical3A_403 = arith.constant 16 : i32
        %shift_right_logical3A_404 = vector.broadcast %shift_right_logical3A_403 : i32 to vector<16xi32>
        %shift_right_logical3A_405 = arith.shrui %get3A_393, %shift_right_logical3A_404 : vector<16xi32>
        %swap3A_406 = arith.constant 0 : i32
        %swap3A_407 = arith.index_cast %swap3A_406 : i32 to index
        %swap3A_408 = arith.constant 48 : index
        %swap3A_409 = tpu.vector_load %arg8[%swap3A_407, %swap3A_408] {strides = array<i32>} : memref<2x80xi32, #tpu.memory_space<vmem>>, vector<1x16xi32>,
        %swap3A_410 = vector.shape_cast %swap3A_409 : vector<1x16xi32> to vector<16xi32>
        %swap3A_411 = vector.shape_cast %shift_right_logical3A_405 : vector<16xi32> to vector<1x16xi32>
        tpu.vector_store %arg8[%swap3A_407, %swap3A_408], %swap3A_411 {strides = array<i32>} : memref<2x80xi32, #tpu.memory_space<vmem>>, vector<1x16xi32>,
        %get3A_412 = arith.index_cast %add3A_296 : i32 to index
        %get3A_413 = arith.constant 64 : index
        %get3A_414 = tpu.vector_load %arg6[%get3A_412, %get3A_413] {strides = array<i32>} : memref<125x80xi32, #tpu.memory_space<vmem>>, vector<1x16xi32>,
        %get3A_415 = vector.shape_cast %get3A_414 : vector<1x16xi32> to vector<16xi32>
        %and3A_416 = arith.constant 65535 : i32
        %and3A_417 = vector.broadcast %and3A_416 : i32 to vector<16xi32>
        %and3A_418 = arith.andi %get3A_415, %and3A_417 : vector<16xi32>
        %swap3A_419 = arith.constant 0 : i32
        %swap3A_420 = arith.index_cast %swap3A_419 : i32 to index
        %swap3A_421 = arith.constant 64 : index
        %swap3A_422 = tpu.vector_load %arg7[%swap3A_420, %swap3A_421] {strides = array<i32>} : memref<2x80xi32, #tpu.memory_space<vmem>>, vector<1x16xi32>,
        %swap3A_423 = vector.shape_cast %swap3A_422 : vector<1x16xi32> to vector<16xi32>
        %swap3A_424 = vector.shape_cast %and3A_418 : vector<16xi32> to vector<1x16xi32>
        tpu.vector_store %arg7[%swap3A_420, %swap3A_421], %swap3A_424 {strides = array<i32>} : memref<2x80xi32, #tpu.memory_space<vmem>>, vector<1x16xi32>,
        %shift_right_logical3A_425 = arith.constant 16 : i32
        %shift_right_logical3A_426 = vector.broadcast %shift_right_logical3A_425 : i32 to vector<16xi32>
        %shift_right_logical3A_427 = arith.shrui %get3A_415, %shift_right_logical3A_426 : vector<16xi32>
        %swap3A_428 = arith.constant 0 : i32
        %swap3A_429 = arith.index_cast %swap3A_428 : i32 to index
        %swap3A_430 = arith.constant 64 : index
        %swap3A_431 = tpu.vector_load %arg8[%swap3A_429, %swap3A_430] {strides = array<i32>} : memref<2x80xi32, #tpu.memory_space<vmem>>, vector<1x16xi32>,
        %swap3A_432 = vector.shape_cast %swap3A_431 : vector<1x16xi32> to vector<16xi32>
        %swap3A_433 = vector.shape_cast %shift_right_logical3A_427 : vector<16xi32> to vector<1x16xi32>
        tpu.vector_store %arg8[%swap3A_429, %swap3A_430], %swap3A_433 {strides = array<i32>} : memref<2x80xi32, #tpu.memory_space<vmem>>, vector<1x16xi32>,
        %dma_start3A_434 = arith.constant 0 : i32
        %dma_start3A_435 = arith.constant 0 : i32
        %dma_start3A_436 = arith.constant 0 : i32
        %dma_start3A_437 = arith.constant 0 : i32
        %dma_start3A_438 = tpu.memref_slice %arg9[%dma_start3A_435, %dma_start3A_436, %dma_start3A_437] : memref<2x80x128xf32, #tpu.memory_space<vmem>> -> memref<1x80x128xf32, #tpu.memory_space<vmem>>
        %dma_start3A_439 = tpu.memref_squeeze %dma_start3A_438 : memref<1x80x128xf32, #tpu.memory_space<vmem>> -> memref<80x128xf32, #tpu.memory_space<vmem>>
        %dma_start3A_440 = arith.constant 0 : i32
        %dma_start3A_441 = tpu.memref_slice %arg7[%dma_start3A_434, %dma_start3A_440] : memref<2x80xi32, #tpu.memory_space<vmem>> -> memref<1x80xi32, #tpu.memory_space<vmem>>
        %dma_start3A_442 = tpu.memref_squeeze %dma_start3A_441 : memref<1x80xi32, #tpu.memory_space<vmem>> -> memref<80xi32, #tpu.memory_space<vmem>>
        %dma_start3A_443 = arith.constant 0 : i32
        %dma_start3A_444 = arith.constant 0 : i32
        %dma_start3A_445 = tpu.memref_slice %arg2[%dma_start3A_443, %dma_start3A_444] : memref<10112x128xf32, #tpu.memory_space<hbm>> -> memref<10112x128xf32, #tpu.memory_space<hbm>>
        tpu.enqueue_indirect_dma source(%dma_start3A_445 : memref<10112x128xf32, #tpu.memory_space<hbm>>) target(%dma_start3A_439 : memref<80x128xf32, #tpu.memory_space<vmem>>) offsets(%dma_start3A_442 : memref<80xi32, #tpu.memory_space<vmem>>) semaphore(%arg11 : memref<!tpu.dma_semaphore, #tpu.memory_space<semaphore_mem>>)
      } else {
      }
      %mul3A_299 = arith.constant 2 : i32
      %mul3A_300 = arith.muli %mul3A_299, %scan3A_276 : i32
      %add3A_301 = arith.constant 1 : i32
      %add3A_302 = arith.addi %mul3A_300, %add3A_301 : i32
      %dma_wait3A_303 = arith.constant 1 : i32
      %dma_wait3A_304 = arith.constant 1 : i32
      %dma_wait3A_305 = arith.constant 0 : i32
      %dma_wait3A_306 = arith.constant 0 : i32
      %dma_wait3A_307 = tpu.memref_slice %arg9[%dma_wait3A_304, %dma_wait3A_305, %dma_wait3A_306] : memref<2x80x128xf32, #tpu.memory_space<vmem>> -> memref<1x80x128xf32, #tpu.memory_space<vmem>>
      %dma_wait3A_308 = tpu.memref_squeeze %dma_wait3A_307 : memref<1x80x128xf32, #tpu.memory_space<vmem>> -> memref<80x128xf32, #tpu.memory_space<vmem>>
      %dma_wait3A_309 = arith.constant 0 : i32
      %dma_wait3A_310 = tpu.memref_slice %arg7[%dma_wait3A_303, %dma_wait3A_309] : memref<2x80xi32, #tpu.memory_space<vmem>> -> memref<1x80xi32, #tpu.memory_space<vmem>>
      %dma_wait3A_311 = tpu.memref_squeeze %dma_wait3A_310 : memref<1x80xi32, #tpu.memory_space<vmem>> -> memref<80xi32, #tpu.memory_space<vmem>>
      %dma_wait3A_312 = arith.constant 0 : i32
      %dma_wait3A_313 = arith.constant 0 : i32
      %dma_wait3A_314 = tpu.memref_slice %arg2[%dma_wait3A_312, %dma_wait3A_313] : memref<10112x128xf32, #tpu.memory_space<hbm>> -> memref<10112x128xf32, #tpu.memory_space<hbm>>
      tpu.wait_indirect_dma semaphore(%arg12 : memref<!tpu.dma_semaphore, #tpu.memory_space<semaphore_mem>>) src(%dma_wait3A_314 : memref<10112x128xf32, #tpu.memory_space<hbm>>) dst(%dma_wait3A_308 : memref<80x128xf32, #tpu.memory_space<vmem>>)
      %run_scoped3A_315 = arith.constant 1 : i32
      %run_scoped3A_316 = arith.constant 1 : i32
      "tpu.region"() ({
        %run_scoped3A_324 = tpu.sem_alloc : memref<!tpu.dma_semaphore, #tpu.memory_space<semaphore_mem>>
        %dma_start3A_325 = arith.constant 0 : i32
        %dma_start3A_326 = arith.constant 0 : i32
        %dma_start3A_327 = tpu.memref_slice %arg9[%run_scoped3A_315, %dma_start3A_325, %dma_start3A_326] : memref<2x80x128xf32, #tpu.memory_space<vmem>> -> memref<1x80x128xf32, #tpu.memory_space<vmem>>
        %dma_start3A_328 = tpu.memref_squeeze %dma_start3A_327 : memref<1x80x128xf32, #tpu.memory_space<vmem>> -> memref<80x128xf32, #tpu.memory_space<vmem>>
        %dma_start3A_329 = arith.constant 0 : i32
        %dma_start3A_330 = tpu.memref_slice %arg8[%run_scoped3A_316, %dma_start3A_329] : memref<2x80xi32, #tpu.memory_space<vmem>> -> memref<1x80xi32, #tpu.memory_space<vmem>>
        %dma_start3A_331 = tpu.memref_squeeze %dma_start3A_330 : memref<1x80xi32, #tpu.memory_space<vmem>> -> memref<80xi32, #tpu.memory_space<vmem>>
        %dma_start3A_332 = arith.constant 0 : i32
        %dma_start3A_333 = arith.constant 0 : i32
        %dma_start3A_334 = tpu.memref_slice %arg10[%dma_start3A_332, %dma_start3A_333] : memref<10112x128xf32, #tpu.memory_space<vmem_shared>> -> memref<10112x128xf32, #tpu.memory_space<vmem_shared>>
        tpu.enqueue_indirect_dma source(%dma_start3A_328 : memref<80x128xf32, #tpu.memory_space<vmem>>) target(%dma_start3A_334 : memref<10112x128xf32, #tpu.memory_space<vmem_shared>>) offsets(%dma_start3A_331 : memref<80xi32, #tpu.memory_space<vmem>>) semaphore(%run_scoped3A_324 : memref<!tpu.dma_semaphore, #tpu.memory_space<semaphore_mem>>) {add = true}
        %dma_wait3A_335 = arith.constant 0 : i32
        %dma_wait3A_336 = arith.constant 0 : i32
        %dma_wait3A_337 = tpu.memref_slice %arg9[%run_scoped3A_315, %dma_wait3A_335, %dma_wait3A_336] : memref<2x80x128xf32, #tpu.memory_space<vmem>> -> memref<1x80x128xf32, #tpu.memory_space<vmem>>
        %dma_wait3A_338 = tpu.memref_squeeze %dma_wait3A_337 : memref<1x80x128xf32, #tpu.memory_space<vmem>> -> memref<80x128xf32, #tpu.memory_space<vmem>>
        %dma_wait3A_339 = arith.constant 0 : i32
        %dma_wait3A_340 = tpu.memref_slice %arg8[%run_scoped3A_316, %dma_wait3A_339] : memref<2x80xi32, #tpu.memory_space<vmem>> -> memref<1x80xi32, #tpu.memory_space<vmem>>
        %dma_wait3A_341 = tpu.memref_squeeze %dma_wait3A_340 : memref<1x80xi32, #tpu.memory_space<vmem>> -> memref<80xi32, #tpu.memory_space<vmem>>
        %dma_wait3A_342 = arith.constant 0 : i32
        %dma_wait3A_343 = arith.constant 0 : i32
        %dma_wait3A_344 = tpu.memref_slice %arg10[%dma_wait3A_342, %dma_wait3A_343] : memref<10112x128xf32, #tpu.memory_space<vmem_shared>> -> memref<10112x128xf32, #tpu.memory_space<vmem_shared>>
        tpu.wait_indirect_dma semaphore(%run_scoped3A_324 : memref<!tpu.dma_semaphore, #tpu.memory_space<semaphore_mem>>) src(%dma_wait3A_338 : memref<80x128xf32, #tpu.memory_space<vmem>>) dst(%dma_wait3A_344 : memref<10112x128xf32, #tpu.memory_space<vmem_shared>>)
        tpu.yield
      }) : () -> ()
      %add3A_317 = arith.constant 2 : i32
      %add3A_318 = arith.addi %add3A_302, %add3A_317 : i32
      %lt3A_319 = arith.constant 125 : i32
      %lt3A_320 = arith.cmpi slt, %add3A_318, %lt3A_319 : i32
      %convert_element_type3A_321 = arith.extui %lt3A_320 : i1 to i32
      %cond3A_322 = arith.constant 0 : i32
      %cond3A_323 = arith.cmpi ne, %convert_element_type3A_321, %cond3A_322 : i32
      scf.if %cond3A_323 {
        %get3A_324 = arith.index_cast %add3A_318 : i32 to index
        %get3A_325 = arith.constant 0 : index
        %get3A_326 = tpu.vector_load %arg6[%get3A_324, %get3A_325] {strides = array<i32>} : memref<125x80xi32, #tpu.memory_space<vmem>>, vector<1x16xi32>,
        %get3A_327 = vector.shape_cast %get3A_326 : vector<1x16xi32> to vector<16xi32>
        %and3A_328 = arith.constant 65535 : i32
        %and3A_329 = vector.broadcast %and3A_328 : i32 to vector<16xi32>
        %and3A_330 = arith.andi %get3A_327, %and3A_329 : vector<16xi32>
        %swap3A_331 = arith.constant 1 : i32
        %swap3A_332 = arith.index_cast %swap3A_331 : i32 to index
        %swap3A_333 = arith.constant 0 : index
        %swap3A_334 = tpu.vector_load %arg7[%swap3A_332, %swap3A_333] {strides = array<i32>} : memref<2x80xi32, #tpu.memory_space<vmem>>, vector<1x16xi32>,
        %swap3A_335 = vector.shape_cast %swap3A_334 : vector<1x16xi32> to vector<16xi32>
        %swap3A_336 = vector.shape_cast %and3A_330 : vector<16xi32> to vector<1x16xi32>
        tpu.vector_store %arg7[%swap3A_332, %swap3A_333], %swap3A_336 {strides = array<i32>} : memref<2x80xi32, #tpu.memory_space<vmem>>, vector<1x16xi32>,
        %shift_right_logical3A_337 = arith.constant 16 : i32
        %shift_right_logical3A_338 = vector.broadcast %shift_right_logical3A_337 : i32 to vector<16xi32>
        %shift_right_logical3A_339 = arith.shrui %get3A_327, %shift_right_logical3A_338 : vector<16xi32>
        %swap3A_340 = arith.constant 1 : i32
        %swap3A_341 = arith.index_cast %swap3A_340 : i32 to index
        %swap3A_342 = arith.constant 0 : index
        %swap3A_343 = tpu.vector_load %arg8[%swap3A_341, %swap3A_342] {strides = array<i32>} : memref<2x80xi32, #tpu.memory_space<vmem>>, vector<1x16xi32>,
        %swap3A_344 = vector.shape_cast %swap3A_343 : vector<1x16xi32> to vector<16xi32>
        %swap3A_345 = vector.shape_cast %shift_right_logical3A_339 : vector<16xi32> to vector<1x16xi32>
        tpu.vector_store %arg8[%swap3A_341, %swap3A_342], %swap3A_345 {strides = array<i32>} : memref<2x80xi32, #tpu.memory_space<vmem>>, vector<1x16xi32>,
        %get3A_346 = arith.index_cast %add3A_318 : i32 to index
        %get3A_347 = arith.constant 16 : index
        %get3A_348 = tpu.vector_load %arg6[%get3A_346, %get3A_347] {strides = array<i32>} : memref<125x80xi32, #tpu.memory_space<vmem>>, vector<1x16xi32>,
        %get3A_349 = vector.shape_cast %get3A_348 : vector<1x16xi32> to vector<16xi32>
        %and3A_350 = arith.constant 65535 : i32
        %and3A_351 = vector.broadcast %and3A_350 : i32 to vector<16xi32>
        %and3A_352 = arith.andi %get3A_349, %and3A_351 : vector<16xi32>
        %swap3A_353 = arith.constant 1 : i32
        %swap3A_354 = arith.index_cast %swap3A_353 : i32 to index
        %swap3A_355 = arith.constant 16 : index
        %swap3A_356 = tpu.vector_load %arg7[%swap3A_354, %swap3A_355] {strides = array<i32>} : memref<2x80xi32, #tpu.memory_space<vmem>>, vector<1x16xi32>,
        %swap3A_357 = vector.shape_cast %swap3A_356 : vector<1x16xi32> to vector<16xi32>
        %swap3A_358 = vector.shape_cast %and3A_352 : vector<16xi32> to vector<1x16xi32>
        tpu.vector_store %arg7[%swap3A_354, %swap3A_355], %swap3A_358 {strides = array<i32>} : memref<2x80xi32, #tpu.memory_space<vmem>>, vector<1x16xi32>,
        %shift_right_logical3A_359 = arith.constant 16 : i32
        %shift_right_logical3A_360 = vector.broadcast %shift_right_logical3A_359 : i32 to vector<16xi32>
        %shift_right_logical3A_361 = arith.shrui %get3A_349, %shift_right_logical3A_360 : vector<16xi32>
        %swap3A_362 = arith.constant 1 : i32
        %swap3A_363 = arith.index_cast %swap3A_362 : i32 to index
        %swap3A_364 = arith.constant 16 : index
        %swap3A_365 = tpu.vector_load %arg8[%swap3A_363, %swap3A_364] {strides = array<i32>} : memref<2x80xi32, #tpu.memory_space<vmem>>, vector<1x16xi32>,
        %swap3A_366 = vector.shape_cast %swap3A_365 : vector<1x16xi32> to vector<16xi32>
        %swap3A_367 = vector.shape_cast %shift_right_logical3A_361 : vector<16xi32> to vector<1x16xi32>
        tpu.vector_store %arg8[%swap3A_363, %swap3A_364], %swap3A_367 {strides = array<i32>} : memref<2x80xi32, #tpu.memory_space<vmem>>, vector<1x16xi32>,
        %get3A_368 = arith.index_cast %add3A_318 : i32 to index
        %get3A_369 = arith.constant 32 : index
        %get3A_370 = tpu.vector_load %arg6[%get3A_368, %get3A_369] {strides = array<i32>} : memref<125x80xi32, #tpu.memory_space<vmem>>, vector<1x16xi32>,
        %get3A_371 = vector.shape_cast %get3A_370 : vector<1x16xi32> to vector<16xi32>
        %and3A_372 = arith.constant 65535 : i32
        %and3A_373 = vector.broadcast %and3A_372 : i32 to vector<16xi32>
        %and3A_374 = arith.andi %get3A_371, %and3A_373 : vector<16xi32>
        %swap3A_375 = arith.constant 1 : i32
        %swap3A_376 = arith.index_cast %swap3A_375 : i32 to index
        %swap3A_377 = arith.constant 32 : index
        %swap3A_378 = tpu.vector_load %arg7[%swap3A_376, %swap3A_377] {strides = array<i32>} : memref<2x80xi32, #tpu.memory_space<vmem>>, vector<1x16xi32>,
        %swap3A_379 = vector.shape_cast %swap3A_378 : vector<1x16xi32> to vector<16xi32>
        %swap3A_380 = vector.shape_cast %and3A_374 : vector<16xi32> to vector<1x16xi32>
        tpu.vector_store %arg7[%swap3A_376, %swap3A_377], %swap3A_380 {strides = array<i32>} : memref<2x80xi32, #tpu.memory_space<vmem>>, vector<1x16xi32>,
        %shift_right_logical3A_381 = arith.constant 16 : i32
        %shift_right_logical3A_382 = vector.broadcast %shift_right_logical3A_381 : i32 to vector<16xi32>
        %shift_right_logical3A_383 = arith.shrui %get3A_371, %shift_right_logical3A_382 : vector<16xi32>
        %swap3A_384 = arith.constant 1 : i32
        %swap3A_385 = arith.index_cast %swap3A_384 : i32 to index
        %swap3A_386 = arith.constant 32 : index
        %swap3A_387 = tpu.vector_load %arg8[%swap3A_385, %swap3A_386] {strides = array<i32>} : memref<2x80xi32, #tpu.memory_space<vmem>>, vector<1x16xi32>,
        %swap3A_388 = vector.shape_cast %swap3A_387 : vector<1x16xi32> to vector<16xi32>
        %swap3A_389 = vector.shape_cast %shift_right_logical3A_383 : vector<16xi32> to vector<1x16xi32>
        tpu.vector_store %arg8[%swap3A_385, %swap3A_386], %swap3A_389 {strides = array<i32>} : memref<2x80xi32, #tpu.memory_space<vmem>>, vector<1x16xi32>,
        %get3A_390 = arith.index_cast %add3A_318 : i32 to index
        %get3A_391 = arith.constant 48 : index
        %get3A_392 = tpu.vector_load %arg6[%get3A_390, %get3A_391] {strides = array<i32>} : memref<125x80xi32, #tpu.memory_space<vmem>>, vector<1x16xi32>,
        %get3A_393 = vector.shape_cast %get3A_392 : vector<1x16xi32> to vector<16xi32>
        %and3A_394 = arith.constant 65535 : i32
        %and3A_395 = vector.broadcast %and3A_394 : i32 to vector<16xi32>
        %and3A_396 = arith.andi %get3A_393, %and3A_395 : vector<16xi32>
        %swap3A_397 = arith.constant 1 : i32
        %swap3A_398 = arith.index_cast %swap3A_397 : i32 to index
        %swap3A_399 = arith.constant 48 : index
        %swap3A_400 = tpu.vector_load %arg7[%swap3A_398, %swap3A_399] {strides = array<i32>} : memref<2x80xi32, #tpu.memory_space<vmem>>, vector<1x16xi32>,
        %swap3A_401 = vector.shape_cast %swap3A_400 : vector<1x16xi32> to vector<16xi32>
        %swap3A_402 = vector.shape_cast %and3A_396 : vector<16xi32> to vector<1x16xi32>
        tpu.vector_store %arg7[%swap3A_398, %swap3A_399], %swap3A_402 {strides = array<i32>} : memref<2x80xi32, #tpu.memory_space<vmem>>, vector<1x16xi32>,
        %shift_right_logical3A_403 = arith.constant 16 : i32
        %shift_right_logical3A_404 = vector.broadcast %shift_right_logical3A_403 : i32 to vector<16xi32>
        %shift_right_logical3A_405 = arith.shrui %get3A_393, %shift_right_logical3A_404 : vector<16xi32>
        %swap3A_406 = arith.constant 1 : i32
        %swap3A_407 = arith.index_cast %swap3A_406 : i32 to index
        %swap3A_408 = arith.constant 48 : index
        %swap3A_409 = tpu.vector_load %arg8[%swap3A_407, %swap3A_408] {strides = array<i32>} : memref<2x80xi32, #tpu.memory_space<vmem>>, vector<1x16xi32>,
        %swap3A_410 = vector.shape_cast %swap3A_409 : vector<1x16xi32> to vector<16xi32>
        %swap3A_411 = vector.shape_cast %shift_right_logical3A_405 : vector<16xi32> to vector<1x16xi32>
        tpu.vector_store %arg8[%swap3A_407, %swap3A_408], %swap3A_411 {strides = array<i32>} : memref<2x80xi32, #tpu.memory_space<vmem>>, vector<1x16xi32>,
        %get3A_412 = arith.index_cast %add3A_318 : i32 to index
        %get3A_413 = arith.constant 64 : index
        %get3A_414 = tpu.vector_load %arg6[%get3A_412, %get3A_413] {strides = array<i32>} : memref<125x80xi32, #tpu.memory_space<vmem>>, vector<1x16xi32>,
        %get3A_415 = vector.shape_cast %get3A_414 : vector<1x16xi32> to vector<16xi32>
        %and3A_416 = arith.constant 65535 : i32
        %and3A_417 = vector.broadcast %and3A_416 : i32 to vector<16xi32>
        %and3A_418 = arith.andi %get3A_415, %and3A_417 : vector<16xi32>
        %swap3A_419 = arith.constant 1 : i32
        %swap3A_420 = arith.index_cast %swap3A_419 : i32 to index
        %swap3A_421 = arith.constant 64 : index
        %swap3A_422 = tpu.vector_load %arg7[%swap3A_420, %swap3A_421] {strides = array<i32>} : memref<2x80xi32, #tpu.memory_space<vmem>>, vector<1x16xi32>,
        %swap3A_423 = vector.shape_cast %swap3A_422 : vector<1x16xi32> to vector<16xi32>
        %swap3A_424 = vector.shape_cast %and3A_418 : vector<16xi32> to vector<1x16xi32>
        tpu.vector_store %arg7[%swap3A_420, %swap3A_421], %swap3A_424 {strides = array<i32>} : memref<2x80xi32, #tpu.memory_space<vmem>>, vector<1x16xi32>,
        %shift_right_logical3A_425 = arith.constant 16 : i32
        %shift_right_logical3A_426 = vector.broadcast %shift_right_logical3A_425 : i32 to vector<16xi32>
        %shift_right_logical3A_427 = arith.shrui %get3A_415, %shift_right_logical3A_426 : vector<16xi32>
        %swap3A_428 = arith.constant 1 : i32
        %swap3A_429 = arith.index_cast %swap3A_428 : i32 to index
        %swap3A_430 = arith.constant 64 : index
        %swap3A_431 = tpu.vector_load %arg8[%swap3A_429, %swap3A_430] {strides = array<i32>} : memref<2x80xi32, #tpu.memory_space<vmem>>, vector<1x16xi32>,
        %swap3A_432 = vector.shape_cast %swap3A_431 : vector<1x16xi32> to vector<16xi32>
        %swap3A_433 = vector.shape_cast %shift_right_logical3A_427 : vector<16xi32> to vector<1x16xi32>
        tpu.vector_store %arg8[%swap3A_429, %swap3A_430], %swap3A_433 {strides = array<i32>} : memref<2x80xi32, #tpu.memory_space<vmem>>, vector<1x16xi32>,
        %dma_start3A_434 = arith.constant 1 : i32
        %dma_start3A_435 = arith.constant 1 : i32
        %dma_start3A_436 = arith.constant 0 : i32
        %dma_start3A_437 = arith.constant 0 : i32
        %dma_start3A_438 = tpu.memref_slice %arg9[%dma_start3A_435, %dma_start3A_436, %dma_start3A_437] : memref<2x80x128xf32, #tpu.memory_space<vmem>> -> memref<1x80x128xf32, #tpu.memory_space<vmem>>
        %dma_start3A_439 = tpu.memref_squeeze %dma_start3A_438 : memref<1x80x128xf32, #tpu.memory_space<vmem>> -> memref<80x128xf32, #tpu.memory_space<vmem>>
        %dma_start3A_440 = arith.constant 0 : i32
        %dma_start3A_441 = tpu.memref_slice %arg7[%dma_start3A_434, %dma_start3A_440] : memref<2x80xi32, #tpu.memory_space<vmem>> -> memref<1x80xi32, #tpu.memory_space<vmem>>
        %dma_start3A_442 = tpu.memref_squeeze %dma_start3A_441 : memref<1x80xi32, #tpu.memory_space<vmem>> -> memref<80xi32, #tpu.memory_space<vmem>>
        %dma_start3A_443 = arith.constant 0 : i32
        %dma_start3A_444 = arith.constant 0 : i32
        %dma_start3A_445 = tpu.memref_slice %arg2[%dma_start3A_443, %dma_start3A_444] : memref<10112x128xf32, #tpu.memory_space<hbm>> -> memref<10112x128xf32, #tpu.memory_space<hbm>>
        tpu.enqueue_indirect_dma source(%dma_start3A_445 : memref<10112x128xf32, #tpu.memory_space<hbm>>) target(%dma_start3A_439 : memref<80x128xf32, #tpu.memory_space<vmem>>) offsets(%dma_start3A_442 : memref<80xi32, #tpu.memory_space<vmem>>) semaphore(%arg12 : memref<!tpu.dma_semaphore, #tpu.memory_space<semaphore_mem>>)
      } else {
      }
    }
    %scan3A_258 = arith.constant 62 : i32
    %dma_wait3A = arith.constant 0 : i32
    %dma_wait3A_259 = arith.constant 0 : i32
    %dma_wait3A_260 = arith.constant 0 : i32
    %dma_wait3A_261 = arith.constant 0 : i32
    %dma_wait3A_262 = tpu.memref_slice %arg9[%dma_wait3A_259, %dma_wait3A_260, %dma_wait3A_261] : memref<2x80x128xf32, #tpu.memory_space<vmem>> -> memref<1x80x128xf32, #tpu.memory_space<vmem>>
    %dma_wait3A_263 = tpu.memref_squeeze %dma_wait3A_262 : memref<1x80x128xf32, #tpu.memory_space<vmem>> -> memref<80x128xf32, #tpu.memory_space<vmem>>
    %dma_wait3A_264 = arith.constant 0 : i32
    %dma_wait3A_265 = tpu.memref_slice %arg7[%dma_wait3A, %dma_wait3A_264] : memref<2x80xi32, #tpu.memory_space<vmem>> -> memref<1x80xi32, #tpu.memory_space<vmem>>
    %dma_wait3A_266 = tpu.memref_squeeze %dma_wait3A_265 : memref<1x80xi32, #tpu.memory_space<vmem>> -> memref<80xi32, #tpu.memory_space<vmem>>
    %dma_wait3A_267 = arith.constant 0 : i32
    %dma_wait3A_268 = arith.constant 0 : i32
    %dma_wait3A_269 = tpu.memref_slice %arg2[%dma_wait3A_267, %dma_wait3A_268] : memref<10112x128xf32, #tpu.memory_space<hbm>> -> memref<10112x128xf32, #tpu.memory_space<hbm>>
    tpu.wait_indirect_dma semaphore(%arg11 : memref<!tpu.dma_semaphore, #tpu.memory_space<semaphore_mem>>) src(%dma_wait3A_269 : memref<10112x128xf32, #tpu.memory_space<hbm>>) dst(%dma_wait3A_263 : memref<80x128xf32, #tpu.memory_space<vmem>>)
    %run_scoped3A = arith.constant 0 : i32
    %run_scoped3A_270 = arith.constant 0 : i32
    "tpu.region"() ({
      %run_scoped3A_276 = tpu.sem_alloc : memref<!tpu.dma_semaphore, #tpu.memory_space<semaphore_mem>>
      %dma_start3A_277 = arith.constant 0 : i32
      %dma_start3A_278 = arith.constant 0 : i32
      %dma_start3A_279 = tpu.memref_slice %arg9[%run_scoped3A, %dma_start3A_277, %dma_start3A_278] : memref<2x80x128xf32, #tpu.memory_space<vmem>> -> memref<1x80x128xf32, #tpu.memory_space<vmem>>
      %dma_start3A_280 = tpu.memref_squeeze %dma_start3A_279 : memref<1x80x128xf32, #tpu.memory_space<vmem>> -> memref<80x128xf32, #tpu.memory_space<vmem>>
      %dma_start3A_281 = arith.constant 0 : i32
      %dma_start3A_282 = tpu.memref_slice %arg8[%run_scoped3A_270, %dma_start3A_281] : memref<2x80xi32, #tpu.memory_space<vmem>> -> memref<1x80xi32, #tpu.memory_space<vmem>>
      %dma_start3A_283 = tpu.memref_squeeze %dma_start3A_282 : memref<1x80xi32, #tpu.memory_space<vmem>> -> memref<80xi32, #tpu.memory_space<vmem>>
      %dma_start3A_284 = arith.constant 0 : i32
      %dma_start3A_285 = arith.constant 0 : i32
      %dma_start3A_286 = tpu.memref_slice %arg10[%dma_start3A_284, %dma_start3A_285] : memref<10112x128xf32, #tpu.memory_space<vmem_shared>> -> memref<10112x128xf32, #tpu.memory_space<vmem_shared>>
      tpu.enqueue_indirect_dma source(%dma_start3A_280 : memref<80x128xf32, #tpu.memory_space<vmem>>) target(%dma_start3A_286 : memref<10112x128xf32, #tpu.memory_space<vmem_shared>>) offsets(%dma_start3A_283 : memref<80xi32, #tpu.memory_space<vmem>>) semaphore(%run_scoped3A_276 : memref<!tpu.dma_semaphore, #tpu.memory_space<semaphore_mem>>) {add = true}
      %dma_wait3A_287 = arith.constant 0 : i32
      %dma_wait3A_288 = arith.constant 0 : i32
      %dma_wait3A_289 = tpu.memref_slice %arg9[%run_scoped3A, %dma_wait3A_287, %dma_wait3A_288] : memref<2x80x128xf32, #tpu.memory_space<vmem>> -> memref<1x80x128xf32, #tpu.memory_space<vmem>>
      %dma_wait3A_290 = tpu.memref_squeeze %dma_wait3A_289 : memref<1x80x128xf32, #tpu.memory_space<vmem>> -> memref<80x128xf32, #tpu.memory_space<vmem>>
      %dma_wait3A_291 = arith.constant 0 : i32
      %dma_wait3A_292 = tpu.memref_slice %arg8[%run_scoped3A_270, %dma_wait3A_291] : memref<2x80xi32, #tpu.memory_space<vmem>> -> memref<1x80xi32, #tpu.memory_space<vmem>>
      %dma_wait3A_293 = tpu.memref_squeeze %dma_wait3A_292 : memref<1x80xi32, #tpu.memory_space<vmem>> -> memref<80xi32, #tpu.memory_space<vmem>>
      %dma_wait3A_294 = arith.constant 0 : i32
      %dma_wait3A_295 = arith.constant 0 : i32
      %dma_wait3A_296 = tpu.memref_slice %arg10[%dma_wait3A_294, %dma_wait3A_295] : memref<10112x128xf32, #tpu.memory_space<vmem_shared>> -> memref<10112x128xf32, #tpu.memory_space<vmem_shared>>
      tpu.wait_indirect_dma semaphore(%run_scoped3A_276 : memref<!tpu.dma_semaphore, #tpu.memory_space<semaphore_mem>>) src(%dma_wait3A_290 : memref<80x128xf32, #tpu.memory_space<vmem>>) dst(%dma_wait3A_296 : memref<10112x128xf32, #tpu.memory_space<vmem_shared>>)
      tpu.yield
    }) : () -> ()
    %barrier3A_271 = arith.constant 0 : index
    tpu.barrier barrier_id(%barrier3A_271)
    %mul3A_272 = arith.constant 632 : i32
    %mul3A_273 = arith.muli %arg1, %mul3A_272 : i32
    %mul3A_274 = arith.constant 632 : i32
    %mul3A_275 = arith.muli %arg1, %mul3A_274 : i32
    "tpu.region"() ({
      %run_scoped3A_276 = tpu.sem_alloc : memref<!tpu.dma_semaphore, #tpu.memory_space<semaphore_mem>>
      %dma_start3A_277 = arith.constant 0 : i32
      %dma_start3A_278 = tpu.memref_slice %arg5[%arg0, %mul3A_275, %dma_start3A_277] : memref<2x10112x128xf32, #tpu.memory_space<hbm>> -> memref<1x632x128xf32, #tpu.memory_space<hbm>>
      %dma_start3A_279 = tpu.memref_squeeze %dma_start3A_278 : memref<1x632x128xf32, #tpu.memory_space<hbm>> -> memref<632x128xf32, #tpu.memory_space<hbm>>
      %dma_start3A_280 = arith.constant 0 : i32
      %dma_start3A_281 = tpu.memref_slice %arg10[%mul3A_273, %dma_start3A_280] : memref<10112x128xf32, #tpu.memory_space<vmem_shared>> -> memref<632x128xf32, #tpu.memory_space<vmem_shared>>
      tpu.enqueue_dma source(%dma_start3A_281 : memref<632x128xf32, #tpu.memory_space<vmem_shared>>) target(%dma_start3A_279 : memref<632x128xf32, #tpu.memory_space<hbm>>) target_semaphore(%run_scoped3A_276 : memref<!tpu.dma_semaphore, #tpu.memory_space<semaphore_mem>>)
      %dma_wait3A_282 = arith.constant 0 : i32
      %dma_wait3A_283 = tpu.memref_slice %arg5[%arg0, %mul3A_275, %dma_wait3A_282] : memref<2x10112x128xf32, #tpu.memory_space<hbm>> -> memref<1x632x128xf32, #tpu.memory_space<hbm>>
      %dma_wait3A_284 = tpu.memref_squeeze %dma_wait3A_283 : memref<1x632x128xf32, #tpu.memory_space<hbm>> -> memref<632x128xf32, #tpu.memory_space<hbm>>
      %dma_wait3A_285 = arith.constant 0 : i32
      %dma_wait3A_286 = tpu.memref_slice %arg10[%mul3A_273, %dma_wait3A_285] : memref<10112x128xf32, #tpu.memory_space<vmem_shared>> -> memref<632x128xf32, #tpu.memory_space<vmem_shared>>
      tpu.wait_dma2 semaphore(%run_scoped3A_276 : memref<!tpu.dma_semaphore, #tpu.memory_space<semaphore_mem>>) src(%dma_wait3A_286 : memref<632x128xf32, #tpu.memory_space<vmem_shared>>) dst(%dma_wait3A_284 : memref<632x128xf32, #tpu.memory_space<hbm>>)
      tpu.yield
    }) : () -> ()
    return
  }
}

#map = affine_map<(d0, d1) -> (0, 0)>
#map1 = affine_map<(d0, d1) -> (0, 0, 0)>
module attributes {stable_mosaic.version = 14 : i64} {
  func.func @agg_kernel(%arg0: i32, %arg1: i32, %arg2: memref<10112x128xf32, #tpu.memory_space<hbm>>, %arg3: memref<32x125x80xi32, #tpu.memory_space<hbm>>, %arg4: memref<10112x128xf32, #tpu.memory_space<hbm>>, %arg5: memref<2x10112x128xf32, #tpu.memory_space<hbm>>, %arg6: memref<125x80xi32, #tpu.memory_space<vmem>>, %arg7: memref<2x80xi32, #tpu.memory_space<vmem>>, %arg8: memref<2x80xi32, #tpu.memory_space<vmem>>, %arg9: memref<2x80x128xf32, #tpu.memory_space<vmem>>, %arg10: memref<10112x128xf32, #tpu.memory_space<vmem_shared>>, %arg11: memref<!tpu.dma_semaphore, #tpu.memory_space<semaphore_mem>>, %arg12: memref<!tpu.dma_semaphore, #tpu.memory_space<semaphore_mem>>) attributes {dimension_semantics = [#tpu.dimension_semantics<core_parallel>, #tpu.dimension_semantics<subcore_parallel>], iteration_bounds = array<i64: 2, 16>, scalar_prefetch = 0 : i64, scratch_operands = 7 : i64, tpu.core_type = #tpu.core_type<sc_vector_subcore>, window_params = [{transform_indices = #map}, {transform_indices = #map1}, {transform_indices = #map}, {transform_indices = #map1}]} {
    %mul3A = arith.constant 2 : i32
    %mul3A_0 = arith.muli %arg1, %mul3A : i32
    %add3A = arith.addi %mul3A_0, %arg0 : i32
    "tpu.region"() ({
      %run_scoped3A_276 = tpu.sem_alloc : memref<!tpu.dma_semaphore, #tpu.memory_space<semaphore_mem>>
      %dma_start3A_277 = arith.constant 0 : i32
      %dma_start3A_278 = arith.constant 0 : i32
      %dma_start3A_279 = tpu.memref_slice %arg3[%add3A, %dma_start3A_277, %dma_start3A_278] : memref<32x125x80xi32, #tpu.memory_space<hbm>> -> memref<1x125x80xi32, #tpu.memory_space<hbm>>
      %dma_start3A_280 = tpu.memref_squeeze %dma_start3A_279 : memref<1x125x80xi32, #tpu.memory_space<hbm>> -> memref<125x80xi32, #tpu.memory_space<hbm>>
      %dma_start3A_281 = arith.constant 0 : i32
      %dma_start3A_282 = arith.constant 0 : i32
      %dma_start3A_283 = tpu.memref_slice %arg3[%add3A, %dma_start3A_281, %dma_start3A_282] : memref<32x125x80xi32, #tpu.memory_space<hbm>> -> memref<1x125x80xi32, #tpu.memory_space<hbm>>
      %dma_start3A_284 = tpu.memref_squeeze %dma_start3A_283 : memref<1x125x80xi32, #tpu.memory_space<hbm>> -> memref<125x80xi32, #tpu.memory_space<hbm>>
      tpu.enqueue_dma source(%dma_start3A_284 : memref<125x80xi32, #tpu.memory_space<hbm>>) target(%arg6 : memref<125x80xi32, #tpu.memory_space<vmem>>) target_semaphore(%run_scoped3A_276 : memref<!tpu.dma_semaphore, #tpu.memory_space<semaphore_mem>>)
      %dma_wait3A_285 = arith.constant 0 : i32
      %dma_wait3A_286 = arith.constant 0 : i32
      %dma_wait3A_287 = tpu.memref_slice %arg3[%add3A, %dma_wait3A_285, %dma_wait3A_286] : memref<32x125x80xi32, #tpu.memory_space<hbm>> -> memref<1x125x80xi32, #tpu.memory_space<hbm>>
      %dma_wait3A_288 = tpu.memref_squeeze %dma_wait3A_287 : memref<1x125x80xi32, #tpu.memory_space<hbm>> -> memref<125x80xi32, #tpu.memory_space<hbm>>
      %dma_wait3A_289 = arith.constant 0 : i32
      %dma_wait3A_290 = arith.constant 0 : i32
      %dma_wait3A_291 = tpu.memref_slice %arg3[%add3A, %dma_wait3A_289, %dma_wait3A_290] : memref<32x125x80xi32, #tpu.memory_space<hbm>> -> memref<1x125x80xi32, #tpu.memory_space<hbm>>
      %dma_wait3A_292 = tpu.memref_squeeze %dma_wait3A_291 : memref<1x125x80xi32, #tpu.memory_space<hbm>> -> memref<125x80xi32, #tpu.memory_space<hbm>>
      tpu.wait_dma2 semaphore(%run_scoped3A_276 : memref<!tpu.dma_semaphore, #tpu.memory_space<semaphore_mem>>) src(%dma_wait3A_292 : memref<125x80xi32, #tpu.memory_space<hbm>>) dst(%arg6 : memref<125x80xi32, #tpu.memory_space<vmem>>)
      tpu.yield
    }) : () -> ()
    %mul3A_1 = arith.constant 632 : i32
    %mul3A_2 = arith.muli %arg1, %mul3A_1 : i32
    %mul3A_3 = arith.constant 632 : i32
    %mul3A_4 = arith.muli %arg1, %mul3A_3 : i32
    "tpu.region"() ({
      %run_scoped3A_276 = tpu.sem_alloc : memref<!tpu.dma_semaphore, #tpu.memory_space<semaphore_mem>>
      %dma_start3A_277 = arith.constant 0 : i32
      %dma_start3A_278 = tpu.memref_slice %arg10[%mul3A_4, %dma_start3A_277] : memref<10112x128xf32, #tpu.memory_space<vmem_shared>> -> memref<632x128xf32, #tpu.memory_space<vmem_shared>>
      %dma_start3A_279 = arith.constant 0 : i32
      %dma_start3A_280 = tpu.memref_slice %arg4[%mul3A_2, %dma_start3A_279] : memref<10112x128xf32, #tpu.memory_space<hbm>> -> memref<632x128xf32, #tpu.memory_space<hbm>>
      tpu.enqueue_dma source(%dma_start3A_280 : memref<632x128xf32, #tpu.memory_space<hbm>>) target(%dma_start3A_278 : memref<632x128xf32, #tpu.memory_space<vmem_shared>>) target_semaphore(%run_scoped3A_276 : memref<!tpu.dma_semaphore, #tpu.memory_space<semaphore_mem>>)
      %dma_wait3A_281 = arith.constant 0 : i32
      %dma_wait3A_282 = tpu.memref_slice %arg10[%mul3A_4, %dma_wait3A_281] : memref<10112x128xf32, #tpu.memory_space<vmem_shared>> -> memref<632x128xf32, #tpu.memory_space<vmem_shared>>
      %dma_wait3A_283 = arith.constant 0 : i32
      %dma_wait3A_284 = tpu.memref_slice %arg4[%mul3A_2, %dma_wait3A_283] : memref<10112x128xf32, #tpu.memory_space<hbm>> -> memref<632x128xf32, #tpu.memory_space<hbm>>
      tpu.wait_dma2 semaphore(%run_scoped3A_276 : memref<!tpu.dma_semaphore, #tpu.memory_space<semaphore_mem>>) src(%dma_wait3A_284 : memref<632x128xf32, #tpu.memory_space<hbm>>) dst(%dma_wait3A_282 : memref<632x128xf32, #tpu.memory_space<vmem_shared>>)
      tpu.yield
    }) : () -> ()
    %barrier3A = arith.constant 0 : index
    tpu.barrier barrier_id(%barrier3A)
    %get3A = arith.constant 0 : i32
    %get3A_5 = arith.index_cast %get3A : i32 to index
    %get3A_6 = arith.constant 0 : index
    %get3A_7 = tpu.vector_load %arg6[%get3A_5, %get3A_6] {strides = array<i32>} : memref<125x80xi32, #tpu.memory_space<vmem>>, vector<1x16xi32>,
    %get3A_8 = vector.shape_cast %get3A_7 : vector<1x16xi32> to vector<16xi32>
    %and3A = arith.constant 65535 : i32
    %and3A_9 = vector.broadcast %and3A : i32 to vector<16xi32>
    %and3A_10 = arith.andi %get3A_8, %and3A_9 : vector<16xi32>
    %swap3A = arith.constant 0 : i32
    %swap3A_11 = arith.index_cast %swap3A : i32 to index
    %swap3A_12 = arith.constant 0 : index
    %swap3A_13 = tpu.vector_load %arg7[%swap3A_11, %swap3A_12] {strides = array<i32>} : memref<2x80xi32, #tpu.memory_space<vmem>>, vector<1x16xi32>,
    %swap3A_14 = vector.shape_cast %swap3A_13 : vector<1x16xi32> to vector<16xi32>
    %swap3A_15 = vector.shape_cast %and3A_10 : vector<16xi32> to vector<1x16xi32>
    tpu.vector_store %arg7[%swap3A_11, %swap3A_12], %swap3A_15 {strides = array<i32>} : memref<2x80xi32, #tpu.memory_space<vmem>>, vector<1x16xi32>,
    %shift_right_logical3A = arith.constant 16 : i32
    %shift_right_logical3A_16 = vector.broadcast %shift_right_logical3A : i32 to vector<16xi32>
    %shift_right_logical3A_17 = arith.shrui %get3A_8, %shift_right_logical3A_16 : vector<16xi32>
    %swap3A_18 = arith.constant 0 : i32
    %swap3A_19 = arith.index_cast %swap3A_18 : i32 to index
    %swap3A_20 = arith.constant 0 : index
    %swap3A_21 = tpu.vector_load %arg8[%swap3A_19, %swap3A_20] {strides = array<i32>} : memref<2x80xi32, #tpu.memory_space<vmem>>, vector<1x16xi32>,
    %swap3A_22 = vector.shape_cast %swap3A_21 : vector<1x16xi32> to vector<16xi32>
    %swap3A_23 = vector.shape_cast %shift_right_logical3A_17 : vector<16xi32> to vector<1x16xi32>
    tpu.vector_store %arg8[%swap3A_19, %swap3A_20], %swap3A_23 {strides = array<i32>} : memref<2x80xi32, #tpu.memory_space<vmem>>, vector<1x16xi32>,
    %get3A_24 = arith.constant 0 : i32
    %get3A_25 = arith.index_cast %get3A_24 : i32 to index
    %get3A_26 = arith.constant 16 : index
    %get3A_27 = tpu.vector_load %arg6[%get3A_25, %get3A_26] {strides = array<i32>} : memref<125x80xi32, #tpu.memory_space<vmem>>, vector<1x16xi32>,
    %get3A_28 = vector.shape_cast %get3A_27 : vector<1x16xi32> to vector<16xi32>
    %and3A_29 = arith.constant 65535 : i32
    %and3A_30 = vector.broadcast %and3A_29 : i32 to vector<16xi32>
    %and3A_31 = arith.andi %get3A_28, %and3A_30 : vector<16xi32>
    %swap3A_32 = arith.constant 0 : i32
    %swap3A_33 = arith.index_cast %swap3A_32 : i32 to index
    %swap3A_34 = arith.constant 16 : index
    %swap3A_35 = tpu.vector_load %arg7[%swap3A_33, %swap3A_34] {strides = array<i32>} : memref<2x80xi32, #tpu.memory_space<vmem>>, vector<1x16xi32>,
    %swap3A_36 = vector.shape_cast %swap3A_35 : vector<1x16xi32> to vector<16xi32>
    %swap3A_37 = vector.shape_cast %and3A_31 : vector<16xi32> to vector<1x16xi32>
    tpu.vector_store %arg7[%swap3A_33, %swap3A_34], %swap3A_37 {strides = array<i32>} : memref<2x80xi32, #tpu.memory_space<vmem>>, vector<1x16xi32>,
    %shift_right_logical3A_38 = arith.constant 16 : i32
    %shift_right_logical3A_39 = vector.broadcast %shift_right_logical3A_38 : i32 to vector<16xi32>
    %shift_right_logical3A_40 = arith.shrui %get3A_28, %shift_right_logical3A_39 : vector<16xi32>
    %swap3A_41 = arith.constant 0 : i32
    %swap3A_42 = arith.index_cast %swap3A_41 : i32 to index
    %swap3A_43 = arith.constant 16 : index
    %swap3A_44 = tpu.vector_load %arg8[%swap3A_42, %swap3A_43] {strides = array<i32>} : memref<2x80xi32, #tpu.memory_space<vmem>>, vector<1x16xi32>,
    %swap3A_45 = vector.shape_cast %swap3A_44 : vector<1x16xi32> to vector<16xi32>
    %swap3A_46 = vector.shape_cast %shift_right_logical3A_40 : vector<16xi32> to vector<1x16xi32>
    tpu.vector_store %arg8[%swap3A_42, %swap3A_43], %swap3A_46 {strides = array<i32>} : memref<2x80xi32, #tpu.memory_space<vmem>>, vector<1x16xi32>,
    %get3A_47 = arith.constant 0 : i32
    %get3A_48 = arith.index_cast %get3A_47 : i32 to index
    %get3A_49 = arith.constant 32 : index
    %get3A_50 = tpu.vector_load %arg6[%get3A_48, %get3A_49] {strides = array<i32>} : memref<125x80xi32, #tpu.memory_space<vmem>>, vector<1x16xi32>,
    %get3A_51 = vector.shape_cast %get3A_50 : vector<1x16xi32> to vector<16xi32>
    %and3A_52 = arith.constant 65535 : i32
    %and3A_53 = vector.broadcast %and3A_52 : i32 to vector<16xi32>
    %and3A_54 = arith.andi %get3A_51, %and3A_53 : vector<16xi32>
    %swap3A_55 = arith.constant 0 : i32
    %swap3A_56 = arith.index_cast %swap3A_55 : i32 to index
    %swap3A_57 = arith.constant 32 : index
    %swap3A_58 = tpu.vector_load %arg7[%swap3A_56, %swap3A_57] {strides = array<i32>} : memref<2x80xi32, #tpu.memory_space<vmem>>, vector<1x16xi32>,
    %swap3A_59 = vector.shape_cast %swap3A_58 : vector<1x16xi32> to vector<16xi32>
    %swap3A_60 = vector.shape_cast %and3A_54 : vector<16xi32> to vector<1x16xi32>
    tpu.vector_store %arg7[%swap3A_56, %swap3A_57], %swap3A_60 {strides = array<i32>} : memref<2x80xi32, #tpu.memory_space<vmem>>, vector<1x16xi32>,
    %shift_right_logical3A_61 = arith.constant 16 : i32
    %shift_right_logical3A_62 = vector.broadcast %shift_right_logical3A_61 : i32 to vector<16xi32>
    %shift_right_logical3A_63 = arith.shrui %get3A_51, %shift_right_logical3A_62 : vector<16xi32>
    %swap3A_64 = arith.constant 0 : i32
    %swap3A_65 = arith.index_cast %swap3A_64 : i32 to index
    %swap3A_66 = arith.constant 32 : index
    %swap3A_67 = tpu.vector_load %arg8[%swap3A_65, %swap3A_66] {strides = array<i32>} : memref<2x80xi32, #tpu.memory_space<vmem>>, vector<1x16xi32>,
    %swap3A_68 = vector.shape_cast %swap3A_67 : vector<1x16xi32> to vector<16xi32>
    %swap3A_69 = vector.shape_cast %shift_right_logical3A_63 : vector<16xi32> to vector<1x16xi32>
    tpu.vector_store %arg8[%swap3A_65, %swap3A_66], %swap3A_69 {strides = array<i32>} : memref<2x80xi32, #tpu.memory_space<vmem>>, vector<1x16xi32>,
    %get3A_70 = arith.constant 0 : i32
    %get3A_71 = arith.index_cast %get3A_70 : i32 to index
    %get3A_72 = arith.constant 48 : index
    %get3A_73 = tpu.vector_load %arg6[%get3A_71, %get3A_72] {strides = array<i32>} : memref<125x80xi32, #tpu.memory_space<vmem>>, vector<1x16xi32>,
    %get3A_74 = vector.shape_cast %get3A_73 : vector<1x16xi32> to vector<16xi32>
    %and3A_75 = arith.constant 65535 : i32
    %and3A_76 = vector.broadcast %and3A_75 : i32 to vector<16xi32>
    %and3A_77 = arith.andi %get3A_74, %and3A_76 : vector<16xi32>
    %swap3A_78 = arith.constant 0 : i32
    %swap3A_79 = arith.index_cast %swap3A_78 : i32 to index
    %swap3A_80 = arith.constant 48 : index
    %swap3A_81 = tpu.vector_load %arg7[%swap3A_79, %swap3A_80] {strides = array<i32>} : memref<2x80xi32, #tpu.memory_space<vmem>>, vector<1x16xi32>,
    %swap3A_82 = vector.shape_cast %swap3A_81 : vector<1x16xi32> to vector<16xi32>
    %swap3A_83 = vector.shape_cast %and3A_77 : vector<16xi32> to vector<1x16xi32>
    tpu.vector_store %arg7[%swap3A_79, %swap3A_80], %swap3A_83 {strides = array<i32>} : memref<2x80xi32, #tpu.memory_space<vmem>>, vector<1x16xi32>,
    %shift_right_logical3A_84 = arith.constant 16 : i32
    %shift_right_logical3A_85 = vector.broadcast %shift_right_logical3A_84 : i32 to vector<16xi32>
    %shift_right_logical3A_86 = arith.shrui %get3A_74, %shift_right_logical3A_85 : vector<16xi32>
    %swap3A_87 = arith.constant 0 : i32
    %swap3A_88 = arith.index_cast %swap3A_87 : i32 to index
    %swap3A_89 = arith.constant 48 : index
    %swap3A_90 = tpu.vector_load %arg8[%swap3A_88, %swap3A_89] {strides = array<i32>} : memref<2x80xi32, #tpu.memory_space<vmem>>, vector<1x16xi32>,
    %swap3A_91 = vector.shape_cast %swap3A_90 : vector<1x16xi32> to vector<16xi32>
    %swap3A_92 = vector.shape_cast %shift_right_logical3A_86 : vector<16xi32> to vector<1x16xi32>
    tpu.vector_store %arg8[%swap3A_88, %swap3A_89], %swap3A_92 {strides = array<i32>} : memref<2x80xi32, #tpu.memory_space<vmem>>, vector<1x16xi32>,
    %get3A_93 = arith.constant 0 : i32
    %get3A_94 = arith.index_cast %get3A_93 : i32 to index
    %get3A_95 = arith.constant 64 : index
    %get3A_96 = tpu.vector_load %arg6[%get3A_94, %get3A_95] {strides = array<i32>} : memref<125x80xi32, #tpu.memory_space<vmem>>, vector<1x16xi32>,
    %get3A_97 = vector.shape_cast %get3A_96 : vector<1x16xi32> to vector<16xi32>
    %and3A_98 = arith.constant 65535 : i32
    %and3A_99 = vector.broadcast %and3A_98 : i32 to vector<16xi32>
    %and3A_100 = arith.andi %get3A_97, %and3A_99 : vector<16xi32>
    %swap3A_101 = arith.constant 0 : i32
    %swap3A_102 = arith.index_cast %swap3A_101 : i32 to index
    %swap3A_103 = arith.constant 64 : index
    %swap3A_104 = tpu.vector_load %arg7[%swap3A_102, %swap3A_103] {strides = array<i32>} : memref<2x80xi32, #tpu.memory_space<vmem>>, vector<1x16xi32>,
    %swap3A_105 = vector.shape_cast %swap3A_104 : vector<1x16xi32> to vector<16xi32>
    %swap3A_106 = vector.shape_cast %and3A_100 : vector<16xi32> to vector<1x16xi32>
    tpu.vector_store %arg7[%swap3A_102, %swap3A_103], %swap3A_106 {strides = array<i32>} : memref<2x80xi32, #tpu.memory_space<vmem>>, vector<1x16xi32>,
    %shift_right_logical3A_107 = arith.constant 16 : i32
    %shift_right_logical3A_108 = vector.broadcast %shift_right_logical3A_107 : i32 to vector<16xi32>
    %shift_right_logical3A_109 = arith.shrui %get3A_97, %shift_right_logical3A_108 : vector<16xi32>
    %swap3A_110 = arith.constant 0 : i32
    %swap3A_111 = arith.index_cast %swap3A_110 : i32 to index
    %swap3A_112 = arith.constant 64 : index
    %swap3A_113 = tpu.vector_load %arg8[%swap3A_111, %swap3A_112] {strides = array<i32>} : memref<2x80xi32, #tpu.memory_space<vmem>>, vector<1x16xi32>,
    %swap3A_114 = vector.shape_cast %swap3A_113 : vector<1x16xi32> to vector<16xi32>
    %swap3A_115 = vector.shape_cast %shift_right_logical3A_109 : vector<16xi32> to vector<1x16xi32>
    tpu.vector_store %arg8[%swap3A_111, %swap3A_112], %swap3A_115 {strides = array<i32>} : memref<2x80xi32, #tpu.memory_space<vmem>>, vector<1x16xi32>,
    %dma_start3A = arith.constant 0 : i32
    %dma_start3A_116 = arith.constant 0 : i32
    %dma_start3A_117 = arith.constant 0 : i32
    %dma_start3A_118 = arith.constant 0 : i32
    %dma_start3A_119 = tpu.memref_slice %arg9[%dma_start3A_116, %dma_start3A_117, %dma_start3A_118] : memref<2x80x128xf32, #tpu.memory_space<vmem>> -> memref<1x80x128xf32, #tpu.memory_space<vmem>>
    %dma_start3A_120 = tpu.memref_squeeze %dma_start3A_119 : memref<1x80x128xf32, #tpu.memory_space<vmem>> -> memref<80x128xf32, #tpu.memory_space<vmem>>
    %dma_start3A_121 = arith.constant 0 : i32
    %dma_start3A_122 = tpu.memref_slice %arg7[%dma_start3A, %dma_start3A_121] : memref<2x80xi32, #tpu.memory_space<vmem>> -> memref<1x80xi32, #tpu.memory_space<vmem>>
    %dma_start3A_123 = tpu.memref_squeeze %dma_start3A_122 : memref<1x80xi32, #tpu.memory_space<vmem>> -> memref<80xi32, #tpu.memory_space<vmem>>
    %dma_start3A_124 = arith.constant 0 : i32
    %dma_start3A_125 = arith.constant 0 : i32
    %dma_start3A_126 = tpu.memref_slice %arg2[%dma_start3A_124, %dma_start3A_125] : memref<10112x128xf32, #tpu.memory_space<hbm>> -> memref<10112x128xf32, #tpu.memory_space<hbm>>
    tpu.enqueue_indirect_dma source(%dma_start3A_126 : memref<10112x128xf32, #tpu.memory_space<hbm>>) target(%dma_start3A_120 : memref<80x128xf32, #tpu.memory_space<vmem>>) offsets(%dma_start3A_123 : memref<80xi32, #tpu.memory_space<vmem>>) semaphore(%arg11 : memref<!tpu.dma_semaphore, #tpu.memory_space<semaphore_mem>>)
    %get3A_127 = arith.constant 1 : i32
    %get3A_128 = arith.index_cast %get3A_127 : i32 to index
    %get3A_129 = arith.constant 0 : index
    %get3A_130 = tpu.vector_load %arg6[%get3A_128, %get3A_129] {strides = array<i32>} : memref<125x80xi32, #tpu.memory_space<vmem>>, vector<1x16xi32>,
    %get3A_131 = vector.shape_cast %get3A_130 : vector<1x16xi32> to vector<16xi32>
    %and3A_132 = arith.constant 65535 : i32
    %and3A_133 = vector.broadcast %and3A_132 : i32 to vector<16xi32>
    %and3A_134 = arith.andi %get3A_131, %and3A_133 : vector<16xi32>
    %swap3A_135 = arith.constant 1 : i32
    %swap3A_136 = arith.index_cast %swap3A_135 : i32 to index
    %swap3A_137 = arith.constant 0 : index
    %swap3A_138 = tpu.vector_load %arg7[%swap3A_136, %swap3A_137] {strides = array<i32>} : memref<2x80xi32, #tpu.memory_space<vmem>>, vector<1x16xi32>,
    %swap3A_139 = vector.shape_cast %swap3A_138 : vector<1x16xi32> to vector<16xi32>
    %swap3A_140 = vector.shape_cast %and3A_134 : vector<16xi32> to vector<1x16xi32>
    tpu.vector_store %arg7[%swap3A_136, %swap3A_137], %swap3A_140 {strides = array<i32>} : memref<2x80xi32, #tpu.memory_space<vmem>>, vector<1x16xi32>,
    %shift_right_logical3A_141 = arith.constant 16 : i32
    %shift_right_logical3A_142 = vector.broadcast %shift_right_logical3A_141 : i32 to vector<16xi32>
    %shift_right_logical3A_143 = arith.shrui %get3A_131, %shift_right_logical3A_142 : vector<16xi32>
    %swap3A_144 = arith.constant 1 : i32
    %swap3A_145 = arith.index_cast %swap3A_144 : i32 to index
    %swap3A_146 = arith.constant 0 : index
    %swap3A_147 = tpu.vector_load %arg8[%swap3A_145, %swap3A_146] {strides = array<i32>} : memref<2x80xi32, #tpu.memory_space<vmem>>, vector<1x16xi32>,
    %swap3A_148 = vector.shape_cast %swap3A_147 : vector<1x16xi32> to vector<16xi32>
    %swap3A_149 = vector.shape_cast %shift_right_logical3A_143 : vector<16xi32> to vector<1x16xi32>
    tpu.vector_store %arg8[%swap3A_145, %swap3A_146], %swap3A_149 {strides = array<i32>} : memref<2x80xi32, #tpu.memory_space<vmem>>, vector<1x16xi32>,
    %get3A_150 = arith.constant 1 : i32
    %get3A_151 = arith.index_cast %get3A_150 : i32 to index
    %get3A_152 = arith.constant 16 : index
    %get3A_153 = tpu.vector_load %arg6[%get3A_151, %get3A_152] {strides = array<i32>} : memref<125x80xi32, #tpu.memory_space<vmem>>, vector<1x16xi32>,
    %get3A_154 = vector.shape_cast %get3A_153 : vector<1x16xi32> to vector<16xi32>
    %and3A_155 = arith.constant 65535 : i32
    %and3A_156 = vector.broadcast %and3A_155 : i32 to vector<16xi32>
    %and3A_157 = arith.andi %get3A_154, %and3A_156 : vector<16xi32>
    %swap3A_158 = arith.constant 1 : i32
    %swap3A_159 = arith.index_cast %swap3A_158 : i32 to index
    %swap3A_160 = arith.constant 16 : index
    %swap3A_161 = tpu.vector_load %arg7[%swap3A_159, %swap3A_160] {strides = array<i32>} : memref<2x80xi32, #tpu.memory_space<vmem>>, vector<1x16xi32>,
    %swap3A_162 = vector.shape_cast %swap3A_161 : vector<1x16xi32> to vector<16xi32>
    %swap3A_163 = vector.shape_cast %and3A_157 : vector<16xi32> to vector<1x16xi32>
    tpu.vector_store %arg7[%swap3A_159, %swap3A_160], %swap3A_163 {strides = array<i32>} : memref<2x80xi32, #tpu.memory_space<vmem>>, vector<1x16xi32>,
    %shift_right_logical3A_164 = arith.constant 16 : i32
    %shift_right_logical3A_165 = vector.broadcast %shift_right_logical3A_164 : i32 to vector<16xi32>
    %shift_right_logical3A_166 = arith.shrui %get3A_154, %shift_right_logical3A_165 : vector<16xi32>
    %swap3A_167 = arith.constant 1 : i32
    %swap3A_168 = arith.index_cast %swap3A_167 : i32 to index
    %swap3A_169 = arith.constant 16 : index
    %swap3A_170 = tpu.vector_load %arg8[%swap3A_168, %swap3A_169] {strides = array<i32>} : memref<2x80xi32, #tpu.memory_space<vmem>>, vector<1x16xi32>,
    %swap3A_171 = vector.shape_cast %swap3A_170 : vector<1x16xi32> to vector<16xi32>
    %swap3A_172 = vector.shape_cast %shift_right_logical3A_166 : vector<16xi32> to vector<1x16xi32>
    tpu.vector_store %arg8[%swap3A_168, %swap3A_169], %swap3A_172 {strides = array<i32>} : memref<2x80xi32, #tpu.memory_space<vmem>>, vector<1x16xi32>,
    %get3A_173 = arith.constant 1 : i32
    %get3A_174 = arith.index_cast %get3A_173 : i32 to index
    %get3A_175 = arith.constant 32 : index
    %get3A_176 = tpu.vector_load %arg6[%get3A_174, %get3A_175] {strides = array<i32>} : memref<125x80xi32, #tpu.memory_space<vmem>>, vector<1x16xi32>,
    %get3A_177 = vector.shape_cast %get3A_176 : vector<1x16xi32> to vector<16xi32>
    %and3A_178 = arith.constant 65535 : i32
    %and3A_179 = vector.broadcast %and3A_178 : i32 to vector<16xi32>
    %and3A_180 = arith.andi %get3A_177, %and3A_179 : vector<16xi32>
    %swap3A_181 = arith.constant 1 : i32
    %swap3A_182 = arith.index_cast %swap3A_181 : i32 to index
    %swap3A_183 = arith.constant 32 : index
    %swap3A_184 = tpu.vector_load %arg7[%swap3A_182, %swap3A_183] {strides = array<i32>} : memref<2x80xi32, #tpu.memory_space<vmem>>, vector<1x16xi32>,
    %swap3A_185 = vector.shape_cast %swap3A_184 : vector<1x16xi32> to vector<16xi32>
    %swap3A_186 = vector.shape_cast %and3A_180 : vector<16xi32> to vector<1x16xi32>
    tpu.vector_store %arg7[%swap3A_182, %swap3A_183], %swap3A_186 {strides = array<i32>} : memref<2x80xi32, #tpu.memory_space<vmem>>, vector<1x16xi32>,
    %shift_right_logical3A_187 = arith.constant 16 : i32
    %shift_right_logical3A_188 = vector.broadcast %shift_right_logical3A_187 : i32 to vector<16xi32>
    %shift_right_logical3A_189 = arith.shrui %get3A_177, %shift_right_logical3A_188 : vector<16xi32>
    %swap3A_190 = arith.constant 1 : i32
    %swap3A_191 = arith.index_cast %swap3A_190 : i32 to index
    %swap3A_192 = arith.constant 32 : index
    %swap3A_193 = tpu.vector_load %arg8[%swap3A_191, %swap3A_192] {strides = array<i32>} : memref<2x80xi32, #tpu.memory_space<vmem>>, vector<1x16xi32>,
    %swap3A_194 = vector.shape_cast %swap3A_193 : vector<1x16xi32> to vector<16xi32>
    %swap3A_195 = vector.shape_cast %shift_right_logical3A_189 : vector<16xi32> to vector<1x16xi32>
    tpu.vector_store %arg8[%swap3A_191, %swap3A_192], %swap3A_195 {strides = array<i32>} : memref<2x80xi32, #tpu.memory_space<vmem>>, vector<1x16xi32>,
    %get3A_196 = arith.constant 1 : i32
    %get3A_197 = arith.index_cast %get3A_196 : i32 to index
    %get3A_198 = arith.constant 48 : index
    %get3A_199 = tpu.vector_load %arg6[%get3A_197, %get3A_198] {strides = array<i32>} : memref<125x80xi32, #tpu.memory_space<vmem>>, vector<1x16xi32>,
    %get3A_200 = vector.shape_cast %get3A_199 : vector<1x16xi32> to vector<16xi32>
    %and3A_201 = arith.constant 65535 : i32
    %and3A_202 = vector.broadcast %and3A_201 : i32 to vector<16xi32>
    %and3A_203 = arith.andi %get3A_200, %and3A_202 : vector<16xi32>
    %swap3A_204 = arith.constant 1 : i32
    %swap3A_205 = arith.index_cast %swap3A_204 : i32 to index
    %swap3A_206 = arith.constant 48 : index
    %swap3A_207 = tpu.vector_load %arg7[%swap3A_205, %swap3A_206] {strides = array<i32>} : memref<2x80xi32, #tpu.memory_space<vmem>>, vector<1x16xi32>,
    %swap3A_208 = vector.shape_cast %swap3A_207 : vector<1x16xi32> to vector<16xi32>
    %swap3A_209 = vector.shape_cast %and3A_203 : vector<16xi32> to vector<1x16xi32>
    tpu.vector_store %arg7[%swap3A_205, %swap3A_206], %swap3A_209 {strides = array<i32>} : memref<2x80xi32, #tpu.memory_space<vmem>>, vector<1x16xi32>,
    %shift_right_logical3A_210 = arith.constant 16 : i32
    %shift_right_logical3A_211 = vector.broadcast %shift_right_logical3A_210 : i32 to vector<16xi32>
    %shift_right_logical3A_212 = arith.shrui %get3A_200, %shift_right_logical3A_211 : vector<16xi32>
    %swap3A_213 = arith.constant 1 : i32
    %swap3A_214 = arith.index_cast %swap3A_213 : i32 to index
    %swap3A_215 = arith.constant 48 : index
    %swap3A_216 = tpu.vector_load %arg8[%swap3A_214, %swap3A_215] {strides = array<i32>} : memref<2x80xi32, #tpu.memory_space<vmem>>, vector<1x16xi32>,
    %swap3A_217 = vector.shape_cast %swap3A_216 : vector<1x16xi32> to vector<16xi32>
    %swap3A_218 = vector.shape_cast %shift_right_logical3A_212 : vector<16xi32> to vector<1x16xi32>
    tpu.vector_store %arg8[%swap3A_214, %swap3A_215], %swap3A_218 {strides = array<i32>} : memref<2x80xi32, #tpu.memory_space<vmem>>, vector<1x16xi32>,
    %get3A_219 = arith.constant 1 : i32
    %get3A_220 = arith.index_cast %get3A_219 : i32 to index
    %get3A_221 = arith.constant 64 : index
    %get3A_222 = tpu.vector_load %arg6[%get3A_220, %get3A_221] {strides = array<i32>} : memref<125x80xi32, #tpu.memory_space<vmem>>, vector<1x16xi32>,
    %get3A_223 = vector.shape_cast %get3A_222 : vector<1x16xi32> to vector<16xi32>
    %and3A_224 = arith.constant 65535 : i32
    %and3A_225 = vector.broadcast %and3A_224 : i32 to vector<16xi32>
    %and3A_226 = arith.andi %get3A_223, %and3A_225 : vector<16xi32>
    %swap3A_227 = arith.constant 1 : i32
    %swap3A_228 = arith.index_cast %swap3A_227 : i32 to index
    %swap3A_229 = arith.constant 64 : index
    %swap3A_230 = tpu.vector_load %arg7[%swap3A_228, %swap3A_229] {strides = array<i32>} : memref<2x80xi32, #tpu.memory_space<vmem>>, vector<1x16xi32>,
    %swap3A_231 = vector.shape_cast %swap3A_230 : vector<1x16xi32> to vector<16xi32>
    %swap3A_232 = vector.shape_cast %and3A_226 : vector<16xi32> to vector<1x16xi32>
    tpu.vector_store %arg7[%swap3A_228, %swap3A_229], %swap3A_232 {strides = array<i32>} : memref<2x80xi32, #tpu.memory_space<vmem>>, vector<1x16xi32>,
    %shift_right_logical3A_233 = arith.constant 16 : i32
    %shift_right_logical3A_234 = vector.broadcast %shift_right_logical3A_233 : i32 to vector<16xi32>
    %shift_right_logical3A_235 = arith.shrui %get3A_223, %shift_right_logical3A_234 : vector<16xi32>
    %swap3A_236 = arith.constant 1 : i32
    %swap3A_237 = arith.index_cast %swap3A_236 : i32 to index
    %swap3A_238 = arith.constant 64 : index
    %swap3A_239 = tpu.vector_load %arg8[%swap3A_237, %swap3A_238] {strides = array<i32>} : memref<2x80xi32, #tpu.memory_space<vmem>>, vector<1x16xi32>,
    %swap3A_240 = vector.shape_cast %swap3A_239 : vector<1x16xi32> to vector<16xi32>
    %swap3A_241 = vector.shape_cast %shift_right_logical3A_235 : vector<16xi32> to vector<1x16xi32>
    tpu.vector_store %arg8[%swap3A_237, %swap3A_238], %swap3A_241 {strides = array<i32>} : memref<2x80xi32, #tpu.memory_space<vmem>>, vector<1x16xi32>,
    %dma_start3A_242 = arith.constant 1 : i32
    %dma_start3A_243 = arith.constant 1 : i32
    %dma_start3A_244 = arith.constant 0 : i32
    %dma_start3A_245 = arith.constant 0 : i32
    %dma_start3A_246 = tpu.memref_slice %arg9[%dma_start3A_243, %dma_start3A_244, %dma_start3A_245] : memref<2x80x128xf32, #tpu.memory_space<vmem>> -> memref<1x80x128xf32, #tpu.memory_space<vmem>>
    %dma_start3A_247 = tpu.memref_squeeze %dma_start3A_246 : memref<1x80x128xf32, #tpu.memory_space<vmem>> -> memref<80x128xf32, #tpu.memory_space<vmem>>
    %dma_start3A_248 = arith.constant 0 : i32
    %dma_start3A_249 = tpu.memref_slice %arg7[%dma_start3A_242, %dma_start3A_248] : memref<2x80xi32, #tpu.memory_space<vmem>> -> memref<1x80xi32, #tpu.memory_space<vmem>>
    %dma_start3A_250 = tpu.memref_squeeze %dma_start3A_249 : memref<1x80xi32, #tpu.memory_space<vmem>> -> memref<80xi32, #tpu.memory_space<vmem>>
    %dma_start3A_251 = arith.constant 0 : i32
    %dma_start3A_252 = arith.constant 0 : i32
    %dma_start3A_253 = tpu.memref_slice %arg2[%dma_start3A_251, %dma_start3A_252] : memref<10112x128xf32, #tpu.memory_space<hbm>> -> memref<10112x128xf32, #tpu.memory_space<hbm>>
    tpu.enqueue_indirect_dma source(%dma_start3A_253 : memref<10112x128xf32, #tpu.memory_space<hbm>>) target(%dma_start3A_247 : memref<80x128xf32, #tpu.memory_space<vmem>>) offsets(%dma_start3A_250 : memref<80xi32, #tpu.memory_space<vmem>>) semaphore(%arg12 : memref<!tpu.dma_semaphore, #tpu.memory_space<semaphore_mem>>)
    %scan3A = arith.constant 0 : i32
    %scan3A_254 = arith.constant 0 : i32
    %scan3A_255 = arith.constant 62 : i32
    %scan3A_256 = arith.addi %scan3A_254, %scan3A_255 : i32
    %scan3A_257 = arith.constant 1 : i32
    scf.for %scan3A_276 = %scan3A_254 to %scan3A_256 step %scan3A_257  : i32 {
      %mul3A_277 = arith.constant 2 : i32
      %mul3A_278 = arith.muli %mul3A_277, %scan3A_276 : i32
      %add3A_279 = arith.constant 0 : i32
      %add3A_280 = arith.addi %mul3A_278, %add3A_279 : i32
      %dma_wait3A_281 = arith.constant 0 : i32
      %dma_wait3A_282 = arith.constant 0 : i32
      %dma_wait3A_283 = arith.constant 0 : i32
      %dma_wait3A_284 = arith.constant 0 : i32
      %dma_wait3A_285 = tpu.memref_slice %arg9[%dma_wait3A_282, %dma_wait3A_283, %dma_wait3A_284] : memref<2x80x128xf32, #tpu.memory_space<vmem>> -> memref<1x80x128xf32, #tpu.memory_space<vmem>>
      %dma_wait3A_286 = tpu.memref_squeeze %dma_wait3A_285 : memref<1x80x128xf32, #tpu.memory_space<vmem>> -> memref<80x128xf32, #tpu.memory_space<vmem>>
      %dma_wait3A_287 = arith.constant 0 : i32
      %dma_wait3A_288 = tpu.memref_slice %arg7[%dma_wait3A_281, %dma_wait3A_287] : memref<2x80xi32, #tpu.memory_space<vmem>> -> memref<1x80xi32, #tpu.memory_space<vmem>>
      %dma_wait3A_289 = tpu.memref_squeeze %dma_wait3A_288 : memref<1x80xi32, #tpu.memory_space<vmem>> -> memref<80xi32, #tpu.memory_space<vmem>>
      %dma_wait3A_290 = arith.constant 0 : i32
      %dma_wait3A_291 = arith.constant 0 : i32
      %dma_wait3A_292 = tpu.memref_slice %arg2[%dma_wait3A_290, %dma_wait3A_291] : memref<10112x128xf32, #tpu.memory_space<hbm>> -> memref<10112x128xf32, #tpu.memory_space<hbm>>
      tpu.wait_indirect_dma semaphore(%arg11 : memref<!tpu.dma_semaphore, #tpu.memory_space<semaphore_mem>>) src(%dma_wait3A_292 : memref<10112x128xf32, #tpu.memory_space<hbm>>) dst(%dma_wait3A_286 : memref<80x128xf32, #tpu.memory_space<vmem>>)
      %run_scoped3A_293 = arith.constant 0 : i32
      %run_scoped3A_294 = arith.constant 0 : i32
      "tpu.region"() ({
        %run_scoped3A_324 = tpu.sem_alloc : memref<!tpu.dma_semaphore, #tpu.memory_space<semaphore_mem>>
        %dma_start3A_325 = arith.constant 0 : i32
        %dma_start3A_326 = arith.constant 0 : i32
        %dma_start3A_327 = tpu.memref_slice %arg9[%run_scoped3A_293, %dma_start3A_325, %dma_start3A_326] : memref<2x80x128xf32, #tpu.memory_space<vmem>> -> memref<1x80x128xf32, #tpu.memory_space<vmem>>
        %dma_start3A_328 = tpu.memref_squeeze %dma_start3A_327 : memref<1x80x128xf32, #tpu.memory_space<vmem>> -> memref<80x128xf32, #tpu.memory_space<vmem>>
        %dma_start3A_329 = arith.constant 0 : i32
        %dma_start3A_330 = tpu.memref_slice %arg8[%run_scoped3A_294, %dma_start3A_329] : memref<2x80xi32, #tpu.memory_space<vmem>> -> memref<1x80xi32, #tpu.memory_space<vmem>>
        %dma_start3A_331 = tpu.memref_squeeze %dma_start3A_330 : memref<1x80xi32, #tpu.memory_space<vmem>> -> memref<80xi32, #tpu.memory_space<vmem>>
        %dma_start3A_332 = arith.constant 0 : i32
        %dma_start3A_333 = arith.constant 0 : i32
        %dma_start3A_334 = tpu.memref_slice %arg10[%dma_start3A_332, %dma_start3A_333] : memref<10112x128xf32, #tpu.memory_space<vmem_shared>> -> memref<10112x128xf32, #tpu.memory_space<vmem_shared>>
        tpu.enqueue_indirect_dma source(%dma_start3A_328 : memref<80x128xf32, #tpu.memory_space<vmem>>) target(%dma_start3A_334 : memref<10112x128xf32, #tpu.memory_space<vmem_shared>>) offsets(%dma_start3A_331 : memref<80xi32, #tpu.memory_space<vmem>>) semaphore(%run_scoped3A_324 : memref<!tpu.dma_semaphore, #tpu.memory_space<semaphore_mem>>) {add = true}
        %dma_wait3A_335 = arith.constant 0 : i32
        %dma_wait3A_336 = arith.constant 0 : i32
        %dma_wait3A_337 = tpu.memref_slice %arg9[%run_scoped3A_293, %dma_wait3A_335, %dma_wait3A_336] : memref<2x80x128xf32, #tpu.memory_space<vmem>> -> memref<1x80x128xf32, #tpu.memory_space<vmem>>
        %dma_wait3A_338 = tpu.memref_squeeze %dma_wait3A_337 : memref<1x80x128xf32, #tpu.memory_space<vmem>> -> memref<80x128xf32, #tpu.memory_space<vmem>>
        %dma_wait3A_339 = arith.constant 0 : i32
        %dma_wait3A_340 = tpu.memref_slice %arg8[%run_scoped3A_294, %dma_wait3A_339] : memref<2x80xi32, #tpu.memory_space<vmem>> -> memref<1x80xi32, #tpu.memory_space<vmem>>
        %dma_wait3A_341 = tpu.memref_squeeze %dma_wait3A_340 : memref<1x80xi32, #tpu.memory_space<vmem>> -> memref<80xi32, #tpu.memory_space<vmem>>
        %dma_wait3A_342 = arith.constant 0 : i32
        %dma_wait3A_343 = arith.constant 0 : i32
        %dma_wait3A_344 = tpu.memref_slice %arg10[%dma_wait3A_342, %dma_wait3A_343] : memref<10112x128xf32, #tpu.memory_space<vmem_shared>> -> memref<10112x128xf32, #tpu.memory_space<vmem_shared>>
        tpu.wait_indirect_dma semaphore(%run_scoped3A_324 : memref<!tpu.dma_semaphore, #tpu.memory_space<semaphore_mem>>) src(%dma_wait3A_338 : memref<80x128xf32, #tpu.memory_space<vmem>>) dst(%dma_wait3A_344 : memref<10112x128xf32, #tpu.memory_space<vmem_shared>>)
        tpu.yield
      }) : () -> ()
      %add3A_295 = arith.constant 2 : i32
      %add3A_296 = arith.addi %add3A_280, %add3A_295 : i32
      %lt3A = arith.constant 125 : i32
      %lt3A_297 = arith.cmpi slt, %add3A_296, %lt3A : i32
      %convert_element_type3A = arith.extui %lt3A_297 : i1 to i32
      %cond3A = arith.constant 0 : i32
      %cond3A_298 = arith.cmpi ne, %convert_element_type3A, %cond3A : i32
      scf.if %cond3A_298 {
        %get3A_324 = arith.index_cast %add3A_296 : i32 to index
        %get3A_325 = arith.constant 0 : index
        %get3A_326 = tpu.vector_load %arg6[%get3A_324, %get3A_325] {strides = array<i32>} : memref<125x80xi32, #tpu.memory_space<vmem>>, vector<1x16xi32>,
        %get3A_327 = vector.shape_cast %get3A_326 : vector<1x16xi32> to vector<16xi32>
        %and3A_328 = arith.constant 65535 : i32
        %and3A_329 = vector.broadcast %and3A_328 : i32 to vector<16xi32>
        %and3A_330 = arith.andi %get3A_327, %and3A_329 : vector<16xi32>
        %swap3A_331 = arith.constant 0 : i32
        %swap3A_332 = arith.index_cast %swap3A_331 : i32 to index
        %swap3A_333 = arith.constant 0 : index
        %swap3A_334 = tpu.vector_load %arg7[%swap3A_332, %swap3A_333] {strides = array<i32>} : memref<2x80xi32, #tpu.memory_space<vmem>>, vector<1x16xi32>,
        %swap3A_335 = vector.shape_cast %swap3A_334 : vector<1x16xi32> to vector<16xi32>
        %swap3A_336 = vector.shape_cast %and3A_330 : vector<16xi32> to vector<1x16xi32>
        tpu.vector_store %arg7[%swap3A_332, %swap3A_333], %swap3A_336 {strides = array<i32>} : memref<2x80xi32, #tpu.memory_space<vmem>>, vector<1x16xi32>,
        %shift_right_logical3A_337 = arith.constant 16 : i32
        %shift_right_logical3A_338 = vector.broadcast %shift_right_logical3A_337 : i32 to vector<16xi32>
        %shift_right_logical3A_339 = arith.shrui %get3A_327, %shift_right_logical3A_338 : vector<16xi32>
        %swap3A_340 = arith.constant 0 : i32
        %swap3A_341 = arith.index_cast %swap3A_340 : i32 to index
        %swap3A_342 = arith.constant 0 : index
        %swap3A_343 = tpu.vector_load %arg8[%swap3A_341, %swap3A_342] {strides = array<i32>} : memref<2x80xi32, #tpu.memory_space<vmem>>, vector<1x16xi32>,
        %swap3A_344 = vector.shape_cast %swap3A_343 : vector<1x16xi32> to vector<16xi32>
        %swap3A_345 = vector.shape_cast %shift_right_logical3A_339 : vector<16xi32> to vector<1x16xi32>
        tpu.vector_store %arg8[%swap3A_341, %swap3A_342], %swap3A_345 {strides = array<i32>} : memref<2x80xi32, #tpu.memory_space<vmem>>, vector<1x16xi32>,
        %get3A_346 = arith.index_cast %add3A_296 : i32 to index
        %get3A_347 = arith.constant 16 : index
        %get3A_348 = tpu.vector_load %arg6[%get3A_346, %get3A_347] {strides = array<i32>} : memref<125x80xi32, #tpu.memory_space<vmem>>, vector<1x16xi32>,
        %get3A_349 = vector.shape_cast %get3A_348 : vector<1x16xi32> to vector<16xi32>
        %and3A_350 = arith.constant 65535 : i32
        %and3A_351 = vector.broadcast %and3A_350 : i32 to vector<16xi32>
        %and3A_352 = arith.andi %get3A_349, %and3A_351 : vector<16xi32>
        %swap3A_353 = arith.constant 0 : i32
        %swap3A_354 = arith.index_cast %swap3A_353 : i32 to index
        %swap3A_355 = arith.constant 16 : index
        %swap3A_356 = tpu.vector_load %arg7[%swap3A_354, %swap3A_355] {strides = array<i32>} : memref<2x80xi32, #tpu.memory_space<vmem>>, vector<1x16xi32>,
        %swap3A_357 = vector.shape_cast %swap3A_356 : vector<1x16xi32> to vector<16xi32>
        %swap3A_358 = vector.shape_cast %and3A_352 : vector<16xi32> to vector<1x16xi32>
        tpu.vector_store %arg7[%swap3A_354, %swap3A_355], %swap3A_358 {strides = array<i32>} : memref<2x80xi32, #tpu.memory_space<vmem>>, vector<1x16xi32>,
        %shift_right_logical3A_359 = arith.constant 16 : i32
        %shift_right_logical3A_360 = vector.broadcast %shift_right_logical3A_359 : i32 to vector<16xi32>
        %shift_right_logical3A_361 = arith.shrui %get3A_349, %shift_right_logical3A_360 : vector<16xi32>
        %swap3A_362 = arith.constant 0 : i32
        %swap3A_363 = arith.index_cast %swap3A_362 : i32 to index
        %swap3A_364 = arith.constant 16 : index
        %swap3A_365 = tpu.vector_load %arg8[%swap3A_363, %swap3A_364] {strides = array<i32>} : memref<2x80xi32, #tpu.memory_space<vmem>>, vector<1x16xi32>,
        %swap3A_366 = vector.shape_cast %swap3A_365 : vector<1x16xi32> to vector<16xi32>
        %swap3A_367 = vector.shape_cast %shift_right_logical3A_361 : vector<16xi32> to vector<1x16xi32>
        tpu.vector_store %arg8[%swap3A_363, %swap3A_364], %swap3A_367 {strides = array<i32>} : memref<2x80xi32, #tpu.memory_space<vmem>>, vector<1x16xi32>,
        %get3A_368 = arith.index_cast %add3A_296 : i32 to index
        %get3A_369 = arith.constant 32 : index
        %get3A_370 = tpu.vector_load %arg6[%get3A_368, %get3A_369] {strides = array<i32>} : memref<125x80xi32, #tpu.memory_space<vmem>>, vector<1x16xi32>,
        %get3A_371 = vector.shape_cast %get3A_370 : vector<1x16xi32> to vector<16xi32>
        %and3A_372 = arith.constant 65535 : i32
        %and3A_373 = vector.broadcast %and3A_372 : i32 to vector<16xi32>
        %and3A_374 = arith.andi %get3A_371, %and3A_373 : vector<16xi32>
        %swap3A_375 = arith.constant 0 : i32
        %swap3A_376 = arith.index_cast %swap3A_375 : i32 to index
        %swap3A_377 = arith.constant 32 : index
        %swap3A_378 = tpu.vector_load %arg7[%swap3A_376, %swap3A_377] {strides = array<i32>} : memref<2x80xi32, #tpu.memory_space<vmem>>, vector<1x16xi32>,
        %swap3A_379 = vector.shape_cast %swap3A_378 : vector<1x16xi32> to vector<16xi32>
        %swap3A_380 = vector.shape_cast %and3A_374 : vector<16xi32> to vector<1x16xi32>
        tpu.vector_store %arg7[%swap3A_376, %swap3A_377], %swap3A_380 {strides = array<i32>} : memref<2x80xi32, #tpu.memory_space<vmem>>, vector<1x16xi32>,
        %shift_right_logical3A_381 = arith.constant 16 : i32
        %shift_right_logical3A_382 = vector.broadcast %shift_right_logical3A_381 : i32 to vector<16xi32>
        %shift_right_logical3A_383 = arith.shrui %get3A_371, %shift_right_logical3A_382 : vector<16xi32>
        %swap3A_384 = arith.constant 0 : i32
        %swap3A_385 = arith.index_cast %swap3A_384 : i32 to index
        %swap3A_386 = arith.constant 32 : index
        %swap3A_387 = tpu.vector_load %arg8[%swap3A_385, %swap3A_386] {strides = array<i32>} : memref<2x80xi32, #tpu.memory_space<vmem>>, vector<1x16xi32>,
        %swap3A_388 = vector.shape_cast %swap3A_387 : vector<1x16xi32> to vector<16xi32>
        %swap3A_389 = vector.shape_cast %shift_right_logical3A_383 : vector<16xi32> to vector<1x16xi32>
        tpu.vector_store %arg8[%swap3A_385, %swap3A_386], %swap3A_389 {strides = array<i32>} : memref<2x80xi32, #tpu.memory_space<vmem>>, vector<1x16xi32>,
        %get3A_390 = arith.index_cast %add3A_296 : i32 to index
        %get3A_391 = arith.constant 48 : index
        %get3A_392 = tpu.vector_load %arg6[%get3A_390, %get3A_391] {strides = array<i32>} : memref<125x80xi32, #tpu.memory_space<vmem>>, vector<1x16xi32>,
        %get3A_393 = vector.shape_cast %get3A_392 : vector<1x16xi32> to vector<16xi32>
        %and3A_394 = arith.constant 65535 : i32
        %and3A_395 = vector.broadcast %and3A_394 : i32 to vector<16xi32>
        %and3A_396 = arith.andi %get3A_393, %and3A_395 : vector<16xi32>
        %swap3A_397 = arith.constant 0 : i32
        %swap3A_398 = arith.index_cast %swap3A_397 : i32 to index
        %swap3A_399 = arith.constant 48 : index
        %swap3A_400 = tpu.vector_load %arg7[%swap3A_398, %swap3A_399] {strides = array<i32>} : memref<2x80xi32, #tpu.memory_space<vmem>>, vector<1x16xi32>,
        %swap3A_401 = vector.shape_cast %swap3A_400 : vector<1x16xi32> to vector<16xi32>
        %swap3A_402 = vector.shape_cast %and3A_396 : vector<16xi32> to vector<1x16xi32>
        tpu.vector_store %arg7[%swap3A_398, %swap3A_399], %swap3A_402 {strides = array<i32>} : memref<2x80xi32, #tpu.memory_space<vmem>>, vector<1x16xi32>,
        %shift_right_logical3A_403 = arith.constant 16 : i32
        %shift_right_logical3A_404 = vector.broadcast %shift_right_logical3A_403 : i32 to vector<16xi32>
        %shift_right_logical3A_405 = arith.shrui %get3A_393, %shift_right_logical3A_404 : vector<16xi32>
        %swap3A_406 = arith.constant 0 : i32
        %swap3A_407 = arith.index_cast %swap3A_406 : i32 to index
        %swap3A_408 = arith.constant 48 : index
        %swap3A_409 = tpu.vector_load %arg8[%swap3A_407, %swap3A_408] {strides = array<i32>} : memref<2x80xi32, #tpu.memory_space<vmem>>, vector<1x16xi32>,
        %swap3A_410 = vector.shape_cast %swap3A_409 : vector<1x16xi32> to vector<16xi32>
        %swap3A_411 = vector.shape_cast %shift_right_logical3A_405 : vector<16xi32> to vector<1x16xi32>
        tpu.vector_store %arg8[%swap3A_407, %swap3A_408], %swap3A_411 {strides = array<i32>} : memref<2x80xi32, #tpu.memory_space<vmem>>, vector<1x16xi32>,
        %get3A_412 = arith.index_cast %add3A_296 : i32 to index
        %get3A_413 = arith.constant 64 : index
        %get3A_414 = tpu.vector_load %arg6[%get3A_412, %get3A_413] {strides = array<i32>} : memref<125x80xi32, #tpu.memory_space<vmem>>, vector<1x16xi32>,
        %get3A_415 = vector.shape_cast %get3A_414 : vector<1x16xi32> to vector<16xi32>
        %and3A_416 = arith.constant 65535 : i32
        %and3A_417 = vector.broadcast %and3A_416 : i32 to vector<16xi32>
        %and3A_418 = arith.andi %get3A_415, %and3A_417 : vector<16xi32>
        %swap3A_419 = arith.constant 0 : i32
        %swap3A_420 = arith.index_cast %swap3A_419 : i32 to index
        %swap3A_421 = arith.constant 64 : index
        %swap3A_422 = tpu.vector_load %arg7[%swap3A_420, %swap3A_421] {strides = array<i32>} : memref<2x80xi32, #tpu.memory_space<vmem>>, vector<1x16xi32>,
        %swap3A_423 = vector.shape_cast %swap3A_422 : vector<1x16xi32> to vector<16xi32>
        %swap3A_424 = vector.shape_cast %and3A_418 : vector<16xi32> to vector<1x16xi32>
        tpu.vector_store %arg7[%swap3A_420, %swap3A_421], %swap3A_424 {strides = array<i32>} : memref<2x80xi32, #tpu.memory_space<vmem>>, vector<1x16xi32>,
        %shift_right_logical3A_425 = arith.constant 16 : i32
        %shift_right_logical3A_426 = vector.broadcast %shift_right_logical3A_425 : i32 to vector<16xi32>
        %shift_right_logical3A_427 = arith.shrui %get3A_415, %shift_right_logical3A_426 : vector<16xi32>
        %swap3A_428 = arith.constant 0 : i32
        %swap3A_429 = arith.index_cast %swap3A_428 : i32 to index
        %swap3A_430 = arith.constant 64 : index
        %swap3A_431 = tpu.vector_load %arg8[%swap3A_429, %swap3A_430] {strides = array<i32>} : memref<2x80xi32, #tpu.memory_space<vmem>>, vector<1x16xi32>,
        %swap3A_432 = vector.shape_cast %swap3A_431 : vector<1x16xi32> to vector<16xi32>
        %swap3A_433 = vector.shape_cast %shift_right_logical3A_427 : vector<16xi32> to vector<1x16xi32>
        tpu.vector_store %arg8[%swap3A_429, %swap3A_430], %swap3A_433 {strides = array<i32>} : memref<2x80xi32, #tpu.memory_space<vmem>>, vector<1x16xi32>,
        %dma_start3A_434 = arith.constant 0 : i32
        %dma_start3A_435 = arith.constant 0 : i32
        %dma_start3A_436 = arith.constant 0 : i32
        %dma_start3A_437 = arith.constant 0 : i32
        %dma_start3A_438 = tpu.memref_slice %arg9[%dma_start3A_435, %dma_start3A_436, %dma_start3A_437] : memref<2x80x128xf32, #tpu.memory_space<vmem>> -> memref<1x80x128xf32, #tpu.memory_space<vmem>>
        %dma_start3A_439 = tpu.memref_squeeze %dma_start3A_438 : memref<1x80x128xf32, #tpu.memory_space<vmem>> -> memref<80x128xf32, #tpu.memory_space<vmem>>
        %dma_start3A_440 = arith.constant 0 : i32
        %dma_start3A_441 = tpu.memref_slice %arg7[%dma_start3A_434, %dma_start3A_440] : memref<2x80xi32, #tpu.memory_space<vmem>> -> memref<1x80xi32, #tpu.memory_space<vmem>>
        %dma_start3A_442 = tpu.memref_squeeze %dma_start3A_441 : memref<1x80xi32, #tpu.memory_space<vmem>> -> memref<80xi32, #tpu.memory_space<vmem>>
        %dma_start3A_443 = arith.constant 0 : i32
        %dma_start3A_444 = arith.constant 0 : i32
        %dma_start3A_445 = tpu.memref_slice %arg2[%dma_start3A_443, %dma_start3A_444] : memref<10112x128xf32, #tpu.memory_space<hbm>> -> memref<10112x128xf32, #tpu.memory_space<hbm>>
        tpu.enqueue_indirect_dma source(%dma_start3A_445 : memref<10112x128xf32, #tpu.memory_space<hbm>>) target(%dma_start3A_439 : memref<80x128xf32, #tpu.memory_space<vmem>>) offsets(%dma_start3A_442 : memref<80xi32, #tpu.memory_space<vmem>>) semaphore(%arg11 : memref<!tpu.dma_semaphore, #tpu.memory_space<semaphore_mem>>)
      } else {
      }
      %mul3A_299 = arith.constant 2 : i32
      %mul3A_300 = arith.muli %mul3A_299, %scan3A_276 : i32
      %add3A_301 = arith.constant 1 : i32
      %add3A_302 = arith.addi %mul3A_300, %add3A_301 : i32
      %dma_wait3A_303 = arith.constant 1 : i32
      %dma_wait3A_304 = arith.constant 1 : i32
      %dma_wait3A_305 = arith.constant 0 : i32
      %dma_wait3A_306 = arith.constant 0 : i32
      %dma_wait3A_307 = tpu.memref_slice %arg9[%dma_wait3A_304, %dma_wait3A_305, %dma_wait3A_306] : memref<2x80x128xf32, #tpu.memory_space<vmem>> -> memref<1x80x128xf32, #tpu.memory_space<vmem>>
      %dma_wait3A_308 = tpu.memref_squeeze %dma_wait3A_307 : memref<1x80x128xf32, #tpu.memory_space<vmem>> -> memref<80x128xf32, #tpu.memory_space<vmem>>
      %dma_wait3A_309 = arith.constant 0 : i32
      %dma_wait3A_310 = tpu.memref_slice %arg7[%dma_wait3A_303, %dma_wait3A_309] : memref<2x80xi32, #tpu.memory_space<vmem>> -> memref<1x80xi32, #tpu.memory_space<vmem>>
      %dma_wait3A_311 = tpu.memref_squeeze %dma_wait3A_310 : memref<1x80xi32, #tpu.memory_space<vmem>> -> memref<80xi32, #tpu.memory_space<vmem>>
      %dma_wait3A_312 = arith.constant 0 : i32
      %dma_wait3A_313 = arith.constant 0 : i32
      %dma_wait3A_314 = tpu.memref_slice %arg2[%dma_wait3A_312, %dma_wait3A_313] : memref<10112x128xf32, #tpu.memory_space<hbm>> -> memref<10112x128xf32, #tpu.memory_space<hbm>>
      tpu.wait_indirect_dma semaphore(%arg12 : memref<!tpu.dma_semaphore, #tpu.memory_space<semaphore_mem>>) src(%dma_wait3A_314 : memref<10112x128xf32, #tpu.memory_space<hbm>>) dst(%dma_wait3A_308 : memref<80x128xf32, #tpu.memory_space<vmem>>)
      %run_scoped3A_315 = arith.constant 1 : i32
      %run_scoped3A_316 = arith.constant 1 : i32
      "tpu.region"() ({
        %run_scoped3A_324 = tpu.sem_alloc : memref<!tpu.dma_semaphore, #tpu.memory_space<semaphore_mem>>
        %dma_start3A_325 = arith.constant 0 : i32
        %dma_start3A_326 = arith.constant 0 : i32
        %dma_start3A_327 = tpu.memref_slice %arg9[%run_scoped3A_315, %dma_start3A_325, %dma_start3A_326] : memref<2x80x128xf32, #tpu.memory_space<vmem>> -> memref<1x80x128xf32, #tpu.memory_space<vmem>>
        %dma_start3A_328 = tpu.memref_squeeze %dma_start3A_327 : memref<1x80x128xf32, #tpu.memory_space<vmem>> -> memref<80x128xf32, #tpu.memory_space<vmem>>
        %dma_start3A_329 = arith.constant 0 : i32
        %dma_start3A_330 = tpu.memref_slice %arg8[%run_scoped3A_316, %dma_start3A_329] : memref<2x80xi32, #tpu.memory_space<vmem>> -> memref<1x80xi32, #tpu.memory_space<vmem>>
        %dma_start3A_331 = tpu.memref_squeeze %dma_start3A_330 : memref<1x80xi32, #tpu.memory_space<vmem>> -> memref<80xi32, #tpu.memory_space<vmem>>
        %dma_start3A_332 = arith.constant 0 : i32
        %dma_start3A_333 = arith.constant 0 : i32
        %dma_start3A_334 = tpu.memref_slice %arg10[%dma_start3A_332, %dma_start3A_333] : memref<10112x128xf32, #tpu.memory_space<vmem_shared>> -> memref<10112x128xf32, #tpu.memory_space<vmem_shared>>
        tpu.enqueue_indirect_dma source(%dma_start3A_328 : memref<80x128xf32, #tpu.memory_space<vmem>>) target(%dma_start3A_334 : memref<10112x128xf32, #tpu.memory_space<vmem_shared>>) offsets(%dma_start3A_331 : memref<80xi32, #tpu.memory_space<vmem>>) semaphore(%run_scoped3A_324 : memref<!tpu.dma_semaphore, #tpu.memory_space<semaphore_mem>>) {add = true}
        %dma_wait3A_335 = arith.constant 0 : i32
        %dma_wait3A_336 = arith.constant 0 : i32
        %dma_wait3A_337 = tpu.memref_slice %arg9[%run_scoped3A_315, %dma_wait3A_335, %dma_wait3A_336] : memref<2x80x128xf32, #tpu.memory_space<vmem>> -> memref<1x80x128xf32, #tpu.memory_space<vmem>>
        %dma_wait3A_338 = tpu.memref_squeeze %dma_wait3A_337 : memref<1x80x128xf32, #tpu.memory_space<vmem>> -> memref<80x128xf32, #tpu.memory_space<vmem>>
        %dma_wait3A_339 = arith.constant 0 : i32
        %dma_wait3A_340 = tpu.memref_slice %arg8[%run_scoped3A_316, %dma_wait3A_339] : memref<2x80xi32, #tpu.memory_space<vmem>> -> memref<1x80xi32, #tpu.memory_space<vmem>>
        %dma_wait3A_341 = tpu.memref_squeeze %dma_wait3A_340 : memref<1x80xi32, #tpu.memory_space<vmem>> -> memref<80xi32, #tpu.memory_space<vmem>>
        %dma_wait3A_342 = arith.constant 0 : i32
        %dma_wait3A_343 = arith.constant 0 : i32
        %dma_wait3A_344 = tpu.memref_slice %arg10[%dma_wait3A_342, %dma_wait3A_343] : memref<10112x128xf32, #tpu.memory_space<vmem_shared>> -> memref<10112x128xf32, #tpu.memory_space<vmem_shared>>
        tpu.wait_indirect_dma semaphore(%run_scoped3A_324 : memref<!tpu.dma_semaphore, #tpu.memory_space<semaphore_mem>>) src(%dma_wait3A_338 : memref<80x128xf32, #tpu.memory_space<vmem>>) dst(%dma_wait3A_344 : memref<10112x128xf32, #tpu.memory_space<vmem_shared>>)
        tpu.yield
      }) : () -> ()
      %add3A_317 = arith.constant 2 : i32
      %add3A_318 = arith.addi %add3A_302, %add3A_317 : i32
      %lt3A_319 = arith.constant 125 : i32
      %lt3A_320 = arith.cmpi slt, %add3A_318, %lt3A_319 : i32
      %convert_element_type3A_321 = arith.extui %lt3A_320 : i1 to i32
      %cond3A_322 = arith.constant 0 : i32
      %cond3A_323 = arith.cmpi ne, %convert_element_type3A_321, %cond3A_322 : i32
      scf.if %cond3A_323 {
        %get3A_324 = arith.index_cast %add3A_318 : i32 to index
        %get3A_325 = arith.constant 0 : index
        %get3A_326 = tpu.vector_load %arg6[%get3A_324, %get3A_325] {strides = array<i32>} : memref<125x80xi32, #tpu.memory_space<vmem>>, vector<1x16xi32>,
        %get3A_327 = vector.shape_cast %get3A_326 : vector<1x16xi32> to vector<16xi32>
        %and3A_328 = arith.constant 65535 : i32
        %and3A_329 = vector.broadcast %and3A_328 : i32 to vector<16xi32>
        %and3A_330 = arith.andi %get3A_327, %and3A_329 : vector<16xi32>
        %swap3A_331 = arith.constant 1 : i32
        %swap3A_332 = arith.index_cast %swap3A_331 : i32 to index
        %swap3A_333 = arith.constant 0 : index
        %swap3A_334 = tpu.vector_load %arg7[%swap3A_332, %swap3A_333] {strides = array<i32>} : memref<2x80xi32, #tpu.memory_space<vmem>>, vector<1x16xi32>,
        %swap3A_335 = vector.shape_cast %swap3A_334 : vector<1x16xi32> to vector<16xi32>
        %swap3A_336 = vector.shape_cast %and3A_330 : vector<16xi32> to vector<1x16xi32>
        tpu.vector_store %arg7[%swap3A_332, %swap3A_333], %swap3A_336 {strides = array<i32>} : memref<2x80xi32, #tpu.memory_space<vmem>>, vector<1x16xi32>,
        %shift_right_logical3A_337 = arith.constant 16 : i32
        %shift_right_logical3A_338 = vector.broadcast %shift_right_logical3A_337 : i32 to vector<16xi32>
        %shift_right_logical3A_339 = arith.shrui %get3A_327, %shift_right_logical3A_338 : vector<16xi32>
        %swap3A_340 = arith.constant 1 : i32
        %swap3A_341 = arith.index_cast %swap3A_340 : i32 to index
        %swap3A_342 = arith.constant 0 : index
        %swap3A_343 = tpu.vector_load %arg8[%swap3A_341, %swap3A_342] {strides = array<i32>} : memref<2x80xi32, #tpu.memory_space<vmem>>, vector<1x16xi32>,
        %swap3A_344 = vector.shape_cast %swap3A_343 : vector<1x16xi32> to vector<16xi32>
        %swap3A_345 = vector.shape_cast %shift_right_logical3A_339 : vector<16xi32> to vector<1x16xi32>
        tpu.vector_store %arg8[%swap3A_341, %swap3A_342], %swap3A_345 {strides = array<i32>} : memref<2x80xi32, #tpu.memory_space<vmem>>, vector<1x16xi32>,
        %get3A_346 = arith.index_cast %add3A_318 : i32 to index
        %get3A_347 = arith.constant 16 : index
        %get3A_348 = tpu.vector_load %arg6[%get3A_346, %get3A_347] {strides = array<i32>} : memref<125x80xi32, #tpu.memory_space<vmem>>, vector<1x16xi32>,
        %get3A_349 = vector.shape_cast %get3A_348 : vector<1x16xi32> to vector<16xi32>
        %and3A_350 = arith.constant 65535 : i32
        %and3A_351 = vector.broadcast %and3A_350 : i32 to vector<16xi32>
        %and3A_352 = arith.andi %get3A_349, %and3A_351 : vector<16xi32>
        %swap3A_353 = arith.constant 1 : i32
        %swap3A_354 = arith.index_cast %swap3A_353 : i32 to index
        %swap3A_355 = arith.constant 16 : index
        %swap3A_356 = tpu.vector_load %arg7[%swap3A_354, %swap3A_355] {strides = array<i32>} : memref<2x80xi32, #tpu.memory_space<vmem>>, vector<1x16xi32>,
        %swap3A_357 = vector.shape_cast %swap3A_356 : vector<1x16xi32> to vector<16xi32>
        %swap3A_358 = vector.shape_cast %and3A_352 : vector<16xi32> to vector<1x16xi32>
        tpu.vector_store %arg7[%swap3A_354, %swap3A_355], %swap3A_358 {strides = array<i32>} : memref<2x80xi32, #tpu.memory_space<vmem>>, vector<1x16xi32>,
        %shift_right_logical3A_359 = arith.constant 16 : i32
        %shift_right_logical3A_360 = vector.broadcast %shift_right_logical3A_359 : i32 to vector<16xi32>
        %shift_right_logical3A_361 = arith.shrui %get3A_349, %shift_right_logical3A_360 : vector<16xi32>
        %swap3A_362 = arith.constant 1 : i32
        %swap3A_363 = arith.index_cast %swap3A_362 : i32 to index
        %swap3A_364 = arith.constant 16 : index
        %swap3A_365 = tpu.vector_load %arg8[%swap3A_363, %swap3A_364] {strides = array<i32>} : memref<2x80xi32, #tpu.memory_space<vmem>>, vector<1x16xi32>,
        %swap3A_366 = vector.shape_cast %swap3A_365 : vector<1x16xi32> to vector<16xi32>
        %swap3A_367 = vector.shape_cast %shift_right_logical3A_361 : vector<16xi32> to vector<1x16xi32>
        tpu.vector_store %arg8[%swap3A_363, %swap3A_364], %swap3A_367 {strides = array<i32>} : memref<2x80xi32, #tpu.memory_space<vmem>>, vector<1x16xi32>,
        %get3A_368 = arith.index_cast %add3A_318 : i32 to index
        %get3A_369 = arith.constant 32 : index
        %get3A_370 = tpu.vector_load %arg6[%get3A_368, %get3A_369] {strides = array<i32>} : memref<125x80xi32, #tpu.memory_space<vmem>>, vector<1x16xi32>,
        %get3A_371 = vector.shape_cast %get3A_370 : vector<1x16xi32> to vector<16xi32>
        %and3A_372 = arith.constant 65535 : i32
        %and3A_373 = vector.broadcast %and3A_372 : i32 to vector<16xi32>
        %and3A_374 = arith.andi %get3A_371, %and3A_373 : vector<16xi32>
        %swap3A_375 = arith.constant 1 : i32
        %swap3A_376 = arith.index_cast %swap3A_375 : i32 to index
        %swap3A_377 = arith.constant 32 : index
        %swap3A_378 = tpu.vector_load %arg7[%swap3A_376, %swap3A_377] {strides = array<i32>} : memref<2x80xi32, #tpu.memory_space<vmem>>, vector<1x16xi32>,
        %swap3A_379 = vector.shape_cast %swap3A_378 : vector<1x16xi32> to vector<16xi32>
        %swap3A_380 = vector.shape_cast %and3A_374 : vector<16xi32> to vector<1x16xi32>
        tpu.vector_store %arg7[%swap3A_376, %swap3A_377], %swap3A_380 {strides = array<i32>} : memref<2x80xi32, #tpu.memory_space<vmem>>, vector<1x16xi32>,
        %shift_right_logical3A_381 = arith.constant 16 : i32
        %shift_right_logical3A_382 = vector.broadcast %shift_right_logical3A_381 : i32 to vector<16xi32>
        %shift_right_logical3A_383 = arith.shrui %get3A_371, %shift_right_logical3A_382 : vector<16xi32>
        %swap3A_384 = arith.constant 1 : i32
        %swap3A_385 = arith.index_cast %swap3A_384 : i32 to index
        %swap3A_386 = arith.constant 32 : index
        %swap3A_387 = tpu.vector_load %arg8[%swap3A_385, %swap3A_386] {strides = array<i32>} : memref<2x80xi32, #tpu.memory_space<vmem>>, vector<1x16xi32>,
        %swap3A_388 = vector.shape_cast %swap3A_387 : vector<1x16xi32> to vector<16xi32>
        %swap3A_389 = vector.shape_cast %shift_right_logical3A_383 : vector<16xi32> to vector<1x16xi32>
        tpu.vector_store %arg8[%swap3A_385, %swap3A_386], %swap3A_389 {strides = array<i32>} : memref<2x80xi32, #tpu.memory_space<vmem>>, vector<1x16xi32>,
        %get3A_390 = arith.index_cast %add3A_318 : i32 to index
        %get3A_391 = arith.constant 48 : index
        %get3A_392 = tpu.vector_load %arg6[%get3A_390, %get3A_391] {strides = array<i32>} : memref<125x80xi32, #tpu.memory_space<vmem>>, vector<1x16xi32>,
        %get3A_393 = vector.shape_cast %get3A_392 : vector<1x16xi32> to vector<16xi32>
        %and3A_394 = arith.constant 65535 : i32
        %and3A_395 = vector.broadcast %and3A_394 : i32 to vector<16xi32>
        %and3A_396 = arith.andi %get3A_393, %and3A_395 : vector<16xi32>
        %swap3A_397 = arith.constant 1 : i32
        %swap3A_398 = arith.index_cast %swap3A_397 : i32 to index
        %swap3A_399 = arith.constant 48 : index
        %swap3A_400 = tpu.vector_load %arg7[%swap3A_398, %swap3A_399] {strides = array<i32>} : memref<2x80xi32, #tpu.memory_space<vmem>>, vector<1x16xi32>,
        %swap3A_401 = vector.shape_cast %swap3A_400 : vector<1x16xi32> to vector<16xi32>
        %swap3A_402 = vector.shape_cast %and3A_396 : vector<16xi32> to vector<1x16xi32>
        tpu.vector_store %arg7[%swap3A_398, %swap3A_399], %swap3A_402 {strides = array<i32>} : memref<2x80xi32, #tpu.memory_space<vmem>>, vector<1x16xi32>,
        %shift_right_logical3A_403 = arith.constant 16 : i32
        %shift_right_logical3A_404 = vector.broadcast %shift_right_logical3A_403 : i32 to vector<16xi32>
        %shift_right_logical3A_405 = arith.shrui %get3A_393, %shift_right_logical3A_404 : vector<16xi32>
        %swap3A_406 = arith.constant 1 : i32
        %swap3A_407 = arith.index_cast %swap3A_406 : i32 to index
        %swap3A_408 = arith.constant 48 : index
        %swap3A_409 = tpu.vector_load %arg8[%swap3A_407, %swap3A_408] {strides = array<i32>} : memref<2x80xi32, #tpu.memory_space<vmem>>, vector<1x16xi32>,
        %swap3A_410 = vector.shape_cast %swap3A_409 : vector<1x16xi32> to vector<16xi32>
        %swap3A_411 = vector.shape_cast %shift_right_logical3A_405 : vector<16xi32> to vector<1x16xi32>
        tpu.vector_store %arg8[%swap3A_407, %swap3A_408], %swap3A_411 {strides = array<i32>} : memref<2x80xi32, #tpu.memory_space<vmem>>, vector<1x16xi32>,
        %get3A_412 = arith.index_cast %add3A_318 : i32 to index
        %get3A_413 = arith.constant 64 : index
        %get3A_414 = tpu.vector_load %arg6[%get3A_412, %get3A_413] {strides = array<i32>} : memref<125x80xi32, #tpu.memory_space<vmem>>, vector<1x16xi32>,
        %get3A_415 = vector.shape_cast %get3A_414 : vector<1x16xi32> to vector<16xi32>
        %and3A_416 = arith.constant 65535 : i32
        %and3A_417 = vector.broadcast %and3A_416 : i32 to vector<16xi32>
        %and3A_418 = arith.andi %get3A_415, %and3A_417 : vector<16xi32>
        %swap3A_419 = arith.constant 1 : i32
        %swap3A_420 = arith.index_cast %swap3A_419 : i32 to index
        %swap3A_421 = arith.constant 64 : index
        %swap3A_422 = tpu.vector_load %arg7[%swap3A_420, %swap3A_421] {strides = array<i32>} : memref<2x80xi32, #tpu.memory_space<vmem>>, vector<1x16xi32>,
        %swap3A_423 = vector.shape_cast %swap3A_422 : vector<1x16xi32> to vector<16xi32>
        %swap3A_424 = vector.shape_cast %and3A_418 : vector<16xi32> to vector<1x16xi32>
        tpu.vector_store %arg7[%swap3A_420, %swap3A_421], %swap3A_424 {strides = array<i32>} : memref<2x80xi32, #tpu.memory_space<vmem>>, vector<1x16xi32>,
        %shift_right_logical3A_425 = arith.constant 16 : i32
        %shift_right_logical3A_426 = vector.broadcast %shift_right_logical3A_425 : i32 to vector<16xi32>
        %shift_right_logical3A_427 = arith.shrui %get3A_415, %shift_right_logical3A_426 : vector<16xi32>
        %swap3A_428 = arith.constant 1 : i32
        %swap3A_429 = arith.index_cast %swap3A_428 : i32 to index
        %swap3A_430 = arith.constant 64 : index
        %swap3A_431 = tpu.vector_load %arg8[%swap3A_429, %swap3A_430] {strides = array<i32>} : memref<2x80xi32, #tpu.memory_space<vmem>>, vector<1x16xi32>,
        %swap3A_432 = vector.shape_cast %swap3A_431 : vector<1x16xi32> to vector<16xi32>
        %swap3A_433 = vector.shape_cast %shift_right_logical3A_427 : vector<16xi32> to vector<1x16xi32>
        tpu.vector_store %arg8[%swap3A_429, %swap3A_430], %swap3A_433 {strides = array<i32>} : memref<2x80xi32, #tpu.memory_space<vmem>>, vector<1x16xi32>,
        %dma_start3A_434 = arith.constant 1 : i32
        %dma_start3A_435 = arith.constant 1 : i32
        %dma_start3A_436 = arith.constant 0 : i32
        %dma_start3A_437 = arith.constant 0 : i32
        %dma_start3A_438 = tpu.memref_slice %arg9[%dma_start3A_435, %dma_start3A_436, %dma_start3A_437] : memref<2x80x128xf32, #tpu.memory_space<vmem>> -> memref<1x80x128xf32, #tpu.memory_space<vmem>>
        %dma_start3A_439 = tpu.memref_squeeze %dma_start3A_438 : memref<1x80x128xf32, #tpu.memory_space<vmem>> -> memref<80x128xf32, #tpu.memory_space<vmem>>
        %dma_start3A_440 = arith.constant 0 : i32
        %dma_start3A_441 = tpu.memref_slice %arg7[%dma_start3A_434, %dma_start3A_440] : memref<2x80xi32, #tpu.memory_space<vmem>> -> memref<1x80xi32, #tpu.memory_space<vmem>>
        %dma_start3A_442 = tpu.memref_squeeze %dma_start3A_441 : memref<1x80xi32, #tpu.memory_space<vmem>> -> memref<80xi32, #tpu.memory_space<vmem>>
        %dma_start3A_443 = arith.constant 0 : i32
        %dma_start3A_444 = arith.constant 0 : i32
        %dma_start3A_445 = tpu.memref_slice %arg2[%dma_start3A_443, %dma_start3A_444] : memref<10112x128xf32, #tpu.memory_space<hbm>> -> memref<10112x128xf32, #tpu.memory_space<hbm>>
        tpu.enqueue_indirect_dma source(%dma_start3A_445 : memref<10112x128xf32, #tpu.memory_space<hbm>>) target(%dma_start3A_439 : memref<80x128xf32, #tpu.memory_space<vmem>>) offsets(%dma_start3A_442 : memref<80xi32, #tpu.memory_space<vmem>>) semaphore(%arg12 : memref<!tpu.dma_semaphore, #tpu.memory_space<semaphore_mem>>)
      } else {
      }
    }
    %scan3A_258 = arith.constant 62 : i32
    %dma_wait3A = arith.constant 0 : i32
    %dma_wait3A_259 = arith.constant 0 : i32
    %dma_wait3A_260 = arith.constant 0 : i32
    %dma_wait3A_261 = arith.constant 0 : i32
    %dma_wait3A_262 = tpu.memref_slice %arg9[%dma_wait3A_259, %dma_wait3A_260, %dma_wait3A_261] : memref<2x80x128xf32, #tpu.memory_space<vmem>> -> memref<1x80x128xf32, #tpu.memory_space<vmem>>
    %dma_wait3A_263 = tpu.memref_squeeze %dma_wait3A_262 : memref<1x80x128xf32, #tpu.memory_space<vmem>> -> memref<80x128xf32, #tpu.memory_space<vmem>>
    %dma_wait3A_264 = arith.constant 0 : i32
    %dma_wait3A_265 = tpu.memref_slice %arg7[%dma_wait3A, %dma_wait3A_264] : memref<2x80xi32, #tpu.memory_space<vmem>> -> memref<1x80xi32, #tpu.memory_space<vmem>>
    %dma_wait3A_266 = tpu.memref_squeeze %dma_wait3A_265 : memref<1x80xi32, #tpu.memory_space<vmem>> -> memref<80xi32, #tpu.memory_space<vmem>>
    %dma_wait3A_267 = arith.constant 0 : i32
    %dma_wait3A_268 = arith.constant 0 : i32
    %dma_wait3A_269 = tpu.memref_slice %arg2[%dma_wait3A_267, %dma_wait3A_268] : memref<10112x128xf32, #tpu.memory_space<hbm>> -> memref<10112x128xf32, #tpu.memory_space<hbm>>
    tpu.wait_indirect_dma semaphore(%arg11 : memref<!tpu.dma_semaphore, #tpu.memory_space<semaphore_mem>>) src(%dma_wait3A_269 : memref<10112x128xf32, #tpu.memory_space<hbm>>) dst(%dma_wait3A_263 : memref<80x128xf32, #tpu.memory_space<vmem>>)
    %run_scoped3A = arith.constant 0 : i32
    %run_scoped3A_270 = arith.constant 0 : i32
    "tpu.region"() ({
      %run_scoped3A_276 = tpu.sem_alloc : memref<!tpu.dma_semaphore, #tpu.memory_space<semaphore_mem>>
      %dma_start3A_277 = arith.constant 0 : i32
      %dma_start3A_278 = arith.constant 0 : i32
      %dma_start3A_279 = tpu.memref_slice %arg9[%run_scoped3A, %dma_start3A_277, %dma_start3A_278] : memref<2x80x128xf32, #tpu.memory_space<vmem>> -> memref<1x80x128xf32, #tpu.memory_space<vmem>>
      %dma_start3A_280 = tpu.memref_squeeze %dma_start3A_279 : memref<1x80x128xf32, #tpu.memory_space<vmem>> -> memref<80x128xf32, #tpu.memory_space<vmem>>
      %dma_start3A_281 = arith.constant 0 : i32
      %dma_start3A_282 = tpu.memref_slice %arg8[%run_scoped3A_270, %dma_start3A_281] : memref<2x80xi32, #tpu.memory_space<vmem>> -> memref<1x80xi32, #tpu.memory_space<vmem>>
      %dma_start3A_283 = tpu.memref_squeeze %dma_start3A_282 : memref<1x80xi32, #tpu.memory_space<vmem>> -> memref<80xi32, #tpu.memory_space<vmem>>
      %dma_start3A_284 = arith.constant 0 : i32
      %dma_start3A_285 = arith.constant 0 : i32
      %dma_start3A_286 = tpu.memref_slice %arg10[%dma_start3A_284, %dma_start3A_285] : memref<10112x128xf32, #tpu.memory_space<vmem_shared>> -> memref<10112x128xf32, #tpu.memory_space<vmem_shared>>
      tpu.enqueue_indirect_dma source(%dma_start3A_280 : memref<80x128xf32, #tpu.memory_space<vmem>>) target(%dma_start3A_286 : memref<10112x128xf32, #tpu.memory_space<vmem_shared>>) offsets(%dma_start3A_283 : memref<80xi32, #tpu.memory_space<vmem>>) semaphore(%run_scoped3A_276 : memref<!tpu.dma_semaphore, #tpu.memory_space<semaphore_mem>>) {add = true}
      %dma_wait3A_287 = arith.constant 0 : i32
      %dma_wait3A_288 = arith.constant 0 : i32
      %dma_wait3A_289 = tpu.memref_slice %arg9[%run_scoped3A, %dma_wait3A_287, %dma_wait3A_288] : memref<2x80x128xf32, #tpu.memory_space<vmem>> -> memref<1x80x128xf32, #tpu.memory_space<vmem>>
      %dma_wait3A_290 = tpu.memref_squeeze %dma_wait3A_289 : memref<1x80x128xf32, #tpu.memory_space<vmem>> -> memref<80x128xf32, #tpu.memory_space<vmem>>
      %dma_wait3A_291 = arith.constant 0 : i32
      %dma_wait3A_292 = tpu.memref_slice %arg8[%run_scoped3A_270, %dma_wait3A_291] : memref<2x80xi32, #tpu.memory_space<vmem>> -> memref<1x80xi32, #tpu.memory_space<vmem>>
      %dma_wait3A_293 = tpu.memref_squeeze %dma_wait3A_292 : memref<1x80xi32, #tpu.memory_space<vmem>> -> memref<80xi32, #tpu.memory_space<vmem>>
      %dma_wait3A_294 = arith.constant 0 : i32
      %dma_wait3A_295 = arith.constant 0 : i32
      %dma_wait3A_296 = tpu.memref_slice %arg10[%dma_wait3A_294, %dma_wait3A_295] : memref<10112x128xf32, #tpu.memory_space<vmem_shared>> -> memref<10112x128xf32, #tpu.memory_space<vmem_shared>>
      tpu.wait_indirect_dma semaphore(%run_scoped3A_276 : memref<!tpu.dma_semaphore, #tpu.memory_space<semaphore_mem>>) src(%dma_wait3A_290 : memref<80x128xf32, #tpu.memory_space<vmem>>) dst(%dma_wait3A_296 : memref<10112x128xf32, #tpu.memory_space<vmem_shared>>)
      tpu.yield
    }) : () -> ()
    %barrier3A_271 = arith.constant 0 : index
    tpu.barrier barrier_id(%barrier3A_271)
    %mul3A_272 = arith.constant 632 : i32
    %mul3A_273 = arith.muli %arg1, %mul3A_272 : i32
    %mul3A_274 = arith.constant 632 : i32
    %mul3A_275 = arith.muli %arg1, %mul3A_274 : i32
    "tpu.region"() ({
      %run_scoped3A_276 = tpu.sem_alloc : memref<!tpu.dma_semaphore, #tpu.memory_space<semaphore_mem>>
      %dma_start3A_277 = arith.constant 0 : i32
      %dma_start3A_278 = tpu.memref_slice %arg5[%arg0, %mul3A_275, %dma_start3A_277] : memref<2x10112x128xf32, #tpu.memory_space<hbm>> -> memref<1x632x128xf32, #tpu.memory_space<hbm>>
      %dma_start3A_279 = tpu.memref_squeeze %dma_start3A_278 : memref<1x632x128xf32, #tpu.memory_space<hbm>> -> memref<632x128xf32, #tpu.memory_space<hbm>>
      %dma_start3A_280 = arith.constant 0 : i32
      %dma_start3A_281 = tpu.memref_slice %arg10[%mul3A_273, %dma_start3A_280] : memref<10112x128xf32, #tpu.memory_space<vmem_shared>> -> memref<632x128xf32, #tpu.memory_space<vmem_shared>>
      tpu.enqueue_dma source(%dma_start3A_281 : memref<632x128xf32, #tpu.memory_space<vmem_shared>>) target(%dma_start3A_279 : memref<632x128xf32, #tpu.memory_space<hbm>>) target_semaphore(%run_scoped3A_276 : memref<!tpu.dma_semaphore, #tpu.memory_space<semaphore_mem>>)
      %dma_wait3A_282 = arith.constant 0 : i32
      %dma_wait3A_283 = tpu.memref_slice %arg5[%arg0, %mul3A_275, %dma_wait3A_282] : memref<2x10112x128xf32, #tpu.memory_space<hbm>> -> memref<1x632x128xf32, #tpu.memory_space<hbm>>
      %dma_wait3A_284 = tpu.memref_squeeze %dma_wait3A_283 : memref<1x632x128xf32, #tpu.memory_space<hbm>> -> memref<632x128xf32, #tpu.memory_space<hbm>>
      %dma_wait3A_285 = arith.constant 0 : i32
      %dma_wait3A_286 = tpu.memref_slice %arg10[%mul3A_273, %dma_wait3A_285] : memref<10112x128xf32, #tpu.memory_space<vmem_shared>> -> memref<632x128xf32, #tpu.memory_space<vmem_shared>>
      tpu.wait_dma2 semaphore(%run_scoped3A_276 : memref<!tpu.dma_semaphore, #tpu.memory_space<semaphore_mem>>) src(%dma_wait3A_286 : memref<632x128xf32, #tpu.memory_space<vmem_shared>>) dst(%dma_wait3A_284 : memref<632x128xf32, #tpu.memory_space<hbm>>)
      tpu.yield
    }) : () -> ()
    return
  }
}

#map = affine_map<(d0, d1) -> (0, 0)>
#map1 = affine_map<(d0, d1) -> (0, 0, 0)>
module attributes {stable_mosaic.version = 14 : i64} {
  func.func @agg_kernel(%arg0: i32, %arg1: i32, %arg2: memref<10112x128xf32, #tpu.memory_space<hbm>>, %arg3: memref<32x125x80xi32, #tpu.memory_space<hbm>>, %arg4: memref<10112x128xf32, #tpu.memory_space<hbm>>, %arg5: memref<2x10112x128xf32, #tpu.memory_space<hbm>>, %arg6: memref<125x80xi32, #tpu.memory_space<vmem>>, %arg7: memref<2x80xi32, #tpu.memory_space<vmem>>, %arg8: memref<2x80xi32, #tpu.memory_space<vmem>>, %arg9: memref<2x80x128xf32, #tpu.memory_space<vmem>>, %arg10: memref<10112x128xf32, #tpu.memory_space<vmem_shared>>, %arg11: memref<!tpu.dma_semaphore, #tpu.memory_space<semaphore_mem>>, %arg12: memref<!tpu.dma_semaphore, #tpu.memory_space<semaphore_mem>>) attributes {dimension_semantics = [#tpu.dimension_semantics<core_parallel>, #tpu.dimension_semantics<subcore_parallel>], iteration_bounds = array<i64: 2, 16>, scalar_prefetch = 0 : i64, scratch_operands = 7 : i64, tpu.core_type = #tpu.core_type<sc_vector_subcore>, window_params = [{transform_indices = #map}, {transform_indices = #map1}, {transform_indices = #map}, {transform_indices = #map1}]} {
    %mul3A = arith.constant 2 : i32
    %mul3A_0 = arith.muli %arg1, %mul3A : i32
    %add3A = arith.addi %mul3A_0, %arg0 : i32
    "tpu.region"() ({
      %run_scoped3A_276 = tpu.sem_alloc : memref<!tpu.dma_semaphore, #tpu.memory_space<semaphore_mem>>
      %dma_start3A_277 = arith.constant 0 : i32
      %dma_start3A_278 = arith.constant 0 : i32
      %dma_start3A_279 = tpu.memref_slice %arg3[%add3A, %dma_start3A_277, %dma_start3A_278] : memref<32x125x80xi32, #tpu.memory_space<hbm>> -> memref<1x125x80xi32, #tpu.memory_space<hbm>>
      %dma_start3A_280 = tpu.memref_squeeze %dma_start3A_279 : memref<1x125x80xi32, #tpu.memory_space<hbm>> -> memref<125x80xi32, #tpu.memory_space<hbm>>
      %dma_start3A_281 = arith.constant 0 : i32
      %dma_start3A_282 = arith.constant 0 : i32
      %dma_start3A_283 = tpu.memref_slice %arg3[%add3A, %dma_start3A_281, %dma_start3A_282] : memref<32x125x80xi32, #tpu.memory_space<hbm>> -> memref<1x125x80xi32, #tpu.memory_space<hbm>>
      %dma_start3A_284 = tpu.memref_squeeze %dma_start3A_283 : memref<1x125x80xi32, #tpu.memory_space<hbm>> -> memref<125x80xi32, #tpu.memory_space<hbm>>
      tpu.enqueue_dma source(%dma_start3A_284 : memref<125x80xi32, #tpu.memory_space<hbm>>) target(%arg6 : memref<125x80xi32, #tpu.memory_space<vmem>>) target_semaphore(%run_scoped3A_276 : memref<!tpu.dma_semaphore, #tpu.memory_space<semaphore_mem>>)
      %dma_wait3A_285 = arith.constant 0 : i32
      %dma_wait3A_286 = arith.constant 0 : i32
      %dma_wait3A_287 = tpu.memref_slice %arg3[%add3A, %dma_wait3A_285, %dma_wait3A_286] : memref<32x125x80xi32, #tpu.memory_space<hbm>> -> memref<1x125x80xi32, #tpu.memory_space<hbm>>
      %dma_wait3A_288 = tpu.memref_squeeze %dma_wait3A_287 : memref<1x125x80xi32, #tpu.memory_space<hbm>> -> memref<125x80xi32, #tpu.memory_space<hbm>>
      %dma_wait3A_289 = arith.constant 0 : i32
      %dma_wait3A_290 = arith.constant 0 : i32
      %dma_wait3A_291 = tpu.memref_slice %arg3[%add3A, %dma_wait3A_289, %dma_wait3A_290] : memref<32x125x80xi32, #tpu.memory_space<hbm>> -> memref<1x125x80xi32, #tpu.memory_space<hbm>>
      %dma_wait3A_292 = tpu.memref_squeeze %dma_wait3A_291 : memref<1x125x80xi32, #tpu.memory_space<hbm>> -> memref<125x80xi32, #tpu.memory_space<hbm>>
      tpu.wait_dma2 semaphore(%run_scoped3A_276 : memref<!tpu.dma_semaphore, #tpu.memory_space<semaphore_mem>>) src(%dma_wait3A_292 : memref<125x80xi32, #tpu.memory_space<hbm>>) dst(%arg6 : memref<125x80xi32, #tpu.memory_space<vmem>>)
      tpu.yield
    }) : () -> ()
    %mul3A_1 = arith.constant 632 : i32
    %mul3A_2 = arith.muli %arg1, %mul3A_1 : i32
    %mul3A_3 = arith.constant 632 : i32
    %mul3A_4 = arith.muli %arg1, %mul3A_3 : i32
    "tpu.region"() ({
      %run_scoped3A_276 = tpu.sem_alloc : memref<!tpu.dma_semaphore, #tpu.memory_space<semaphore_mem>>
      %dma_start3A_277 = arith.constant 0 : i32
      %dma_start3A_278 = tpu.memref_slice %arg10[%mul3A_4, %dma_start3A_277] : memref<10112x128xf32, #tpu.memory_space<vmem_shared>> -> memref<632x128xf32, #tpu.memory_space<vmem_shared>>
      %dma_start3A_279 = arith.constant 0 : i32
      %dma_start3A_280 = tpu.memref_slice %arg4[%mul3A_2, %dma_start3A_279] : memref<10112x128xf32, #tpu.memory_space<hbm>> -> memref<632x128xf32, #tpu.memory_space<hbm>>
      tpu.enqueue_dma source(%dma_start3A_280 : memref<632x128xf32, #tpu.memory_space<hbm>>) target(%dma_start3A_278 : memref<632x128xf32, #tpu.memory_space<vmem_shared>>) target_semaphore(%run_scoped3A_276 : memref<!tpu.dma_semaphore, #tpu.memory_space<semaphore_mem>>)
      %dma_wait3A_281 = arith.constant 0 : i32
      %dma_wait3A_282 = tpu.memref_slice %arg10[%mul3A_4, %dma_wait3A_281] : memref<10112x128xf32, #tpu.memory_space<vmem_shared>> -> memref<632x128xf32, #tpu.memory_space<vmem_shared>>
      %dma_wait3A_283 = arith.constant 0 : i32
      %dma_wait3A_284 = tpu.memref_slice %arg4[%mul3A_2, %dma_wait3A_283] : memref<10112x128xf32, #tpu.memory_space<hbm>> -> memref<632x128xf32, #tpu.memory_space<hbm>>
      tpu.wait_dma2 semaphore(%run_scoped3A_276 : memref<!tpu.dma_semaphore, #tpu.memory_space<semaphore_mem>>) src(%dma_wait3A_284 : memref<632x128xf32, #tpu.memory_space<hbm>>) dst(%dma_wait3A_282 : memref<632x128xf32, #tpu.memory_space<vmem_shared>>)
      tpu.yield
    }) : () -> ()
    %barrier3A = arith.constant 0 : index
    tpu.barrier barrier_id(%barrier3A)
    %get3A = arith.constant 0 : i32
    %get3A_5 = arith.index_cast %get3A : i32 to index
    %get3A_6 = arith.constant 0 : index
    %get3A_7 = tpu.vector_load %arg6[%get3A_5, %get3A_6] {strides = array<i32>} : memref<125x80xi32, #tpu.memory_space<vmem>>, vector<1x16xi32>,
    %get3A_8 = vector.shape_cast %get3A_7 : vector<1x16xi32> to vector<16xi32>
    %and3A = arith.constant 65535 : i32
    %and3A_9 = vector.broadcast %and3A : i32 to vector<16xi32>
    %and3A_10 = arith.andi %get3A_8, %and3A_9 : vector<16xi32>
    %swap3A = arith.constant 0 : i32
    %swap3A_11 = arith.index_cast %swap3A : i32 to index
    %swap3A_12 = arith.constant 0 : index
    %swap3A_13 = tpu.vector_load %arg7[%swap3A_11, %swap3A_12] {strides = array<i32>} : memref<2x80xi32, #tpu.memory_space<vmem>>, vector<1x16xi32>,
    %swap3A_14 = vector.shape_cast %swap3A_13 : vector<1x16xi32> to vector<16xi32>
    %swap3A_15 = vector.shape_cast %and3A_10 : vector<16xi32> to vector<1x16xi32>
    tpu.vector_store %arg7[%swap3A_11, %swap3A_12], %swap3A_15 {strides = array<i32>} : memref<2x80xi32, #tpu.memory_space<vmem>>, vector<1x16xi32>,
    %shift_right_logical3A = arith.constant 16 : i32
    %shift_right_logical3A_16 = vector.broadcast %shift_right_logical3A : i32 to vector<16xi32>
    %shift_right_logical3A_17 = arith.shrui %get3A_8, %shift_right_logical3A_16 : vector<16xi32>
    %swap3A_18 = arith.constant 0 : i32
    %swap3A_19 = arith.index_cast %swap3A_18 : i32 to index
    %swap3A_20 = arith.constant 0 : index
    %swap3A_21 = tpu.vector_load %arg8[%swap3A_19, %swap3A_20] {strides = array<i32>} : memref<2x80xi32, #tpu.memory_space<vmem>>, vector<1x16xi32>,
    %swap3A_22 = vector.shape_cast %swap3A_21 : vector<1x16xi32> to vector<16xi32>
    %swap3A_23 = vector.shape_cast %shift_right_logical3A_17 : vector<16xi32> to vector<1x16xi32>
    tpu.vector_store %arg8[%swap3A_19, %swap3A_20], %swap3A_23 {strides = array<i32>} : memref<2x80xi32, #tpu.memory_space<vmem>>, vector<1x16xi32>,
    %get3A_24 = arith.constant 0 : i32
    %get3A_25 = arith.index_cast %get3A_24 : i32 to index
    %get3A_26 = arith.constant 16 : index
    %get3A_27 = tpu.vector_load %arg6[%get3A_25, %get3A_26] {strides = array<i32>} : memref<125x80xi32, #tpu.memory_space<vmem>>, vector<1x16xi32>,
    %get3A_28 = vector.shape_cast %get3A_27 : vector<1x16xi32> to vector<16xi32>
    %and3A_29 = arith.constant 65535 : i32
    %and3A_30 = vector.broadcast %and3A_29 : i32 to vector<16xi32>
    %and3A_31 = arith.andi %get3A_28, %and3A_30 : vector<16xi32>
    %swap3A_32 = arith.constant 0 : i32
    %swap3A_33 = arith.index_cast %swap3A_32 : i32 to index
    %swap3A_34 = arith.constant 16 : index
    %swap3A_35 = tpu.vector_load %arg7[%swap3A_33, %swap3A_34] {strides = array<i32>} : memref<2x80xi32, #tpu.memory_space<vmem>>, vector<1x16xi32>,
    %swap3A_36 = vector.shape_cast %swap3A_35 : vector<1x16xi32> to vector<16xi32>
    %swap3A_37 = vector.shape_cast %and3A_31 : vector<16xi32> to vector<1x16xi32>
    tpu.vector_store %arg7[%swap3A_33, %swap3A_34], %swap3A_37 {strides = array<i32>} : memref<2x80xi32, #tpu.memory_space<vmem>>, vector<1x16xi32>,
    %shift_right_logical3A_38 = arith.constant 16 : i32
    %shift_right_logical3A_39 = vector.broadcast %shift_right_logical3A_38 : i32 to vector<16xi32>
    %shift_right_logical3A_40 = arith.shrui %get3A_28, %shift_right_logical3A_39 : vector<16xi32>
    %swap3A_41 = arith.constant 0 : i32
    %swap3A_42 = arith.index_cast %swap3A_41 : i32 to index
    %swap3A_43 = arith.constant 16 : index
    %swap3A_44 = tpu.vector_load %arg8[%swap3A_42, %swap3A_43] {strides = array<i32>} : memref<2x80xi32, #tpu.memory_space<vmem>>, vector<1x16xi32>,
    %swap3A_45 = vector.shape_cast %swap3A_44 : vector<1x16xi32> to vector<16xi32>
    %swap3A_46 = vector.shape_cast %shift_right_logical3A_40 : vector<16xi32> to vector<1x16xi32>
    tpu.vector_store %arg8[%swap3A_42, %swap3A_43], %swap3A_46 {strides = array<i32>} : memref<2x80xi32, #tpu.memory_space<vmem>>, vector<1x16xi32>,
    %get3A_47 = arith.constant 0 : i32
    %get3A_48 = arith.index_cast %get3A_47 : i32 to index
    %get3A_49 = arith.constant 32 : index
    %get3A_50 = tpu.vector_load %arg6[%get3A_48, %get3A_49] {strides = array<i32>} : memref<125x80xi32, #tpu.memory_space<vmem>>, vector<1x16xi32>,
    %get3A_51 = vector.shape_cast %get3A_50 : vector<1x16xi32> to vector<16xi32>
    %and3A_52 = arith.constant 65535 : i32
    %and3A_53 = vector.broadcast %and3A_52 : i32 to vector<16xi32>
    %and3A_54 = arith.andi %get3A_51, %and3A_53 : vector<16xi32>
    %swap3A_55 = arith.constant 0 : i32
    %swap3A_56 = arith.index_cast %swap3A_55 : i32 to index
    %swap3A_57 = arith.constant 32 : index
    %swap3A_58 = tpu.vector_load %arg7[%swap3A_56, %swap3A_57] {strides = array<i32>} : memref<2x80xi32, #tpu.memory_space<vmem>>, vector<1x16xi32>,
    %swap3A_59 = vector.shape_cast %swap3A_58 : vector<1x16xi32> to vector<16xi32>
    %swap3A_60 = vector.shape_cast %and3A_54 : vector<16xi32> to vector<1x16xi32>
    tpu.vector_store %arg7[%swap3A_56, %swap3A_57], %swap3A_60 {strides = array<i32>} : memref<2x80xi32, #tpu.memory_space<vmem>>, vector<1x16xi32>,
    %shift_right_logical3A_61 = arith.constant 16 : i32
    %shift_right_logical3A_62 = vector.broadcast %shift_right_logical3A_61 : i32 to vector<16xi32>
    %shift_right_logical3A_63 = arith.shrui %get3A_51, %shift_right_logical3A_62 : vector<16xi32>
    %swap3A_64 = arith.constant 0 : i32
    %swap3A_65 = arith.index_cast %swap3A_64 : i32 to index
    %swap3A_66 = arith.constant 32 : index
    %swap3A_67 = tpu.vector_load %arg8[%swap3A_65, %swap3A_66] {strides = array<i32>} : memref<2x80xi32, #tpu.memory_space<vmem>>, vector<1x16xi32>,
    %swap3A_68 = vector.shape_cast %swap3A_67 : vector<1x16xi32> to vector<16xi32>
    %swap3A_69 = vector.shape_cast %shift_right_logical3A_63 : vector<16xi32> to vector<1x16xi32>
    tpu.vector_store %arg8[%swap3A_65, %swap3A_66], %swap3A_69 {strides = array<i32>} : memref<2x80xi32, #tpu.memory_space<vmem>>, vector<1x16xi32>,
    %get3A_70 = arith.constant 0 : i32
    %get3A_71 = arith.index_cast %get3A_70 : i32 to index
    %get3A_72 = arith.constant 48 : index
    %get3A_73 = tpu.vector_load %arg6[%get3A_71, %get3A_72] {strides = array<i32>} : memref<125x80xi32, #tpu.memory_space<vmem>>, vector<1x16xi32>,
    %get3A_74 = vector.shape_cast %get3A_73 : vector<1x16xi32> to vector<16xi32>
    %and3A_75 = arith.constant 65535 : i32
    %and3A_76 = vector.broadcast %and3A_75 : i32 to vector<16xi32>
    %and3A_77 = arith.andi %get3A_74, %and3A_76 : vector<16xi32>
    %swap3A_78 = arith.constant 0 : i32
    %swap3A_79 = arith.index_cast %swap3A_78 : i32 to index
    %swap3A_80 = arith.constant 48 : index
    %swap3A_81 = tpu.vector_load %arg7[%swap3A_79, %swap3A_80] {strides = array<i32>} : memref<2x80xi32, #tpu.memory_space<vmem>>, vector<1x16xi32>,
    %swap3A_82 = vector.shape_cast %swap3A_81 : vector<1x16xi32> to vector<16xi32>
    %swap3A_83 = vector.shape_cast %and3A_77 : vector<16xi32> to vector<1x16xi32>
    tpu.vector_store %arg7[%swap3A_79, %swap3A_80], %swap3A_83 {strides = array<i32>} : memref<2x80xi32, #tpu.memory_space<vmem>>, vector<1x16xi32>,
    %shift_right_logical3A_84 = arith.constant 16 : i32
    %shift_right_logical3A_85 = vector.broadcast %shift_right_logical3A_84 : i32 to vector<16xi32>
    %shift_right_logical3A_86 = arith.shrui %get3A_74, %shift_right_logical3A_85 : vector<16xi32>
    %swap3A_87 = arith.constant 0 : i32
    %swap3A_88 = arith.index_cast %swap3A_87 : i32 to index
    %swap3A_89 = arith.constant 48 : index
    %swap3A_90 = tpu.vector_load %arg8[%swap3A_88, %swap3A_89] {strides = array<i32>} : memref<2x80xi32, #tpu.memory_space<vmem>>, vector<1x16xi32>,
    %swap3A_91 = vector.shape_cast %swap3A_90 : vector<1x16xi32> to vector<16xi32>
    %swap3A_92 = vector.shape_cast %shift_right_logical3A_86 : vector<16xi32> to vector<1x16xi32>
    tpu.vector_store %arg8[%swap3A_88, %swap3A_89], %swap3A_92 {strides = array<i32>} : memref<2x80xi32, #tpu.memory_space<vmem>>, vector<1x16xi32>,
    %get3A_93 = arith.constant 0 : i32
    %get3A_94 = arith.index_cast %get3A_93 : i32 to index
    %get3A_95 = arith.constant 64 : index
    %get3A_96 = tpu.vector_load %arg6[%get3A_94, %get3A_95] {strides = array<i32>} : memref<125x80xi32, #tpu.memory_space<vmem>>, vector<1x16xi32>,
    %get3A_97 = vector.shape_cast %get3A_96 : vector<1x16xi32> to vector<16xi32>
    %and3A_98 = arith.constant 65535 : i32
    %and3A_99 = vector.broadcast %and3A_98 : i32 to vector<16xi32>
    %and3A_100 = arith.andi %get3A_97, %and3A_99 : vector<16xi32>
    %swap3A_101 = arith.constant 0 : i32
    %swap3A_102 = arith.index_cast %swap3A_101 : i32 to index
    %swap3A_103 = arith.constant 64 : index
    %swap3A_104 = tpu.vector_load %arg7[%swap3A_102, %swap3A_103] {strides = array<i32>} : memref<2x80xi32, #tpu.memory_space<vmem>>, vector<1x16xi32>,
    %swap3A_105 = vector.shape_cast %swap3A_104 : vector<1x16xi32> to vector<16xi32>
    %swap3A_106 = vector.shape_cast %and3A_100 : vector<16xi32> to vector<1x16xi32>
    tpu.vector_store %arg7[%swap3A_102, %swap3A_103], %swap3A_106 {strides = array<i32>} : memref<2x80xi32, #tpu.memory_space<vmem>>, vector<1x16xi32>,
    %shift_right_logical3A_107 = arith.constant 16 : i32
    %shift_right_logical3A_108 = vector.broadcast %shift_right_logical3A_107 : i32 to vector<16xi32>
    %shift_right_logical3A_109 = arith.shrui %get3A_97, %shift_right_logical3A_108 : vector<16xi32>
    %swap3A_110 = arith.constant 0 : i32
    %swap3A_111 = arith.index_cast %swap3A_110 : i32 to index
    %swap3A_112 = arith.constant 64 : index
    %swap3A_113 = tpu.vector_load %arg8[%swap3A_111, %swap3A_112] {strides = array<i32>} : memref<2x80xi32, #tpu.memory_space<vmem>>, vector<1x16xi32>,
    %swap3A_114 = vector.shape_cast %swap3A_113 : vector<1x16xi32> to vector<16xi32>
    %swap3A_115 = vector.shape_cast %shift_right_logical3A_109 : vector<16xi32> to vector<1x16xi32>
    tpu.vector_store %arg8[%swap3A_111, %swap3A_112], %swap3A_115 {strides = array<i32>} : memref<2x80xi32, #tpu.memory_space<vmem>>, vector<1x16xi32>,
    %dma_start3A = arith.constant 0 : i32
    %dma_start3A_116 = arith.constant 0 : i32
    %dma_start3A_117 = arith.constant 0 : i32
    %dma_start3A_118 = arith.constant 0 : i32
    %dma_start3A_119 = tpu.memref_slice %arg9[%dma_start3A_116, %dma_start3A_117, %dma_start3A_118] : memref<2x80x128xf32, #tpu.memory_space<vmem>> -> memref<1x80x128xf32, #tpu.memory_space<vmem>>
    %dma_start3A_120 = tpu.memref_squeeze %dma_start3A_119 : memref<1x80x128xf32, #tpu.memory_space<vmem>> -> memref<80x128xf32, #tpu.memory_space<vmem>>
    %dma_start3A_121 = arith.constant 0 : i32
    %dma_start3A_122 = tpu.memref_slice %arg7[%dma_start3A, %dma_start3A_121] : memref<2x80xi32, #tpu.memory_space<vmem>> -> memref<1x80xi32, #tpu.memory_space<vmem>>
    %dma_start3A_123 = tpu.memref_squeeze %dma_start3A_122 : memref<1x80xi32, #tpu.memory_space<vmem>> -> memref<80xi32, #tpu.memory_space<vmem>>
    %dma_start3A_124 = arith.constant 0 : i32
    %dma_start3A_125 = arith.constant 0 : i32
    %dma_start3A_126 = tpu.memref_slice %arg2[%dma_start3A_124, %dma_start3A_125] : memref<10112x128xf32, #tpu.memory_space<hbm>> -> memref<10112x128xf32, #tpu.memory_space<hbm>>
    tpu.enqueue_indirect_dma source(%dma_start3A_126 : memref<10112x128xf32, #tpu.memory_space<hbm>>) target(%dma_start3A_120 : memref<80x128xf32, #tpu.memory_space<vmem>>) offsets(%dma_start3A_123 : memref<80xi32, #tpu.memory_space<vmem>>) semaphore(%arg11 : memref<!tpu.dma_semaphore, #tpu.memory_space<semaphore_mem>>)
    %get3A_127 = arith.constant 1 : i32
    %get3A_128 = arith.index_cast %get3A_127 : i32 to index
    %get3A_129 = arith.constant 0 : index
    %get3A_130 = tpu.vector_load %arg6[%get3A_128, %get3A_129] {strides = array<i32>} : memref<125x80xi32, #tpu.memory_space<vmem>>, vector<1x16xi32>,
    %get3A_131 = vector.shape_cast %get3A_130 : vector<1x16xi32> to vector<16xi32>
    %and3A_132 = arith.constant 65535 : i32
    %and3A_133 = vector.broadcast %and3A_132 : i32 to vector<16xi32>
    %and3A_134 = arith.andi %get3A_131, %and3A_133 : vector<16xi32>
    %swap3A_135 = arith.constant 1 : i32
    %swap3A_136 = arith.index_cast %swap3A_135 : i32 to index
    %swap3A_137 = arith.constant 0 : index
    %swap3A_138 = tpu.vector_load %arg7[%swap3A_136, %swap3A_137] {strides = array<i32>} : memref<2x80xi32, #tpu.memory_space<vmem>>, vector<1x16xi32>,
    %swap3A_139 = vector.shape_cast %swap3A_138 : vector<1x16xi32> to vector<16xi32>
    %swap3A_140 = vector.shape_cast %and3A_134 : vector<16xi32> to vector<1x16xi32>
    tpu.vector_store %arg7[%swap3A_136, %swap3A_137], %swap3A_140 {strides = array<i32>} : memref<2x80xi32, #tpu.memory_space<vmem>>, vector<1x16xi32>,
    %shift_right_logical3A_141 = arith.constant 16 : i32
    %shift_right_logical3A_142 = vector.broadcast %shift_right_logical3A_141 : i32 to vector<16xi32>
    %shift_right_logical3A_143 = arith.shrui %get3A_131, %shift_right_logical3A_142 : vector<16xi32>
    %swap3A_144 = arith.constant 1 : i32
    %swap3A_145 = arith.index_cast %swap3A_144 : i32 to index
    %swap3A_146 = arith.constant 0 : index
    %swap3A_147 = tpu.vector_load %arg8[%swap3A_145, %swap3A_146] {strides = array<i32>} : memref<2x80xi32, #tpu.memory_space<vmem>>, vector<1x16xi32>,
    %swap3A_148 = vector.shape_cast %swap3A_147 : vector<1x16xi32> to vector<16xi32>
    %swap3A_149 = vector.shape_cast %shift_right_logical3A_143 : vector<16xi32> to vector<1x16xi32>
    tpu.vector_store %arg8[%swap3A_145, %swap3A_146], %swap3A_149 {strides = array<i32>} : memref<2x80xi32, #tpu.memory_space<vmem>>, vector<1x16xi32>,
    %get3A_150 = arith.constant 1 : i32
    %get3A_151 = arith.index_cast %get3A_150 : i32 to index
    %get3A_152 = arith.constant 16 : index
    %get3A_153 = tpu.vector_load %arg6[%get3A_151, %get3A_152] {strides = array<i32>} : memref<125x80xi32, #tpu.memory_space<vmem>>, vector<1x16xi32>,
    %get3A_154 = vector.shape_cast %get3A_153 : vector<1x16xi32> to vector<16xi32>
    %and3A_155 = arith.constant 65535 : i32
    %and3A_156 = vector.broadcast %and3A_155 : i32 to vector<16xi32>
    %and3A_157 = arith.andi %get3A_154, %and3A_156 : vector<16xi32>
    %swap3A_158 = arith.constant 1 : i32
    %swap3A_159 = arith.index_cast %swap3A_158 : i32 to index
    %swap3A_160 = arith.constant 16 : index
    %swap3A_161 = tpu.vector_load %arg7[%swap3A_159, %swap3A_160] {strides = array<i32>} : memref<2x80xi32, #tpu.memory_space<vmem>>, vector<1x16xi32>,
    %swap3A_162 = vector.shape_cast %swap3A_161 : vector<1x16xi32> to vector<16xi32>
    %swap3A_163 = vector.shape_cast %and3A_157 : vector<16xi32> to vector<1x16xi32>
    tpu.vector_store %arg7[%swap3A_159, %swap3A_160], %swap3A_163 {strides = array<i32>} : memref<2x80xi32, #tpu.memory_space<vmem>>, vector<1x16xi32>,
    %shift_right_logical3A_164 = arith.constant 16 : i32
    %shift_right_logical3A_165 = vector.broadcast %shift_right_logical3A_164 : i32 to vector<16xi32>
    %shift_right_logical3A_166 = arith.shrui %get3A_154, %shift_right_logical3A_165 : vector<16xi32>
    %swap3A_167 = arith.constant 1 : i32
    %swap3A_168 = arith.index_cast %swap3A_167 : i32 to index
    %swap3A_169 = arith.constant 16 : index
    %swap3A_170 = tpu.vector_load %arg8[%swap3A_168, %swap3A_169] {strides = array<i32>} : memref<2x80xi32, #tpu.memory_space<vmem>>, vector<1x16xi32>,
    %swap3A_171 = vector.shape_cast %swap3A_170 : vector<1x16xi32> to vector<16xi32>
    %swap3A_172 = vector.shape_cast %shift_right_logical3A_166 : vector<16xi32> to vector<1x16xi32>
    tpu.vector_store %arg8[%swap3A_168, %swap3A_169], %swap3A_172 {strides = array<i32>} : memref<2x80xi32, #tpu.memory_space<vmem>>, vector<1x16xi32>,
    %get3A_173 = arith.constant 1 : i32
    %get3A_174 = arith.index_cast %get3A_173 : i32 to index
    %get3A_175 = arith.constant 32 : index
    %get3A_176 = tpu.vector_load %arg6[%get3A_174, %get3A_175] {strides = array<i32>} : memref<125x80xi32, #tpu.memory_space<vmem>>, vector<1x16xi32>,
    %get3A_177 = vector.shape_cast %get3A_176 : vector<1x16xi32> to vector<16xi32>
    %and3A_178 = arith.constant 65535 : i32
    %and3A_179 = vector.broadcast %and3A_178 : i32 to vector<16xi32>
    %and3A_180 = arith.andi %get3A_177, %and3A_179 : vector<16xi32>
    %swap3A_181 = arith.constant 1 : i32
    %swap3A_182 = arith.index_cast %swap3A_181 : i32 to index
    %swap3A_183 = arith.constant 32 : index
    %swap3A_184 = tpu.vector_load %arg7[%swap3A_182, %swap3A_183] {strides = array<i32>} : memref<2x80xi32, #tpu.memory_space<vmem>>, vector<1x16xi32>,
    %swap3A_185 = vector.shape_cast %swap3A_184 : vector<1x16xi32> to vector<16xi32>
    %swap3A_186 = vector.shape_cast %and3A_180 : vector<16xi32> to vector<1x16xi32>
    tpu.vector_store %arg7[%swap3A_182, %swap3A_183], %swap3A_186 {strides = array<i32>} : memref<2x80xi32, #tpu.memory_space<vmem>>, vector<1x16xi32>,
    %shift_right_logical3A_187 = arith.constant 16 : i32
    %shift_right_logical3A_188 = vector.broadcast %shift_right_logical3A_187 : i32 to vector<16xi32>
    %shift_right_logical3A_189 = arith.shrui %get3A_177, %shift_right_logical3A_188 : vector<16xi32>
    %swap3A_190 = arith.constant 1 : i32
    %swap3A_191 = arith.index_cast %swap3A_190 : i32 to index
    %swap3A_192 = arith.constant 32 : index
    %swap3A_193 = tpu.vector_load %arg8[%swap3A_191, %swap3A_192] {strides = array<i32>} : memref<2x80xi32, #tpu.memory_space<vmem>>, vector<1x16xi32>,
    %swap3A_194 = vector.shape_cast %swap3A_193 : vector<1x16xi32> to vector<16xi32>
    %swap3A_195 = vector.shape_cast %shift_right_logical3A_189 : vector<16xi32> to vector<1x16xi32>
    tpu.vector_store %arg8[%swap3A_191, %swap3A_192], %swap3A_195 {strides = array<i32>} : memref<2x80xi32, #tpu.memory_space<vmem>>, vector<1x16xi32>,
    %get3A_196 = arith.constant 1 : i32
    %get3A_197 = arith.index_cast %get3A_196 : i32 to index
    %get3A_198 = arith.constant 48 : index
    %get3A_199 = tpu.vector_load %arg6[%get3A_197, %get3A_198] {strides = array<i32>} : memref<125x80xi32, #tpu.memory_space<vmem>>, vector<1x16xi32>,
    %get3A_200 = vector.shape_cast %get3A_199 : vector<1x16xi32> to vector<16xi32>
    %and3A_201 = arith.constant 65535 : i32
    %and3A_202 = vector.broadcast %and3A_201 : i32 to vector<16xi32>
    %and3A_203 = arith.andi %get3A_200, %and3A_202 : vector<16xi32>
    %swap3A_204 = arith.constant 1 : i32
    %swap3A_205 = arith.index_cast %swap3A_204 : i32 to index
    %swap3A_206 = arith.constant 48 : index
    %swap3A_207 = tpu.vector_load %arg7[%swap3A_205, %swap3A_206] {strides = array<i32>} : memref<2x80xi32, #tpu.memory_space<vmem>>, vector<1x16xi32>,
    %swap3A_208 = vector.shape_cast %swap3A_207 : vector<1x16xi32> to vector<16xi32>
    %swap3A_209 = vector.shape_cast %and3A_203 : vector<16xi32> to vector<1x16xi32>
    tpu.vector_store %arg7[%swap3A_205, %swap3A_206], %swap3A_209 {strides = array<i32>} : memref<2x80xi32, #tpu.memory_space<vmem>>, vector<1x16xi32>,
    %shift_right_logical3A_210 = arith.constant 16 : i32
    %shift_right_logical3A_211 = vector.broadcast %shift_right_logical3A_210 : i32 to vector<16xi32>
    %shift_right_logical3A_212 = arith.shrui %get3A_200, %shift_right_logical3A_211 : vector<16xi32>
    %swap3A_213 = arith.constant 1 : i32
    %swap3A_214 = arith.index_cast %swap3A_213 : i32 to index
    %swap3A_215 = arith.constant 48 : index
    %swap3A_216 = tpu.vector_load %arg8[%swap3A_214, %swap3A_215] {strides = array<i32>} : memref<2x80xi32, #tpu.memory_space<vmem>>, vector<1x16xi32>,
    %swap3A_217 = vector.shape_cast %swap3A_216 : vector<1x16xi32> to vector<16xi32>
    %swap3A_218 = vector.shape_cast %shift_right_logical3A_212 : vector<16xi32> to vector<1x16xi32>
    tpu.vector_store %arg8[%swap3A_214, %swap3A_215], %swap3A_218 {strides = array<i32>} : memref<2x80xi32, #tpu.memory_space<vmem>>, vector<1x16xi32>,
    %get3A_219 = arith.constant 1 : i32
    %get3A_220 = arith.index_cast %get3A_219 : i32 to index
    %get3A_221 = arith.constant 64 : index
    %get3A_222 = tpu.vector_load %arg6[%get3A_220, %get3A_221] {strides = array<i32>} : memref<125x80xi32, #tpu.memory_space<vmem>>, vector<1x16xi32>,
    %get3A_223 = vector.shape_cast %get3A_222 : vector<1x16xi32> to vector<16xi32>
    %and3A_224 = arith.constant 65535 : i32
    %and3A_225 = vector.broadcast %and3A_224 : i32 to vector<16xi32>
    %and3A_226 = arith.andi %get3A_223, %and3A_225 : vector<16xi32>
    %swap3A_227 = arith.constant 1 : i32
    %swap3A_228 = arith.index_cast %swap3A_227 : i32 to index
    %swap3A_229 = arith.constant 64 : index
    %swap3A_230 = tpu.vector_load %arg7[%swap3A_228, %swap3A_229] {strides = array<i32>} : memref<2x80xi32, #tpu.memory_space<vmem>>, vector<1x16xi32>,
    %swap3A_231 = vector.shape_cast %swap3A_230 : vector<1x16xi32> to vector<16xi32>
    %swap3A_232 = vector.shape_cast %and3A_226 : vector<16xi32> to vector<1x16xi32>
    tpu.vector_store %arg7[%swap3A_228, %swap3A_229], %swap3A_232 {strides = array<i32>} : memref<2x80xi32, #tpu.memory_space<vmem>>, vector<1x16xi32>,
    %shift_right_logical3A_233 = arith.constant 16 : i32
    %shift_right_logical3A_234 = vector.broadcast %shift_right_logical3A_233 : i32 to vector<16xi32>
    %shift_right_logical3A_235 = arith.shrui %get3A_223, %shift_right_logical3A_234 : vector<16xi32>
    %swap3A_236 = arith.constant 1 : i32
    %swap3A_237 = arith.index_cast %swap3A_236 : i32 to index
    %swap3A_238 = arith.constant 64 : index
    %swap3A_239 = tpu.vector_load %arg8[%swap3A_237, %swap3A_238] {strides = array<i32>} : memref<2x80xi32, #tpu.memory_space<vmem>>, vector<1x16xi32>,
    %swap3A_240 = vector.shape_cast %swap3A_239 : vector<1x16xi32> to vector<16xi32>
    %swap3A_241 = vector.shape_cast %shift_right_logical3A_235 : vector<16xi32> to vector<1x16xi32>
    tpu.vector_store %arg8[%swap3A_237, %swap3A_238], %swap3A_241 {strides = array<i32>} : memref<2x80xi32, #tpu.memory_space<vmem>>, vector<1x16xi32>,
    %dma_start3A_242 = arith.constant 1 : i32
    %dma_start3A_243 = arith.constant 1 : i32
    %dma_start3A_244 = arith.constant 0 : i32
    %dma_start3A_245 = arith.constant 0 : i32
    %dma_start3A_246 = tpu.memref_slice %arg9[%dma_start3A_243, %dma_start3A_244, %dma_start3A_245] : memref<2x80x128xf32, #tpu.memory_space<vmem>> -> memref<1x80x128xf32, #tpu.memory_space<vmem>>
    %dma_start3A_247 = tpu.memref_squeeze %dma_start3A_246 : memref<1x80x128xf32, #tpu.memory_space<vmem>> -> memref<80x128xf32, #tpu.memory_space<vmem>>
    %dma_start3A_248 = arith.constant 0 : i32
    %dma_start3A_249 = tpu.memref_slice %arg7[%dma_start3A_242, %dma_start3A_248] : memref<2x80xi32, #tpu.memory_space<vmem>> -> memref<1x80xi32, #tpu.memory_space<vmem>>
    %dma_start3A_250 = tpu.memref_squeeze %dma_start3A_249 : memref<1x80xi32, #tpu.memory_space<vmem>> -> memref<80xi32, #tpu.memory_space<vmem>>
    %dma_start3A_251 = arith.constant 0 : i32
    %dma_start3A_252 = arith.constant 0 : i32
    %dma_start3A_253 = tpu.memref_slice %arg2[%dma_start3A_251, %dma_start3A_252] : memref<10112x128xf32, #tpu.memory_space<hbm>> -> memref<10112x128xf32, #tpu.memory_space<hbm>>
    tpu.enqueue_indirect_dma source(%dma_start3A_253 : memref<10112x128xf32, #tpu.memory_space<hbm>>) target(%dma_start3A_247 : memref<80x128xf32, #tpu.memory_space<vmem>>) offsets(%dma_start3A_250 : memref<80xi32, #tpu.memory_space<vmem>>) semaphore(%arg12 : memref<!tpu.dma_semaphore, #tpu.memory_space<semaphore_mem>>)
    %scan3A = arith.constant 0 : i32
    %scan3A_254 = arith.constant 0 : i32
    %scan3A_255 = arith.constant 62 : i32
    %scan3A_256 = arith.addi %scan3A_254, %scan3A_255 : i32
    %scan3A_257 = arith.constant 1 : i32
    scf.for %scan3A_276 = %scan3A_254 to %scan3A_256 step %scan3A_257  : i32 {
      %mul3A_277 = arith.constant 2 : i32
      %mul3A_278 = arith.muli %mul3A_277, %scan3A_276 : i32
      %add3A_279 = arith.constant 0 : i32
      %add3A_280 = arith.addi %mul3A_278, %add3A_279 : i32
      %dma_wait3A_281 = arith.constant 0 : i32
      %dma_wait3A_282 = arith.constant 0 : i32
      %dma_wait3A_283 = arith.constant 0 : i32
      %dma_wait3A_284 = arith.constant 0 : i32
      %dma_wait3A_285 = tpu.memref_slice %arg9[%dma_wait3A_282, %dma_wait3A_283, %dma_wait3A_284] : memref<2x80x128xf32, #tpu.memory_space<vmem>> -> memref<1x80x128xf32, #tpu.memory_space<vmem>>
      %dma_wait3A_286 = tpu.memref_squeeze %dma_wait3A_285 : memref<1x80x128xf32, #tpu.memory_space<vmem>> -> memref<80x128xf32, #tpu.memory_space<vmem>>
      %dma_wait3A_287 = arith.constant 0 : i32
      %dma_wait3A_288 = tpu.memref_slice %arg7[%dma_wait3A_281, %dma_wait3A_287] : memref<2x80xi32, #tpu.memory_space<vmem>> -> memref<1x80xi32, #tpu.memory_space<vmem>>
      %dma_wait3A_289 = tpu.memref_squeeze %dma_wait3A_288 : memref<1x80xi32, #tpu.memory_space<vmem>> -> memref<80xi32, #tpu.memory_space<vmem>>
      %dma_wait3A_290 = arith.constant 0 : i32
      %dma_wait3A_291 = arith.constant 0 : i32
      %dma_wait3A_292 = tpu.memref_slice %arg2[%dma_wait3A_290, %dma_wait3A_291] : memref<10112x128xf32, #tpu.memory_space<hbm>> -> memref<10112x128xf32, #tpu.memory_space<hbm>>
      tpu.wait_indirect_dma semaphore(%arg11 : memref<!tpu.dma_semaphore, #tpu.memory_space<semaphore_mem>>) src(%dma_wait3A_292 : memref<10112x128xf32, #tpu.memory_space<hbm>>) dst(%dma_wait3A_286 : memref<80x128xf32, #tpu.memory_space<vmem>>)
      %run_scoped3A_293 = arith.constant 0 : i32
      %run_scoped3A_294 = arith.constant 0 : i32
      "tpu.region"() ({
        %run_scoped3A_324 = tpu.sem_alloc : memref<!tpu.dma_semaphore, #tpu.memory_space<semaphore_mem>>
        %dma_start3A_325 = arith.constant 0 : i32
        %dma_start3A_326 = arith.constant 0 : i32
        %dma_start3A_327 = tpu.memref_slice %arg9[%run_scoped3A_293, %dma_start3A_325, %dma_start3A_326] : memref<2x80x128xf32, #tpu.memory_space<vmem>> -> memref<1x80x128xf32, #tpu.memory_space<vmem>>
        %dma_start3A_328 = tpu.memref_squeeze %dma_start3A_327 : memref<1x80x128xf32, #tpu.memory_space<vmem>> -> memref<80x128xf32, #tpu.memory_space<vmem>>
        %dma_start3A_329 = arith.constant 0 : i32
        %dma_start3A_330 = tpu.memref_slice %arg8[%run_scoped3A_294, %dma_start3A_329] : memref<2x80xi32, #tpu.memory_space<vmem>> -> memref<1x80xi32, #tpu.memory_space<vmem>>
        %dma_start3A_331 = tpu.memref_squeeze %dma_start3A_330 : memref<1x80xi32, #tpu.memory_space<vmem>> -> memref<80xi32, #tpu.memory_space<vmem>>
        %dma_start3A_332 = arith.constant 0 : i32
        %dma_start3A_333 = arith.constant 0 : i32
        %dma_start3A_334 = tpu.memref_slice %arg10[%dma_start3A_332, %dma_start3A_333] : memref<10112x128xf32, #tpu.memory_space<vmem_shared>> -> memref<10112x128xf32, #tpu.memory_space<vmem_shared>>
        tpu.enqueue_indirect_dma source(%dma_start3A_328 : memref<80x128xf32, #tpu.memory_space<vmem>>) target(%dma_start3A_334 : memref<10112x128xf32, #tpu.memory_space<vmem_shared>>) offsets(%dma_start3A_331 : memref<80xi32, #tpu.memory_space<vmem>>) semaphore(%run_scoped3A_324 : memref<!tpu.dma_semaphore, #tpu.memory_space<semaphore_mem>>) {add = true}
        %dma_wait3A_335 = arith.constant 0 : i32
        %dma_wait3A_336 = arith.constant 0 : i32
        %dma_wait3A_337 = tpu.memref_slice %arg9[%run_scoped3A_293, %dma_wait3A_335, %dma_wait3A_336] : memref<2x80x128xf32, #tpu.memory_space<vmem>> -> memref<1x80x128xf32, #tpu.memory_space<vmem>>
        %dma_wait3A_338 = tpu.memref_squeeze %dma_wait3A_337 : memref<1x80x128xf32, #tpu.memory_space<vmem>> -> memref<80x128xf32, #tpu.memory_space<vmem>>
        %dma_wait3A_339 = arith.constant 0 : i32
        %dma_wait3A_340 = tpu.memref_slice %arg8[%run_scoped3A_294, %dma_wait3A_339] : memref<2x80xi32, #tpu.memory_space<vmem>> -> memref<1x80xi32, #tpu.memory_space<vmem>>
        %dma_wait3A_341 = tpu.memref_squeeze %dma_wait3A_340 : memref<1x80xi32, #tpu.memory_space<vmem>> -> memref<80xi32, #tpu.memory_space<vmem>>
        %dma_wait3A_342 = arith.constant 0 : i32
        %dma_wait3A_343 = arith.constant 0 : i32
        %dma_wait3A_344 = tpu.memref_slice %arg10[%dma_wait3A_342, %dma_wait3A_343] : memref<10112x128xf32, #tpu.memory_space<vmem_shared>> -> memref<10112x128xf32, #tpu.memory_space<vmem_shared>>
        tpu.wait_indirect_dma semaphore(%run_scoped3A_324 : memref<!tpu.dma_semaphore, #tpu.memory_space<semaphore_mem>>) src(%dma_wait3A_338 : memref<80x128xf32, #tpu.memory_space<vmem>>) dst(%dma_wait3A_344 : memref<10112x128xf32, #tpu.memory_space<vmem_shared>>)
        tpu.yield
      }) : () -> ()
      %add3A_295 = arith.constant 2 : i32
      %add3A_296 = arith.addi %add3A_280, %add3A_295 : i32
      %lt3A = arith.constant 125 : i32
      %lt3A_297 = arith.cmpi slt, %add3A_296, %lt3A : i32
      %convert_element_type3A = arith.extui %lt3A_297 : i1 to i32
      %cond3A = arith.constant 0 : i32
      %cond3A_298 = arith.cmpi ne, %convert_element_type3A, %cond3A : i32
      scf.if %cond3A_298 {
        %get3A_324 = arith.index_cast %add3A_296 : i32 to index
        %get3A_325 = arith.constant 0 : index
        %get3A_326 = tpu.vector_load %arg6[%get3A_324, %get3A_325] {strides = array<i32>} : memref<125x80xi32, #tpu.memory_space<vmem>>, vector<1x16xi32>,
        %get3A_327 = vector.shape_cast %get3A_326 : vector<1x16xi32> to vector<16xi32>
        %and3A_328 = arith.constant 65535 : i32
        %and3A_329 = vector.broadcast %and3A_328 : i32 to vector<16xi32>
        %and3A_330 = arith.andi %get3A_327, %and3A_329 : vector<16xi32>
        %swap3A_331 = arith.constant 0 : i32
        %swap3A_332 = arith.index_cast %swap3A_331 : i32 to index
        %swap3A_333 = arith.constant 0 : index
        %swap3A_334 = tpu.vector_load %arg7[%swap3A_332, %swap3A_333] {strides = array<i32>} : memref<2x80xi32, #tpu.memory_space<vmem>>, vector<1x16xi32>,
        %swap3A_335 = vector.shape_cast %swap3A_334 : vector<1x16xi32> to vector<16xi32>
        %swap3A_336 = vector.shape_cast %and3A_330 : vector<16xi32> to vector<1x16xi32>
        tpu.vector_store %arg7[%swap3A_332, %swap3A_333], %swap3A_336 {strides = array<i32>} : memref<2x80xi32, #tpu.memory_space<vmem>>, vector<1x16xi32>,
        %shift_right_logical3A_337 = arith.constant 16 : i32
        %shift_right_logical3A_338 = vector.broadcast %shift_right_logical3A_337 : i32 to vector<16xi32>
        %shift_right_logical3A_339 = arith.shrui %get3A_327, %shift_right_logical3A_338 : vector<16xi32>
        %swap3A_340 = arith.constant 0 : i32
        %swap3A_341 = arith.index_cast %swap3A_340 : i32 to index
        %swap3A_342 = arith.constant 0 : index
        %swap3A_343 = tpu.vector_load %arg8[%swap3A_341, %swap3A_342] {strides = array<i32>} : memref<2x80xi32, #tpu.memory_space<vmem>>, vector<1x16xi32>,
        %swap3A_344 = vector.shape_cast %swap3A_343 : vector<1x16xi32> to vector<16xi32>
        %swap3A_345 = vector.shape_cast %shift_right_logical3A_339 : vector<16xi32> to vector<1x16xi32>
        tpu.vector_store %arg8[%swap3A_341, %swap3A_342], %swap3A_345 {strides = array<i32>} : memref<2x80xi32, #tpu.memory_space<vmem>>, vector<1x16xi32>,
        %get3A_346 = arith.index_cast %add3A_296 : i32 to index
        %get3A_347 = arith.constant 16 : index
        %get3A_348 = tpu.vector_load %arg6[%get3A_346, %get3A_347] {strides = array<i32>} : memref<125x80xi32, #tpu.memory_space<vmem>>, vector<1x16xi32>,
        %get3A_349 = vector.shape_cast %get3A_348 : vector<1x16xi32> to vector<16xi32>
        %and3A_350 = arith.constant 65535 : i32
        %and3A_351 = vector.broadcast %and3A_350 : i32 to vector<16xi32>
        %and3A_352 = arith.andi %get3A_349, %and3A_351 : vector<16xi32>
        %swap3A_353 = arith.constant 0 : i32
        %swap3A_354 = arith.index_cast %swap3A_353 : i32 to index
        %swap3A_355 = arith.constant 16 : index
        %swap3A_356 = tpu.vector_load %arg7[%swap3A_354, %swap3A_355] {strides = array<i32>} : memref<2x80xi32, #tpu.memory_space<vmem>>, vector<1x16xi32>,
        %swap3A_357 = vector.shape_cast %swap3A_356 : vector<1x16xi32> to vector<16xi32>
        %swap3A_358 = vector.shape_cast %and3A_352 : vector<16xi32> to vector<1x16xi32>
        tpu.vector_store %arg7[%swap3A_354, %swap3A_355], %swap3A_358 {strides = array<i32>} : memref<2x80xi32, #tpu.memory_space<vmem>>, vector<1x16xi32>,
        %shift_right_logical3A_359 = arith.constant 16 : i32
        %shift_right_logical3A_360 = vector.broadcast %shift_right_logical3A_359 : i32 to vector<16xi32>
        %shift_right_logical3A_361 = arith.shrui %get3A_349, %shift_right_logical3A_360 : vector<16xi32>
        %swap3A_362 = arith.constant 0 : i32
        %swap3A_363 = arith.index_cast %swap3A_362 : i32 to index
        %swap3A_364 = arith.constant 16 : index
        %swap3A_365 = tpu.vector_load %arg8[%swap3A_363, %swap3A_364] {strides = array<i32>} : memref<2x80xi32, #tpu.memory_space<vmem>>, vector<1x16xi32>,
        %swap3A_366 = vector.shape_cast %swap3A_365 : vector<1x16xi32> to vector<16xi32>
        %swap3A_367 = vector.shape_cast %shift_right_logical3A_361 : vector<16xi32> to vector<1x16xi32>
        tpu.vector_store %arg8[%swap3A_363, %swap3A_364], %swap3A_367 {strides = array<i32>} : memref<2x80xi32, #tpu.memory_space<vmem>>, vector<1x16xi32>,
        %get3A_368 = arith.index_cast %add3A_296 : i32 to index
        %get3A_369 = arith.constant 32 : index
        %get3A_370 = tpu.vector_load %arg6[%get3A_368, %get3A_369] {strides = array<i32>} : memref<125x80xi32, #tpu.memory_space<vmem>>, vector<1x16xi32>,
        %get3A_371 = vector.shape_cast %get3A_370 : vector<1x16xi32> to vector<16xi32>
        %and3A_372 = arith.constant 65535 : i32
        %and3A_373 = vector.broadcast %and3A_372 : i32 to vector<16xi32>
        %and3A_374 = arith.andi %get3A_371, %and3A_373 : vector<16xi32>
        %swap3A_375 = arith.constant 0 : i32
        %swap3A_376 = arith.index_cast %swap3A_375 : i32 to index
        %swap3A_377 = arith.constant 32 : index
        %swap3A_378 = tpu.vector_load %arg7[%swap3A_376, %swap3A_377] {strides = array<i32>} : memref<2x80xi32, #tpu.memory_space<vmem>>, vector<1x16xi32>,
        %swap3A_379 = vector.shape_cast %swap3A_378 : vector<1x16xi32> to vector<16xi32>
        %swap3A_380 = vector.shape_cast %and3A_374 : vector<16xi32> to vector<1x16xi32>
        tpu.vector_store %arg7[%swap3A_376, %swap3A_377], %swap3A_380 {strides = array<i32>} : memref<2x80xi32, #tpu.memory_space<vmem>>, vector<1x16xi32>,
        %shift_right_logical3A_381 = arith.constant 16 : i32
        %shift_right_logical3A_382 = vector.broadcast %shift_right_logical3A_381 : i32 to vector<16xi32>
        %shift_right_logical3A_383 = arith.shrui %get3A_371, %shift_right_logical3A_382 : vector<16xi32>
        %swap3A_384 = arith.constant 0 : i32
        %swap3A_385 = arith.index_cast %swap3A_384 : i32 to index
        %swap3A_386 = arith.constant 32 : index
        %swap3A_387 = tpu.vector_load %arg8[%swap3A_385, %swap3A_386] {strides = array<i32>} : memref<2x80xi32, #tpu.memory_space<vmem>>, vector<1x16xi32>,
        %swap3A_388 = vector.shape_cast %swap3A_387 : vector<1x16xi32> to vector<16xi32>
        %swap3A_389 = vector.shape_cast %shift_right_logical3A_383 : vector<16xi32> to vector<1x16xi32>
        tpu.vector_store %arg8[%swap3A_385, %swap3A_386], %swap3A_389 {strides = array<i32>} : memref<2x80xi32, #tpu.memory_space<vmem>>, vector<1x16xi32>,
        %get3A_390 = arith.index_cast %add3A_296 : i32 to index
        %get3A_391 = arith.constant 48 : index
        %get3A_392 = tpu.vector_load %arg6[%get3A_390, %get3A_391] {strides = array<i32>} : memref<125x80xi32, #tpu.memory_space<vmem>>, vector<1x16xi32>,
        %get3A_393 = vector.shape_cast %get3A_392 : vector<1x16xi32> to vector<16xi32>
        %and3A_394 = arith.constant 65535 : i32
        %and3A_395 = vector.broadcast %and3A_394 : i32 to vector<16xi32>
        %and3A_396 = arith.andi %get3A_393, %and3A_395 : vector<16xi32>
        %swap3A_397 = arith.constant 0 : i32
        %swap3A_398 = arith.index_cast %swap3A_397 : i32 to index
        %swap3A_399 = arith.constant 48 : index
        %swap3A_400 = tpu.vector_load %arg7[%swap3A_398, %swap3A_399] {strides = array<i32>} : memref<2x80xi32, #tpu.memory_space<vmem>>, vector<1x16xi32>,
        %swap3A_401 = vector.shape_cast %swap3A_400 : vector<1x16xi32> to vector<16xi32>
        %swap3A_402 = vector.shape_cast %and3A_396 : vector<16xi32> to vector<1x16xi32>
        tpu.vector_store %arg7[%swap3A_398, %swap3A_399], %swap3A_402 {strides = array<i32>} : memref<2x80xi32, #tpu.memory_space<vmem>>, vector<1x16xi32>,
        %shift_right_logical3A_403 = arith.constant 16 : i32
        %shift_right_logical3A_404 = vector.broadcast %shift_right_logical3A_403 : i32 to vector<16xi32>
        %shift_right_logical3A_405 = arith.shrui %get3A_393, %shift_right_logical3A_404 : vector<16xi32>
        %swap3A_406 = arith.constant 0 : i32
        %swap3A_407 = arith.index_cast %swap3A_406 : i32 to index
        %swap3A_408 = arith.constant 48 : index
        %swap3A_409 = tpu.vector_load %arg8[%swap3A_407, %swap3A_408] {strides = array<i32>} : memref<2x80xi32, #tpu.memory_space<vmem>>, vector<1x16xi32>,
        %swap3A_410 = vector.shape_cast %swap3A_409 : vector<1x16xi32> to vector<16xi32>
        %swap3A_411 = vector.shape_cast %shift_right_logical3A_405 : vector<16xi32> to vector<1x16xi32>
        tpu.vector_store %arg8[%swap3A_407, %swap3A_408], %swap3A_411 {strides = array<i32>} : memref<2x80xi32, #tpu.memory_space<vmem>>, vector<1x16xi32>,
        %get3A_412 = arith.index_cast %add3A_296 : i32 to index
        %get3A_413 = arith.constant 64 : index
        %get3A_414 = tpu.vector_load %arg6[%get3A_412, %get3A_413] {strides = array<i32>} : memref<125x80xi32, #tpu.memory_space<vmem>>, vector<1x16xi32>,
        %get3A_415 = vector.shape_cast %get3A_414 : vector<1x16xi32> to vector<16xi32>
        %and3A_416 = arith.constant 65535 : i32
        %and3A_417 = vector.broadcast %and3A_416 : i32 to vector<16xi32>
        %and3A_418 = arith.andi %get3A_415, %and3A_417 : vector<16xi32>
        %swap3A_419 = arith.constant 0 : i32
        %swap3A_420 = arith.index_cast %swap3A_419 : i32 to index
        %swap3A_421 = arith.constant 64 : index
        %swap3A_422 = tpu.vector_load %arg7[%swap3A_420, %swap3A_421] {strides = array<i32>} : memref<2x80xi32, #tpu.memory_space<vmem>>, vector<1x16xi32>,
        %swap3A_423 = vector.shape_cast %swap3A_422 : vector<1x16xi32> to vector<16xi32>
        %swap3A_424 = vector.shape_cast %and3A_418 : vector<16xi32> to vector<1x16xi32>
        tpu.vector_store %arg7[%swap3A_420, %swap3A_421], %swap3A_424 {strides = array<i32>} : memref<2x80xi32, #tpu.memory_space<vmem>>, vector<1x16xi32>,
        %shift_right_logical3A_425 = arith.constant 16 : i32
        %shift_right_logical3A_426 = vector.broadcast %shift_right_logical3A_425 : i32 to vector<16xi32>
        %shift_right_logical3A_427 = arith.shrui %get3A_415, %shift_right_logical3A_426 : vector<16xi32>
        %swap3A_428 = arith.constant 0 : i32
        %swap3A_429 = arith.index_cast %swap3A_428 : i32 to index
        %swap3A_430 = arith.constant 64 : index
        %swap3A_431 = tpu.vector_load %arg8[%swap3A_429, %swap3A_430] {strides = array<i32>} : memref<2x80xi32, #tpu.memory_space<vmem>>, vector<1x16xi32>,
        %swap3A_432 = vector.shape_cast %swap3A_431 : vector<1x16xi32> to vector<16xi32>
        %swap3A_433 = vector.shape_cast %shift_right_logical3A_427 : vector<16xi32> to vector<1x16xi32>
        tpu.vector_store %arg8[%swap3A_429, %swap3A_430], %swap3A_433 {strides = array<i32>} : memref<2x80xi32, #tpu.memory_space<vmem>>, vector<1x16xi32>,
        %dma_start3A_434 = arith.constant 0 : i32
        %dma_start3A_435 = arith.constant 0 : i32
        %dma_start3A_436 = arith.constant 0 : i32
        %dma_start3A_437 = arith.constant 0 : i32
        %dma_start3A_438 = tpu.memref_slice %arg9[%dma_start3A_435, %dma_start3A_436, %dma_start3A_437] : memref<2x80x128xf32, #tpu.memory_space<vmem>> -> memref<1x80x128xf32, #tpu.memory_space<vmem>>
        %dma_start3A_439 = tpu.memref_squeeze %dma_start3A_438 : memref<1x80x128xf32, #tpu.memory_space<vmem>> -> memref<80x128xf32, #tpu.memory_space<vmem>>
        %dma_start3A_440 = arith.constant 0 : i32
        %dma_start3A_441 = tpu.memref_slice %arg7[%dma_start3A_434, %dma_start3A_440] : memref<2x80xi32, #tpu.memory_space<vmem>> -> memref<1x80xi32, #tpu.memory_space<vmem>>
        %dma_start3A_442 = tpu.memref_squeeze %dma_start3A_441 : memref<1x80xi32, #tpu.memory_space<vmem>> -> memref<80xi32, #tpu.memory_space<vmem>>
        %dma_start3A_443 = arith.constant 0 : i32
        %dma_start3A_444 = arith.constant 0 : i32
        %dma_start3A_445 = tpu.memref_slice %arg2[%dma_start3A_443, %dma_start3A_444] : memref<10112x128xf32, #tpu.memory_space<hbm>> -> memref<10112x128xf32, #tpu.memory_space<hbm>>
        tpu.enqueue_indirect_dma source(%dma_start3A_445 : memref<10112x128xf32, #tpu.memory_space<hbm>>) target(%dma_start3A_439 : memref<80x128xf32, #tpu.memory_space<vmem>>) offsets(%dma_start3A_442 : memref<80xi32, #tpu.memory_space<vmem>>) semaphore(%arg11 : memref<!tpu.dma_semaphore, #tpu.memory_space<semaphore_mem>>)
      } else {
      }
      %mul3A_299 = arith.constant 2 : i32
      %mul3A_300 = arith.muli %mul3A_299, %scan3A_276 : i32
      %add3A_301 = arith.constant 1 : i32
      %add3A_302 = arith.addi %mul3A_300, %add3A_301 : i32
      %dma_wait3A_303 = arith.constant 1 : i32
      %dma_wait3A_304 = arith.constant 1 : i32
      %dma_wait3A_305 = arith.constant 0 : i32
      %dma_wait3A_306 = arith.constant 0 : i32
      %dma_wait3A_307 = tpu.memref_slice %arg9[%dma_wait3A_304, %dma_wait3A_305, %dma_wait3A_306] : memref<2x80x128xf32, #tpu.memory_space<vmem>> -> memref<1x80x128xf32, #tpu.memory_space<vmem>>
      %dma_wait3A_308 = tpu.memref_squeeze %dma_wait3A_307 : memref<1x80x128xf32, #tpu.memory_space<vmem>> -> memref<80x128xf32, #tpu.memory_space<vmem>>
      %dma_wait3A_309 = arith.constant 0 : i32
      %dma_wait3A_310 = tpu.memref_slice %arg7[%dma_wait3A_303, %dma_wait3A_309] : memref<2x80xi32, #tpu.memory_space<vmem>> -> memref<1x80xi32, #tpu.memory_space<vmem>>
      %dma_wait3A_311 = tpu.memref_squeeze %dma_wait3A_310 : memref<1x80xi32, #tpu.memory_space<vmem>> -> memref<80xi32, #tpu.memory_space<vmem>>
      %dma_wait3A_312 = arith.constant 0 : i32
      %dma_wait3A_313 = arith.constant 0 : i32
      %dma_wait3A_314 = tpu.memref_slice %arg2[%dma_wait3A_312, %dma_wait3A_313] : memref<10112x128xf32, #tpu.memory_space<hbm>> -> memref<10112x128xf32, #tpu.memory_space<hbm>>
      tpu.wait_indirect_dma semaphore(%arg12 : memref<!tpu.dma_semaphore, #tpu.memory_space<semaphore_mem>>) src(%dma_wait3A_314 : memref<10112x128xf32, #tpu.memory_space<hbm>>) dst(%dma_wait3A_308 : memref<80x128xf32, #tpu.memory_space<vmem>>)
      %run_scoped3A_315 = arith.constant 1 : i32
      %run_scoped3A_316 = arith.constant 1 : i32
      "tpu.region"() ({
        %run_scoped3A_324 = tpu.sem_alloc : memref<!tpu.dma_semaphore, #tpu.memory_space<semaphore_mem>>
        %dma_start3A_325 = arith.constant 0 : i32
        %dma_start3A_326 = arith.constant 0 : i32
        %dma_start3A_327 = tpu.memref_slice %arg9[%run_scoped3A_315, %dma_start3A_325, %dma_start3A_326] : memref<2x80x128xf32, #tpu.memory_space<vmem>> -> memref<1x80x128xf32, #tpu.memory_space<vmem>>
        %dma_start3A_328 = tpu.memref_squeeze %dma_start3A_327 : memref<1x80x128xf32, #tpu.memory_space<vmem>> -> memref<80x128xf32, #tpu.memory_space<vmem>>
        %dma_start3A_329 = arith.constant 0 : i32
        %dma_start3A_330 = tpu.memref_slice %arg8[%run_scoped3A_316, %dma_start3A_329] : memref<2x80xi32, #tpu.memory_space<vmem>> -> memref<1x80xi32, #tpu.memory_space<vmem>>
        %dma_start3A_331 = tpu.memref_squeeze %dma_start3A_330 : memref<1x80xi32, #tpu.memory_space<vmem>> -> memref<80xi32, #tpu.memory_space<vmem>>
        %dma_start3A_332 = arith.constant 0 : i32
        %dma_start3A_333 = arith.constant 0 : i32
        %dma_start3A_334 = tpu.memref_slice %arg10[%dma_start3A_332, %dma_start3A_333] : memref<10112x128xf32, #tpu.memory_space<vmem_shared>> -> memref<10112x128xf32, #tpu.memory_space<vmem_shared>>
        tpu.enqueue_indirect_dma source(%dma_start3A_328 : memref<80x128xf32, #tpu.memory_space<vmem>>) target(%dma_start3A_334 : memref<10112x128xf32, #tpu.memory_space<vmem_shared>>) offsets(%dma_start3A_331 : memref<80xi32, #tpu.memory_space<vmem>>) semaphore(%run_scoped3A_324 : memref<!tpu.dma_semaphore, #tpu.memory_space<semaphore_mem>>) {add = true}
        %dma_wait3A_335 = arith.constant 0 : i32
        %dma_wait3A_336 = arith.constant 0 : i32
        %dma_wait3A_337 = tpu.memref_slice %arg9[%run_scoped3A_315, %dma_wait3A_335, %dma_wait3A_336] : memref<2x80x128xf32, #tpu.memory_space<vmem>> -> memref<1x80x128xf32, #tpu.memory_space<vmem>>
        %dma_wait3A_338 = tpu.memref_squeeze %dma_wait3A_337 : memref<1x80x128xf32, #tpu.memory_space<vmem>> -> memref<80x128xf32, #tpu.memory_space<vmem>>
        %dma_wait3A_339 = arith.constant 0 : i32
        %dma_wait3A_340 = tpu.memref_slice %arg8[%run_scoped3A_316, %dma_wait3A_339] : memref<2x80xi32, #tpu.memory_space<vmem>> -> memref<1x80xi32, #tpu.memory_space<vmem>>
        %dma_wait3A_341 = tpu.memref_squeeze %dma_wait3A_340 : memref<1x80xi32, #tpu.memory_space<vmem>> -> memref<80xi32, #tpu.memory_space<vmem>>
        %dma_wait3A_342 = arith.constant 0 : i32
        %dma_wait3A_343 = arith.constant 0 : i32
        %dma_wait3A_344 = tpu.memref_slice %arg10[%dma_wait3A_342, %dma_wait3A_343] : memref<10112x128xf32, #tpu.memory_space<vmem_shared>> -> memref<10112x128xf32, #tpu.memory_space<vmem_shared>>
        tpu.wait_indirect_dma semaphore(%run_scoped3A_324 : memref<!tpu.dma_semaphore, #tpu.memory_space<semaphore_mem>>) src(%dma_wait3A_338 : memref<80x128xf32, #tpu.memory_space<vmem>>) dst(%dma_wait3A_344 : memref<10112x128xf32, #tpu.memory_space<vmem_shared>>)
        tpu.yield
      }) : () -> ()
      %add3A_317 = arith.constant 2 : i32
      %add3A_318 = arith.addi %add3A_302, %add3A_317 : i32
      %lt3A_319 = arith.constant 125 : i32
      %lt3A_320 = arith.cmpi slt, %add3A_318, %lt3A_319 : i32
      %convert_element_type3A_321 = arith.extui %lt3A_320 : i1 to i32
      %cond3A_322 = arith.constant 0 : i32
      %cond3A_323 = arith.cmpi ne, %convert_element_type3A_321, %cond3A_322 : i32
      scf.if %cond3A_323 {
        %get3A_324 = arith.index_cast %add3A_318 : i32 to index
        %get3A_325 = arith.constant 0 : index
        %get3A_326 = tpu.vector_load %arg6[%get3A_324, %get3A_325] {strides = array<i32>} : memref<125x80xi32, #tpu.memory_space<vmem>>, vector<1x16xi32>,
        %get3A_327 = vector.shape_cast %get3A_326 : vector<1x16xi32> to vector<16xi32>
        %and3A_328 = arith.constant 65535 : i32
        %and3A_329 = vector.broadcast %and3A_328 : i32 to vector<16xi32>
        %and3A_330 = arith.andi %get3A_327, %and3A_329 : vector<16xi32>
        %swap3A_331 = arith.constant 1 : i32
        %swap3A_332 = arith.index_cast %swap3A_331 : i32 to index
        %swap3A_333 = arith.constant 0 : index
        %swap3A_334 = tpu.vector_load %arg7[%swap3A_332, %swap3A_333] {strides = array<i32>} : memref<2x80xi32, #tpu.memory_space<vmem>>, vector<1x16xi32>,
        %swap3A_335 = vector.shape_cast %swap3A_334 : vector<1x16xi32> to vector<16xi32>
        %swap3A_336 = vector.shape_cast %and3A_330 : vector<16xi32> to vector<1x16xi32>
        tpu.vector_store %arg7[%swap3A_332, %swap3A_333], %swap3A_336 {strides = array<i32>} : memref<2x80xi32, #tpu.memory_space<vmem>>, vector<1x16xi32>,
        %shift_right_logical3A_337 = arith.constant 16 : i32
        %shift_right_logical3A_338 = vector.broadcast %shift_right_logical3A_337 : i32 to vector<16xi32>
        %shift_right_logical3A_339 = arith.shrui %get3A_327, %shift_right_logical3A_338 : vector<16xi32>
        %swap3A_340 = arith.constant 1 : i32
        %swap3A_341 = arith.index_cast %swap3A_340 : i32 to index
        %swap3A_342 = arith.constant 0 : index
        %swap3A_343 = tpu.vector_load %arg8[%swap3A_341, %swap3A_342] {strides = array<i32>} : memref<2x80xi32, #tpu.memory_space<vmem>>, vector<1x16xi32>,
        %swap3A_344 = vector.shape_cast %swap3A_343 : vector<1x16xi32> to vector<16xi32>
        %swap3A_345 = vector.shape_cast %shift_right_logical3A_339 : vector<16xi32> to vector<1x16xi32>
        tpu.vector_store %arg8[%swap3A_341, %swap3A_342], %swap3A_345 {strides = array<i32>} : memref<2x80xi32, #tpu.memory_space<vmem>>, vector<1x16xi32>,
        %get3A_346 = arith.index_cast %add3A_318 : i32 to index
        %get3A_347 = arith.constant 16 : index
        %get3A_348 = tpu.vector_load %arg6[%get3A_346, %get3A_347] {strides = array<i32>} : memref<125x80xi32, #tpu.memory_space<vmem>>, vector<1x16xi32>,
        %get3A_349 = vector.shape_cast %get3A_348 : vector<1x16xi32> to vector<16xi32>
        %and3A_350 = arith.constant 65535 : i32
        %and3A_351 = vector.broadcast %and3A_350 : i32 to vector<16xi32>
        %and3A_352 = arith.andi %get3A_349, %and3A_351 : vector<16xi32>
        %swap3A_353 = arith.constant 1 : i32
        %swap3A_354 = arith.index_cast %swap3A_353 : i32 to index
        %swap3A_355 = arith.constant 16 : index
        %swap3A_356 = tpu.vector_load %arg7[%swap3A_354, %swap3A_355] {strides = array<i32>} : memref<2x80xi32, #tpu.memory_space<vmem>>, vector<1x16xi32>,
        %swap3A_357 = vector.shape_cast %swap3A_356 : vector<1x16xi32> to vector<16xi32>
        %swap3A_358 = vector.shape_cast %and3A_352 : vector<16xi32> to vector<1x16xi32>
        tpu.vector_store %arg7[%swap3A_354, %swap3A_355], %swap3A_358 {strides = array<i32>} : memref<2x80xi32, #tpu.memory_space<vmem>>, vector<1x16xi32>,
        %shift_right_logical3A_359 = arith.constant 16 : i32
        %shift_right_logical3A_360 = vector.broadcast %shift_right_logical3A_359 : i32 to vector<16xi32>
        %shift_right_logical3A_361 = arith.shrui %get3A_349, %shift_right_logical3A_360 : vector<16xi32>
        %swap3A_362 = arith.constant 1 : i32
        %swap3A_363 = arith.index_cast %swap3A_362 : i32 to index
        %swap3A_364 = arith.constant 16 : index
        %swap3A_365 = tpu.vector_load %arg8[%swap3A_363, %swap3A_364] {strides = array<i32>} : memref<2x80xi32, #tpu.memory_space<vmem>>, vector<1x16xi32>,
        %swap3A_366 = vector.shape_cast %swap3A_365 : vector<1x16xi32> to vector<16xi32>
        %swap3A_367 = vector.shape_cast %shift_right_logical3A_361 : vector<16xi32> to vector<1x16xi32>
        tpu.vector_store %arg8[%swap3A_363, %swap3A_364], %swap3A_367 {strides = array<i32>} : memref<2x80xi32, #tpu.memory_space<vmem>>, vector<1x16xi32>,
        %get3A_368 = arith.index_cast %add3A_318 : i32 to index
        %get3A_369 = arith.constant 32 : index
        %get3A_370 = tpu.vector_load %arg6[%get3A_368, %get3A_369] {strides = array<i32>} : memref<125x80xi32, #tpu.memory_space<vmem>>, vector<1x16xi32>,
        %get3A_371 = vector.shape_cast %get3A_370 : vector<1x16xi32> to vector<16xi32>
        %and3A_372 = arith.constant 65535 : i32
        %and3A_373 = vector.broadcast %and3A_372 : i32 to vector<16xi32>
        %and3A_374 = arith.andi %get3A_371, %and3A_373 : vector<16xi32>
        %swap3A_375 = arith.constant 1 : i32
        %swap3A_376 = arith.index_cast %swap3A_375 : i32 to index
        %swap3A_377 = arith.constant 32 : index
        %swap3A_378 = tpu.vector_load %arg7[%swap3A_376, %swap3A_377] {strides = array<i32>} : memref<2x80xi32, #tpu.memory_space<vmem>>, vector<1x16xi32>,
        %swap3A_379 = vector.shape_cast %swap3A_378 : vector<1x16xi32> to vector<16xi32>
        %swap3A_380 = vector.shape_cast %and3A_374 : vector<16xi32> to vector<1x16xi32>
        tpu.vector_store %arg7[%swap3A_376, %swap3A_377], %swap3A_380 {strides = array<i32>} : memref<2x80xi32, #tpu.memory_space<vmem>>, vector<1x16xi32>,
        %shift_right_logical3A_381 = arith.constant 16 : i32
        %shift_right_logical3A_382 = vector.broadcast %shift_right_logical3A_381 : i32 to vector<16xi32>
        %shift_right_logical3A_383 = arith.shrui %get3A_371, %shift_right_logical3A_382 : vector<16xi32>
        %swap3A_384 = arith.constant 1 : i32
        %swap3A_385 = arith.index_cast %swap3A_384 : i32 to index
        %swap3A_386 = arith.constant 32 : index
        %swap3A_387 = tpu.vector_load %arg8[%swap3A_385, %swap3A_386] {strides = array<i32>} : memref<2x80xi32, #tpu.memory_space<vmem>>, vector<1x16xi32>,
        %swap3A_388 = vector.shape_cast %swap3A_387 : vector<1x16xi32> to vector<16xi32>
        %swap3A_389 = vector.shape_cast %shift_right_logical3A_383 : vector<16xi32> to vector<1x16xi32>
        tpu.vector_store %arg8[%swap3A_385, %swap3A_386], %swap3A_389 {strides = array<i32>} : memref<2x80xi32, #tpu.memory_space<vmem>>, vector<1x16xi32>,
        %get3A_390 = arith.index_cast %add3A_318 : i32 to index
        %get3A_391 = arith.constant 48 : index
        %get3A_392 = tpu.vector_load %arg6[%get3A_390, %get3A_391] {strides = array<i32>} : memref<125x80xi32, #tpu.memory_space<vmem>>, vector<1x16xi32>,
        %get3A_393 = vector.shape_cast %get3A_392 : vector<1x16xi32> to vector<16xi32>
        %and3A_394 = arith.constant 65535 : i32
        %and3A_395 = vector.broadcast %and3A_394 : i32 to vector<16xi32>
        %and3A_396 = arith.andi %get3A_393, %and3A_395 : vector<16xi32>
        %swap3A_397 = arith.constant 1 : i32
        %swap3A_398 = arith.index_cast %swap3A_397 : i32 to index
        %swap3A_399 = arith.constant 48 : index
        %swap3A_400 = tpu.vector_load %arg7[%swap3A_398, %swap3A_399] {strides = array<i32>} : memref<2x80xi32, #tpu.memory_space<vmem>>, vector<1x16xi32>,
        %swap3A_401 = vector.shape_cast %swap3A_400 : vector<1x16xi32> to vector<16xi32>
        %swap3A_402 = vector.shape_cast %and3A_396 : vector<16xi32> to vector<1x16xi32>
        tpu.vector_store %arg7[%swap3A_398, %swap3A_399], %swap3A_402 {strides = array<i32>} : memref<2x80xi32, #tpu.memory_space<vmem>>, vector<1x16xi32>,
        %shift_right_logical3A_403 = arith.constant 16 : i32
        %shift_right_logical3A_404 = vector.broadcast %shift_right_logical3A_403 : i32 to vector<16xi32>
        %shift_right_logical3A_405 = arith.shrui %get3A_393, %shift_right_logical3A_404 : vector<16xi32>
        %swap3A_406 = arith.constant 1 : i32
        %swap3A_407 = arith.index_cast %swap3A_406 : i32 to index
        %swap3A_408 = arith.constant 48 : index
        %swap3A_409 = tpu.vector_load %arg8[%swap3A_407, %swap3A_408] {strides = array<i32>} : memref<2x80xi32, #tpu.memory_space<vmem>>, vector<1x16xi32>,
        %swap3A_410 = vector.shape_cast %swap3A_409 : vector<1x16xi32> to vector<16xi32>
        %swap3A_411 = vector.shape_cast %shift_right_logical3A_405 : vector<16xi32> to vector<1x16xi32>
        tpu.vector_store %arg8[%swap3A_407, %swap3A_408], %swap3A_411 {strides = array<i32>} : memref<2x80xi32, #tpu.memory_space<vmem>>, vector<1x16xi32>,
        %get3A_412 = arith.index_cast %add3A_318 : i32 to index
        %get3A_413 = arith.constant 64 : index
        %get3A_414 = tpu.vector_load %arg6[%get3A_412, %get3A_413] {strides = array<i32>} : memref<125x80xi32, #tpu.memory_space<vmem>>, vector<1x16xi32>,
        %get3A_415 = vector.shape_cast %get3A_414 : vector<1x16xi32> to vector<16xi32>
        %and3A_416 = arith.constant 65535 : i32
        %and3A_417 = vector.broadcast %and3A_416 : i32 to vector<16xi32>
        %and3A_418 = arith.andi %get3A_415, %and3A_417 : vector<16xi32>
        %swap3A_419 = arith.constant 1 : i32
        %swap3A_420 = arith.index_cast %swap3A_419 : i32 to index
        %swap3A_421 = arith.constant 64 : index
        %swap3A_422 = tpu.vector_load %arg7[%swap3A_420, %swap3A_421] {strides = array<i32>} : memref<2x80xi32, #tpu.memory_space<vmem>>, vector<1x16xi32>,
        %swap3A_423 = vector.shape_cast %swap3A_422 : vector<1x16xi32> to vector<16xi32>
        %swap3A_424 = vector.shape_cast %and3A_418 : vector<16xi32> to vector<1x16xi32>
        tpu.vector_store %arg7[%swap3A_420, %swap3A_421], %swap3A_424 {strides = array<i32>} : memref<2x80xi32, #tpu.memory_space<vmem>>, vector<1x16xi32>,
        %shift_right_logical3A_425 = arith.constant 16 : i32
        %shift_right_logical3A_426 = vector.broadcast %shift_right_logical3A_425 : i32 to vector<16xi32>
        %shift_right_logical3A_427 = arith.shrui %get3A_415, %shift_right_logical3A_426 : vector<16xi32>
        %swap3A_428 = arith.constant 1 : i32
        %swap3A_429 = arith.index_cast %swap3A_428 : i32 to index
        %swap3A_430 = arith.constant 64 : index
        %swap3A_431 = tpu.vector_load %arg8[%swap3A_429, %swap3A_430] {strides = array<i32>} : memref<2x80xi32, #tpu.memory_space<vmem>>, vector<1x16xi32>,
        %swap3A_432 = vector.shape_cast %swap3A_431 : vector<1x16xi32> to vector<16xi32>
        %swap3A_433 = vector.shape_cast %shift_right_logical3A_427 : vector<16xi32> to vector<1x16xi32>
        tpu.vector_store %arg8[%swap3A_429, %swap3A_430], %swap3A_433 {strides = array<i32>} : memref<2x80xi32, #tpu.memory_space<vmem>>, vector<1x16xi32>,
        %dma_start3A_434 = arith.constant 1 : i32
        %dma_start3A_435 = arith.constant 1 : i32
        %dma_start3A_436 = arith.constant 0 : i32
        %dma_start3A_437 = arith.constant 0 : i32
        %dma_start3A_438 = tpu.memref_slice %arg9[%dma_start3A_435, %dma_start3A_436, %dma_start3A_437] : memref<2x80x128xf32, #tpu.memory_space<vmem>> -> memref<1x80x128xf32, #tpu.memory_space<vmem>>
        %dma_start3A_439 = tpu.memref_squeeze %dma_start3A_438 : memref<1x80x128xf32, #tpu.memory_space<vmem>> -> memref<80x128xf32, #tpu.memory_space<vmem>>
        %dma_start3A_440 = arith.constant 0 : i32
        %dma_start3A_441 = tpu.memref_slice %arg7[%dma_start3A_434, %dma_start3A_440] : memref<2x80xi32, #tpu.memory_space<vmem>> -> memref<1x80xi32, #tpu.memory_space<vmem>>
        %dma_start3A_442 = tpu.memref_squeeze %dma_start3A_441 : memref<1x80xi32, #tpu.memory_space<vmem>> -> memref<80xi32, #tpu.memory_space<vmem>>
        %dma_start3A_443 = arith.constant 0 : i32
        %dma_start3A_444 = arith.constant 0 : i32
        %dma_start3A_445 = tpu.memref_slice %arg2[%dma_start3A_443, %dma_start3A_444] : memref<10112x128xf32, #tpu.memory_space<hbm>> -> memref<10112x128xf32, #tpu.memory_space<hbm>>
        tpu.enqueue_indirect_dma source(%dma_start3A_445 : memref<10112x128xf32, #tpu.memory_space<hbm>>) target(%dma_start3A_439 : memref<80x128xf32, #tpu.memory_space<vmem>>) offsets(%dma_start3A_442 : memref<80xi32, #tpu.memory_space<vmem>>) semaphore(%arg12 : memref<!tpu.dma_semaphore, #tpu.memory_space<semaphore_mem>>)
      } else {
      }
    }
    %scan3A_258 = arith.constant 62 : i32
    %dma_wait3A = arith.constant 0 : i32
    %dma_wait3A_259 = arith.constant 0 : i32
    %dma_wait3A_260 = arith.constant 0 : i32
    %dma_wait3A_261 = arith.constant 0 : i32
    %dma_wait3A_262 = tpu.memref_slice %arg9[%dma_wait3A_259, %dma_wait3A_260, %dma_wait3A_261] : memref<2x80x128xf32, #tpu.memory_space<vmem>> -> memref<1x80x128xf32, #tpu.memory_space<vmem>>
    %dma_wait3A_263 = tpu.memref_squeeze %dma_wait3A_262 : memref<1x80x128xf32, #tpu.memory_space<vmem>> -> memref<80x128xf32, #tpu.memory_space<vmem>>
    %dma_wait3A_264 = arith.constant 0 : i32
    %dma_wait3A_265 = tpu.memref_slice %arg7[%dma_wait3A, %dma_wait3A_264] : memref<2x80xi32, #tpu.memory_space<vmem>> -> memref<1x80xi32, #tpu.memory_space<vmem>>
    %dma_wait3A_266 = tpu.memref_squeeze %dma_wait3A_265 : memref<1x80xi32, #tpu.memory_space<vmem>> -> memref<80xi32, #tpu.memory_space<vmem>>
    %dma_wait3A_267 = arith.constant 0 : i32
    %dma_wait3A_268 = arith.constant 0 : i32
    %dma_wait3A_269 = tpu.memref_slice %arg2[%dma_wait3A_267, %dma_wait3A_268] : memref<10112x128xf32, #tpu.memory_space<hbm>> -> memref<10112x128xf32, #tpu.memory_space<hbm>>
    tpu.wait_indirect_dma semaphore(%arg11 : memref<!tpu.dma_semaphore, #tpu.memory_space<semaphore_mem>>) src(%dma_wait3A_269 : memref<10112x128xf32, #tpu.memory_space<hbm>>) dst(%dma_wait3A_263 : memref<80x128xf32, #tpu.memory_space<vmem>>)
    %run_scoped3A = arith.constant 0 : i32
    %run_scoped3A_270 = arith.constant 0 : i32
    "tpu.region"() ({
      %run_scoped3A_276 = tpu.sem_alloc : memref<!tpu.dma_semaphore, #tpu.memory_space<semaphore_mem>>
      %dma_start3A_277 = arith.constant 0 : i32
      %dma_start3A_278 = arith.constant 0 : i32
      %dma_start3A_279 = tpu.memref_slice %arg9[%run_scoped3A, %dma_start3A_277, %dma_start3A_278] : memref<2x80x128xf32, #tpu.memory_space<vmem>> -> memref<1x80x128xf32, #tpu.memory_space<vmem>>
      %dma_start3A_280 = tpu.memref_squeeze %dma_start3A_279 : memref<1x80x128xf32, #tpu.memory_space<vmem>> -> memref<80x128xf32, #tpu.memory_space<vmem>>
      %dma_start3A_281 = arith.constant 0 : i32
      %dma_start3A_282 = tpu.memref_slice %arg8[%run_scoped3A_270, %dma_start3A_281] : memref<2x80xi32, #tpu.memory_space<vmem>> -> memref<1x80xi32, #tpu.memory_space<vmem>>
      %dma_start3A_283 = tpu.memref_squeeze %dma_start3A_282 : memref<1x80xi32, #tpu.memory_space<vmem>> -> memref<80xi32, #tpu.memory_space<vmem>>
      %dma_start3A_284 = arith.constant 0 : i32
      %dma_start3A_285 = arith.constant 0 : i32
      %dma_start3A_286 = tpu.memref_slice %arg10[%dma_start3A_284, %dma_start3A_285] : memref<10112x128xf32, #tpu.memory_space<vmem_shared>> -> memref<10112x128xf32, #tpu.memory_space<vmem_shared>>
      tpu.enqueue_indirect_dma source(%dma_start3A_280 : memref<80x128xf32, #tpu.memory_space<vmem>>) target(%dma_start3A_286 : memref<10112x128xf32, #tpu.memory_space<vmem_shared>>) offsets(%dma_start3A_283 : memref<80xi32, #tpu.memory_space<vmem>>) semaphore(%run_scoped3A_276 : memref<!tpu.dma_semaphore, #tpu.memory_space<semaphore_mem>>) {add = true}
      %dma_wait3A_287 = arith.constant 0 : i32
      %dma_wait3A_288 = arith.constant 0 : i32
      %dma_wait3A_289 = tpu.memref_slice %arg9[%run_scoped3A, %dma_wait3A_287, %dma_wait3A_288] : memref<2x80x128xf32, #tpu.memory_space<vmem>> -> memref<1x80x128xf32, #tpu.memory_space<vmem>>
      %dma_wait3A_290 = tpu.memref_squeeze %dma_wait3A_289 : memref<1x80x128xf32, #tpu.memory_space<vmem>> -> memref<80x128xf32, #tpu.memory_space<vmem>>
      %dma_wait3A_291 = arith.constant 0 : i32
      %dma_wait3A_292 = tpu.memref_slice %arg8[%run_scoped3A_270, %dma_wait3A_291] : memref<2x80xi32, #tpu.memory_space<vmem>> -> memref<1x80xi32, #tpu.memory_space<vmem>>
      %dma_wait3A_293 = tpu.memref_squeeze %dma_wait3A_292 : memref<1x80xi32, #tpu.memory_space<vmem>> -> memref<80xi32, #tpu.memory_space<vmem>>
      %dma_wait3A_294 = arith.constant 0 : i32
      %dma_wait3A_295 = arith.constant 0 : i32
      %dma_wait3A_296 = tpu.memref_slice %arg10[%dma_wait3A_294, %dma_wait3A_295] : memref<10112x128xf32, #tpu.memory_space<vmem_shared>> -> memref<10112x128xf32, #tpu.memory_space<vmem_shared>>
      tpu.wait_indirect_dma semaphore(%run_scoped3A_276 : memref<!tpu.dma_semaphore, #tpu.memory_space<semaphore_mem>>) src(%dma_wait3A_290 : memref<80x128xf32, #tpu.memory_space<vmem>>) dst(%dma_wait3A_296 : memref<10112x128xf32, #tpu.memory_space<vmem_shared>>)
      tpu.yield
    }) : () -> ()
    %barrier3A_271 = arith.constant 0 : index
    tpu.barrier barrier_id(%barrier3A_271)
    %mul3A_272 = arith.constant 632 : i32
    %mul3A_273 = arith.muli %arg1, %mul3A_272 : i32
    %mul3A_274 = arith.constant 632 : i32
    %mul3A_275 = arith.muli %arg1, %mul3A_274 : i32
    "tpu.region"() ({
      %run_scoped3A_276 = tpu.sem_alloc : memref<!tpu.dma_semaphore, #tpu.memory_space<semaphore_mem>>
      %dma_start3A_277 = arith.constant 0 : i32
      %dma_start3A_278 = tpu.memref_slice %arg5[%arg0, %mul3A_275, %dma_start3A_277] : memref<2x10112x128xf32, #tpu.memory_space<hbm>> -> memref<1x632x128xf32, #tpu.memory_space<hbm>>
      %dma_start3A_279 = tpu.memref_squeeze %dma_start3A_278 : memref<1x632x128xf32, #tpu.memory_space<hbm>> -> memref<632x128xf32, #tpu.memory_space<hbm>>
      %dma_start3A_280 = arith.constant 0 : i32
      %dma_start3A_281 = tpu.memref_slice %arg10[%mul3A_273, %dma_start3A_280] : memref<10112x128xf32, #tpu.memory_space<vmem_shared>> -> memref<632x128xf32, #tpu.memory_space<vmem_shared>>
      tpu.enqueue_dma source(%dma_start3A_281 : memref<632x128xf32, #tpu.memory_space<vmem_shared>>) target(%dma_start3A_279 : memref<632x128xf32, #tpu.memory_space<hbm>>) target_semaphore(%run_scoped3A_276 : memref<!tpu.dma_semaphore, #tpu.memory_space<semaphore_mem>>)
      %dma_wait3A_282 = arith.constant 0 : i32
      %dma_wait3A_283 = tpu.memref_slice %arg5[%arg0, %mul3A_275, %dma_wait3A_282] : memref<2x10112x128xf32, #tpu.memory_space<hbm>> -> memref<1x632x128xf32, #tpu.memory_space<hbm>>
      %dma_wait3A_284 = tpu.memref_squeeze %dma_wait3A_283 : memref<1x632x128xf32, #tpu.memory_space<hbm>> -> memref<632x128xf32, #tpu.memory_space<hbm>>
      %dma_wait3A_285 = arith.constant 0 : i32
      %dma_wait3A_286 = tpu.memref_slice %arg10[%mul3A_273, %dma_wait3A_285] : memref<10112x128xf32, #tpu.memory_space<vmem_shared>> -> memref<632x128xf32, #tpu.memory_space<vmem_shared>>
      tpu.wait_dma2 semaphore(%run_scoped3A_276 : memref<!tpu.dma_semaphore, #tpu.memory_space<semaphore_mem>>) src(%dma_wait3A_286 : memref<632x128xf32, #tpu.memory_space<vmem_shared>>) dst(%dma_wait3A_284 : memref<632x128xf32, #tpu.memory_space<hbm>>)
      tpu.yield
    }) : () -> ()
    return
  }
}

#map = affine_map<(d0, d1) -> (0, 0)>
#map1 = affine_map<(d0, d1) -> (0, 0, 0)>
module attributes {stable_mosaic.version = 14 : i64} {
  func.func @agg_kernel(%arg0: i32, %arg1: i32, %arg2: memref<10112x128xf32, #tpu.memory_space<hbm>>, %arg3: memref<32x125x80xi32, #tpu.memory_space<hbm>>, %arg4: memref<10112x128xf32, #tpu.memory_space<hbm>>, %arg5: memref<2x10112x128xf32, #tpu.memory_space<hbm>>, %arg6: memref<125x80xi32, #tpu.memory_space<vmem>>, %arg7: memref<2x80xi32, #tpu.memory_space<vmem>>, %arg8: memref<2x80xi32, #tpu.memory_space<vmem>>, %arg9: memref<2x80x128xf32, #tpu.memory_space<vmem>>, %arg10: memref<10112x128xf32, #tpu.memory_space<vmem_shared>>, %arg11: memref<!tpu.dma_semaphore, #tpu.memory_space<semaphore_mem>>, %arg12: memref<!tpu.dma_semaphore, #tpu.memory_space<semaphore_mem>>) attributes {dimension_semantics = [#tpu.dimension_semantics<core_parallel>, #tpu.dimension_semantics<subcore_parallel>], iteration_bounds = array<i64: 2, 16>, scalar_prefetch = 0 : i64, scratch_operands = 7 : i64, tpu.core_type = #tpu.core_type<sc_vector_subcore>, window_params = [{transform_indices = #map}, {transform_indices = #map1}, {transform_indices = #map}, {transform_indices = #map1}]} {
    %mul3A = arith.constant 2 : i32
    %mul3A_0 = arith.muli %arg1, %mul3A : i32
    %add3A = arith.addi %mul3A_0, %arg0 : i32
    "tpu.region"() ({
      %run_scoped3A_276 = tpu.sem_alloc : memref<!tpu.dma_semaphore, #tpu.memory_space<semaphore_mem>>
      %dma_start3A_277 = arith.constant 0 : i32
      %dma_start3A_278 = arith.constant 0 : i32
      %dma_start3A_279 = tpu.memref_slice %arg3[%add3A, %dma_start3A_277, %dma_start3A_278] : memref<32x125x80xi32, #tpu.memory_space<hbm>> -> memref<1x125x80xi32, #tpu.memory_space<hbm>>
      %dma_start3A_280 = tpu.memref_squeeze %dma_start3A_279 : memref<1x125x80xi32, #tpu.memory_space<hbm>> -> memref<125x80xi32, #tpu.memory_space<hbm>>
      %dma_start3A_281 = arith.constant 0 : i32
      %dma_start3A_282 = arith.constant 0 : i32
      %dma_start3A_283 = tpu.memref_slice %arg3[%add3A, %dma_start3A_281, %dma_start3A_282] : memref<32x125x80xi32, #tpu.memory_space<hbm>> -> memref<1x125x80xi32, #tpu.memory_space<hbm>>
      %dma_start3A_284 = tpu.memref_squeeze %dma_start3A_283 : memref<1x125x80xi32, #tpu.memory_space<hbm>> -> memref<125x80xi32, #tpu.memory_space<hbm>>
      tpu.enqueue_dma source(%dma_start3A_284 : memref<125x80xi32, #tpu.memory_space<hbm>>) target(%arg6 : memref<125x80xi32, #tpu.memory_space<vmem>>) target_semaphore(%run_scoped3A_276 : memref<!tpu.dma_semaphore, #tpu.memory_space<semaphore_mem>>)
      %dma_wait3A_285 = arith.constant 0 : i32
      %dma_wait3A_286 = arith.constant 0 : i32
      %dma_wait3A_287 = tpu.memref_slice %arg3[%add3A, %dma_wait3A_285, %dma_wait3A_286] : memref<32x125x80xi32, #tpu.memory_space<hbm>> -> memref<1x125x80xi32, #tpu.memory_space<hbm>>
      %dma_wait3A_288 = tpu.memref_squeeze %dma_wait3A_287 : memref<1x125x80xi32, #tpu.memory_space<hbm>> -> memref<125x80xi32, #tpu.memory_space<hbm>>
      %dma_wait3A_289 = arith.constant 0 : i32
      %dma_wait3A_290 = arith.constant 0 : i32
      %dma_wait3A_291 = tpu.memref_slice %arg3[%add3A, %dma_wait3A_289, %dma_wait3A_290] : memref<32x125x80xi32, #tpu.memory_space<hbm>> -> memref<1x125x80xi32, #tpu.memory_space<hbm>>
      %dma_wait3A_292 = tpu.memref_squeeze %dma_wait3A_291 : memref<1x125x80xi32, #tpu.memory_space<hbm>> -> memref<125x80xi32, #tpu.memory_space<hbm>>
      tpu.wait_dma2 semaphore(%run_scoped3A_276 : memref<!tpu.dma_semaphore, #tpu.memory_space<semaphore_mem>>) src(%dma_wait3A_292 : memref<125x80xi32, #tpu.memory_space<hbm>>) dst(%arg6 : memref<125x80xi32, #tpu.memory_space<vmem>>)
      tpu.yield
    }) : () -> ()
    %mul3A_1 = arith.constant 632 : i32
    %mul3A_2 = arith.muli %arg1, %mul3A_1 : i32
    %mul3A_3 = arith.constant 632 : i32
    %mul3A_4 = arith.muli %arg1, %mul3A_3 : i32
    "tpu.region"() ({
      %run_scoped3A_276 = tpu.sem_alloc : memref<!tpu.dma_semaphore, #tpu.memory_space<semaphore_mem>>
      %dma_start3A_277 = arith.constant 0 : i32
      %dma_start3A_278 = tpu.memref_slice %arg10[%mul3A_4, %dma_start3A_277] : memref<10112x128xf32, #tpu.memory_space<vmem_shared>> -> memref<632x128xf32, #tpu.memory_space<vmem_shared>>
      %dma_start3A_279 = arith.constant 0 : i32
      %dma_start3A_280 = tpu.memref_slice %arg4[%mul3A_2, %dma_start3A_279] : memref<10112x128xf32, #tpu.memory_space<hbm>> -> memref<632x128xf32, #tpu.memory_space<hbm>>
      tpu.enqueue_dma source(%dma_start3A_280 : memref<632x128xf32, #tpu.memory_space<hbm>>) target(%dma_start3A_278 : memref<632x128xf32, #tpu.memory_space<vmem_shared>>) target_semaphore(%run_scoped3A_276 : memref<!tpu.dma_semaphore, #tpu.memory_space<semaphore_mem>>)
      %dma_wait3A_281 = arith.constant 0 : i32
      %dma_wait3A_282 = tpu.memref_slice %arg10[%mul3A_4, %dma_wait3A_281] : memref<10112x128xf32, #tpu.memory_space<vmem_shared>> -> memref<632x128xf32, #tpu.memory_space<vmem_shared>>
      %dma_wait3A_283 = arith.constant 0 : i32
      %dma_wait3A_284 = tpu.memref_slice %arg4[%mul3A_2, %dma_wait3A_283] : memref<10112x128xf32, #tpu.memory_space<hbm>> -> memref<632x128xf32, #tpu.memory_space<hbm>>
      tpu.wait_dma2 semaphore(%run_scoped3A_276 : memref<!tpu.dma_semaphore, #tpu.memory_space<semaphore_mem>>) src(%dma_wait3A_284 : memref<632x128xf32, #tpu.memory_space<hbm>>) dst(%dma_wait3A_282 : memref<632x128xf32, #tpu.memory_space<vmem_shared>>)
      tpu.yield
    }) : () -> ()
    %barrier3A = arith.constant 0 : index
    tpu.barrier barrier_id(%barrier3A)
    %get3A = arith.constant 0 : i32
    %get3A_5 = arith.index_cast %get3A : i32 to index
    %get3A_6 = arith.constant 0 : index
    %get3A_7 = tpu.vector_load %arg6[%get3A_5, %get3A_6] {strides = array<i32>} : memref<125x80xi32, #tpu.memory_space<vmem>>, vector<1x16xi32>,
    %get3A_8 = vector.shape_cast %get3A_7 : vector<1x16xi32> to vector<16xi32>
    %and3A = arith.constant 65535 : i32
    %and3A_9 = vector.broadcast %and3A : i32 to vector<16xi32>
    %and3A_10 = arith.andi %get3A_8, %and3A_9 : vector<16xi32>
    %swap3A = arith.constant 0 : i32
    %swap3A_11 = arith.index_cast %swap3A : i32 to index
    %swap3A_12 = arith.constant 0 : index
    %swap3A_13 = tpu.vector_load %arg7[%swap3A_11, %swap3A_12] {strides = array<i32>} : memref<2x80xi32, #tpu.memory_space<vmem>>, vector<1x16xi32>,
    %swap3A_14 = vector.shape_cast %swap3A_13 : vector<1x16xi32> to vector<16xi32>
    %swap3A_15 = vector.shape_cast %and3A_10 : vector<16xi32> to vector<1x16xi32>
    tpu.vector_store %arg7[%swap3A_11, %swap3A_12], %swap3A_15 {strides = array<i32>} : memref<2x80xi32, #tpu.memory_space<vmem>>, vector<1x16xi32>,
    %shift_right_logical3A = arith.constant 16 : i32
    %shift_right_logical3A_16 = vector.broadcast %shift_right_logical3A : i32 to vector<16xi32>
    %shift_right_logical3A_17 = arith.shrui %get3A_8, %shift_right_logical3A_16 : vector<16xi32>
    %swap3A_18 = arith.constant 0 : i32
    %swap3A_19 = arith.index_cast %swap3A_18 : i32 to index
    %swap3A_20 = arith.constant 0 : index
    %swap3A_21 = tpu.vector_load %arg8[%swap3A_19, %swap3A_20] {strides = array<i32>} : memref<2x80xi32, #tpu.memory_space<vmem>>, vector<1x16xi32>,
    %swap3A_22 = vector.shape_cast %swap3A_21 : vector<1x16xi32> to vector<16xi32>
    %swap3A_23 = vector.shape_cast %shift_right_logical3A_17 : vector<16xi32> to vector<1x16xi32>
    tpu.vector_store %arg8[%swap3A_19, %swap3A_20], %swap3A_23 {strides = array<i32>} : memref<2x80xi32, #tpu.memory_space<vmem>>, vector<1x16xi32>,
    %get3A_24 = arith.constant 0 : i32
    %get3A_25 = arith.index_cast %get3A_24 : i32 to index
    %get3A_26 = arith.constant 16 : index
    %get3A_27 = tpu.vector_load %arg6[%get3A_25, %get3A_26] {strides = array<i32>} : memref<125x80xi32, #tpu.memory_space<vmem>>, vector<1x16xi32>,
    %get3A_28 = vector.shape_cast %get3A_27 : vector<1x16xi32> to vector<16xi32>
    %and3A_29 = arith.constant 65535 : i32
    %and3A_30 = vector.broadcast %and3A_29 : i32 to vector<16xi32>
    %and3A_31 = arith.andi %get3A_28, %and3A_30 : vector<16xi32>
    %swap3A_32 = arith.constant 0 : i32
    %swap3A_33 = arith.index_cast %swap3A_32 : i32 to index
    %swap3A_34 = arith.constant 16 : index
    %swap3A_35 = tpu.vector_load %arg7[%swap3A_33, %swap3A_34] {strides = array<i32>} : memref<2x80xi32, #tpu.memory_space<vmem>>, vector<1x16xi32>,
    %swap3A_36 = vector.shape_cast %swap3A_35 : vector<1x16xi32> to vector<16xi32>
    %swap3A_37 = vector.shape_cast %and3A_31 : vector<16xi32> to vector<1x16xi32>
    tpu.vector_store %arg7[%swap3A_33, %swap3A_34], %swap3A_37 {strides = array<i32>} : memref<2x80xi32, #tpu.memory_space<vmem>>, vector<1x16xi32>,
    %shift_right_logical3A_38 = arith.constant 16 : i32
    %shift_right_logical3A_39 = vector.broadcast %shift_right_logical3A_38 : i32 to vector<16xi32>
    %shift_right_logical3A_40 = arith.shrui %get3A_28, %shift_right_logical3A_39 : vector<16xi32>
    %swap3A_41 = arith.constant 0 : i32
    %swap3A_42 = arith.index_cast %swap3A_41 : i32 to index
    %swap3A_43 = arith.constant 16 : index
    %swap3A_44 = tpu.vector_load %arg8[%swap3A_42, %swap3A_43] {strides = array<i32>} : memref<2x80xi32, #tpu.memory_space<vmem>>, vector<1x16xi32>,
    %swap3A_45 = vector.shape_cast %swap3A_44 : vector<1x16xi32> to vector<16xi32>
    %swap3A_46 = vector.shape_cast %shift_right_logical3A_40 : vector<16xi32> to vector<1x16xi32>
    tpu.vector_store %arg8[%swap3A_42, %swap3A_43], %swap3A_46 {strides = array<i32>} : memref<2x80xi32, #tpu.memory_space<vmem>>, vector<1x16xi32>,
    %get3A_47 = arith.constant 0 : i32
    %get3A_48 = arith.index_cast %get3A_47 : i32 to index
    %get3A_49 = arith.constant 32 : index
    %get3A_50 = tpu.vector_load %arg6[%get3A_48, %get3A_49] {strides = array<i32>} : memref<125x80xi32, #tpu.memory_space<vmem>>, vector<1x16xi32>,
    %get3A_51 = vector.shape_cast %get3A_50 : vector<1x16xi32> to vector<16xi32>
    %and3A_52 = arith.constant 65535 : i32
    %and3A_53 = vector.broadcast %and3A_52 : i32 to vector<16xi32>
    %and3A_54 = arith.andi %get3A_51, %and3A_53 : vector<16xi32>
    %swap3A_55 = arith.constant 0 : i32
    %swap3A_56 = arith.index_cast %swap3A_55 : i32 to index
    %swap3A_57 = arith.constant 32 : index
    %swap3A_58 = tpu.vector_load %arg7[%swap3A_56, %swap3A_57] {strides = array<i32>} : memref<2x80xi32, #tpu.memory_space<vmem>>, vector<1x16xi32>,
    %swap3A_59 = vector.shape_cast %swap3A_58 : vector<1x16xi32> to vector<16xi32>
    %swap3A_60 = vector.shape_cast %and3A_54 : vector<16xi32> to vector<1x16xi32>
    tpu.vector_store %arg7[%swap3A_56, %swap3A_57], %swap3A_60 {strides = array<i32>} : memref<2x80xi32, #tpu.memory_space<vmem>>, vector<1x16xi32>,
    %shift_right_logical3A_61 = arith.constant 16 : i32
    %shift_right_logical3A_62 = vector.broadcast %shift_right_logical3A_61 : i32 to vector<16xi32>
    %shift_right_logical3A_63 = arith.shrui %get3A_51, %shift_right_logical3A_62 : vector<16xi32>
    %swap3A_64 = arith.constant 0 : i32
    %swap3A_65 = arith.index_cast %swap3A_64 : i32 to index
    %swap3A_66 = arith.constant 32 : index
    %swap3A_67 = tpu.vector_load %arg8[%swap3A_65, %swap3A_66] {strides = array<i32>} : memref<2x80xi32, #tpu.memory_space<vmem>>, vector<1x16xi32>,
    %swap3A_68 = vector.shape_cast %swap3A_67 : vector<1x16xi32> to vector<16xi32>
    %swap3A_69 = vector.shape_cast %shift_right_logical3A_63 : vector<16xi32> to vector<1x16xi32>
    tpu.vector_store %arg8[%swap3A_65, %swap3A_66], %swap3A_69 {strides = array<i32>} : memref<2x80xi32, #tpu.memory_space<vmem>>, vector<1x16xi32>,
    %get3A_70 = arith.constant 0 : i32
    %get3A_71 = arith.index_cast %get3A_70 : i32 to index
    %get3A_72 = arith.constant 48 : index
    %get3A_73 = tpu.vector_load %arg6[%get3A_71, %get3A_72] {strides = array<i32>} : memref<125x80xi32, #tpu.memory_space<vmem>>, vector<1x16xi32>,
    %get3A_74 = vector.shape_cast %get3A_73 : vector<1x16xi32> to vector<16xi32>
    %and3A_75 = arith.constant 65535 : i32
    %and3A_76 = vector.broadcast %and3A_75 : i32 to vector<16xi32>
    %and3A_77 = arith.andi %get3A_74, %and3A_76 : vector<16xi32>
    %swap3A_78 = arith.constant 0 : i32
    %swap3A_79 = arith.index_cast %swap3A_78 : i32 to index
    %swap3A_80 = arith.constant 48 : index
    %swap3A_81 = tpu.vector_load %arg7[%swap3A_79, %swap3A_80] {strides = array<i32>} : memref<2x80xi32, #tpu.memory_space<vmem>>, vector<1x16xi32>,
    %swap3A_82 = vector.shape_cast %swap3A_81 : vector<1x16xi32> to vector<16xi32>
    %swap3A_83 = vector.shape_cast %and3A_77 : vector<16xi32> to vector<1x16xi32>
    tpu.vector_store %arg7[%swap3A_79, %swap3A_80], %swap3A_83 {strides = array<i32>} : memref<2x80xi32, #tpu.memory_space<vmem>>, vector<1x16xi32>,
    %shift_right_logical3A_84 = arith.constant 16 : i32
    %shift_right_logical3A_85 = vector.broadcast %shift_right_logical3A_84 : i32 to vector<16xi32>
    %shift_right_logical3A_86 = arith.shrui %get3A_74, %shift_right_logical3A_85 : vector<16xi32>
    %swap3A_87 = arith.constant 0 : i32
    %swap3A_88 = arith.index_cast %swap3A_87 : i32 to index
    %swap3A_89 = arith.constant 48 : index
    %swap3A_90 = tpu.vector_load %arg8[%swap3A_88, %swap3A_89] {strides = array<i32>} : memref<2x80xi32, #tpu.memory_space<vmem>>, vector<1x16xi32>,
    %swap3A_91 = vector.shape_cast %swap3A_90 : vector<1x16xi32> to vector<16xi32>
    %swap3A_92 = vector.shape_cast %shift_right_logical3A_86 : vector<16xi32> to vector<1x16xi32>
    tpu.vector_store %arg8[%swap3A_88, %swap3A_89], %swap3A_92 {strides = array<i32>} : memref<2x80xi32, #tpu.memory_space<vmem>>, vector<1x16xi32>,
    %get3A_93 = arith.constant 0 : i32
    %get3A_94 = arith.index_cast %get3A_93 : i32 to index
    %get3A_95 = arith.constant 64 : index
    %get3A_96 = tpu.vector_load %arg6[%get3A_94, %get3A_95] {strides = array<i32>} : memref<125x80xi32, #tpu.memory_space<vmem>>, vector<1x16xi32>,
    %get3A_97 = vector.shape_cast %get3A_96 : vector<1x16xi32> to vector<16xi32>
    %and3A_98 = arith.constant 65535 : i32
    %and3A_99 = vector.broadcast %and3A_98 : i32 to vector<16xi32>
    %and3A_100 = arith.andi %get3A_97, %and3A_99 : vector<16xi32>
    %swap3A_101 = arith.constant 0 : i32
    %swap3A_102 = arith.index_cast %swap3A_101 : i32 to index
    %swap3A_103 = arith.constant 64 : index
    %swap3A_104 = tpu.vector_load %arg7[%swap3A_102, %swap3A_103] {strides = array<i32>} : memref<2x80xi32, #tpu.memory_space<vmem>>, vector<1x16xi32>,
    %swap3A_105 = vector.shape_cast %swap3A_104 : vector<1x16xi32> to vector<16xi32>
    %swap3A_106 = vector.shape_cast %and3A_100 : vector<16xi32> to vector<1x16xi32>
    tpu.vector_store %arg7[%swap3A_102, %swap3A_103], %swap3A_106 {strides = array<i32>} : memref<2x80xi32, #tpu.memory_space<vmem>>, vector<1x16xi32>,
    %shift_right_logical3A_107 = arith.constant 16 : i32
    %shift_right_logical3A_108 = vector.broadcast %shift_right_logical3A_107 : i32 to vector<16xi32>
    %shift_right_logical3A_109 = arith.shrui %get3A_97, %shift_right_logical3A_108 : vector<16xi32>
    %swap3A_110 = arith.constant 0 : i32
    %swap3A_111 = arith.index_cast %swap3A_110 : i32 to index
    %swap3A_112 = arith.constant 64 : index
    %swap3A_113 = tpu.vector_load %arg8[%swap3A_111, %swap3A_112] {strides = array<i32>} : memref<2x80xi32, #tpu.memory_space<vmem>>, vector<1x16xi32>,
    %swap3A_114 = vector.shape_cast %swap3A_113 : vector<1x16xi32> to vector<16xi32>
    %swap3A_115 = vector.shape_cast %shift_right_logical3A_109 : vector<16xi32> to vector<1x16xi32>
    tpu.vector_store %arg8[%swap3A_111, %swap3A_112], %swap3A_115 {strides = array<i32>} : memref<2x80xi32, #tpu.memory_space<vmem>>, vector<1x16xi32>,
    %dma_start3A = arith.constant 0 : i32
    %dma_start3A_116 = arith.constant 0 : i32
    %dma_start3A_117 = arith.constant 0 : i32
    %dma_start3A_118 = arith.constant 0 : i32
    %dma_start3A_119 = tpu.memref_slice %arg9[%dma_start3A_116, %dma_start3A_117, %dma_start3A_118] : memref<2x80x128xf32, #tpu.memory_space<vmem>> -> memref<1x80x128xf32, #tpu.memory_space<vmem>>
    %dma_start3A_120 = tpu.memref_squeeze %dma_start3A_119 : memref<1x80x128xf32, #tpu.memory_space<vmem>> -> memref<80x128xf32, #tpu.memory_space<vmem>>
    %dma_start3A_121 = arith.constant 0 : i32
    %dma_start3A_122 = tpu.memref_slice %arg7[%dma_start3A, %dma_start3A_121] : memref<2x80xi32, #tpu.memory_space<vmem>> -> memref<1x80xi32, #tpu.memory_space<vmem>>
    %dma_start3A_123 = tpu.memref_squeeze %dma_start3A_122 : memref<1x80xi32, #tpu.memory_space<vmem>> -> memref<80xi32, #tpu.memory_space<vmem>>
    %dma_start3A_124 = arith.constant 0 : i32
    %dma_start3A_125 = arith.constant 0 : i32
    %dma_start3A_126 = tpu.memref_slice %arg2[%dma_start3A_124, %dma_start3A_125] : memref<10112x128xf32, #tpu.memory_space<hbm>> -> memref<10112x128xf32, #tpu.memory_space<hbm>>
    tpu.enqueue_indirect_dma source(%dma_start3A_126 : memref<10112x128xf32, #tpu.memory_space<hbm>>) target(%dma_start3A_120 : memref<80x128xf32, #tpu.memory_space<vmem>>) offsets(%dma_start3A_123 : memref<80xi32, #tpu.memory_space<vmem>>) semaphore(%arg11 : memref<!tpu.dma_semaphore, #tpu.memory_space<semaphore_mem>>)
    %get3A_127 = arith.constant 1 : i32
    %get3A_128 = arith.index_cast %get3A_127 : i32 to index
    %get3A_129 = arith.constant 0 : index
    %get3A_130 = tpu.vector_load %arg6[%get3A_128, %get3A_129] {strides = array<i32>} : memref<125x80xi32, #tpu.memory_space<vmem>>, vector<1x16xi32>,
    %get3A_131 = vector.shape_cast %get3A_130 : vector<1x16xi32> to vector<16xi32>
    %and3A_132 = arith.constant 65535 : i32
    %and3A_133 = vector.broadcast %and3A_132 : i32 to vector<16xi32>
    %and3A_134 = arith.andi %get3A_131, %and3A_133 : vector<16xi32>
    %swap3A_135 = arith.constant 1 : i32
    %swap3A_136 = arith.index_cast %swap3A_135 : i32 to index
    %swap3A_137 = arith.constant 0 : index
    %swap3A_138 = tpu.vector_load %arg7[%swap3A_136, %swap3A_137] {strides = array<i32>} : memref<2x80xi32, #tpu.memory_space<vmem>>, vector<1x16xi32>,
    %swap3A_139 = vector.shape_cast %swap3A_138 : vector<1x16xi32> to vector<16xi32>
    %swap3A_140 = vector.shape_cast %and3A_134 : vector<16xi32> to vector<1x16xi32>
    tpu.vector_store %arg7[%swap3A_136, %swap3A_137], %swap3A_140 {strides = array<i32>} : memref<2x80xi32, #tpu.memory_space<vmem>>, vector<1x16xi32>,
    %shift_right_logical3A_141 = arith.constant 16 : i32
    %shift_right_logical3A_142 = vector.broadcast %shift_right_logical3A_141 : i32 to vector<16xi32>
    %shift_right_logical3A_143 = arith.shrui %get3A_131, %shift_right_logical3A_142 : vector<16xi32>
    %swap3A_144 = arith.constant 1 : i32
    %swap3A_145 = arith.index_cast %swap3A_144 : i32 to index
    %swap3A_146 = arith.constant 0 : index
    %swap3A_147 = tpu.vector_load %arg8[%swap3A_145, %swap3A_146] {strides = array<i32>} : memref<2x80xi32, #tpu.memory_space<vmem>>, vector<1x16xi32>,
    %swap3A_148 = vector.shape_cast %swap3A_147 : vector<1x16xi32> to vector<16xi32>
    %swap3A_149 = vector.shape_cast %shift_right_logical3A_143 : vector<16xi32> to vector<1x16xi32>
    tpu.vector_store %arg8[%swap3A_145, %swap3A_146], %swap3A_149 {strides = array<i32>} : memref<2x80xi32, #tpu.memory_space<vmem>>, vector<1x16xi32>,
    %get3A_150 = arith.constant 1 : i32
    %get3A_151 = arith.index_cast %get3A_150 : i32 to index
    %get3A_152 = arith.constant 16 : index
    %get3A_153 = tpu.vector_load %arg6[%get3A_151, %get3A_152] {strides = array<i32>} : memref<125x80xi32, #tpu.memory_space<vmem>>, vector<1x16xi32>,
    %get3A_154 = vector.shape_cast %get3A_153 : vector<1x16xi32> to vector<16xi32>
    %and3A_155 = arith.constant 65535 : i32
    %and3A_156 = vector.broadcast %and3A_155 : i32 to vector<16xi32>
    %and3A_157 = arith.andi %get3A_154, %and3A_156 : vector<16xi32>
    %swap3A_158 = arith.constant 1 : i32
    %swap3A_159 = arith.index_cast %swap3A_158 : i32 to index
    %swap3A_160 = arith.constant 16 : index
    %swap3A_161 = tpu.vector_load %arg7[%swap3A_159, %swap3A_160] {strides = array<i32>} : memref<2x80xi32, #tpu.memory_space<vmem>>, vector<1x16xi32>,
    %swap3A_162 = vector.shape_cast %swap3A_161 : vector<1x16xi32> to vector<16xi32>
    %swap3A_163 = vector.shape_cast %and3A_157 : vector<16xi32> to vector<1x16xi32>
    tpu.vector_store %arg7[%swap3A_159, %swap3A_160], %swap3A_163 {strides = array<i32>} : memref<2x80xi32, #tpu.memory_space<vmem>>, vector<1x16xi32>,
    %shift_right_logical3A_164 = arith.constant 16 : i32
    %shift_right_logical3A_165 = vector.broadcast %shift_right_logical3A_164 : i32 to vector<16xi32>
    %shift_right_logical3A_166 = arith.shrui %get3A_154, %shift_right_logical3A_165 : vector<16xi32>
    %swap3A_167 = arith.constant 1 : i32
    %swap3A_168 = arith.index_cast %swap3A_167 : i32 to index
    %swap3A_169 = arith.constant 16 : index
    %swap3A_170 = tpu.vector_load %arg8[%swap3A_168, %swap3A_169] {strides = array<i32>} : memref<2x80xi32, #tpu.memory_space<vmem>>, vector<1x16xi32>,
    %swap3A_171 = vector.shape_cast %swap3A_170 : vector<1x16xi32> to vector<16xi32>
    %swap3A_172 = vector.shape_cast %shift_right_logical3A_166 : vector<16xi32> to vector<1x16xi32>
    tpu.vector_store %arg8[%swap3A_168, %swap3A_169], %swap3A_172 {strides = array<i32>} : memref<2x80xi32, #tpu.memory_space<vmem>>, vector<1x16xi32>,
    %get3A_173 = arith.constant 1 : i32
    %get3A_174 = arith.index_cast %get3A_173 : i32 to index
    %get3A_175 = arith.constant 32 : index
    %get3A_176 = tpu.vector_load %arg6[%get3A_174, %get3A_175] {strides = array<i32>} : memref<125x80xi32, #tpu.memory_space<vmem>>, vector<1x16xi32>,
    %get3A_177 = vector.shape_cast %get3A_176 : vector<1x16xi32> to vector<16xi32>
    %and3A_178 = arith.constant 65535 : i32
    %and3A_179 = vector.broadcast %and3A_178 : i32 to vector<16xi32>
    %and3A_180 = arith.andi %get3A_177, %and3A_179 : vector<16xi32>
    %swap3A_181 = arith.constant 1 : i32
    %swap3A_182 = arith.index_cast %swap3A_181 : i32 to index
    %swap3A_183 = arith.constant 32 : index
    %swap3A_184 = tpu.vector_load %arg7[%swap3A_182, %swap3A_183] {strides = array<i32>} : memref<2x80xi32, #tpu.memory_space<vmem>>, vector<1x16xi32>,
    %swap3A_185 = vector.shape_cast %swap3A_184 : vector<1x16xi32> to vector<16xi32>
    %swap3A_186 = vector.shape_cast %and3A_180 : vector<16xi32> to vector<1x16xi32>
    tpu.vector_store %arg7[%swap3A_182, %swap3A_183], %swap3A_186 {strides = array<i32>} : memref<2x80xi32, #tpu.memory_space<vmem>>, vector<1x16xi32>,
    %shift_right_logical3A_187 = arith.constant 16 : i32
    %shift_right_logical3A_188 = vector.broadcast %shift_right_logical3A_187 : i32 to vector<16xi32>
    %shift_right_logical3A_189 = arith.shrui %get3A_177, %shift_right_logical3A_188 : vector<16xi32>
    %swap3A_190 = arith.constant 1 : i32
    %swap3A_191 = arith.index_cast %swap3A_190 : i32 to index
    %swap3A_192 = arith.constant 32 : index
    %swap3A_193 = tpu.vector_load %arg8[%swap3A_191, %swap3A_192] {strides = array<i32>} : memref<2x80xi32, #tpu.memory_space<vmem>>, vector<1x16xi32>,
    %swap3A_194 = vector.shape_cast %swap3A_193 : vector<1x16xi32> to vector<16xi32>
    %swap3A_195 = vector.shape_cast %shift_right_logical3A_189 : vector<16xi32> to vector<1x16xi32>
    tpu.vector_store %arg8[%swap3A_191, %swap3A_192], %swap3A_195 {strides = array<i32>} : memref<2x80xi32, #tpu.memory_space<vmem>>, vector<1x16xi32>,
    %get3A_196 = arith.constant 1 : i32
    %get3A_197 = arith.index_cast %get3A_196 : i32 to index
    %get3A_198 = arith.constant 48 : index
    %get3A_199 = tpu.vector_load %arg6[%get3A_197, %get3A_198] {strides = array<i32>} : memref<125x80xi32, #tpu.memory_space<vmem>>, vector<1x16xi32>,
    %get3A_200 = vector.shape_cast %get3A_199 : vector<1x16xi32> to vector<16xi32>
    %and3A_201 = arith.constant 65535 : i32
    %and3A_202 = vector.broadcast %and3A_201 : i32 to vector<16xi32>
    %and3A_203 = arith.andi %get3A_200, %and3A_202 : vector<16xi32>
    %swap3A_204 = arith.constant 1 : i32
    %swap3A_205 = arith.index_cast %swap3A_204 : i32 to index
    %swap3A_206 = arith.constant 48 : index
    %swap3A_207 = tpu.vector_load %arg7[%swap3A_205, %swap3A_206] {strides = array<i32>} : memref<2x80xi32, #tpu.memory_space<vmem>>, vector<1x16xi32>,
    %swap3A_208 = vector.shape_cast %swap3A_207 : vector<1x16xi32> to vector<16xi32>
    %swap3A_209 = vector.shape_cast %and3A_203 : vector<16xi32> to vector<1x16xi32>
    tpu.vector_store %arg7[%swap3A_205, %swap3A_206], %swap3A_209 {strides = array<i32>} : memref<2x80xi32, #tpu.memory_space<vmem>>, vector<1x16xi32>,
    %shift_right_logical3A_210 = arith.constant 16 : i32
    %shift_right_logical3A_211 = vector.broadcast %shift_right_logical3A_210 : i32 to vector<16xi32>
    %shift_right_logical3A_212 = arith.shrui %get3A_200, %shift_right_logical3A_211 : vector<16xi32>
    %swap3A_213 = arith.constant 1 : i32
    %swap3A_214 = arith.index_cast %swap3A_213 : i32 to index
    %swap3A_215 = arith.constant 48 : index
    %swap3A_216 = tpu.vector_load %arg8[%swap3A_214, %swap3A_215] {strides = array<i32>} : memref<2x80xi32, #tpu.memory_space<vmem>>, vector<1x16xi32>,
    %swap3A_217 = vector.shape_cast %swap3A_216 : vector<1x16xi32> to vector<16xi32>
    %swap3A_218 = vector.shape_cast %shift_right_logical3A_212 : vector<16xi32> to vector<1x16xi32>
    tpu.vector_store %arg8[%swap3A_214, %swap3A_215], %swap3A_218 {strides = array<i32>} : memref<2x80xi32, #tpu.memory_space<vmem>>, vector<1x16xi32>,
    %get3A_219 = arith.constant 1 : i32
    %get3A_220 = arith.index_cast %get3A_219 : i32 to index
    %get3A_221 = arith.constant 64 : index
    %get3A_222 = tpu.vector_load %arg6[%get3A_220, %get3A_221] {strides = array<i32>} : memref<125x80xi32, #tpu.memory_space<vmem>>, vector<1x16xi32>,
    %get3A_223 = vector.shape_cast %get3A_222 : vector<1x16xi32> to vector<16xi32>
    %and3A_224 = arith.constant 65535 : i32
    %and3A_225 = vector.broadcast %and3A_224 : i32 to vector<16xi32>
    %and3A_226 = arith.andi %get3A_223, %and3A_225 : vector<16xi32>
    %swap3A_227 = arith.constant 1 : i32
    %swap3A_228 = arith.index_cast %swap3A_227 : i32 to index
    %swap3A_229 = arith.constant 64 : index
    %swap3A_230 = tpu.vector_load %arg7[%swap3A_228, %swap3A_229] {strides = array<i32>} : memref<2x80xi32, #tpu.memory_space<vmem>>, vector<1x16xi32>,
    %swap3A_231 = vector.shape_cast %swap3A_230 : vector<1x16xi32> to vector<16xi32>
    %swap3A_232 = vector.shape_cast %and3A_226 : vector<16xi32> to vector<1x16xi32>
    tpu.vector_store %arg7[%swap3A_228, %swap3A_229], %swap3A_232 {strides = array<i32>} : memref<2x80xi32, #tpu.memory_space<vmem>>, vector<1x16xi32>,
    %shift_right_logical3A_233 = arith.constant 16 : i32
    %shift_right_logical3A_234 = vector.broadcast %shift_right_logical3A_233 : i32 to vector<16xi32>
    %shift_right_logical3A_235 = arith.shrui %get3A_223, %shift_right_logical3A_234 : vector<16xi32>
    %swap3A_236 = arith.constant 1 : i32
    %swap3A_237 = arith.index_cast %swap3A_236 : i32 to index
    %swap3A_238 = arith.constant 64 : index
    %swap3A_239 = tpu.vector_load %arg8[%swap3A_237, %swap3A_238] {strides = array<i32>} : memref<2x80xi32, #tpu.memory_space<vmem>>, vector<1x16xi32>,
    %swap3A_240 = vector.shape_cast %swap3A_239 : vector<1x16xi32> to vector<16xi32>
    %swap3A_241 = vector.shape_cast %shift_right_logical3A_235 : vector<16xi32> to vector<1x16xi32>
    tpu.vector_store %arg8[%swap3A_237, %swap3A_238], %swap3A_241 {strides = array<i32>} : memref<2x80xi32, #tpu.memory_space<vmem>>, vector<1x16xi32>,
    %dma_start3A_242 = arith.constant 1 : i32
    %dma_start3A_243 = arith.constant 1 : i32
    %dma_start3A_244 = arith.constant 0 : i32
    %dma_start3A_245 = arith.constant 0 : i32
    %dma_start3A_246 = tpu.memref_slice %arg9[%dma_start3A_243, %dma_start3A_244, %dma_start3A_245] : memref<2x80x128xf32, #tpu.memory_space<vmem>> -> memref<1x80x128xf32, #tpu.memory_space<vmem>>
    %dma_start3A_247 = tpu.memref_squeeze %dma_start3A_246 : memref<1x80x128xf32, #tpu.memory_space<vmem>> -> memref<80x128xf32, #tpu.memory_space<vmem>>
    %dma_start3A_248 = arith.constant 0 : i32
    %dma_start3A_249 = tpu.memref_slice %arg7[%dma_start3A_242, %dma_start3A_248] : memref<2x80xi32, #tpu.memory_space<vmem>> -> memref<1x80xi32, #tpu.memory_space<vmem>>
    %dma_start3A_250 = tpu.memref_squeeze %dma_start3A_249 : memref<1x80xi32, #tpu.memory_space<vmem>> -> memref<80xi32, #tpu.memory_space<vmem>>
    %dma_start3A_251 = arith.constant 0 : i32
    %dma_start3A_252 = arith.constant 0 : i32
    %dma_start3A_253 = tpu.memref_slice %arg2[%dma_start3A_251, %dma_start3A_252] : memref<10112x128xf32, #tpu.memory_space<hbm>> -> memref<10112x128xf32, #tpu.memory_space<hbm>>
    tpu.enqueue_indirect_dma source(%dma_start3A_253 : memref<10112x128xf32, #tpu.memory_space<hbm>>) target(%dma_start3A_247 : memref<80x128xf32, #tpu.memory_space<vmem>>) offsets(%dma_start3A_250 : memref<80xi32, #tpu.memory_space<vmem>>) semaphore(%arg12 : memref<!tpu.dma_semaphore, #tpu.memory_space<semaphore_mem>>)
    %scan3A = arith.constant 0 : i32
    %scan3A_254 = arith.constant 0 : i32
    %scan3A_255 = arith.constant 62 : i32
    %scan3A_256 = arith.addi %scan3A_254, %scan3A_255 : i32
    %scan3A_257 = arith.constant 1 : i32
    scf.for %scan3A_276 = %scan3A_254 to %scan3A_256 step %scan3A_257  : i32 {
      %mul3A_277 = arith.constant 2 : i32
      %mul3A_278 = arith.muli %mul3A_277, %scan3A_276 : i32
      %add3A_279 = arith.constant 0 : i32
      %add3A_280 = arith.addi %mul3A_278, %add3A_279 : i32
      %dma_wait3A_281 = arith.constant 0 : i32
      %dma_wait3A_282 = arith.constant 0 : i32
      %dma_wait3A_283 = arith.constant 0 : i32
      %dma_wait3A_284 = arith.constant 0 : i32
      %dma_wait3A_285 = tpu.memref_slice %arg9[%dma_wait3A_282, %dma_wait3A_283, %dma_wait3A_284] : memref<2x80x128xf32, #tpu.memory_space<vmem>> -> memref<1x80x128xf32, #tpu.memory_space<vmem>>
      %dma_wait3A_286 = tpu.memref_squeeze %dma_wait3A_285 : memref<1x80x128xf32, #tpu.memory_space<vmem>> -> memref<80x128xf32, #tpu.memory_space<vmem>>
      %dma_wait3A_287 = arith.constant 0 : i32
      %dma_wait3A_288 = tpu.memref_slice %arg7[%dma_wait3A_281, %dma_wait3A_287] : memref<2x80xi32, #tpu.memory_space<vmem>> -> memref<1x80xi32, #tpu.memory_space<vmem>>
      %dma_wait3A_289 = tpu.memref_squeeze %dma_wait3A_288 : memref<1x80xi32, #tpu.memory_space<vmem>> -> memref<80xi32, #tpu.memory_space<vmem>>
      %dma_wait3A_290 = arith.constant 0 : i32
      %dma_wait3A_291 = arith.constant 0 : i32
      %dma_wait3A_292 = tpu.memref_slice %arg2[%dma_wait3A_290, %dma_wait3A_291] : memref<10112x128xf32, #tpu.memory_space<hbm>> -> memref<10112x128xf32, #tpu.memory_space<hbm>>
      tpu.wait_indirect_dma semaphore(%arg11 : memref<!tpu.dma_semaphore, #tpu.memory_space<semaphore_mem>>) src(%dma_wait3A_292 : memref<10112x128xf32, #tpu.memory_space<hbm>>) dst(%dma_wait3A_286 : memref<80x128xf32, #tpu.memory_space<vmem>>)
      %run_scoped3A_293 = arith.constant 0 : i32
      %run_scoped3A_294 = arith.constant 0 : i32
      "tpu.region"() ({
        %run_scoped3A_324 = tpu.sem_alloc : memref<!tpu.dma_semaphore, #tpu.memory_space<semaphore_mem>>
        %dma_start3A_325 = arith.constant 0 : i32
        %dma_start3A_326 = arith.constant 0 : i32
        %dma_start3A_327 = tpu.memref_slice %arg9[%run_scoped3A_293, %dma_start3A_325, %dma_start3A_326] : memref<2x80x128xf32, #tpu.memory_space<vmem>> -> memref<1x80x128xf32, #tpu.memory_space<vmem>>
        %dma_start3A_328 = tpu.memref_squeeze %dma_start3A_327 : memref<1x80x128xf32, #tpu.memory_space<vmem>> -> memref<80x128xf32, #tpu.memory_space<vmem>>
        %dma_start3A_329 = arith.constant 0 : i32
        %dma_start3A_330 = tpu.memref_slice %arg8[%run_scoped3A_294, %dma_start3A_329] : memref<2x80xi32, #tpu.memory_space<vmem>> -> memref<1x80xi32, #tpu.memory_space<vmem>>
        %dma_start3A_331 = tpu.memref_squeeze %dma_start3A_330 : memref<1x80xi32, #tpu.memory_space<vmem>> -> memref<80xi32, #tpu.memory_space<vmem>>
        %dma_start3A_332 = arith.constant 0 : i32
        %dma_start3A_333 = arith.constant 0 : i32
        %dma_start3A_334 = tpu.memref_slice %arg10[%dma_start3A_332, %dma_start3A_333] : memref<10112x128xf32, #tpu.memory_space<vmem_shared>> -> memref<10112x128xf32, #tpu.memory_space<vmem_shared>>
        tpu.enqueue_indirect_dma source(%dma_start3A_328 : memref<80x128xf32, #tpu.memory_space<vmem>>) target(%dma_start3A_334 : memref<10112x128xf32, #tpu.memory_space<vmem_shared>>) offsets(%dma_start3A_331 : memref<80xi32, #tpu.memory_space<vmem>>) semaphore(%run_scoped3A_324 : memref<!tpu.dma_semaphore, #tpu.memory_space<semaphore_mem>>) {add = true}
        %dma_wait3A_335 = arith.constant 0 : i32
        %dma_wait3A_336 = arith.constant 0 : i32
        %dma_wait3A_337 = tpu.memref_slice %arg9[%run_scoped3A_293, %dma_wait3A_335, %dma_wait3A_336] : memref<2x80x128xf32, #tpu.memory_space<vmem>> -> memref<1x80x128xf32, #tpu.memory_space<vmem>>
        %dma_wait3A_338 = tpu.memref_squeeze %dma_wait3A_337 : memref<1x80x128xf32, #tpu.memory_space<vmem>> -> memref<80x128xf32, #tpu.memory_space<vmem>>
        %dma_wait3A_339 = arith.constant 0 : i32
        %dma_wait3A_340 = tpu.memref_slice %arg8[%run_scoped3A_294, %dma_wait3A_339] : memref<2x80xi32, #tpu.memory_space<vmem>> -> memref<1x80xi32, #tpu.memory_space<vmem>>
        %dma_wait3A_341 = tpu.memref_squeeze %dma_wait3A_340 : memref<1x80xi32, #tpu.memory_space<vmem>> -> memref<80xi32, #tpu.memory_space<vmem>>
        %dma_wait3A_342 = arith.constant 0 : i32
        %dma_wait3A_343 = arith.constant 0 : i32
        %dma_wait3A_344 = tpu.memref_slice %arg10[%dma_wait3A_342, %dma_wait3A_343] : memref<10112x128xf32, #tpu.memory_space<vmem_shared>> -> memref<10112x128xf32, #tpu.memory_space<vmem_shared>>
        tpu.wait_indirect_dma semaphore(%run_scoped3A_324 : memref<!tpu.dma_semaphore, #tpu.memory_space<semaphore_mem>>) src(%dma_wait3A_338 : memref<80x128xf32, #tpu.memory_space<vmem>>) dst(%dma_wait3A_344 : memref<10112x128xf32, #tpu.memory_space<vmem_shared>>)
        tpu.yield
      }) : () -> ()
      %add3A_295 = arith.constant 2 : i32
      %add3A_296 = arith.addi %add3A_280, %add3A_295 : i32
      %lt3A = arith.constant 125 : i32
      %lt3A_297 = arith.cmpi slt, %add3A_296, %lt3A : i32
      %convert_element_type3A = arith.extui %lt3A_297 : i1 to i32
      %cond3A = arith.constant 0 : i32
      %cond3A_298 = arith.cmpi ne, %convert_element_type3A, %cond3A : i32
      scf.if %cond3A_298 {
        %get3A_324 = arith.index_cast %add3A_296 : i32 to index
        %get3A_325 = arith.constant 0 : index
        %get3A_326 = tpu.vector_load %arg6[%get3A_324, %get3A_325] {strides = array<i32>} : memref<125x80xi32, #tpu.memory_space<vmem>>, vector<1x16xi32>,
        %get3A_327 = vector.shape_cast %get3A_326 : vector<1x16xi32> to vector<16xi32>
        %and3A_328 = arith.constant 65535 : i32
        %and3A_329 = vector.broadcast %and3A_328 : i32 to vector<16xi32>
        %and3A_330 = arith.andi %get3A_327, %and3A_329 : vector<16xi32>
        %swap3A_331 = arith.constant 0 : i32
        %swap3A_332 = arith.index_cast %swap3A_331 : i32 to index
        %swap3A_333 = arith.constant 0 : index
        %swap3A_334 = tpu.vector_load %arg7[%swap3A_332, %swap3A_333] {strides = array<i32>} : memref<2x80xi32, #tpu.memory_space<vmem>>, vector<1x16xi32>,
        %swap3A_335 = vector.shape_cast %swap3A_334 : vector<1x16xi32> to vector<16xi32>
        %swap3A_336 = vector.shape_cast %and3A_330 : vector<16xi32> to vector<1x16xi32>
        tpu.vector_store %arg7[%swap3A_332, %swap3A_333], %swap3A_336 {strides = array<i32>} : memref<2x80xi32, #tpu.memory_space<vmem>>, vector<1x16xi32>,
        %shift_right_logical3A_337 = arith.constant 16 : i32
        %shift_right_logical3A_338 = vector.broadcast %shift_right_logical3A_337 : i32 to vector<16xi32>
        %shift_right_logical3A_339 = arith.shrui %get3A_327, %shift_right_logical3A_338 : vector<16xi32>
        %swap3A_340 = arith.constant 0 : i32
        %swap3A_341 = arith.index_cast %swap3A_340 : i32 to index
        %swap3A_342 = arith.constant 0 : index
        %swap3A_343 = tpu.vector_load %arg8[%swap3A_341, %swap3A_342] {strides = array<i32>} : memref<2x80xi32, #tpu.memory_space<vmem>>, vector<1x16xi32>,
        %swap3A_344 = vector.shape_cast %swap3A_343 : vector<1x16xi32> to vector<16xi32>
        %swap3A_345 = vector.shape_cast %shift_right_logical3A_339 : vector<16xi32> to vector<1x16xi32>
        tpu.vector_store %arg8[%swap3A_341, %swap3A_342], %swap3A_345 {strides = array<i32>} : memref<2x80xi32, #tpu.memory_space<vmem>>, vector<1x16xi32>,
        %get3A_346 = arith.index_cast %add3A_296 : i32 to index
        %get3A_347 = arith.constant 16 : index
        %get3A_348 = tpu.vector_load %arg6[%get3A_346, %get3A_347] {strides = array<i32>} : memref<125x80xi32, #tpu.memory_space<vmem>>, vector<1x16xi32>,
        %get3A_349 = vector.shape_cast %get3A_348 : vector<1x16xi32> to vector<16xi32>
        %and3A_350 = arith.constant 65535 : i32
        %and3A_351 = vector.broadcast %and3A_350 : i32 to vector<16xi32>
        %and3A_352 = arith.andi %get3A_349, %and3A_351 : vector<16xi32>
        %swap3A_353 = arith.constant 0 : i32
        %swap3A_354 = arith.index_cast %swap3A_353 : i32 to index
        %swap3A_355 = arith.constant 16 : index
        %swap3A_356 = tpu.vector_load %arg7[%swap3A_354, %swap3A_355] {strides = array<i32>} : memref<2x80xi32, #tpu.memory_space<vmem>>, vector<1x16xi32>,
        %swap3A_357 = vector.shape_cast %swap3A_356 : vector<1x16xi32> to vector<16xi32>
        %swap3A_358 = vector.shape_cast %and3A_352 : vector<16xi32> to vector<1x16xi32>
        tpu.vector_store %arg7[%swap3A_354, %swap3A_355], %swap3A_358 {strides = array<i32>} : memref<2x80xi32, #tpu.memory_space<vmem>>, vector<1x16xi32>,
        %shift_right_logical3A_359 = arith.constant 16 : i32
        %shift_right_logical3A_360 = vector.broadcast %shift_right_logical3A_359 : i32 to vector<16xi32>
        %shift_right_logical3A_361 = arith.shrui %get3A_349, %shift_right_logical3A_360 : vector<16xi32>
        %swap3A_362 = arith.constant 0 : i32
        %swap3A_363 = arith.index_cast %swap3A_362 : i32 to index
        %swap3A_364 = arith.constant 16 : index
        %swap3A_365 = tpu.vector_load %arg8[%swap3A_363, %swap3A_364] {strides = array<i32>} : memref<2x80xi32, #tpu.memory_space<vmem>>, vector<1x16xi32>,
        %swap3A_366 = vector.shape_cast %swap3A_365 : vector<1x16xi32> to vector<16xi32>
        %swap3A_367 = vector.shape_cast %shift_right_logical3A_361 : vector<16xi32> to vector<1x16xi32>
        tpu.vector_store %arg8[%swap3A_363, %swap3A_364], %swap3A_367 {strides = array<i32>} : memref<2x80xi32, #tpu.memory_space<vmem>>, vector<1x16xi32>,
        %get3A_368 = arith.index_cast %add3A_296 : i32 to index
        %get3A_369 = arith.constant 32 : index
        %get3A_370 = tpu.vector_load %arg6[%get3A_368, %get3A_369] {strides = array<i32>} : memref<125x80xi32, #tpu.memory_space<vmem>>, vector<1x16xi32>,
        %get3A_371 = vector.shape_cast %get3A_370 : vector<1x16xi32> to vector<16xi32>
        %and3A_372 = arith.constant 65535 : i32
        %and3A_373 = vector.broadcast %and3A_372 : i32 to vector<16xi32>
        %and3A_374 = arith.andi %get3A_371, %and3A_373 : vector<16xi32>
        %swap3A_375 = arith.constant 0 : i32
        %swap3A_376 = arith.index_cast %swap3A_375 : i32 to index
        %swap3A_377 = arith.constant 32 : index
        %swap3A_378 = tpu.vector_load %arg7[%swap3A_376, %swap3A_377] {strides = array<i32>} : memref<2x80xi32, #tpu.memory_space<vmem>>, vector<1x16xi32>,
        %swap3A_379 = vector.shape_cast %swap3A_378 : vector<1x16xi32> to vector<16xi32>
        %swap3A_380 = vector.shape_cast %and3A_374 : vector<16xi32> to vector<1x16xi32>
        tpu.vector_store %arg7[%swap3A_376, %swap3A_377], %swap3A_380 {strides = array<i32>} : memref<2x80xi32, #tpu.memory_space<vmem>>, vector<1x16xi32>,
        %shift_right_logical3A_381 = arith.constant 16 : i32
        %shift_right_logical3A_382 = vector.broadcast %shift_right_logical3A_381 : i32 to vector<16xi32>
        %shift_right_logical3A_383 = arith.shrui %get3A_371, %shift_right_logical3A_382 : vector<16xi32>
        %swap3A_384 = arith.constant 0 : i32
        %swap3A_385 = arith.index_cast %swap3A_384 : i32 to index
        %swap3A_386 = arith.constant 32 : index
        %swap3A_387 = tpu.vector_load %arg8[%swap3A_385, %swap3A_386] {strides = array<i32>} : memref<2x80xi32, #tpu.memory_space<vmem>>, vector<1x16xi32>,
        %swap3A_388 = vector.shape_cast %swap3A_387 : vector<1x16xi32> to vector<16xi32>
        %swap3A_389 = vector.shape_cast %shift_right_logical3A_383 : vector<16xi32> to vector<1x16xi32>
        tpu.vector_store %arg8[%swap3A_385, %swap3A_386], %swap3A_389 {strides = array<i32>} : memref<2x80xi32, #tpu.memory_space<vmem>>, vector<1x16xi32>,
        %get3A_390 = arith.index_cast %add3A_296 : i32 to index
        %get3A_391 = arith.constant 48 : index
        %get3A_392 = tpu.vector_load %arg6[%get3A_390, %get3A_391] {strides = array<i32>} : memref<125x80xi32, #tpu.memory_space<vmem>>, vector<1x16xi32>,
        %get3A_393 = vector.shape_cast %get3A_392 : vector<1x16xi32> to vector<16xi32>
        %and3A_394 = arith.constant 65535 : i32
        %and3A_395 = vector.broadcast %and3A_394 : i32 to vector<16xi32>
        %and3A_396 = arith.andi %get3A_393, %and3A_395 : vector<16xi32>
        %swap3A_397 = arith.constant 0 : i32
        %swap3A_398 = arith.index_cast %swap3A_397 : i32 to index
        %swap3A_399 = arith.constant 48 : index
        %swap3A_400 = tpu.vector_load %arg7[%swap3A_398, %swap3A_399] {strides = array<i32>} : memref<2x80xi32, #tpu.memory_space<vmem>>, vector<1x16xi32>,
        %swap3A_401 = vector.shape_cast %swap3A_400 : vector<1x16xi32> to vector<16xi32>
        %swap3A_402 = vector.shape_cast %and3A_396 : vector<16xi32> to vector<1x16xi32>
        tpu.vector_store %arg7[%swap3A_398, %swap3A_399], %swap3A_402 {strides = array<i32>} : memref<2x80xi32, #tpu.memory_space<vmem>>, vector<1x16xi32>,
        %shift_right_logical3A_403 = arith.constant 16 : i32
        %shift_right_logical3A_404 = vector.broadcast %shift_right_logical3A_403 : i32 to vector<16xi32>
        %shift_right_logical3A_405 = arith.shrui %get3A_393, %shift_right_logical3A_404 : vector<16xi32>
        %swap3A_406 = arith.constant 0 : i32
        %swap3A_407 = arith.index_cast %swap3A_406 : i32 to index
        %swap3A_408 = arith.constant 48 : index
        %swap3A_409 = tpu.vector_load %arg8[%swap3A_407, %swap3A_408] {strides = array<i32>} : memref<2x80xi32, #tpu.memory_space<vmem>>, vector<1x16xi32>,
        %swap3A_410 = vector.shape_cast %swap3A_409 : vector<1x16xi32> to vector<16xi32>
        %swap3A_411 = vector.shape_cast %shift_right_logical3A_405 : vector<16xi32> to vector<1x16xi32>
        tpu.vector_store %arg8[%swap3A_407, %swap3A_408], %swap3A_411 {strides = array<i32>} : memref<2x80xi32, #tpu.memory_space<vmem>>, vector<1x16xi32>,
        %get3A_412 = arith.index_cast %add3A_296 : i32 to index
        %get3A_413 = arith.constant 64 : index
        %get3A_414 = tpu.vector_load %arg6[%get3A_412, %get3A_413] {strides = array<i32>} : memref<125x80xi32, #tpu.memory_space<vmem>>, vector<1x16xi32>,
        %get3A_415 = vector.shape_cast %get3A_414 : vector<1x16xi32> to vector<16xi32>
        %and3A_416 = arith.constant 65535 : i32
        %and3A_417 = vector.broadcast %and3A_416 : i32 to vector<16xi32>
        %and3A_418 = arith.andi %get3A_415, %and3A_417 : vector<16xi32>
        %swap3A_419 = arith.constant 0 : i32
        %swap3A_420 = arith.index_cast %swap3A_419 : i32 to index
        %swap3A_421 = arith.constant 64 : index
        %swap3A_422 = tpu.vector_load %arg7[%swap3A_420, %swap3A_421] {strides = array<i32>} : memref<2x80xi32, #tpu.memory_space<vmem>>, vector<1x16xi32>,
        %swap3A_423 = vector.shape_cast %swap3A_422 : vector<1x16xi32> to vector<16xi32>
        %swap3A_424 = vector.shape_cast %and3A_418 : vector<16xi32> to vector<1x16xi32>
        tpu.vector_store %arg7[%swap3A_420, %swap3A_421], %swap3A_424 {strides = array<i32>} : memref<2x80xi32, #tpu.memory_space<vmem>>, vector<1x16xi32>,
        %shift_right_logical3A_425 = arith.constant 16 : i32
        %shift_right_logical3A_426 = vector.broadcast %shift_right_logical3A_425 : i32 to vector<16xi32>
        %shift_right_logical3A_427 = arith.shrui %get3A_415, %shift_right_logical3A_426 : vector<16xi32>
        %swap3A_428 = arith.constant 0 : i32
        %swap3A_429 = arith.index_cast %swap3A_428 : i32 to index
        %swap3A_430 = arith.constant 64 : index
        %swap3A_431 = tpu.vector_load %arg8[%swap3A_429, %swap3A_430] {strides = array<i32>} : memref<2x80xi32, #tpu.memory_space<vmem>>, vector<1x16xi32>,
        %swap3A_432 = vector.shape_cast %swap3A_431 : vector<1x16xi32> to vector<16xi32>
        %swap3A_433 = vector.shape_cast %shift_right_logical3A_427 : vector<16xi32> to vector<1x16xi32>
        tpu.vector_store %arg8[%swap3A_429, %swap3A_430], %swap3A_433 {strides = array<i32>} : memref<2x80xi32, #tpu.memory_space<vmem>>, vector<1x16xi32>,
        %dma_start3A_434 = arith.constant 0 : i32
        %dma_start3A_435 = arith.constant 0 : i32
        %dma_start3A_436 = arith.constant 0 : i32
        %dma_start3A_437 = arith.constant 0 : i32
        %dma_start3A_438 = tpu.memref_slice %arg9[%dma_start3A_435, %dma_start3A_436, %dma_start3A_437] : memref<2x80x128xf32, #tpu.memory_space<vmem>> -> memref<1x80x128xf32, #tpu.memory_space<vmem>>
        %dma_start3A_439 = tpu.memref_squeeze %dma_start3A_438 : memref<1x80x128xf32, #tpu.memory_space<vmem>> -> memref<80x128xf32, #tpu.memory_space<vmem>>
        %dma_start3A_440 = arith.constant 0 : i32
        %dma_start3A_441 = tpu.memref_slice %arg7[%dma_start3A_434, %dma_start3A_440] : memref<2x80xi32, #tpu.memory_space<vmem>> -> memref<1x80xi32, #tpu.memory_space<vmem>>
        %dma_start3A_442 = tpu.memref_squeeze %dma_start3A_441 : memref<1x80xi32, #tpu.memory_space<vmem>> -> memref<80xi32, #tpu.memory_space<vmem>>
        %dma_start3A_443 = arith.constant 0 : i32
        %dma_start3A_444 = arith.constant 0 : i32
        %dma_start3A_445 = tpu.memref_slice %arg2[%dma_start3A_443, %dma_start3A_444] : memref<10112x128xf32, #tpu.memory_space<hbm>> -> memref<10112x128xf32, #tpu.memory_space<hbm>>
        tpu.enqueue_indirect_dma source(%dma_start3A_445 : memref<10112x128xf32, #tpu.memory_space<hbm>>) target(%dma_start3A_439 : memref<80x128xf32, #tpu.memory_space<vmem>>) offsets(%dma_start3A_442 : memref<80xi32, #tpu.memory_space<vmem>>) semaphore(%arg11 : memref<!tpu.dma_semaphore, #tpu.memory_space<semaphore_mem>>)
      } else {
      }
      %mul3A_299 = arith.constant 2 : i32
      %mul3A_300 = arith.muli %mul3A_299, %scan3A_276 : i32
      %add3A_301 = arith.constant 1 : i32
      %add3A_302 = arith.addi %mul3A_300, %add3A_301 : i32
      %dma_wait3A_303 = arith.constant 1 : i32
      %dma_wait3A_304 = arith.constant 1 : i32
      %dma_wait3A_305 = arith.constant 0 : i32
      %dma_wait3A_306 = arith.constant 0 : i32
      %dma_wait3A_307 = tpu.memref_slice %arg9[%dma_wait3A_304, %dma_wait3A_305, %dma_wait3A_306] : memref<2x80x128xf32, #tpu.memory_space<vmem>> -> memref<1x80x128xf32, #tpu.memory_space<vmem>>
      %dma_wait3A_308 = tpu.memref_squeeze %dma_wait3A_307 : memref<1x80x128xf32, #tpu.memory_space<vmem>> -> memref<80x128xf32, #tpu.memory_space<vmem>>
      %dma_wait3A_309 = arith.constant 0 : i32
      %dma_wait3A_310 = tpu.memref_slice %arg7[%dma_wait3A_303, %dma_wait3A_309] : memref<2x80xi32, #tpu.memory_space<vmem>> -> memref<1x80xi32, #tpu.memory_space<vmem>>
      %dma_wait3A_311 = tpu.memref_squeeze %dma_wait3A_310 : memref<1x80xi32, #tpu.memory_space<vmem>> -> memref<80xi32, #tpu.memory_space<vmem>>
      %dma_wait3A_312 = arith.constant 0 : i32
      %dma_wait3A_313 = arith.constant 0 : i32
      %dma_wait3A_314 = tpu.memref_slice %arg2[%dma_wait3A_312, %dma_wait3A_313] : memref<10112x128xf32, #tpu.memory_space<hbm>> -> memref<10112x128xf32, #tpu.memory_space<hbm>>
      tpu.wait_indirect_dma semaphore(%arg12 : memref<!tpu.dma_semaphore, #tpu.memory_space<semaphore_mem>>) src(%dma_wait3A_314 : memref<10112x128xf32, #tpu.memory_space<hbm>>) dst(%dma_wait3A_308 : memref<80x128xf32, #tpu.memory_space<vmem>>)
      %run_scoped3A_315 = arith.constant 1 : i32
      %run_scoped3A_316 = arith.constant 1 : i32
      "tpu.region"() ({
        %run_scoped3A_324 = tpu.sem_alloc : memref<!tpu.dma_semaphore, #tpu.memory_space<semaphore_mem>>
        %dma_start3A_325 = arith.constant 0 : i32
        %dma_start3A_326 = arith.constant 0 : i32
        %dma_start3A_327 = tpu.memref_slice %arg9[%run_scoped3A_315, %dma_start3A_325, %dma_start3A_326] : memref<2x80x128xf32, #tpu.memory_space<vmem>> -> memref<1x80x128xf32, #tpu.memory_space<vmem>>
        %dma_start3A_328 = tpu.memref_squeeze %dma_start3A_327 : memref<1x80x128xf32, #tpu.memory_space<vmem>> -> memref<80x128xf32, #tpu.memory_space<vmem>>
        %dma_start3A_329 = arith.constant 0 : i32
        %dma_start3A_330 = tpu.memref_slice %arg8[%run_scoped3A_316, %dma_start3A_329] : memref<2x80xi32, #tpu.memory_space<vmem>> -> memref<1x80xi32, #tpu.memory_space<vmem>>
        %dma_start3A_331 = tpu.memref_squeeze %dma_start3A_330 : memref<1x80xi32, #tpu.memory_space<vmem>> -> memref<80xi32, #tpu.memory_space<vmem>>
        %dma_start3A_332 = arith.constant 0 : i32
        %dma_start3A_333 = arith.constant 0 : i32
        %dma_start3A_334 = tpu.memref_slice %arg10[%dma_start3A_332, %dma_start3A_333] : memref<10112x128xf32, #tpu.memory_space<vmem_shared>> -> memref<10112x128xf32, #tpu.memory_space<vmem_shared>>
        tpu.enqueue_indirect_dma source(%dma_start3A_328 : memref<80x128xf32, #tpu.memory_space<vmem>>) target(%dma_start3A_334 : memref<10112x128xf32, #tpu.memory_space<vmem_shared>>) offsets(%dma_start3A_331 : memref<80xi32, #tpu.memory_space<vmem>>) semaphore(%run_scoped3A_324 : memref<!tpu.dma_semaphore, #tpu.memory_space<semaphore_mem>>) {add = true}
        %dma_wait3A_335 = arith.constant 0 : i32
        %dma_wait3A_336 = arith.constant 0 : i32
        %dma_wait3A_337 = tpu.memref_slice %arg9[%run_scoped3A_315, %dma_wait3A_335, %dma_wait3A_336] : memref<2x80x128xf32, #tpu.memory_space<vmem>> -> memref<1x80x128xf32, #tpu.memory_space<vmem>>
        %dma_wait3A_338 = tpu.memref_squeeze %dma_wait3A_337 : memref<1x80x128xf32, #tpu.memory_space<vmem>> -> memref<80x128xf32, #tpu.memory_space<vmem>>
        %dma_wait3A_339 = arith.constant 0 : i32
        %dma_wait3A_340 = tpu.memref_slice %arg8[%run_scoped3A_316, %dma_wait3A_339] : memref<2x80xi32, #tpu.memory_space<vmem>> -> memref<1x80xi32, #tpu.memory_space<vmem>>
        %dma_wait3A_341 = tpu.memref_squeeze %dma_wait3A_340 : memref<1x80xi32, #tpu.memory_space<vmem>> -> memref<80xi32, #tpu.memory_space<vmem>>
        %dma_wait3A_342 = arith.constant 0 : i32
        %dma_wait3A_343 = arith.constant 0 : i32
        %dma_wait3A_344 = tpu.memref_slice %arg10[%dma_wait3A_342, %dma_wait3A_343] : memref<10112x128xf32, #tpu.memory_space<vmem_shared>> -> memref<10112x128xf32, #tpu.memory_space<vmem_shared>>
        tpu.wait_indirect_dma semaphore(%run_scoped3A_324 : memref<!tpu.dma_semaphore, #tpu.memory_space<semaphore_mem>>) src(%dma_wait3A_338 : memref<80x128xf32, #tpu.memory_space<vmem>>) dst(%dma_wait3A_344 : memref<10112x128xf32, #tpu.memory_space<vmem_shared>>)
        tpu.yield
      }) : () -> ()
      %add3A_317 = arith.constant 2 : i32
      %add3A_318 = arith.addi %add3A_302, %add3A_317 : i32
      %lt3A_319 = arith.constant 125 : i32
      %lt3A_320 = arith.cmpi slt, %add3A_318, %lt3A_319 : i32
      %convert_element_type3A_321 = arith.extui %lt3A_320 : i1 to i32
      %cond3A_322 = arith.constant 0 : i32
      %cond3A_323 = arith.cmpi ne, %convert_element_type3A_321, %cond3A_322 : i32
      scf.if %cond3A_323 {
        %get3A_324 = arith.index_cast %add3A_318 : i32 to index
        %get3A_325 = arith.constant 0 : index
        %get3A_326 = tpu.vector_load %arg6[%get3A_324, %get3A_325] {strides = array<i32>} : memref<125x80xi32, #tpu.memory_space<vmem>>, vector<1x16xi32>,
        %get3A_327 = vector.shape_cast %get3A_326 : vector<1x16xi32> to vector<16xi32>
        %and3A_328 = arith.constant 65535 : i32
        %and3A_329 = vector.broadcast %and3A_328 : i32 to vector<16xi32>
        %and3A_330 = arith.andi %get3A_327, %and3A_329 : vector<16xi32>
        %swap3A_331 = arith.constant 1 : i32
        %swap3A_332 = arith.index_cast %swap3A_331 : i32 to index
        %swap3A_333 = arith.constant 0 : index
        %swap3A_334 = tpu.vector_load %arg7[%swap3A_332, %swap3A_333] {strides = array<i32>} : memref<2x80xi32, #tpu.memory_space<vmem>>, vector<1x16xi32>,
        %swap3A_335 = vector.shape_cast %swap3A_334 : vector<1x16xi32> to vector<16xi32>
        %swap3A_336 = vector.shape_cast %and3A_330 : vector<16xi32> to vector<1x16xi32>
        tpu.vector_store %arg7[%swap3A_332, %swap3A_333], %swap3A_336 {strides = array<i32>} : memref<2x80xi32, #tpu.memory_space<vmem>>, vector<1x16xi32>,
        %shift_right_logical3A_337 = arith.constant 16 : i32
        %shift_right_logical3A_338 = vector.broadcast %shift_right_logical3A_337 : i32 to vector<16xi32>
        %shift_right_logical3A_339 = arith.shrui %get3A_327, %shift_right_logical3A_338 : vector<16xi32>
        %swap3A_340 = arith.constant 1 : i32
        %swap3A_341 = arith.index_cast %swap3A_340 : i32 to index
        %swap3A_342 = arith.constant 0 : index
        %swap3A_343 = tpu.vector_load %arg8[%swap3A_341, %swap3A_342] {strides = array<i32>} : memref<2x80xi32, #tpu.memory_space<vmem>>, vector<1x16xi32>,
        %swap3A_344 = vector.shape_cast %swap3A_343 : vector<1x16xi32> to vector<16xi32>
        %swap3A_345 = vector.shape_cast %shift_right_logical3A_339 : vector<16xi32> to vector<1x16xi32>
        tpu.vector_store %arg8[%swap3A_341, %swap3A_342], %swap3A_345 {strides = array<i32>} : memref<2x80xi32, #tpu.memory_space<vmem>>, vector<1x16xi32>,
        %get3A_346 = arith.index_cast %add3A_318 : i32 to index
        %get3A_347 = arith.constant 16 : index
        %get3A_348 = tpu.vector_load %arg6[%get3A_346, %get3A_347] {strides = array<i32>} : memref<125x80xi32, #tpu.memory_space<vmem>>, vector<1x16xi32>,
        %get3A_349 = vector.shape_cast %get3A_348 : vector<1x16xi32> to vector<16xi32>
        %and3A_350 = arith.constant 65535 : i32
        %and3A_351 = vector.broadcast %and3A_350 : i32 to vector<16xi32>
        %and3A_352 = arith.andi %get3A_349, %and3A_351 : vector<16xi32>
        %swap3A_353 = arith.constant 1 : i32
        %swap3A_354 = arith.index_cast %swap3A_353 : i32 to index
        %swap3A_355 = arith.constant 16 : index
        %swap3A_356 = tpu.vector_load %arg7[%swap3A_354, %swap3A_355] {strides = array<i32>} : memref<2x80xi32, #tpu.memory_space<vmem>>, vector<1x16xi32>,
        %swap3A_357 = vector.shape_cast %swap3A_356 : vector<1x16xi32> to vector<16xi32>
        %swap3A_358 = vector.shape_cast %and3A_352 : vector<16xi32> to vector<1x16xi32>
        tpu.vector_store %arg7[%swap3A_354, %swap3A_355], %swap3A_358 {strides = array<i32>} : memref<2x80xi32, #tpu.memory_space<vmem>>, vector<1x16xi32>,
        %shift_right_logical3A_359 = arith.constant 16 : i32
        %shift_right_logical3A_360 = vector.broadcast %shift_right_logical3A_359 : i32 to vector<16xi32>
        %shift_right_logical3A_361 = arith.shrui %get3A_349, %shift_right_logical3A_360 : vector<16xi32>
        %swap3A_362 = arith.constant 1 : i32
        %swap3A_363 = arith.index_cast %swap3A_362 : i32 to index
        %swap3A_364 = arith.constant 16 : index
        %swap3A_365 = tpu.vector_load %arg8[%swap3A_363, %swap3A_364] {strides = array<i32>} : memref<2x80xi32, #tpu.memory_space<vmem>>, vector<1x16xi32>,
        %swap3A_366 = vector.shape_cast %swap3A_365 : vector<1x16xi32> to vector<16xi32>
        %swap3A_367 = vector.shape_cast %shift_right_logical3A_361 : vector<16xi32> to vector<1x16xi32>
        tpu.vector_store %arg8[%swap3A_363, %swap3A_364], %swap3A_367 {strides = array<i32>} : memref<2x80xi32, #tpu.memory_space<vmem>>, vector<1x16xi32>,
        %get3A_368 = arith.index_cast %add3A_318 : i32 to index
        %get3A_369 = arith.constant 32 : index
        %get3A_370 = tpu.vector_load %arg6[%get3A_368, %get3A_369] {strides = array<i32>} : memref<125x80xi32, #tpu.memory_space<vmem>>, vector<1x16xi32>,
        %get3A_371 = vector.shape_cast %get3A_370 : vector<1x16xi32> to vector<16xi32>
        %and3A_372 = arith.constant 65535 : i32
        %and3A_373 = vector.broadcast %and3A_372 : i32 to vector<16xi32>
        %and3A_374 = arith.andi %get3A_371, %and3A_373 : vector<16xi32>
        %swap3A_375 = arith.constant 1 : i32
        %swap3A_376 = arith.index_cast %swap3A_375 : i32 to index
        %swap3A_377 = arith.constant 32 : index
        %swap3A_378 = tpu.vector_load %arg7[%swap3A_376, %swap3A_377] {strides = array<i32>} : memref<2x80xi32, #tpu.memory_space<vmem>>, vector<1x16xi32>,
        %swap3A_379 = vector.shape_cast %swap3A_378 : vector<1x16xi32> to vector<16xi32>
        %swap3A_380 = vector.shape_cast %and3A_374 : vector<16xi32> to vector<1x16xi32>
        tpu.vector_store %arg7[%swap3A_376, %swap3A_377], %swap3A_380 {strides = array<i32>} : memref<2x80xi32, #tpu.memory_space<vmem>>, vector<1x16xi32>,
        %shift_right_logical3A_381 = arith.constant 16 : i32
        %shift_right_logical3A_382 = vector.broadcast %shift_right_logical3A_381 : i32 to vector<16xi32>
        %shift_right_logical3A_383 = arith.shrui %get3A_371, %shift_right_logical3A_382 : vector<16xi32>
        %swap3A_384 = arith.constant 1 : i32
        %swap3A_385 = arith.index_cast %swap3A_384 : i32 to index
        %swap3A_386 = arith.constant 32 : index
        %swap3A_387 = tpu.vector_load %arg8[%swap3A_385, %swap3A_386] {strides = array<i32>} : memref<2x80xi32, #tpu.memory_space<vmem>>, vector<1x16xi32>,
        %swap3A_388 = vector.shape_cast %swap3A_387 : vector<1x16xi32> to vector<16xi32>
        %swap3A_389 = vector.shape_cast %shift_right_logical3A_383 : vector<16xi32> to vector<1x16xi32>
        tpu.vector_store %arg8[%swap3A_385, %swap3A_386], %swap3A_389 {strides = array<i32>} : memref<2x80xi32, #tpu.memory_space<vmem>>, vector<1x16xi32>,
        %get3A_390 = arith.index_cast %add3A_318 : i32 to index
        %get3A_391 = arith.constant 48 : index
        %get3A_392 = tpu.vector_load %arg6[%get3A_390, %get3A_391] {strides = array<i32>} : memref<125x80xi32, #tpu.memory_space<vmem>>, vector<1x16xi32>,
        %get3A_393 = vector.shape_cast %get3A_392 : vector<1x16xi32> to vector<16xi32>
        %and3A_394 = arith.constant 65535 : i32
        %and3A_395 = vector.broadcast %and3A_394 : i32 to vector<16xi32>
        %and3A_396 = arith.andi %get3A_393, %and3A_395 : vector<16xi32>
        %swap3A_397 = arith.constant 1 : i32
        %swap3A_398 = arith.index_cast %swap3A_397 : i32 to index
        %swap3A_399 = arith.constant 48 : index
        %swap3A_400 = tpu.vector_load %arg7[%swap3A_398, %swap3A_399] {strides = array<i32>} : memref<2x80xi32, #tpu.memory_space<vmem>>, vector<1x16xi32>,
        %swap3A_401 = vector.shape_cast %swap3A_400 : vector<1x16xi32> to vector<16xi32>
        %swap3A_402 = vector.shape_cast %and3A_396 : vector<16xi32> to vector<1x16xi32>
        tpu.vector_store %arg7[%swap3A_398, %swap3A_399], %swap3A_402 {strides = array<i32>} : memref<2x80xi32, #tpu.memory_space<vmem>>, vector<1x16xi32>,
        %shift_right_logical3A_403 = arith.constant 16 : i32
        %shift_right_logical3A_404 = vector.broadcast %shift_right_logical3A_403 : i32 to vector<16xi32>
        %shift_right_logical3A_405 = arith.shrui %get3A_393, %shift_right_logical3A_404 : vector<16xi32>
        %swap3A_406 = arith.constant 1 : i32
        %swap3A_407 = arith.index_cast %swap3A_406 : i32 to index
        %swap3A_408 = arith.constant 48 : index
        %swap3A_409 = tpu.vector_load %arg8[%swap3A_407, %swap3A_408] {strides = array<i32>} : memref<2x80xi32, #tpu.memory_space<vmem>>, vector<1x16xi32>,
        %swap3A_410 = vector.shape_cast %swap3A_409 : vector<1x16xi32> to vector<16xi32>
        %swap3A_411 = vector.shape_cast %shift_right_logical3A_405 : vector<16xi32> to vector<1x16xi32>
        tpu.vector_store %arg8[%swap3A_407, %swap3A_408], %swap3A_411 {strides = array<i32>} : memref<2x80xi32, #tpu.memory_space<vmem>>, vector<1x16xi32>,
        %get3A_412 = arith.index_cast %add3A_318 : i32 to index
        %get3A_413 = arith.constant 64 : index
        %get3A_414 = tpu.vector_load %arg6[%get3A_412, %get3A_413] {strides = array<i32>} : memref<125x80xi32, #tpu.memory_space<vmem>>, vector<1x16xi32>,
        %get3A_415 = vector.shape_cast %get3A_414 : vector<1x16xi32> to vector<16xi32>
        %and3A_416 = arith.constant 65535 : i32
        %and3A_417 = vector.broadcast %and3A_416 : i32 to vector<16xi32>
        %and3A_418 = arith.andi %get3A_415, %and3A_417 : vector<16xi32>
        %swap3A_419 = arith.constant 1 : i32
        %swap3A_420 = arith.index_cast %swap3A_419 : i32 to index
        %swap3A_421 = arith.constant 64 : index
        %swap3A_422 = tpu.vector_load %arg7[%swap3A_420, %swap3A_421] {strides = array<i32>} : memref<2x80xi32, #tpu.memory_space<vmem>>, vector<1x16xi32>,
        %swap3A_423 = vector.shape_cast %swap3A_422 : vector<1x16xi32> to vector<16xi32>
        %swap3A_424 = vector.shape_cast %and3A_418 : vector<16xi32> to vector<1x16xi32>
        tpu.vector_store %arg7[%swap3A_420, %swap3A_421], %swap3A_424 {strides = array<i32>} : memref<2x80xi32, #tpu.memory_space<vmem>>, vector<1x16xi32>,
        %shift_right_logical3A_425 = arith.constant 16 : i32
        %shift_right_logical3A_426 = vector.broadcast %shift_right_logical3A_425 : i32 to vector<16xi32>
        %shift_right_logical3A_427 = arith.shrui %get3A_415, %shift_right_logical3A_426 : vector<16xi32>
        %swap3A_428 = arith.constant 1 : i32
        %swap3A_429 = arith.index_cast %swap3A_428 : i32 to index
        %swap3A_430 = arith.constant 64 : index
        %swap3A_431 = tpu.vector_load %arg8[%swap3A_429, %swap3A_430] {strides = array<i32>} : memref<2x80xi32, #tpu.memory_space<vmem>>, vector<1x16xi32>,
        %swap3A_432 = vector.shape_cast %swap3A_431 : vector<1x16xi32> to vector<16xi32>
        %swap3A_433 = vector.shape_cast %shift_right_logical3A_427 : vector<16xi32> to vector<1x16xi32>
        tpu.vector_store %arg8[%swap3A_429, %swap3A_430], %swap3A_433 {strides = array<i32>} : memref<2x80xi32, #tpu.memory_space<vmem>>, vector<1x16xi32>,
        %dma_start3A_434 = arith.constant 1 : i32
        %dma_start3A_435 = arith.constant 1 : i32
        %dma_start3A_436 = arith.constant 0 : i32
        %dma_start3A_437 = arith.constant 0 : i32
        %dma_start3A_438 = tpu.memref_slice %arg9[%dma_start3A_435, %dma_start3A_436, %dma_start3A_437] : memref<2x80x128xf32, #tpu.memory_space<vmem>> -> memref<1x80x128xf32, #tpu.memory_space<vmem>>
        %dma_start3A_439 = tpu.memref_squeeze %dma_start3A_438 : memref<1x80x128xf32, #tpu.memory_space<vmem>> -> memref<80x128xf32, #tpu.memory_space<vmem>>
        %dma_start3A_440 = arith.constant 0 : i32
        %dma_start3A_441 = tpu.memref_slice %arg7[%dma_start3A_434, %dma_start3A_440] : memref<2x80xi32, #tpu.memory_space<vmem>> -> memref<1x80xi32, #tpu.memory_space<vmem>>
        %dma_start3A_442 = tpu.memref_squeeze %dma_start3A_441 : memref<1x80xi32, #tpu.memory_space<vmem>> -> memref<80xi32, #tpu.memory_space<vmem>>
        %dma_start3A_443 = arith.constant 0 : i32
        %dma_start3A_444 = arith.constant 0 : i32
        %dma_start3A_445 = tpu.memref_slice %arg2[%dma_start3A_443, %dma_start3A_444] : memref<10112x128xf32, #tpu.memory_space<hbm>> -> memref<10112x128xf32, #tpu.memory_space<hbm>>
        tpu.enqueue_indirect_dma source(%dma_start3A_445 : memref<10112x128xf32, #tpu.memory_space<hbm>>) target(%dma_start3A_439 : memref<80x128xf32, #tpu.memory_space<vmem>>) offsets(%dma_start3A_442 : memref<80xi32, #tpu.memory_space<vmem>>) semaphore(%arg12 : memref<!tpu.dma_semaphore, #tpu.memory_space<semaphore_mem>>)
      } else {
      }
    }
    %scan3A_258 = arith.constant 62 : i32
    %dma_wait3A = arith.constant 0 : i32
    %dma_wait3A_259 = arith.constant 0 : i32
    %dma_wait3A_260 = arith.constant 0 : i32
    %dma_wait3A_261 = arith.constant 0 : i32
    %dma_wait3A_262 = tpu.memref_slice %arg9[%dma_wait3A_259, %dma_wait3A_260, %dma_wait3A_261] : memref<2x80x128xf32, #tpu.memory_space<vmem>> -> memref<1x80x128xf32, #tpu.memory_space<vmem>>
    %dma_wait3A_263 = tpu.memref_squeeze %dma_wait3A_262 : memref<1x80x128xf32, #tpu.memory_space<vmem>> -> memref<80x128xf32, #tpu.memory_space<vmem>>
    %dma_wait3A_264 = arith.constant 0 : i32
    %dma_wait3A_265 = tpu.memref_slice %arg7[%dma_wait3A, %dma_wait3A_264] : memref<2x80xi32, #tpu.memory_space<vmem>> -> memref<1x80xi32, #tpu.memory_space<vmem>>
    %dma_wait3A_266 = tpu.memref_squeeze %dma_wait3A_265 : memref<1x80xi32, #tpu.memory_space<vmem>> -> memref<80xi32, #tpu.memory_space<vmem>>
    %dma_wait3A_267 = arith.constant 0 : i32
    %dma_wait3A_268 = arith.constant 0 : i32
    %dma_wait3A_269 = tpu.memref_slice %arg2[%dma_wait3A_267, %dma_wait3A_268] : memref<10112x128xf32, #tpu.memory_space<hbm>> -> memref<10112x128xf32, #tpu.memory_space<hbm>>
    tpu.wait_indirect_dma semaphore(%arg11 : memref<!tpu.dma_semaphore, #tpu.memory_space<semaphore_mem>>) src(%dma_wait3A_269 : memref<10112x128xf32, #tpu.memory_space<hbm>>) dst(%dma_wait3A_263 : memref<80x128xf32, #tpu.memory_space<vmem>>)
    %run_scoped3A = arith.constant 0 : i32
    %run_scoped3A_270 = arith.constant 0 : i32
    "tpu.region"() ({
      %run_scoped3A_276 = tpu.sem_alloc : memref<!tpu.dma_semaphore, #tpu.memory_space<semaphore_mem>>
      %dma_start3A_277 = arith.constant 0 : i32
      %dma_start3A_278 = arith.constant 0 : i32
      %dma_start3A_279 = tpu.memref_slice %arg9[%run_scoped3A, %dma_start3A_277, %dma_start3A_278] : memref<2x80x128xf32, #tpu.memory_space<vmem>> -> memref<1x80x128xf32, #tpu.memory_space<vmem>>
      %dma_start3A_280 = tpu.memref_squeeze %dma_start3A_279 : memref<1x80x128xf32, #tpu.memory_space<vmem>> -> memref<80x128xf32, #tpu.memory_space<vmem>>
      %dma_start3A_281 = arith.constant 0 : i32
      %dma_start3A_282 = tpu.memref_slice %arg8[%run_scoped3A_270, %dma_start3A_281] : memref<2x80xi32, #tpu.memory_space<vmem>> -> memref<1x80xi32, #tpu.memory_space<vmem>>
      %dma_start3A_283 = tpu.memref_squeeze %dma_start3A_282 : memref<1x80xi32, #tpu.memory_space<vmem>> -> memref<80xi32, #tpu.memory_space<vmem>>
      %dma_start3A_284 = arith.constant 0 : i32
      %dma_start3A_285 = arith.constant 0 : i32
      %dma_start3A_286 = tpu.memref_slice %arg10[%dma_start3A_284, %dma_start3A_285] : memref<10112x128xf32, #tpu.memory_space<vmem_shared>> -> memref<10112x128xf32, #tpu.memory_space<vmem_shared>>
      tpu.enqueue_indirect_dma source(%dma_start3A_280 : memref<80x128xf32, #tpu.memory_space<vmem>>) target(%dma_start3A_286 : memref<10112x128xf32, #tpu.memory_space<vmem_shared>>) offsets(%dma_start3A_283 : memref<80xi32, #tpu.memory_space<vmem>>) semaphore(%run_scoped3A_276 : memref<!tpu.dma_semaphore, #tpu.memory_space<semaphore_mem>>) {add = true}
      %dma_wait3A_287 = arith.constant 0 : i32
      %dma_wait3A_288 = arith.constant 0 : i32
      %dma_wait3A_289 = tpu.memref_slice %arg9[%run_scoped3A, %dma_wait3A_287, %dma_wait3A_288] : memref<2x80x128xf32, #tpu.memory_space<vmem>> -> memref<1x80x128xf32, #tpu.memory_space<vmem>>
      %dma_wait3A_290 = tpu.memref_squeeze %dma_wait3A_289 : memref<1x80x128xf32, #tpu.memory_space<vmem>> -> memref<80x128xf32, #tpu.memory_space<vmem>>
      %dma_wait3A_291 = arith.constant 0 : i32
      %dma_wait3A_292 = tpu.memref_slice %arg8[%run_scoped3A_270, %dma_wait3A_291] : memref<2x80xi32, #tpu.memory_space<vmem>> -> memref<1x80xi32, #tpu.memory_space<vmem>>
      %dma_wait3A_293 = tpu.memref_squeeze %dma_wait3A_292 : memref<1x80xi32, #tpu.memory_space<vmem>> -> memref<80xi32, #tpu.memory_space<vmem>>
      %dma_wait3A_294 = arith.constant 0 : i32
      %dma_wait3A_295 = arith.constant 0 : i32
      %dma_wait3A_296 = tpu.memref_slice %arg10[%dma_wait3A_294, %dma_wait3A_295] : memref<10112x128xf32, #tpu.memory_space<vmem_shared>> -> memref<10112x128xf32, #tpu.memory_space<vmem_shared>>
      tpu.wait_indirect_dma semaphore(%run_scoped3A_276 : memref<!tpu.dma_semaphore, #tpu.memory_space<semaphore_mem>>) src(%dma_wait3A_290 : memref<80x128xf32, #tpu.memory_space<vmem>>) dst(%dma_wait3A_296 : memref<10112x128xf32, #tpu.memory_space<vmem_shared>>)
      tpu.yield
    }) : () -> ()
    %barrier3A_271 = arith.constant 0 : index
    tpu.barrier barrier_id(%barrier3A_271)
    %mul3A_272 = arith.constant 632 : i32
    %mul3A_273 = arith.muli %arg1, %mul3A_272 : i32
    %mul3A_274 = arith.constant 632 : i32
    %mul3A_275 = arith.muli %arg1, %mul3A_274 : i32
    "tpu.region"() ({
      %run_scoped3A_276 = tpu.sem_alloc : memref<!tpu.dma_semaphore, #tpu.memory_space<semaphore_mem>>
      %dma_start3A_277 = arith.constant 0 : i32
      %dma_start3A_278 = tpu.memref_slice %arg5[%arg0, %mul3A_275, %dma_start3A_277] : memref<2x10112x128xf32, #tpu.memory_space<hbm>> -> memref<1x632x128xf32, #tpu.memory_space<hbm>>
      %dma_start3A_279 = tpu.memref_squeeze %dma_start3A_278 : memref<1x632x128xf32, #tpu.memory_space<hbm>> -> memref<632x128xf32, #tpu.memory_space<hbm>>
      %dma_start3A_280 = arith.constant 0 : i32
      %dma_start3A_281 = tpu.memref_slice %arg10[%mul3A_273, %dma_start3A_280] : memref<10112x128xf32, #tpu.memory_space<vmem_shared>> -> memref<632x128xf32, #tpu.memory_space<vmem_shared>>
      tpu.enqueue_dma source(%dma_start3A_281 : memref<632x128xf32, #tpu.memory_space<vmem_shared>>) target(%dma_start3A_279 : memref<632x128xf32, #tpu.memory_space<hbm>>) target_semaphore(%run_scoped3A_276 : memref<!tpu.dma_semaphore, #tpu.memory_space<semaphore_mem>>)
      %dma_wait3A_282 = arith.constant 0 : i32
      %dma_wait3A_283 = tpu.memref_slice %arg5[%arg0, %mul3A_275, %dma_wait3A_282] : memref<2x10112x128xf32, #tpu.memory_space<hbm>> -> memref<1x632x128xf32, #tpu.memory_space<hbm>>
      %dma_wait3A_284 = tpu.memref_squeeze %dma_wait3A_283 : memref<1x632x128xf32, #tpu.memory_space<hbm>> -> memref<632x128xf32, #tpu.memory_space<hbm>>
      %dma_wait3A_285 = arith.constant 0 : i32
      %dma_wait3A_286 = tpu.memref_slice %arg10[%mul3A_273, %dma_wait3A_285] : memref<10112x128xf32, #tpu.memory_space<vmem_shared>> -> memref<632x128xf32, #tpu.memory_space<vmem_shared>>
      tpu.wait_dma2 semaphore(%run_scoped3A_276 : memref<!tpu.dma_semaphore, #tpu.memory_space<semaphore_mem>>) src(%dma_wait3A_286 : memref<632x128xf32, #tpu.memory_space<vmem_shared>>) dst(%dma_wait3A_284 : memref<632x128xf32, #tpu.memory_space<hbm>>)
      tpu.yield
    }) : () -> ()
    return
  }
}

module attributes {stable_mosaic.version = 14 : i64} {
  func.func @_enc_body(%arg0: i32, %arg1: memref<2000x128xf32, #tpu.memory_space<vmem>>, %arg2: memref<128x128xf32, #tpu.memory_space<vmem>>, %arg3: memref<1x128xf32, #tpu.memory_space<vmem>>, %arg4: memref<1x128xf32, #tpu.memory_space<vmem>>, %arg5: memref<1x128xf32, #tpu.memory_space<vmem>>, %arg6: memref<2000x128xf32, #tpu.memory_space<vmem>>) attributes {dimension_semantics = [#tpu.dimension_semantics<arbitrary>], iteration_bounds = array<i64: 5>, scalar_prefetch = 0 : i64, scratch_operands = 0 : i64, tpu.core_type = #tpu.core_type<tc>, window_params = [{transform_indices = @transform_0, window_bounds = array<i64: 2000, 128>}, {pipeline_mode = #tpu.pipeline_mode<synchronous>, transform_indices = @transform_1, window_bounds = array<i64: 128, 128>}, {pipeline_mode = #tpu.pipeline_mode<synchronous>, transform_indices = @transform_2, window_bounds = array<i64: 1, 128>}, {pipeline_mode = #tpu.pipeline_mode<synchronous>, transform_indices = @transform_3, window_bounds = array<i64: 1, 128>}, {pipeline_mode = #tpu.pipeline_mode<synchronous>, transform_indices = @transform_4, window_bounds = array<i64: 1, 128>}, {transform_indices = @transform_5, window_bounds = array<i64: 2000, 128>}]} {
    %get3A = arith.constant 0 : index
    %get3A_0 = arith.constant 0 : index
    %get3A_1 = vector.load %arg1[%get3A, %get3A_0] : memref<2000x128xf32, #tpu.memory_space<vmem>>, vector<2000x128xf32>
    %get3A_2 = arith.constant 0 : index
    %get3A_3 = arith.constant 0 : index
    %get3A_4 = vector.load %arg2[%get3A_2, %get3A_3] : memref<128x128xf32, #tpu.memory_space<vmem>>, vector<128x128xf32>
    %dot_general3A = arith.constant dense<0.000000e+00> : vector<2000x128xf32>
    %dot_general3A_5 = tpu.matmul %get3A_1, %get3A_4, %dot_general3A {dimension_numbers = #tpu.dot_dimension_numbers<[1], [0], [0], [1], [0, 0, 1, 1], [], []>, transpose_lhs_hint = false} : vector<2000x128xf32>, vector<128x128xf32>, vector<2000x128xf32> -> vector<2000x128xf32>
    %get3A_6 = arith.constant 0 : index
    %get3A_7 = arith.constant 0 : index
    %get3A_8 = vector.load %arg3[%get3A_6, %get3A_7] : memref<1x128xf32, #tpu.memory_space<vmem>>, vector<1x128xf32>
    %add3A = vector.broadcast %get3A_8 : vector<1x128xf32> to vector<2000x128xf32>
    %add3A_9 = arith.addf %dot_general3A_5, %add3A : vector<2000x128xf32>
    %reduce_sum3A = arith.constant dense<0.000000e+00> : vector<2000xf32>
    %reduce_sum3A_10 = vector.multi_reduction <add>, %add3A_9, %reduce_sum3A [1] : vector<2000x128xf32> to vector<2000xf32>
    %broadcast_in_dim3A = vector.shape_cast %reduce_sum3A_10 : vector<2000xf32> to vector<2000x1xf32>
    %div3A = arith.constant 1.280000e+02 : f32
    %div3A_11 = vector.broadcast %div3A : f32 to vector<2000x1xf32>
    %div3A_12 = arith.divf %broadcast_in_dim3A, %div3A_11 : vector<2000x1xf32>
    %sub3A = vector.broadcast %div3A_12 : vector<2000x1xf32> to vector<2000x128xf32>
    %sub3A_13 = arith.subf %add3A_9, %sub3A : vector<2000x128xf32>
    %sub3A_14 = vector.broadcast %div3A_12 : vector<2000x1xf32> to vector<2000x128xf32>
    %sub3A_15 = arith.subf %add3A_9, %sub3A_14 : vector<2000x128xf32>
    %mul3A = arith.mulf %sub3A_13, %sub3A_15 : vector<2000x128xf32>
    %reduce_sum3A_16 = arith.constant dense<0.000000e+00> : vector<2000xf32>
    %reduce_sum3A_17 = vector.multi_reduction <add>, %mul3A, %reduce_sum3A_16 [1] : vector<2000x128xf32> to vector<2000xf32>
    %broadcast_in_dim3A_18 = vector.shape_cast %reduce_sum3A_17 : vector<2000xf32> to vector<2000x1xf32>
    %div3A_19 = arith.constant 1.280000e+02 : f32
    %div3A_20 = vector.broadcast %div3A_19 : f32 to vector<2000x1xf32>
    %div3A_21 = arith.divf %broadcast_in_dim3A_18, %div3A_20 : vector<2000x1xf32>
    %sub3A_22 = vector.broadcast %div3A_12 : vector<2000x1xf32> to vector<2000x128xf32>
    %sub3A_23 = arith.subf %add3A_9, %sub3A_22 : vector<2000x128xf32>
    %add3A_24 = arith.constant 9.99999974E-6 : f32
    %add3A_25 = vector.broadcast %add3A_24 : f32 to vector<2000x1xf32>
    %add3A_26 = arith.addf %div3A_21, %add3A_25 : vector<2000x1xf32>
    %rsqrt3A = math.rsqrt %add3A_26 : vector<2000x1xf32>
    %mul3A_27 = vector.broadcast %rsqrt3A : vector<2000x1xf32> to vector<2000x128xf32>
    %mul3A_28 = arith.mulf %sub3A_23, %mul3A_27 : vector<2000x128xf32>
    %get3A_29 = arith.constant 0 : index
    %get3A_30 = arith.constant 0 : index
    %get3A_31 = vector.load %arg4[%get3A_29, %get3A_30] : memref<1x128xf32, #tpu.memory_space<vmem>>, vector<1x128xf32>
    %mul3A_32 = vector.broadcast %get3A_31 : vector<1x128xf32> to vector<2000x128xf32>
    %mul3A_33 = arith.mulf %mul3A_28, %mul3A_32 : vector<2000x128xf32>
    %get3A_34 = arith.constant 0 : index
    %get3A_35 = arith.constant 0 : index
    %get3A_36 = vector.load %arg5[%get3A_34, %get3A_35] : memref<1x128xf32, #tpu.memory_space<vmem>>, vector<1x128xf32>
    %add3A_37 = vector.broadcast %get3A_36 : vector<1x128xf32> to vector<2000x128xf32>
    %add3A_38 = arith.addf %mul3A_33, %add3A_37 : vector<2000x128xf32>
    %logistic3A = arith.negf %add3A_38 : vector<2000x128xf32>
    %logistic3A_39 = math.exp %logistic3A : vector<2000x128xf32>
    %logistic3A_40 = arith.constant 1.000000e+00 : f32
    %logistic3A_41 = vector.broadcast %logistic3A_40 : f32 to vector<2000x128xf32>
    %logistic3A_42 = arith.addf %logistic3A_41, %logistic3A_39 : vector<2000x128xf32>
    %logistic3A_43 = arith.divf %logistic3A_41, %logistic3A_42 : vector<2000x128xf32>
    %mul3A_44 = arith.mulf %add3A_38, %logistic3A_43 : vector<2000x128xf32>
    %swap3A = arith.constant 0 : index
    %swap3A_45 = arith.constant 0 : index
    %swap3A_46 = vector.load %arg6[%swap3A, %swap3A_45] : memref<2000x128xf32, #tpu.memory_space<vmem>>, vector<2000x128xf32>
    tpu.vector_store %arg6[%swap3A, %swap3A_45], %mul3A_44 {strides = array<i32>} : memref<2000x128xf32, #tpu.memory_space<vmem>>, vector<2000x128xf32>,
    return
  }
  func.func @transform_0(%arg0: i32) -> (i32, i32) {
    %c0_i32 = arith.constant 0 : i32
    %c0_i32_0 = arith.constant 0 : i32
    return %arg0, %c0_i32 : i32, i32
  }
  func.func @transform_1(%arg0: i32) -> (i32, i32) {
    %c0_i32 = arith.constant 0 : i32
    %c0_i32_0 = arith.constant 0 : i32
    %c0_i32_1 = arith.constant 0 : i32
    return %c0_i32, %c0_i32_0 : i32, i32
  }
  func.func @transform_2(%arg0: i32) -> (i32, i32) {
    %c0_i32 = arith.constant 0 : i32
    %c0_i32_0 = arith.constant 0 : i32
    %c0_i32_1 = arith.constant 0 : i32
    return %c0_i32, %c0_i32_0 : i32, i32
  }
  func.func @transform_3(%arg0: i32) -> (i32, i32) {
    %c0_i32 = arith.constant 0 : i32
    %c0_i32_0 = arith.constant 0 : i32
    %c0_i32_1 = arith.constant 0 : i32
    return %c0_i32, %c0_i32_0 : i32, i32
  }
  func.func @transform_4(%arg0: i32) -> (i32, i32) {
    %c0_i32 = arith.constant 0 : i32
    %c0_i32_0 = arith.constant 0 : i32
    %c0_i32_1 = arith.constant 0 : i32
    return %c0_i32, %c0_i32_0 : i32, i32
  }
  func.func @transform_5(%arg0: i32) -> (i32, i32) {
    %c0_i32 = arith.constant 0 : i32
    %c0_i32_0 = arith.constant 0 : i32
    return %arg0, %c0_i32 : i32, i32
  }
}

module attributes {stable_mosaic.version = 14 : i64} {
  func.func @_mlp_body(%arg0: i32, %arg1: memref<2000x128xf32, #tpu.memory_space<vmem>>, %arg2: memref<1x2000x128xf32, #tpu.memory_space<vmem>>, %arg3: memref<1x2000x128xf32, #tpu.memory_space<vmem>>, %arg4: memref<128x128xf32, #tpu.memory_space<vmem>>, %arg5: memref<1x128xf32, #tpu.memory_space<vmem>>, %arg6: memref<128x128xf32, #tpu.memory_space<vmem>>, %arg7: memref<1x128xf32, #tpu.memory_space<vmem>>, %arg8: memref<1x128xf32, #tpu.memory_space<vmem>>, %arg9: memref<1x128xf32, #tpu.memory_space<vmem>>, %arg10: memref<2000x128xf32, #tpu.memory_space<vmem>>) attributes {dimension_semantics = [#tpu.dimension_semantics<arbitrary>], iteration_bounds = array<i64: 5>, scalar_prefetch = 0 : i64, scratch_operands = 0 : i64, tpu.core_type = #tpu.core_type<tc>, window_params = [{transform_indices = @transform_0, window_bounds = array<i64: 2000, 128>}, {transform_indices = @transform_1, window_bounds = array<i64: 1, 2000, 128>}, {transform_indices = @transform_2, window_bounds = array<i64: 1, 2000, 128>}, {pipeline_mode = #tpu.pipeline_mode<synchronous>, transform_indices = @transform_3, window_bounds = array<i64: 128, 128>}, {pipeline_mode = #tpu.pipeline_mode<synchronous>, transform_indices = @transform_4, window_bounds = array<i64: 1, 128>}, {pipeline_mode = #tpu.pipeline_mode<synchronous>, transform_indices = @transform_5, window_bounds = array<i64: 128, 128>}, {pipeline_mode = #tpu.pipeline_mode<synchronous>, transform_indices = @transform_6, window_bounds = array<i64: 1, 128>}, {pipeline_mode = #tpu.pipeline_mode<synchronous>, transform_indices = @transform_7, window_bounds = array<i64: 1, 128>}, {pipeline_mode = #tpu.pipeline_mode<synchronous>, transform_indices = @transform_8, window_bounds = array<i64: 1, 128>}, {transform_indices = @transform_9, window_bounds = array<i64: 2000, 128>}]} {
    %get3A = arith.constant 0 : index
    %get3A_0 = arith.constant 0 : index
    %get3A_1 = vector.load %arg1[%get3A, %get3A_0] : memref<2000x128xf32, #tpu.memory_space<vmem>>, vector<2000x128xf32>
    %get3A_2 = arith.constant 0 : index
    %get3A_3 = arith.constant 0 : index
    %get3A_4 = arith.constant 0 : index
    %get3A_5 = vector.load %arg2[%get3A_2, %get3A_3, %get3A_4] : memref<1x2000x128xf32, #tpu.memory_space<vmem>>, vector<1x2000x128xf32>
    %get3A_6 = vector.shape_cast %get3A_5 : vector<1x2000x128xf32> to vector<2000x128xf32>
    %add3A = arith.addf %get3A_1, %get3A_6 : vector<2000x128xf32>
    %get3A_7 = arith.constant 0 : index
    %get3A_8 = arith.constant 0 : index
    %get3A_9 = arith.constant 0 : index
    %get3A_10 = vector.load %arg3[%get3A_7, %get3A_8, %get3A_9] : memref<1x2000x128xf32, #tpu.memory_space<vmem>>, vector<1x2000x128xf32>
    %get3A_11 = vector.shape_cast %get3A_10 : vector<1x2000x128xf32> to vector<2000x128xf32>
    %add3A_12 = arith.addf %add3A, %get3A_11 : vector<2000x128xf32>
    %get3A_13 = arith.constant 0 : index
    %get3A_14 = arith.constant 0 : index
    %get3A_15 = vector.load %arg4[%get3A_13, %get3A_14] : memref<128x128xf32, #tpu.memory_space<vmem>>, vector<128x128xf32>
    %dot_general3A = arith.constant dense<0.000000e+00> : vector<2000x128xf32>
    %dot_general3A_16 = tpu.matmul %add3A_12, %get3A_15, %dot_general3A {dimension_numbers = #tpu.dot_dimension_numbers<[1], [0], [0], [1], [0, 0, 1, 1], [], []>, transpose_lhs_hint = false} : vector<2000x128xf32>, vector<128x128xf32>, vector<2000x128xf32> -> vector<2000x128xf32>
    %get3A_17 = arith.constant 0 : index
    %get3A_18 = arith.constant 0 : index
    %get3A_19 = vector.load %arg5[%get3A_17, %get3A_18] : memref<1x128xf32, #tpu.memory_space<vmem>>, vector<1x128xf32>
    %add3A_20 = vector.broadcast %get3A_19 : vector<1x128xf32> to vector<2000x128xf32>
    %add3A_21 = arith.addf %dot_general3A_16, %add3A_20 : vector<2000x128xf32>
    %logistic3A = arith.negf %add3A_21 : vector<2000x128xf32>
    %logistic3A_22 = math.exp %logistic3A : vector<2000x128xf32>
    %logistic3A_23 = arith.constant 1.000000e+00 : f32
    %logistic3A_24 = vector.broadcast %logistic3A_23 : f32 to vector<2000x128xf32>
    %logistic3A_25 = arith.addf %logistic3A_24, %logistic3A_22 : vector<2000x128xf32>
    %logistic3A_26 = arith.divf %logistic3A_24, %logistic3A_25 : vector<2000x128xf32>
    %mul3A = arith.mulf %add3A_21, %logistic3A_26 : vector<2000x128xf32>
    %get3A_27 = arith.constant 0 : index
    %get3A_28 = arith.constant 0 : index
    %get3A_29 = vector.load %arg6[%get3A_27, %get3A_28] : memref<128x128xf32, #tpu.memory_space<vmem>>, vector<128x128xf32>
    %dot_general3A_30 = arith.constant dense<0.000000e+00> : vector<2000x128xf32>
    %dot_general3A_31 = tpu.matmul %mul3A, %get3A_29, %dot_general3A_30 {dimension_numbers = #tpu.dot_dimension_numbers<[1], [0], [0], [1], [0, 0, 1, 1], [], []>, transpose_lhs_hint = false} : vector<2000x128xf32>, vector<128x128xf32>, vector<2000x128xf32> -> vector<2000x128xf32>
    %get3A_32 = arith.constant 0 : index
    %get3A_33 = arith.constant 0 : index
    %get3A_34 = vector.load %arg7[%get3A_32, %get3A_33] : memref<1x128xf32, #tpu.memory_space<vmem>>, vector<1x128xf32>
    %add3A_35 = vector.broadcast %get3A_34 : vector<1x128xf32> to vector<2000x128xf32>
    %add3A_36 = arith.addf %dot_general3A_31, %add3A_35 : vector<2000x128xf32>
    %get3A_37 = arith.constant 0 : index
    %get3A_38 = arith.constant 0 : index
    %get3A_39 = vector.load %arg8[%get3A_37, %get3A_38] : memref<1x128xf32, #tpu.memory_space<vmem>>, vector<1x128xf32>
    %mul3A_40 = vector.broadcast %get3A_39 : vector<1x128xf32> to vector<2000x128xf32>
    %mul3A_41 = arith.mulf %add3A_36, %mul3A_40 : vector<2000x128xf32>
    %get3A_42 = arith.constant 0 : index
    %get3A_43 = arith.constant 0 : index
    %get3A_44 = vector.load %arg9[%get3A_42, %get3A_43] : memref<1x128xf32, #tpu.memory_space<vmem>>, vector<1x128xf32>
    %add3A_45 = vector.broadcast %get3A_44 : vector<1x128xf32> to vector<2000x128xf32>
    %add3A_46 = arith.addf %mul3A_41, %add3A_45 : vector<2000x128xf32>
    %logistic3A_47 = arith.negf %add3A_46 : vector<2000x128xf32>
    %logistic3A_48 = math.exp %logistic3A_47 : vector<2000x128xf32>
    %logistic3A_49 = arith.constant 1.000000e+00 : f32
    %logistic3A_50 = vector.broadcast %logistic3A_49 : f32 to vector<2000x128xf32>
    %logistic3A_51 = arith.addf %logistic3A_50, %logistic3A_48 : vector<2000x128xf32>
    %logistic3A_52 = arith.divf %logistic3A_50, %logistic3A_51 : vector<2000x128xf32>
    %mul3A_53 = arith.mulf %add3A_46, %logistic3A_52 : vector<2000x128xf32>
    %swap3A = arith.constant 0 : index
    %swap3A_54 = arith.constant 0 : index
    %swap3A_55 = vector.load %arg10[%swap3A, %swap3A_54] : memref<2000x128xf32, #tpu.memory_space<vmem>>, vector<2000x128xf32>
    tpu.vector_store %arg10[%swap3A, %swap3A_54], %mul3A_53 {strides = array<i32>} : memref<2000x128xf32, #tpu.memory_space<vmem>>, vector<2000x128xf32>,
    return
  }
  func.func @transform_0(%arg0: i32) -> (i32, i32) {
    %c0_i32 = arith.constant 0 : i32
    %c0_i32_0 = arith.constant 0 : i32
    return %arg0, %c0_i32 : i32, i32
  }
  func.func @transform_1(%arg0: i32) -> (i32, i32, i32) {
    %c0_i32 = arith.constant 0 : i32
    %c0_i32_0 = arith.constant 0 : i32
    %c0_i32_1 = arith.constant 0 : i32
    return %c0_i32, %arg0, %c0_i32_0 : i32, i32, i32
  }
  func.func @transform_2(%arg0: i32) -> (i32, i32, i32) {
    %c1_i32 = arith.constant 1 : i32
    %c0_i32 = arith.constant 0 : i32
    %c0_i32_0 = arith.constant 0 : i32
    return %c1_i32, %arg0, %c0_i32 : i32, i32, i32
  }
  func.func @transform_3(%arg0: i32) -> (i32, i32) {
    %c0_i32 = arith.constant 0 : i32
    %c0_i32_0 = arith.constant 0 : i32
    %c0_i32_1 = arith.constant 0 : i32
    return %c0_i32, %c0_i32_0 : i32, i32
  }
  func.func @transform_4(%arg0: i32) -> (i32, i32) {
    %c0_i32 = arith.constant 0 : i32
    %c0_i32_0 = arith.constant 0 : i32
    %c0_i32_1 = arith.constant 0 : i32
    return %c0_i32, %c0_i32_0 : i32, i32
  }
  func.func @transform_5(%arg0: i32) -> (i32, i32) {
    %c0_i32 = arith.constant 0 : i32
    %c0_i32_0 = arith.constant 0 : i32
    %c0_i32_1 = arith.constant 0 : i32
    return %c0_i32, %c0_i32_0 : i32, i32
  }
  func.func @transform_6(%arg0: i32) -> (i32, i32) {
    %c0_i32 = arith.constant 0 : i32
    %c0_i32_0 = arith.constant 0 : i32
    %c0_i32_1 = arith.constant 0 : i32
    return %c0_i32, %c0_i32_0 : i32, i32
  }
  func.func @transform_7(%arg0: i32) -> (i32, i32) {
    %c0_i32 = arith.constant 0 : i32
    %c0_i32_0 = arith.constant 0 : i32
    %c0_i32_1 = arith.constant 0 : i32
    return %c0_i32, %c0_i32_0 : i32, i32
  }
  func.func @transform_8(%arg0: i32) -> (i32, i32) {
    %c0_i32 = arith.constant 0 : i32
    %c0_i32_0 = arith.constant 0 : i32
    %c0_i32_1 = arith.constant 0 : i32
    return %c0_i32, %c0_i32_0 : i32, i32
  }
  func.func @transform_9(%arg0: i32) -> (i32, i32) {
    %c0_i32 = arith.constant 0 : i32
    %c0_i32_0 = arith.constant 0 : i32
    return %arg0, %c0_i32 : i32, i32
  }
}

module attributes {stable_mosaic.version = 14 : i64} {
  func.func @_head_body(%arg0: memref<10000x128xf32, #tpu.memory_space<vmem>>, %arg1: memref<1x10000xi32, #tpu.memory_space<vmem>>, %arg2: memref<64x8xf32, #tpu.memory_space<vmem>>, %arg3: memref<8x128xf32, #tpu.memory_space<vmem>>, %arg4: memref<1x128xf32, #tpu.memory_space<vmem>>, %arg5: memref<1x128xf32, #tpu.memory_space<vmem>>, %arg6: memref<1x128xf32, #tpu.memory_space<vmem>>, %arg7: memref<128x256xf32, #tpu.memory_space<vmem>>, %arg8: memref<128x256xf32, #tpu.memory_space<vmem>>, %arg9: memref<1x256xf32, #tpu.memory_space<vmem>>, %arg10: memref<1x256xf32, #tpu.memory_space<vmem>>, %arg11: memref<1x256xf32, #tpu.memory_space<vmem>>, %arg12: memref<256x256xf32, #tpu.memory_space<vmem>>, %arg13: memref<1x256xf32, #tpu.memory_space<vmem>>, %arg14: memref<1x256xf32, #tpu.memory_space<vmem>>, %arg15: memref<1x256xf32, #tpu.memory_space<vmem>>, %arg16: memref<1x256xf32, #tpu.memory_space<vmem>>, %arg17: memref<1x1xf32, #tpu.memory_space<vmem>>, %arg18: memref<256x128xf32, #tpu.memory_space<vmem>>, %arg19: memref<1x128xf32, #tpu.memory_space<vmem>>, %arg20: memref<64x1xf32, #tpu.memory_space<vmem>>, %arg21: memref<64x128xf32, #tpu.memory_space<vmem>>) attributes {dimension_semantics = [], scalar_prefetch = 0 : i64, scratch_operands = 0 : i64, tpu.core_type = #tpu.core_type<tc>} {
    %get3A = arith.constant 0 : index
    %get3A_0 = arith.constant 0 : index
    %get3A_1 = vector.load %arg1[%get3A, %get3A_0] : memref<1x10000xi32, #tpu.memory_space<vmem>>, vector<1x10000xi32>
    %iota3A = tpu.iota {dimensions = array<i32: 0>} : vector<64x10000xi32>
    %eq3A = vector.broadcast %get3A_1 : vector<1x10000xi32> to vector<64x10000xi32>
    %eq3A_2 = arith.cmpi eq, %iota3A, %eq3A : vector<64x10000xi32>
    %convert_element_type3A = arith.extui %eq3A_2 : vector<64x10000xi1> to vector<64x10000xi32>
    %convert_element_type3A_3 = arith.sitofp %convert_element_type3A : vector<64x10000xi32> to vector<64x10000xf32>
    %get3A_4 = arith.constant 0 : index
    %get3A_5 = arith.constant 0 : index
    %get3A_6 = vector.load %arg0[%get3A_4, %get3A_5] : memref<10000x128xf32, #tpu.memory_space<vmem>>, vector<10000x128xf32>
    %dot_general3A = arith.constant dense<0.000000e+00> : vector<64x128xf32>
    %dot_general3A_7 = tpu.matmul %convert_element_type3A_3, %get3A_6, %dot_general3A {dimension_numbers = #tpu.dot_dimension_numbers<[1], [0], [0], [1], [0, 0, 1, 1], [], []>, transpose_lhs_hint = false} : vector<64x10000xf32>, vector<10000x128xf32>, vector<64x128xf32> -> vector<64x128xf32>
    %reduce_sum3A = arith.constant dense<0.000000e+00> : vector<64xf32>
    %reduce_sum3A_8 = vector.multi_reduction <add>, %convert_element_type3A_3, %reduce_sum3A [1] : vector<64x10000xf32> to vector<64xf32>
    %broadcast_in_dim3A = vector.shape_cast %reduce_sum3A_8 : vector<64xf32> to vector<64x1xf32>
    %max3A = arith.constant 1.000000e+00 : f32
    %max3A_9 = vector.broadcast %max3A : f32 to vector<64x1xf32>
    %max3A_10 = arith.maximumf %broadcast_in_dim3A, %max3A_9 : vector<64x1xf32>
    %div3A = vector.broadcast %max3A_10 : vector<64x1xf32> to vector<64x128xf32>
    %div3A_11 = arith.divf %dot_general3A_7, %div3A : vector<64x128xf32>
    %get3A_12 = arith.constant 0 : index
    %get3A_13 = arith.constant 0 : index
    %get3A_14 = vector.load %arg2[%get3A_12, %get3A_13] : memref<64x8xf32, #tpu.memory_space<vmem>>, vector<64x8xf32>
    %get3A_15 = arith.constant 0 : index
    %get3A_16 = arith.constant 0 : index
    %get3A_17 = vector.load %arg3[%get3A_15, %get3A_16] : memref<8x128xf32, #tpu.memory_space<vmem>>, vector<8x128xf32>
    %dot_general3A_18 = arith.constant dense<0.000000e+00> : vector<64x128xf32>
    %dot_general3A_19 = tpu.matmul %get3A_14, %get3A_17, %dot_general3A_18 {dimension_numbers = #tpu.dot_dimension_numbers<[1], [0], [0], [1], [0, 0, 1, 1], [], []>, transpose_lhs_hint = false} : vector<64x8xf32>, vector<8x128xf32>, vector<64x128xf32> -> vector<64x128xf32>
    %get3A_20 = arith.constant 0 : index
    %get3A_21 = arith.constant 0 : index
    %get3A_22 = vector.load %arg4[%get3A_20, %get3A_21] : memref<1x128xf32, #tpu.memory_space<vmem>>, vector<1x128xf32>
    %add3A = vector.broadcast %get3A_22 : vector<1x128xf32> to vector<64x128xf32>
    %add3A_23 = arith.addf %dot_general3A_19, %add3A : vector<64x128xf32>
    %get3A_24 = arith.constant 0 : index
    %get3A_25 = arith.constant 0 : index
    %get3A_26 = vector.load %arg5[%get3A_24, %get3A_25] : memref<1x128xf32, #tpu.memory_space<vmem>>, vector<1x128xf32>
    %get3A_27 = arith.constant 0 : index
    %get3A_28 = arith.constant 0 : index
    %get3A_29 = vector.load %arg6[%get3A_27, %get3A_28] : memref<1x128xf32, #tpu.memory_space<vmem>>, vector<1x128xf32>
    %reduce_sum3A_30 = arith.constant dense<0.000000e+00> : vector<64xf32>
    %reduce_sum3A_31 = vector.multi_reduction <add>, %add3A_23, %reduce_sum3A_30 [1] : vector<64x128xf32> to vector<64xf32>
    %broadcast_in_dim3A_32 = vector.shape_cast %reduce_sum3A_31 : vector<64xf32> to vector<64x1xf32>
    %div3A_33 = arith.constant 1.280000e+02 : f32
    %div3A_34 = vector.broadcast %div3A_33 : f32 to vector<64x1xf32>
    %div3A_35 = arith.divf %broadcast_in_dim3A_32, %div3A_34 : vector<64x1xf32>
    %sub3A = vector.broadcast %div3A_35 : vector<64x1xf32> to vector<64x128xf32>
    %sub3A_36 = arith.subf %add3A_23, %sub3A : vector<64x128xf32>
    %sub3A_37 = vector.broadcast %div3A_35 : vector<64x1xf32> to vector<64x128xf32>
    %sub3A_38 = arith.subf %add3A_23, %sub3A_37 : vector<64x128xf32>
    %mul3A = arith.mulf %sub3A_36, %sub3A_38 : vector<64x128xf32>
    %reduce_sum3A_39 = arith.constant dense<0.000000e+00> : vector<64xf32>
    %reduce_sum3A_40 = vector.multi_reduction <add>, %mul3A, %reduce_sum3A_39 [1] : vector<64x128xf32> to vector<64xf32>
    %broadcast_in_dim3A_41 = vector.shape_cast %reduce_sum3A_40 : vector<64xf32> to vector<64x1xf32>
    %div3A_42 = arith.constant 1.280000e+02 : f32
    %div3A_43 = vector.broadcast %div3A_42 : f32 to vector<64x1xf32>
    %div3A_44 = arith.divf %broadcast_in_dim3A_41, %div3A_43 : vector<64x1xf32>
    %sub3A_45 = vector.broadcast %div3A_35 : vector<64x1xf32> to vector<64x128xf32>
    %sub3A_46 = arith.subf %add3A_23, %sub3A_45 : vector<64x128xf32>
    %add3A_47 = arith.constant 9.99999974E-6 : f32
    %add3A_48 = vector.broadcast %add3A_47 : f32 to vector<64x1xf32>
    %add3A_49 = arith.addf %div3A_44, %add3A_48 : vector<64x1xf32>
    %rsqrt3A = math.rsqrt %add3A_49 : vector<64x1xf32>
    %mul3A_50 = vector.broadcast %rsqrt3A : vector<64x1xf32> to vector<64x128xf32>
    %mul3A_51 = arith.mulf %sub3A_46, %mul3A_50 : vector<64x128xf32>
    %mul3A_52 = vector.broadcast %get3A_26 : vector<1x128xf32> to vector<64x128xf32>
    %mul3A_53 = arith.mulf %mul3A_51, %mul3A_52 : vector<64x128xf32>
    %add3A_54 = vector.broadcast %get3A_29 : vector<1x128xf32> to vector<64x128xf32>
    %add3A_55 = arith.addf %mul3A_53, %add3A_54 : vector<64x128xf32>
    %logistic3A = arith.negf %add3A_55 : vector<64x128xf32>
    %logistic3A_56 = math.exp %logistic3A : vector<64x128xf32>
    %logistic3A_57 = arith.constant 1.000000e+00 : f32
    %logistic3A_58 = vector.broadcast %logistic3A_57 : f32 to vector<64x128xf32>
    %logistic3A_59 = arith.addf %logistic3A_58, %logistic3A_56 : vector<64x128xf32>
    %logistic3A_60 = arith.divf %logistic3A_58, %logistic3A_59 : vector<64x128xf32>
    %mul3A_61 = arith.mulf %add3A_55, %logistic3A_60 : vector<64x128xf32>
    %get3A_62 = arith.constant 0 : index
    %get3A_63 = arith.constant 0 : index
    %get3A_64 = vector.load %arg7[%get3A_62, %get3A_63] : memref<128x256xf32, #tpu.memory_space<vmem>>, vector<128x256xf32>
    %dot_general3A_65 = arith.constant dense<0.000000e+00> : vector<64x256xf32>
    %dot_general3A_66 = tpu.matmul %div3A_11, %get3A_64, %dot_general3A_65 {dimension_numbers = #tpu.dot_dimension_numbers<[1], [0], [0], [1], [0, 0, 1, 1], [], []>, transpose_lhs_hint = false} : vector<64x128xf32>, vector<128x256xf32>, vector<64x256xf32> -> vector<64x256xf32>
    %get3A_67 = arith.constant 0 : index
    %get3A_68 = arith.constant 0 : index
    %get3A_69 = vector.load %arg8[%get3A_67, %get3A_68] : memref<128x256xf32, #tpu.memory_space<vmem>>, vector<128x256xf32>
    %dot_general3A_70 = arith.constant dense<0.000000e+00> : vector<64x256xf32>
    %dot_general3A_71 = tpu.matmul %mul3A_61, %get3A_69, %dot_general3A_70 {dimension_numbers = #tpu.dot_dimension_numbers<[1], [0], [0], [1], [0, 0, 1, 1], [], []>, transpose_lhs_hint = false} : vector<64x128xf32>, vector<128x256xf32>, vector<64x256xf32> -> vector<64x256xf32>
    %add3A_72 = arith.addf %dot_general3A_66, %dot_general3A_71 : vector<64x256xf32>
    %get3A_73 = arith.constant 0 : index
    %get3A_74 = arith.constant 0 : index
    %get3A_75 = vector.load %arg9[%get3A_73, %get3A_74] : memref<1x256xf32, #tpu.memory_space<vmem>>, vector<1x256xf32>
    %add3A_76 = vector.broadcast %get3A_75 : vector<1x256xf32> to vector<64x256xf32>
    %add3A_77 = arith.addf %add3A_72, %add3A_76 : vector<64x256xf32>
    %get3A_78 = arith.constant 0 : index
    %get3A_79 = arith.constant 0 : index
    %get3A_80 = vector.load %arg10[%get3A_78, %get3A_79] : memref<1x256xf32, #tpu.memory_space<vmem>>, vector<1x256xf32>
    %get3A_81 = arith.constant 0 : index
    %get3A_82 = arith.constant 0 : index
    %get3A_83 = vector.load %arg11[%get3A_81, %get3A_82] : memref<1x256xf32, #tpu.memory_space<vmem>>, vector<1x256xf32>
    %reduce_sum3A_84 = arith.constant dense<0.000000e+00> : vector<64xf32>
    %reduce_sum3A_85 = vector.multi_reduction <add>, %add3A_77, %reduce_sum3A_84 [1] : vector<64x256xf32> to vector<64xf32>
    %broadcast_in_dim3A_86 = vector.shape_cast %reduce_sum3A_85 : vector<64xf32> to vector<64x1xf32>
    %div3A_87 = arith.constant 2.560000e+02 : f32
    %div3A_88 = vector.broadcast %div3A_87 : f32 to vector<64x1xf32>
    %div3A_89 = arith.divf %broadcast_in_dim3A_86, %div3A_88 : vector<64x1xf32>
    %sub3A_90 = vector.broadcast %div3A_89 : vector<64x1xf32> to vector<64x256xf32>
    %sub3A_91 = arith.subf %add3A_77, %sub3A_90 : vector<64x256xf32>
    %sub3A_92 = vector.broadcast %div3A_89 : vector<64x1xf32> to vector<64x256xf32>
    %sub3A_93 = arith.subf %add3A_77, %sub3A_92 : vector<64x256xf32>
    %mul3A_94 = arith.mulf %sub3A_91, %sub3A_93 : vector<64x256xf32>
    %reduce_sum3A_95 = arith.constant dense<0.000000e+00> : vector<64xf32>
    %reduce_sum3A_96 = vector.multi_reduction <add>, %mul3A_94, %reduce_sum3A_95 [1] : vector<64x256xf32> to vector<64xf32>
    %broadcast_in_dim3A_97 = vector.shape_cast %reduce_sum3A_96 : vector<64xf32> to vector<64x1xf32>
    %div3A_98 = arith.constant 2.560000e+02 : f32
    %div3A_99 = vector.broadcast %div3A_98 : f32 to vector<64x1xf32>
    %div3A_100 = arith.divf %broadcast_in_dim3A_97, %div3A_99 : vector<64x1xf32>
    %sub3A_101 = vector.broadcast %div3A_89 : vector<64x1xf32> to vector<64x256xf32>
    %sub3A_102 = arith.subf %add3A_77, %sub3A_101 : vector<64x256xf32>
    %add3A_103 = arith.constant 9.99999974E-6 : f32
    %add3A_104 = vector.broadcast %add3A_103 : f32 to vector<64x1xf32>
    %add3A_105 = arith.addf %div3A_100, %add3A_104 : vector<64x1xf32>
    %rsqrt3A_106 = math.rsqrt %add3A_105 : vector<64x1xf32>
    %mul3A_107 = vector.broadcast %rsqrt3A_106 : vector<64x1xf32> to vector<64x256xf32>
    %mul3A_108 = arith.mulf %sub3A_102, %mul3A_107 : vector<64x256xf32>
    %mul3A_109 = vector.broadcast %get3A_80 : vector<1x256xf32> to vector<64x256xf32>
    %mul3A_110 = arith.mulf %mul3A_108, %mul3A_109 : vector<64x256xf32>
    %add3A_111 = vector.broadcast %get3A_83 : vector<1x256xf32> to vector<64x256xf32>
    %add3A_112 = arith.addf %mul3A_110, %add3A_111 : vector<64x256xf32>
    %logistic3A_113 = arith.negf %add3A_112 : vector<64x256xf32>
    %logistic3A_114 = math.exp %logistic3A_113 : vector<64x256xf32>
    %logistic3A_115 = arith.constant 1.000000e+00 : f32
    %logistic3A_116 = vector.broadcast %logistic3A_115 : f32 to vector<64x256xf32>
    %logistic3A_117 = arith.addf %logistic3A_116, %logistic3A_114 : vector<64x256xf32>
    %logistic3A_118 = arith.divf %logistic3A_116, %logistic3A_117 : vector<64x256xf32>
    %mul3A_119 = arith.mulf %add3A_112, %logistic3A_118 : vector<64x256xf32>
    %get3A_120 = arith.constant 0 : index
    %get3A_121 = arith.constant 0 : index
    %get3A_122 = vector.load %arg12[%get3A_120, %get3A_121] : memref<256x256xf32, #tpu.memory_space<vmem>>, vector<256x256xf32>
    %dot_general3A_123 = arith.constant dense<0.000000e+00> : vector<64x256xf32>
    %dot_general3A_124 = tpu.matmul %mul3A_119, %get3A_122, %dot_general3A_123 {dimension_numbers = #tpu.dot_dimension_numbers<[1], [0], [0], [1], [0, 0, 1, 1], [], []>, transpose_lhs_hint = false} : vector<64x256xf32>, vector<256x256xf32>, vector<64x256xf32> -> vector<64x256xf32>
    %get3A_125 = arith.constant 0 : index
    %get3A_126 = arith.constant 0 : index
    %get3A_127 = vector.load %arg13[%get3A_125, %get3A_126] : memref<1x256xf32, #tpu.memory_space<vmem>>, vector<1x256xf32>
    %add3A_128 = vector.broadcast %get3A_127 : vector<1x256xf32> to vector<64x256xf32>
    %add3A_129 = arith.addf %dot_general3A_124, %add3A_128 : vector<64x256xf32>
    %get3A_130 = arith.constant 0 : index
    %get3A_131 = arith.constant 0 : index
    %get3A_132 = vector.load %arg14[%get3A_130, %get3A_131] : memref<1x256xf32, #tpu.memory_space<vmem>>, vector<1x256xf32>
    %get3A_133 = arith.constant 0 : index
    %get3A_134 = arith.constant 0 : index
    %get3A_135 = vector.load %arg15[%get3A_133, %get3A_134] : memref<1x256xf32, #tpu.memory_space<vmem>>, vector<1x256xf32>
    %reduce_sum3A_136 = arith.constant dense<0.000000e+00> : vector<64xf32>
    %reduce_sum3A_137 = vector.multi_reduction <add>, %add3A_129, %reduce_sum3A_136 [1] : vector<64x256xf32> to vector<64xf32>
    %broadcast_in_dim3A_138 = vector.shape_cast %reduce_sum3A_137 : vector<64xf32> to vector<64x1xf32>
    %div3A_139 = arith.constant 2.560000e+02 : f32
    %div3A_140 = vector.broadcast %div3A_139 : f32 to vector<64x1xf32>
    %div3A_141 = arith.divf %broadcast_in_dim3A_138, %div3A_140 : vector<64x1xf32>
    %sub3A_142 = vector.broadcast %div3A_141 : vector<64x1xf32> to vector<64x256xf32>
    %sub3A_143 = arith.subf %add3A_129, %sub3A_142 : vector<64x256xf32>
    %sub3A_144 = vector.broadcast %div3A_141 : vector<64x1xf32> to vector<64x256xf32>
    %sub3A_145 = arith.subf %add3A_129, %sub3A_144 : vector<64x256xf32>
    %mul3A_146 = arith.mulf %sub3A_143, %sub3A_145 : vector<64x256xf32>
    %reduce_sum3A_147 = arith.constant dense<0.000000e+00> : vector<64xf32>
    %reduce_sum3A_148 = vector.multi_reduction <add>, %mul3A_146, %reduce_sum3A_147 [1] : vector<64x256xf32> to vector<64xf32>
    %broadcast_in_dim3A_149 = vector.shape_cast %reduce_sum3A_148 : vector<64xf32> to vector<64x1xf32>
    %div3A_150 = arith.constant 2.560000e+02 : f32
    %div3A_151 = vector.broadcast %div3A_150 : f32 to vector<64x1xf32>
    %div3A_152 = arith.divf %broadcast_in_dim3A_149, %div3A_151 : vector<64x1xf32>
    %sub3A_153 = vector.broadcast %div3A_141 : vector<64x1xf32> to vector<64x256xf32>
    %sub3A_154 = arith.subf %add3A_129, %sub3A_153 : vector<64x256xf32>
    %add3A_155 = arith.constant 9.99999974E-6 : f32
    %add3A_156 = vector.broadcast %add3A_155 : f32 to vector<64x1xf32>
    %add3A_157 = arith.addf %div3A_152, %add3A_156 : vector<64x1xf32>
    %rsqrt3A_158 = math.rsqrt %add3A_157 : vector<64x1xf32>
    %mul3A_159 = vector.broadcast %rsqrt3A_158 : vector<64x1xf32> to vector<64x256xf32>
    %mul3A_160 = arith.mulf %sub3A_154, %mul3A_159 : vector<64x256xf32>
    %mul3A_161 = vector.broadcast %get3A_132 : vector<1x256xf32> to vector<64x256xf32>
    %mul3A_162 = arith.mulf %mul3A_160, %mul3A_161 : vector<64x256xf32>
    %add3A_163 = vector.broadcast %get3A_135 : vector<1x256xf32> to vector<64x256xf32>
    %add3A_164 = arith.addf %mul3A_162, %add3A_163 : vector<64x256xf32>
    %logistic3A_165 = arith.negf %add3A_164 : vector<64x256xf32>
    %logistic3A_166 = math.exp %logistic3A_165 : vector<64x256xf32>
    %logistic3A_167 = arith.constant 1.000000e+00 : f32
    %logistic3A_168 = vector.broadcast %logistic3A_167 : f32 to vector<64x256xf32>
    %logistic3A_169 = arith.addf %logistic3A_168, %logistic3A_166 : vector<64x256xf32>
    %logistic3A_170 = arith.divf %logistic3A_168, %logistic3A_169 : vector<64x256xf32>
    %mul3A_171 = arith.mulf %add3A_164, %logistic3A_170 : vector<64x256xf32>
    %get3A_172 = arith.constant 0 : index
    %get3A_173 = arith.constant 0 : index
    %get3A_174 = vector.load %arg16[%get3A_172, %get3A_173] : memref<1x256xf32, #tpu.memory_space<vmem>>, vector<1x256xf32>
    %mul3A_175 = vector.broadcast %get3A_174 : vector<1x256xf32> to vector<64x256xf32>
    %mul3A_176 = arith.mulf %mul3A_171, %mul3A_175 : vector<64x256xf32>
    %reduce_sum3A_177 = arith.constant dense<0.000000e+00> : vector<64xf32>
    %reduce_sum3A_178 = vector.multi_reduction <add>, %mul3A_176, %reduce_sum3A_177 [1] : vector<64x256xf32> to vector<64xf32>
    %broadcast_in_dim3A_179 = vector.shape_cast %reduce_sum3A_178 : vector<64xf32> to vector<64x1xf32>
    %get3A_180 = arith.constant 0 : index
    %get3A_181 = arith.constant 0 : index
    %get3A_182 = vector.load %arg17[%get3A_180, %get3A_181] : memref<1x1xf32, #tpu.memory_space<vmem>>, vector<1x1xf32>
    %add3A_183 = vector.broadcast %get3A_182 : vector<1x1xf32> to vector<64x1xf32>
    %add3A_184 = arith.addf %broadcast_in_dim3A_179, %add3A_183 : vector<64x1xf32>
    %swap3A = arith.constant 0 : index
    %swap3A_185 = arith.constant 0 : index
    %swap3A_186 = vector.load %arg20[%swap3A, %swap3A_185] : memref<64x1xf32, #tpu.memory_space<vmem>>, vector<64x1xf32>
    tpu.vector_store %arg20[%swap3A, %swap3A_185], %add3A_184 {strides = array<i32>} : memref<64x1xf32, #tpu.memory_space<vmem>>, vector<64x1xf32>,
    %get3A_187 = arith.constant 0 : index
    %get3A_188 = arith.constant 0 : index
    %get3A_189 = vector.load %arg18[%get3A_187, %get3A_188] : memref<256x128xf32, #tpu.memory_space<vmem>>, vector<256x128xf32>
    %dot_general3A_190 = arith.constant dense<0.000000e+00> : vector<64x128xf32>
    %dot_general3A_191 = tpu.matmul %mul3A_171, %get3A_189, %dot_general3A_190 {dimension_numbers = #tpu.dot_dimension_numbers<[1], [0], [0], [1], [0, 0, 1, 1], [], []>, transpose_lhs_hint = false} : vector<64x256xf32>, vector<256x128xf32>, vector<64x128xf32> -> vector<64x128xf32>
    %get3A_192 = arith.constant 0 : index
    %get3A_193 = arith.constant 0 : index
    %get3A_194 = vector.load %arg19[%get3A_192, %get3A_193] : memref<1x128xf32, #tpu.memory_space<vmem>>, vector<1x128xf32>
    %add3A_195 = vector.broadcast %get3A_194 : vector<1x128xf32> to vector<64x128xf32>
    %add3A_196 = arith.addf %dot_general3A_191, %add3A_195 : vector<64x128xf32>
    %swap3A_197 = arith.constant 0 : index
    %swap3A_198 = arith.constant 0 : index
    %swap3A_199 = vector.load %arg21[%swap3A_197, %swap3A_198] : memref<64x128xf32, #tpu.memory_space<vmem>>, vector<64x128xf32>
    tpu.vector_store %arg21[%swap3A_197, %swap3A_198], %add3A_196 {strides = array<i32>} : memref<64x128xf32, #tpu.memory_space<vmem>>, vector<64x128xf32>,
    return
  }
}

</mosaic_0001>

<sc_bundles>
// kernel: kernel.14.cloned.1.call-start
scs
__scs_entry_jumppad:
0x0: {  	(pc) =	sbr.rel $0x88, $3  }
0x1: {  	(tag) =	ssettag $0x0;
	lr =	simm.s32 $0x1  }
0x2: {  	[smem:$0x3F83] =	sst lr;
	_ =	strace $0xD0000000  }
0x3: {  	_ = 	snop  }
0x4: {  	_ = 	snop  }
0x5: {  	_ = 	snop  }
0x6: {  	_ = 	snop  }
0x7: {  	_ = 	snop  }
__scs_overlays_trampoline_lowered:
0x8: {  	[smem:$0x3F92] =	sst s0  }
0x9: {  	[smem:$0x3F93] =	sst s1  }
0xa: {  	[smem:$0x3F94] =	sst s2  }
0xb: {  	[smem:$0x3F95] =	sst s3  }
0xc: {  	[smem:$0x3F96] =	sst s4  }
0xd: {  	[smem:$0x3F97] =	sst s5  }
0xe: {  	[smem:$0x3F98] =	sst s6  }
0xf: {  	[smem:$0x3F99] =	sst s7  }
0x10: {  	[smem:$0x3F9A] =	sst s8  }
0x11: {  	[smem:$0x3F9B] =	sst s9;
	s0 =	simm.s32 @!p0 $0x0  }
0x12: {  	s1 =	sld [smem:$0x3F81];
	s0 =	simm.s32 @p0 $0x1  }
0x13: {  	[smem:$0x3F9C] =	sst s0;
	s0 =	simm.s32 @!p1 $0x0  }
0x14: {  	s2 =	sld [smem:$0x3F80];
	s0 =	simm.s32 @p1 $0x1  }
0x15: {  	[smem:$0x3F9D] =	sst s0;
	s0 =	simm.s32 @!p2 $0x0  }
0x16: {  	s3 =	sld [smem:$0x3FDB];
	s0 =	simm.s32 @p2 $0x1  }
0x17: {  	s4 =	simm.s32 $0x1BF5;
	[smem:$0x3F9F] =	sst s0  }
0x18: {  	s0 =	sld [smem:$0x3F82];
	_ =	swait.ge [sflag:s4], $0x0  }
0x19: {  	s7 =	sld [smem:$0x3F83]  }
0x1a: {  	s8 =	sadd.s32 $0xFFFFE003, lr  }
0x1b: {  	s9 =	sadd.s32 $0xFFFFFEF7, lr;
	s5 =	simm.s32 $0xFFFFFFFF;
	p2 =	slt.u32 s8, $0xFFFFF086  }
0x1c: {  	p1 =	slt.u32 s9, $0xF7A;
	s5 =	simm.s32 @!p2 $0x0  }
0x1d: {  	s5 =	simm.s32 @p1 $0x1;
	p0 =	seq.s32 s7, s2  }
0x1e: {  	s7 =	smul.u32 @!p0 $0xF7A, s2;
	p2 =	seq.s32 @!p0 s5, $0x0  }
0x1f: {  	s9 =	smul.u32 $0xF7A, s1;
	s8 =	simm.s32 @!p0 $0x1BF5;
	p2 =	por !p2, p0  }
0x20: {  	[sflag:s8] =	ssyncset.s32 @!p0 $0xFFFFF086;
	s6 =	sadd.s32 @!p0 s3, s7;
	s7 =	simm.s32 @!p0 $0x108  }
0x21: {  	s3 =	sadd.s32 s3, s9;
	s6 =	sadd.s32 @!p0 $0x88, s6;
	s7 =	simm.s32 @p2 $0x1082  }
0x22: {  	[simem:s7], [sflag:s8] =	dma.local @!p0 [hbm:s6], $0xF7A  }
0x23: {  	s9 =	sor.u32 $0xD0000000, s2;
	s6 =	simm.s32 $0x108;
	_ =	swait.ge @!p0 [sflag:s8], $0x0  }
0x24: {  	s3 =	sadd.s32 $0x88, s3;
	s6 =	simm.s32 @!p1 $0x1082;
	[sflag:s4] =	ssyncset.s32 $0xFFFFF086  }
0x25: {  	[simem:s6], [sflag:s4] =	dma.local [hbm:s3], $0xF7A  }
0x26: {  	[smem:$0x3F83] =	sst s1;
	(tag) =	ssettag s2;
	_ =	strace s9  }
0x27: {  	s1 =	sld [smem:$0x3F93]  }
0x28: {  	s2 =	sld [smem:$0x3F94]  }
0x29: {  	s4 =	sld [smem:$0x3F96]  }
0x2a: {  	p0 =	seq.s32 s5, $0x0;
	s5 =	sld [smem:$0x3F97]  }
0x2b: {  	s6 =	sld [smem:$0x3F98]  }
0x2c: {  	s7 =	sld [smem:$0x3F99]  }
0x2d: {  	s3 =	simm.s32 $0x108;
	s8 =	sld [smem:$0x3F9A]  }
0x2e: {  	s3 =	simm.s32 @!p0 $0x1082;
	s9 =	sld [smem:$0x3F9B]  }
0x2f: {  	lr =	sadd.s32 s0, s3;
	s0 =	sld [smem:$0x3F92]  }
0x30: {  	s3 =	sld [smem:$0x3F95]  }
0x31: {  	[smem:$0x3F9E] =	sst s10  }
0x32: {  	s10 =	sld [smem:$0x3F9C];
	_ =	sdelay $0x3  }
0x33: {  	p0 =	seq.s32 s10, $0x1;
	s10 =	sld [smem:$0x3F9E];
	_ =	sdelay $0x3  }
0x34: {  	[smem:$0x3F9E] =	sst s10  }
0x35: {  	s10 =	sld [smem:$0x3F9D];
	_ =	sdelay $0x3  }
0x36: {  	p1 =	seq.s32 s10, $0x1;
	s10 =	sld [smem:$0x3F9E];
	_ =	sdelay $0x3  }
0x37: {  	[smem:$0x3F9E] =	sst s10  }
0x38: {  	s10 =	sld [smem:$0x3F9F]  }
0x39: {  	_ = 	snop;
	(pc) =	sbr.ind lr, $3  }
0x3a: {  	_ = 	snop  }
0x3b: {  	_ = 	snop  }
0x3c: {  	p2 =	seq.s32 s10, $0x1;
	s10 =	sld [smem:$0x3F9E]  }
0x3d: {  	_ =	shalt  }
0x3e: {  	_ =	shalt  }
0x3f: {  	_ =	shalt  }
0x40: {  	_ =	shalt  }
0x41: {  	_ =	shalt  }
0x42: {  	_ =	shalt  }
0x43: {  	_ =	shalt  }
0x44: {  	_ =	shalt  }
0x45: {  	_ =	shalt  }
0x46: {  	_ =	shalt  }
0x47: {  	_ =	shalt  }
0x48: {  	_ =	shalt  }
0x49: {  	_ =	shalt  }
0x4a: {  	_ =	shalt  }
0x4b: {  	_ =	shalt  }
0x4c: {  	_ =	shalt  }
0x4d: {  	_ =	shalt  }
0x4e: {  	_ =	shalt  }
0x4f: {  	_ =	shalt  }
0x50: {  	_ =	shalt  }
0x51: {  	_ =	shalt  }
0x52: {  	_ =	shalt  }
0x53: {  	_ =	shalt  }
0x54: {  	_ =	shalt  }
0x55: {  	_ =	shalt  }
0x56: {  	_ =	shalt  }
0x57: {  	_ =	shalt  }
0x58: {  	_ =	shalt  }
0x59: {  	_ =	shalt  }
0x5a: {  	_ =	shalt  }
0x5b: {  	_ =	shalt  }
0x5c: {  	_ =	shalt  }
0x5d: {  	_ =	shalt  }
0x5e: {  	_ =	shalt  }
0x5f: {  	_ =	shalt  }
0x60: {  	_ =	shalt  }
0x61: {  	_ =	shalt  }
0x62: {  	_ =	shalt  }
0x63: {  	_ =	shalt  }
0x64: {  	_ =	shalt  }
0x65: {  	_ =	shalt  }
0x66: {  	_ =	shalt  }
0x67: {  	_ =	shalt  }
0x68: {  	_ =	shalt  }
0x69: {  	_ =	shalt  }
0x6a: {  	_ =	shalt  }
0x6b: {  	_ =	shalt  }
0x6c: {  	_ =	shalt  }
0x6d: {  	_ =	shalt  }
0x6e: {  	_ =	shalt  }
0x6f: {  	_ =	shalt  }
0x70: {  	_ =	shalt  }
0x71: {  	_ =	shalt  }
0x72: {  	_ =	shalt  }
0x73: {  	_ =	shalt  }
0x74: {  	_ =	shalt  }
0x75: {  	_ =	shalt  }
0x76: {  	_ =	shalt  }
0x77: {  	_ =	shalt  }
0x78: {  	_ =	shalt  }
0x79: {  	_ =	shalt  }
0x7a: {  	_ =	shalt  }
0x7b: {  	_ =	shalt  }
0x7c: {  	_ =	shalt  }
0x7d: {  	_ =	shalt  }
0x7e: {  	_ =	shalt  }
0x7f: {  	_ =	shalt  }
0x80: {  	_ =	shalt  }
0x81: {  	_ =	shalt  }
0x82: {  	_ =	shalt  }
0x83: {  	_ =	shalt  }
0x84: {  	_ =	shalt  }
0x85: {  	_ =	shalt  }
0x86: {  	_ =	shalt  }
0x87: {  	_ =	shalt  }
.Lfunc_end0:
.L_simem_size_0:
called_computation_lowered:
.L_overlay_start_0:
0x88: {  	s2 =	sld [smem:$0x3FD9]  }
0x89: {  	s3 =	sld [smem:$0x3FFE];
	_ =	sdelay $0x1  }
0x8a: {  	s1 =	srdreg.scid  }
0x8b: {  	s0 =	sand.u32 $0x1, s1  }
0x8c: {  	s16 =	sshll.u32 s0, $0xA;
	s2 =	sadd.s32 s3, s2  }
0x8d: {  	s2 =	sadd.s32 s2, s16  }
0x8e: {  	[smem:$0x3FAA] =	sst s2  }
0x8f: {  	_ = 	snop  }
0x90: {  	(tm) =	ssettm $0x1  }
0x91: {  	s17 =	sld [smem:$0x3FFB];
	_ =	sdelay $0x3  }
0x92: {  	_ =	strace s17  }
0x93: {  	s2 =	sld [smem:$0x3FFC];
	_ =	sdelay $0x3  }
0x94: {  	_ =	strace s2  }
0x95: {  	s2 =	sld [smem:$0x3FFD];
	_ =	sdelay $0x3  }
0x96: {  	_ =	strace s2  }
0x97: {  	_ =	strace $0x8FFFFFFF  }
0x98: {  	s18 =	sld [smem:$0x3FDB];
	_ =	sdelay $0x1  }
0x99: {  	s19 =	simm.s32 $_scs_section_size  }
0x9a: {  	s4 =	simm.s32 $_size__tile_overlayer_lowered;
	s5 =	simm.s32 $_tile_overlayer_lowered  }
0x9b: {  	s22 =	simm.s32 $0x1BFF;
	s21 =	sshll.u32 s5, $0x1;
	s2 =	sadd.s32 s19, s18  }
0x9c: {  	s6 =	simm.s32 $0x0;
	s20 =	sshll.u32 s4, $0x1;
	s4 =	sadd.s32 s21, s2  }
0x9d: {  	[timem:s6], [sflag:s22] =	dma.local [hbm:s4], s20  }
0x9e: {  	_ =	swait.ge [sflag:s22], s20  }
0x9f: {  	s3 =	ssub.s32 $0x0, s20;
	[sflag:s22] =	ssyncset.done $0x0  }
0xa0: {  	[sflag:s22] =	ssyncadd.s32 s3;
	_ =	sdelay $0x1  }
0xa1: {  	s23 =	simm.s32 $0x1B8B  }
0xa2: {  	_ =	swait.ge [sflag:s23], $0x1  }
0xa3: {  	[sflag:s23] =	ssyncset.done $0x0  }
0xa4: {  	s25 =	simm.s32 $0x1B8E;
	s24 =	sld [smem:$0x3FFE];
	[sflag:s23] =	ssyncadd.s32 $0xFFFFFFFF  }
0xa5: {  	s26 =	simm.s32 $execute0_lowered;
	[smem:$0x3FD2] =	sst s25  }
0xa6: {  	s4 =	sshll.u32 s26, $0x1;
	_ =	strace $0x80000046;
	[dreg:$0x1] =	wrdreg $0xFFFFFFFF  }
0xa7: {  	s28 =	simm.s32 $_size_execute0_lowered;
	s2 =	sadd.s32 s2, s4;
	[dreg:$0x0] =	wrdreg $0x0  }
0xa8: {  	s4 =	sshll.u32 s28, $0x1;
	[dreg:$0x2] =	wrdreg s2  }
0xa9: {  	[dreg:$0x3] =	wrdreg s4  }
0xaa: {  	[dreg:$0x4] =	wrdreg $0xC0  }
0xab: {  	_ =	task [dreg:s6], $0x5FFFF  }
0xac: {  	[dreg:$0x1] =	wrdreg $0xFFFFFFFF  }
0xad: {  	[dreg:$0x0] =	wrdreg $0x60  }
0xae: {  	[dreg:$0x2] =	wrdreg s24  }
0xaf: {  	[dreg:$0x3] =	wrdreg $0x92000  }
0xb0: {  	[dreg:$0x4] =	wrdreg $0x9  }
0xb1: {  	_ =	task.clear_ibuf [dreg:s6], $0x5FFFF;
	_ =	strace $0x90000046  }
0xb2: {  	s29 =	simm.s32 $0x9;
	_ =	strace $0x80000048  }
0xb3: {  	_ =	swait.ge [sflag:s29], $0x1  }
0xb4: {  	[sflag:s29] =	ssyncadd.s32 $0xFFFFFFFF  }
0xb5: {  	_ =	strace $0x90000048  }
0xb6: {  	_ =	sfence  }
0xb7: {  	s30 =	sld [smem:$0x0];
	_ =	sdelay $0x2  }
0xb8: {  	s31 =	sshll.u32 s1, $0xD;
	s1 =	sshrl.u32 s1, $0x2  }
0xb9: {  	s3 =	sand.u32 $0x4000, s31;
	s1 =	sadd.s32 s1, s30  }
0xba: {  	s0 =	sor.u32 s3, s0;
	s1 =	sshll.u32 s1, $0x11  }
0xbb: {  	s0 =	sor.u32 s1, s0  }
0xbc: {  	s0 =	sadd.s32 $0x8F2B, s0  }
0xbd: {  	[sflag:s0] =	ssyncadd.remote.s32 $0x1  }
0xbe: {  	_ =	sfence.sel $0xFFFF  }
0xbf: {  	[dreg:$0x0] =	wrdreg $0xFFFFFFFF;
	(pc) =	sbr.abs _section_cstart, $3  }
0xc0: {  	[dreg:$0x1] =	wrdreg $0xFFFFFFFF  }
0xc1: {  	_ =	task.clear_ibuf [dreg:s6], $0x2FFFF;
	_ =	strace $0x9FFFFFFF  }
0xc2: {  	(tm) =	ssettm $0x7FFFFFFF  }
0xc3: {  	_ =	shalt  }
tec
execute0_lowered:
.L_overlay_start_1:
0x0: {  	(tag) =	ssettag $0x1  }
0x1: {  	s5 =	rddreg [dreg:$0x0]  }
0x2: {  	s2 =	rddreg [dreg:$0x1]  }
0x3: {  	s0 =	rddreg [dreg:$0x2]  }
0x4: {  	s4 =	srdreg.scid;
	s1 =	stileid.u32;
	s3 =	simm.s32 $0x0  }
0x5: {  	s12 =	simm.s32 $0x50;
	s13 =	simm.s32 $0x4000;
	s14 =	simm.s32 $0x4200  }
0x6: {  	s15 =	simm.s32 $0x4080;
	s16 =	simm.s32 $0x6A00;
	s17 =	simm.s32 $0x1  }
0x7: {  	s18 =	simm.s32 $0x4100;
	s19 =	simm.s32 $0x2;
	s20 =	simm.s32 $0x4180  }
0x8: {  	s21 =	simm.s32 $0x0;
	s6 =	sand.u32 $0x1, s4;
	s7 =	smul.u32 $0x13C00, s1  }
0x9: {  	[smem:$0x7FF] =	sst s3;
	s4 =	sadd.s32 $0x17000, s5;
	s11 =	smul.u32 $0x4F000, s1  }
0xa: {  	s26 =	sshll.u32 s1, $0xC;
	s31 =	sshll.u32 s1, $0x6;
	s8 =	smul.u32 $0x13C000, s6  }
0xb: {  	_ =	strace $0x80000047;
	s9 =	sshll.u32 s6, $0xB;
	s6 =	ssub.s32 $0x2, s6  }
0xc: {  	s10 =	sshrl.u32 s7, $0x3;
	s24 =	sadd.s32 s9, s5;
	s28 =	sshrl.u32 s6, $0x1  }
0xd: {  	s30 =	sshrl.u32 s11, $0x2;
	s9 =	simm.s32 $0x3;
	s7 =	sadd.s32 s7, s8  }
0xe: {  	s25 =	sadd.s32 s10, s5;
	s8 =	sadd.s32 s26, s24;
	s29 =	ssub.s32 s6, s28  }
0xf: {  	s11 =	sadd.s32 s30, s2;
	s10 =	sor.u32 $0x1C03, s31;
	s7 =	sshrl.u32 s7, $0x3  }
0x10: {  	s6 =	sadd.s32 $0x3E800, s25;
	s11 =	sshrl.u32 s11, $0x3;
	s7 =	sadd.s32 s7, s5  }
0x11: {  	s5 =	sadd.s32 $0x7000, s8;
	s8 =	smax.u32 s29, $0x1;
	s7 =	sadd.s32 $0x66000, s7  }
.LBB2_1:
0x12: {  	[tilespmem:s3], [sflag:$0x3] =	stream.linear.gather [hbm4b:s5+s3], $0x3E80, $0x38;
	[tilespmem:$0x1CE00] =	vst v63  }
0x13: {  	_ =	swait.ge [sflag:s9], $0x3E80  }
0x14: {  	[sflag:s9] =	ssyncset.done $0x0  }
0x15: {  	[sflag:s9] =	ssyncadd.s32 $0xFFFFC180  }
0x16: {  	[spmem:s11], [sflag:s10] =	dma.local [hbm:s6], $0x2780  }
0x17: {  	_ =	swait.ge [sflag:s9], $0x2780  }
0x18: {  	[sflag:s9] =	ssyncset.done $0x0  }
0x19: {  	[sflag:s9] =	ssyncadd.s32 $0xFFFFD880  }
0x1a: {  	[bflag:$0x0] =	sbarrier.arrive $0xFFFF  }
0x1b: {  	v0 =	vld [tilespmem:$0x0];
	_ =	sdelay $0x1  }
0x1c: {  	v1 =	vld [tilespmem:$0x10];
	_ =	sdelay $0x1  }
0x1d: {  	v2 =	vld [tilespmem:$0x20]  }
0x1e: {  	v3 =	vand.u32 $0xFFFF, v0  }
0x1f: {  	v0 =	vshrl.u32 v0, $0x10;
	[tilespmem:$0x4000] =	vst v3;
	v3 =	vld [tilespmem:$0x30]  }
0x20: {  	[tilespmem:$0x4100] =	vst v0;
	v0 =	vand.u32 $0xFFFF, v1  }
0x21: {  	[tilespmem:$0x4010] =	vst v0;
	v0 =	vshrl.u32 v1, $0x10;
	v1 =	vld [tilespmem:$0x40]  }
0x22: {  	[tilespmem:$0x4110] =	vst v0;
	v0 =	vand.u32 $0xFFFF, v2  }
0x23: {  	[tilespmem:$0x4020] =	vst v0;
	v0 =	vshrl.u32 v2, $0x10  }
0x24: {  	[tilespmem:$0x4120] =	vst v0;
	v0 =	vand.u32 $0xFFFF, v3  }
0x25: {  	[tilespmem:$0x4030] =	vst v0;
	v0 =	vshrl.u32 v3, $0x10  }
0x26: {  	[tilespmem:$0x4130] =	vst v0;
	v0 =	vand.u32 $0xFFFF, v1  }
0x27: {  	[tilespmem:$0x4040] =	vst v0;
	v0 =	vshrl.u32 v1, $0x10  }
0x28: {  	[tilespmem:$0x4140] =	vst v0  }
0x29: {  	[tilespmem:s14], [sflag:$0x1] =	stream.indirect.gather [hbm4b:s4+s12], $0x80, s13, s12, $0xb8;
	[tilespmem:$0x1CE00] =	vst v63  }
0x2a: {  	v0 =	vld [tilespmem:$0x80];
	_ =	sdelay $0x1  }
0x2b: {  	v1 =	vld [tilespmem:$0x90];
	_ =	sdelay $0x1  }
0x2c: {  	v2 =	vld [tilespmem:$0xA0]  }
0x2d: {  	v3 =	vand.u32 $0xFFFF, v0  }
0x2e: {  	v0 =	vshrl.u32 v0, $0x10;
	[tilespmem:$0x4080] =	vst v3;
	v3 =	vld [tilespmem:$0xB0]  }
0x2f: {  	[tilespmem:$0x4180] =	vst v0;
	v0 =	vand.u32 $0xFFFF, v1  }
0x30: {  	[tilespmem:$0x4090] =	vst v0;
	v0 =	vshrl.u32 v1, $0x10;
	v1 =	vld [tilespmem:$0xC0]  }
0x31: {  	[tilespmem:$0x4190] =	vst v0;
	v0 =	vand.u32 $0xFFFF, v2  }
0x32: {  	[tilespmem:$0x40A0] =	vst v0;
	v0 =	vshrl.u32 v2, $0x10  }
0x33: {  	[tilespmem:$0x41A0] =	vst v0;
	v0 =	vand.u32 $0xFFFF, v3  }
0x34: {  	[tilespmem:$0x40B0] =	vst v0;
	v0 =	vshrl.u32 v3, $0x10  }
0x35: {  	[tilespmem:$0x41B0] =	vst v0;
	v0 =	vand.u32 $0xFFFF, v1  }
0x36: {  	[tilespmem:$0x40C0] =	vst v0;
	v0 =	vshrl.u32 v1, $0x10  }
0x37: {  	[tilespmem:$0x41C0] =	vst v0  }
0x38: {  	[tilespmem:s16], [sflag:$0x2] =	stream.indirect.gather [hbm4b:s4+s12], $0x80, s15, s12, $0xb8;
	[tilespmem:$0x1CE00] =	vst v63  }
0x39: {  	_ =	swait.ge [sflag:s17], $0x2800  }
0x3a: {  	[sflag:s17] =	ssyncset.done $0x0  }
0x3b: {  	[sflag:s17] =	ssyncadd.s32 $0xFFFFD800  }
0x3c: {  	[spmem:s2] =	stream.indirect.scatter.add.f32 [tilespmem:s14], [sflag:$0x3], $0x80, s18, s12, $0xb8;
	[tilespmem:$0x1CE00] =	vst v63  }
0x3d: {  	_ =	swait.ge [sflag:s9], $0x2800  }
0x3e: {  	[sflag:s9] =	ssyncset.done $0x0  }
0x3f: {  	s22 =	simm.s32 $0x1C0;
	[sflag:s9] =	ssyncadd.s32 $0xFFFFD800  }
0x40: {  	v0 =	vld [tilespmem:s22+$0xFFFFFF40];
	_ =	sdelay $0x4  }
0x41: {  	v1 =	vand.u32 $0xFFFF, v0  }
0x42: {  	v0 =	vshrl.u32 v0, $0x10;
	[tilespmem:$0x4000] =	vst v1  }
0x43: {  	[tilespmem:$0x4100] =	vst v0  }
0x44: {  	v0 =	vld [tilespmem:s22+$0xFFFFFF50];
	_ =	sdelay $0x4  }
0x45: {  	v1 =	vand.u32 $0xFFFF, v0  }
0x46: {  	v0 =	vshrl.u32 v0, $0x10;
	[tilespmem:$0x4010] =	vst v1  }
0x47: {  	[tilespmem:$0x4110] =	vst v0  }
0x48: {  	v0 =	vld [tilespmem:s22+$0xFFFFFF60];
	_ =	sdelay $0x4  }
0x49: {  	v1 =	vand.u32 $0xFFFF, v0  }
0x4a: {  	v0 =	vshrl.u32 v0, $0x10;
	[tilespmem:$0x4020] =	vst v1  }
0x4b: {  	[tilespmem:$0x4120] =	vst v0  }
0x4c: {  	v0 =	vld [tilespmem:s22+$0xFFFFFF70];
	_ =	sdelay $0x4  }
0x4d: {  	v1 =	vand.u32 $0xFFFF, v0  }
0x4e: {  	v0 =	vshrl.u32 v0, $0x10;
	[tilespmem:$0x4030] =	vst v1  }
0x4f: {  	[tilespmem:$0x4130] =	vst v0  }
0x50: {  	v0 =	vld [tilespmem:s22+$0xFFFFFF80];
	_ =	sdelay $0x4  }
0x51: {  	v1 =	vand.u32 $0xFFFF, v0  }
0x52: {  	v0 =	vshrl.u32 v0, $0x10;
	[tilespmem:$0x4040] =	vst v1  }
0x53: {  	[tilespmem:$0x4140] =	vst v0  }
0x54: {  	[tilespmem:s14], [sflag:$0x1] =	stream.indirect.gather [hbm4b:s4+s12], $0x80, s13, s12, $0xb8;
	[tilespmem:$0x1CE00] =	vst v63  }
0x55: {  	_ =	swait.ge [sflag:s19], $0x2800  }
0x56: {  	[sflag:s19] =	ssyncset.done $0x0  }
0x57: {  	[sflag:s19] =	ssyncadd.s32 $0xFFFFD800  }
0x58: {  	[spmem:s2] =	stream.indirect.scatter.add.f32 [tilespmem:s16], [sflag:$0x3], $0x80, s20, s12, $0xb8;
	[tilespmem:$0x1CE00] =	vst v63  }
0x59: {  	_ =	swait.ge [sflag:s9], $0x2800  }
0x5a: {  	[sflag:s9] =	ssyncset.done $0x0  }
0x5b: {  	[sflag:s9] =	ssyncadd.s32 $0xFFFFD800  }
0x5c: {  	v0 =	vld [tilespmem:s22+$0xFFFFFFC0];
	_ =	sdelay $0x4  }
0x5d: {  	v1 =	vand.u32 $0xFFFF, v0  }
0x5e: {  	v0 =	vshrl.u32 v0, $0x10;
	[tilespmem:$0x4080] =	vst v1  }
0x5f: {  	[tilespmem:$0x4180] =	vst v0  }
0x60: {  	v0 =	vld [tilespmem:s22+$0xFFFFFFD0];
	_ =	sdelay $0x4  }
0x61: {  	v1 =	vand.u32 $0xFFFF, v0  }
0x62: {  	v0 =	vshrl.u32 v0, $0x10;
	[tilespmem:$0x4090] =	vst v1  }
0x63: {  	[tilespmem:$0x4190] =	vst v0  }
0x64: {  	v0 =	vld [tilespmem:s22+$0xFFFFFFE0];
	_ =	sdelay $0x4  }
0x65: {  	v1 =	vand.u32 $0xFFFF, v0  }
0x66: {  	v0 =	vshrl.u32 v0, $0x10;
	[tilespmem:$0x40A0] =	vst v1  }
0x67: {  	[tilespmem:$0x41A0] =	vst v0  }
0x68: {  	v0 =	vld [tilespmem:s22+$0xFFFFFFF0];
	_ =	sdelay $0x4  }
0x69: {  	s23 =	simm.s32 $0xB00;
	v1 =	vand.u32 $0xFFFF, v0;
	v0 =	vshrl.u32 v0, $0x10  }
.LBB2_2:
0x6a: {  	p0 =	sne.s32 s23, $0xF700;
	[tilespmem:$0x40B0] =	vst v1;
	s24 =	smov.u32 s23;
	s23 =	sadd.s32 $0x400, s23  }
0x6b: {  	[tilespmem:$0x41B0] =	vst v0  }
0x6c: {  	v0 =	vld [tilespmem:s22+$0x0];
	_ =	sdelay $0x4  }
0x6d: {  	v1 =	vand.u32 $0xFFFF, v0;
	v0 =	vshrl.u32 v0, $0x10  }
0x6e: {  	[tilespmem:$0x40C0] =	vst v1  }
0x6f: {  	[tilespmem:$0x41C0] =	vst v0  }
0x70: {  	[tilespmem:s16], [sflag:$0x2] =	stream.indirect.gather [hbm4b:s4+s12], $0x80, s15, s12, $0xb8;
	[tilespmem:$0x1CE00] =	vst v63  }
0x71: {  	_ =	swait.ge [sflag:s17], $0x2800  }
0x72: {  	[sflag:s17] =	ssyncset.done $0x0  }
0x73: {  	[sflag:s17] =	ssyncadd.s32 $0xFFFFD800  }
0x74: {  	[spmem:s2] =	stream.indirect.scatter.add.f32 [tilespmem:s14], [sflag:$0x3], $0x80, s18, s12, $0xb8;
	[tilespmem:$0x1CE00] =	vst v63  }
0x75: {  	_ =	swait.ge [sflag:s9], $0x2800  }
0x76: {  	[sflag:s9] =	ssyncset.done $0x0  }
0x77: {  	s22 =	sshra.s32 s24, $0x2;
	[sflag:s9] =	ssyncadd.s32 $0xFFFFD800  }
0x78: {  	v0 =	vld [tilespmem:s22+$0xFFFFFF40];
	_ =	sdelay $0x4  }
0x79: {  	v1 =	vand.u32 $0xFFFF, v0;
	v0 =	vshrl.u32 v0, $0x10  }
0x7a: {  	[tilespmem:$0x4000] =	vst v1  }
0x7b: {  	[tilespmem:$0x4100] =	vst v0  }
0x7c: {  	v0 =	vld [tilespmem:s22+$0xFFFFFF50];
	_ =	sdelay $0x4  }
0x7d: {  	v1 =	vand.u32 $0xFFFF, v0;
	v0 =	vshrl.u32 v0, $0x10  }
0x7e: {  	[tilespmem:$0x4010] =	vst v1  }
0x7f: {  	[tilespmem:$0x4110] =	vst v0  }
0x80: {  	v0 =	vld [tilespmem:s22+$0xFFFFFF60];
	_ =	sdelay $0x4  }
0x81: {  	v1 =	vand.u32 $0xFFFF, v0;
	v0 =	vshrl.u32 v0, $0x10  }
0x82: {  	[tilespmem:$0x4020] =	vst v1  }
0x83: {  	[tilespmem:$0x4120] =	vst v0  }
0x84: {  	v0 =	vld [tilespmem:s22+$0xFFFFFF70];
	_ =	sdelay $0x4  }
0x85: {  	v1 =	vand.u32 $0xFFFF, v0;
	v0 =	vshrl.u32 v0, $0x10  }
0x86: {  	[tilespmem:$0x4030] =	vst v1  }
0x87: {  	[tilespmem:$0x4130] =	vst v0  }
0x88: {  	v0 =	vld [tilespmem:s22+$0xFFFFFF80];
	_ =	sdelay $0x4  }
0x89: {  	v1 =	vand.u32 $0xFFFF, v0;
	v0 =	vshrl.u32 v0, $0x10  }
0x8a: {  	[tilespmem:$0x4040] =	vst v1  }
0x8b: {  	[tilespmem:$0x4140] =	vst v0  }
0x8c: {  	[tilespmem:s14], [sflag:$0x1] =	stream.indirect.gather [hbm4b:s4+s12], $0x80, s13, s12, $0xb8;
	[tilespmem:$0x1CE00] =	vst v63  }
0x8d: {  	_ =	swait.ge [sflag:s19], $0x2800  }
0x8e: {  	[sflag:s19] =	ssyncset.done $0x0  }
0x8f: {  	[sflag:s19] =	ssyncadd.s32 $0xFFFFD800  }
0x90: {  	[spmem:s2] =	stream.indirect.scatter.add.f32 [tilespmem:s16], [sflag:$0x3], $0x80, s20, s12, $0xb8;
	[tilespmem:$0x1CE00] =	vst v63  }
0x91: {  	_ =	swait.ge [sflag:s9], $0x2800  }
0x92: {  	[sflag:s9] =	ssyncset.done $0x0  }
0x93: {  	[sflag:s9] =	ssyncadd.s32 $0xFFFFD800  }
0x94: {  	v0 =	vld [tilespmem:s22+$0xFFFFFFC0];
	_ =	sdelay $0x4  }
0x95: {  	v1 =	vand.u32 $0xFFFF, v0;
	v0 =	vshrl.u32 v0, $0x10  }
0x96: {  	[tilespmem:$0x4080] =	vst v1  }
0x97: {  	[tilespmem:$0x4180] =	vst v0  }
0x98: {  	v0 =	vld [tilespmem:s22+$0xFFFFFFD0];
	_ =	sdelay $0x4  }
0x99: {  	v1 =	vand.u32 $0xFFFF, v0;
	v0 =	vshrl.u32 v0, $0x10  }
0x9a: {  	[tilespmem:$0x4090] =	vst v1  }
0x9b: {  	[tilespmem:$0x4190] =	vst v0  }
0x9c: {  	v0 =	vld [tilespmem:s22+$0xFFFFFFE0];
	_ =	sdelay $0x4  }
0x9d: {  	v1 =	vand.u32 $0xFFFF, v0;
	v0 =	vshrl.u32 v0, $0x10  }
0x9e: {  	[tilespmem:$0x40A0] =	vst v1  }
0x9f: {  	[tilespmem:$0x41A0] =	vst v0  }
0xa0: {  	v0 =	vld [tilespmem:s22+$0xFFFFFFF0]  }
.Ltmp0:
0xa1: {  	(pc) =	sbr.rel @p0 .LBB2_2-.Ltmp0, $2  }
0xa2: {  	_ =	sdelay $0x2  }
0xa3: {  	v1 =	vand.u32 $0xFFFF, v0;
	v0 =	vshrl.u32 v0, $0x10  }
0xa4: {  	[tilespmem:$0x40B0] =	vst v1  }
0xa5: {  	[tilespmem:$0x41B0] =	vst v0  }
0xa6: {  	v0 =	vld [tilespmem:s22+$0x0];
	_ =	sdelay $0x4  }
0xa7: {  	v51 =	vand.u32 $0xFFFF, v0  }
0xa8: {  	v0 =	vshrl.u32 v0, $0x10;
	[tilespmem:$0x40C0] =	vst v51  }
0xa9: {  	[tilespmem:$0x41C0] =	vst v0  }
0xaa: {  	[tilespmem:s16], [sflag:$0x2] =	stream.indirect.gather [hbm4b:s4+s12], $0x80, s15, s12, $0xb8;
	[tilespmem:$0x1CE00] =	vst v63  }
0xab: {  	_ =	swait.ge [sflag:s17], $0x2800  }
0xac: {  	[sflag:s17] =	ssyncset.done $0x0  }
0xad: {  	[sflag:s17] =	ssyncadd.s32 $0xFFFFD800  }
0xae: {  	[spmem:s2] =	stream.indirect.scatter.add.f32 [tilespmem:s14], [sflag:$0x3], $0x80, s18, s12, $0xb8;
	[tilespmem:$0x1CE00] =	vst v63  }
0xaf: {  	_ =	swait.ge [sflag:s9], $0x2800  }
0xb0: {  	[sflag:s9] =	ssyncset.done $0x0  }
0xb1: {  	[sflag:s9] =	ssyncadd.s32 $0xFFFFD800  }
0xb2: {  	v52 =	vld [tilespmem:$0x3E00];
	_ =	sdelay $0x1  }
0xb3: {  	v53 =	vld [tilespmem:$0x3E10];
	_ =	sdelay $0x1  }
0xb4: {  	v2 =	vld [tilespmem:$0x3E20]  }
0xb5: {  	v3 =	vand.u32 $0xFFFF, v52  }
0xb6: {  	v54 =	vld [tilespmem:$0x3E30];
	v0 =	vshrl.u32 v52, $0x10;
	[tilespmem:$0x4000] =	vst v3  }
0xb7: {  	v55 =	vand.u32 $0xFFFF, v53;
	[tilespmem:$0x4100] =	vst v0  }
0xb8: {  	v57 =	vld [tilespmem:$0x3E40];
	v56 =	vshrl.u32 v53, $0x10;
	[tilespmem:$0x4010] =	vst v55  }
0xb9: {  	v58 =	vand.u32 $0xFFFF, v2;
	[tilespmem:$0x4110] =	vst v56  }
0xba: {  	v59 =	vshrl.u32 v2, $0x10;
	[tilespmem:$0x4020] =	vst v58  }
0xbb: {  	v60 =	vand.u32 $0xFFFF, v54;
	[tilespmem:$0x4120] =	vst v59  }
0xbc: {  	v61 =	vshrl.u32 v54, $0x10;
	[tilespmem:$0x4030] =	vst v60  }
0xbd: {  	v62 =	vand.u32 $0xFFFF, v57;
	[tilespmem:$0x4130] =	vst v61  }
0xbe: {  	v63 =	vshrl.u32 v57, $0x10;
	[tilespmem:$0x4040] =	vst v62  }
0xbf: {  	[tilespmem:$0x4140] =	vst v63  }
0xc0: {  	[tilespmem:s14], [sflag:$0x1] =	stream.indirect.gather [hbm4b:s4+s12], $0x80, s13, s12, $0xb8;
	[tilespmem:$0x1CE00] =	vst v63  }
0xc1: {  	_ =	swait.ge [sflag:s19], $0x2800  }
0xc2: {  	[sflag:s19] =	ssyncset.done $0x0  }
0xc3: {  	[sflag:s19] =	ssyncadd.s32 $0xFFFFD800  }
0xc4: {  	[spmem:s2] =	stream.indirect.scatter.add.f32 [tilespmem:s16], [sflag:$0x3], $0x80, s20, s12, $0xb8;
	[tilespmem:$0x1CE00] =	vst v63  }
0xc5: {  	_ =	swait.ge [sflag:s9], $0x2800  }
0xc6: {  	[sflag:s9] =	ssyncset.done $0x0  }
0xc7: {  	[sflag:s9] =	ssyncadd.s32 $0xFFFFD800  }
0xc8: {  	_ =	swait.ge [sflag:s17], $0x2800  }
0xc9: {  	[sflag:s17] =	ssyncset.done $0x0  }
0xca: {  	[sflag:s17] =	ssyncadd.s32 $0xFFFFD800  }
0xcb: {  	[spmem:s2] =	stream.indirect.scatter.add.f32 [tilespmem:s14], [sflag:$0x3], $0x80, s18, s12, $0xb8;
	[tilespmem:$0x1CE00] =	vst v63  }
0xcc: {  	_ =	swait.ge [sflag:s9], $0x2800  }
0xcd: {  	s21 =	sadd.s32 $0x1, s21;
	[sflag:s9] =	ssyncset.done $0x0  }
0xce: {  	p0 =	sne.s32 s21, s8;
	[sflag:s9] =	ssyncadd.s32 $0xFFFFD800  }
.Ltmp1:
0xcf: {  	[bflag:$0x0] =	sbarrier.arrive $0xFFFF;
	(pc) =	sbr.rel @p0 .LBB2_1-.Ltmp1, $4  }
0xd0: {  	[hbm:s7], [sflag:s10] =	dma.local [spmem:s11], $0x2780  }
0xd1: {  	_ =	swait.ge [sflag:s9], $0x2780  }
0xd2: {  	[sflag:s9] =	ssyncset.done $0x0  }
0xd3: {  	[sflag:s9] =	ssyncadd.s32 $0xFFFFD880  }
0xd4: {  	_ =	sfence.sel $0x180000  }
0xd5: {  	[bflag:$0x0] =	sbarrier.arrive $0xFFFF  }
0xd6: {  	p0 =	sne.s32 s1, $0x0;
	_ =	strace $0x90000047  }
0xd7: {  	s0 =	sadd.s32 @!p0 $0x100000, s0;
	[bflag:$0x2] =	sbarrier.arrive $0xFFFF  }
0xd8: {  	[sflag:s0] =	ssyncadd.tile.s32 @!p0 $0x1;
	_ =	shalt  }
.Lfunc_end2:
_tile_overlayer_lowered:
.L_overlay_start_2:
0xd9: {  	(tag) =	ssettag $0x2  }
0xda: {  	s0 =	rddreg [dreg:$0x0];
	s2 =	stileid.u32  }
0xdb: {  	s1 =	rddreg [dreg:$0x1];
	p0 =	sne.s32 s2, $0x0  }
0xdc: {  	s3 =	rddreg [dreg:$0x2];
	[bflag:$0x3] =	sbarrier.arrive $0xFFFF;
	s2 =	simm.s32 @!p0 $0x1C03  }
0xdd: {  	[timem:s3], [sflag:s2] =	dma.local @!p0 [hbm:s0], s1  }
0xde: {  	s0 =	simm.s32 @!p0 $0x3  }
0xdf: {  	_ =	swait.ge @!p0 [sflag:s0], s1  }
0xe0: {  	s1 =	ssub.s32 @!p0 $0x0, s1;
	[sflag:s0] =	ssyncset.done @!p0 $0x0  }
0xe1: {  	[sflag:s0] =	ssyncadd.s32 @!p0 s1  }
0xe2: {  	[bflag:$0x3] =	sbarrier.arrive $0xFFFF  }
0xe3: {  	_ =	shalt  }

// kernel: kernel.17.cloned.1.call-start
scs
__scs_entry_jumppad:
0x0: {  	(pc) =	sbr.rel $0x88, $3  }
0x1: {  	(tag) =	ssettag $0x0;
	lr =	simm.s32 $0x1  }
0x2: {  	[smem:$0x3F83] =	sst lr;
	_ =	strace $0xD0000000  }
0x3: {  	_ = 	snop  }
0x4: {  	_ = 	snop  }
0x5: {  	_ = 	snop  }
0x6: {  	_ = 	snop  }
0x7: {  	_ = 	snop  }
__scs_overlays_trampoline_lowered:
0x8: {  	[smem:$0x3F92] =	sst s0  }
0x9: {  	[smem:$0x3F93] =	sst s1  }
0xa: {  	[smem:$0x3F94] =	sst s2  }
0xb: {  	[smem:$0x3F95] =	sst s3  }
0xc: {  	[smem:$0x3F96] =	sst s4  }
0xd: {  	[smem:$0x3F97] =	sst s5  }
0xe: {  	[smem:$0x3F98] =	sst s6  }
0xf: {  	[smem:$0x3F99] =	sst s7  }
0x10: {  	[smem:$0x3F9A] =	sst s8  }
0x11: {  	[smem:$0x3F9B] =	sst s9;
	s0 =	simm.s32 @!p0 $0x0  }
0x12: {  	s1 =	sld [smem:$0x3F81];
	s0 =	simm.s32 @p0 $0x1  }
0x13: {  	[smem:$0x3F9C] =	sst s0;
	s0 =	simm.s32 @!p1 $0x0  }
0x14: {  	s2 =	sld [smem:$0x3F80];
	s0 =	simm.s32 @p1 $0x1  }
0x15: {  	[smem:$0x3F9D] =	sst s0;
	s0 =	simm.s32 @!p2 $0x0  }
0x16: {  	s3 =	sld [smem:$0x3FDB];
	s0 =	simm.s32 @p2 $0x1  }
0x17: {  	s4 =	simm.s32 $0x1BF5;
	[smem:$0x3F9F] =	sst s0  }
0x18: {  	s0 =	sld [smem:$0x3F82];
	_ =	swait.ge [sflag:s4], $0x0  }
0x19: {  	s7 =	sld [smem:$0x3F83]  }
0x1a: {  	s8 =	sadd.s32 $0xFFFFE003, lr  }
0x1b: {  	s9 =	sadd.s32 $0xFFFFFEF7, lr;
	s5 =	simm.s32 $0xFFFFFFFF;
	p2 =	slt.u32 s8, $0xFFFFF086  }
0x1c: {  	p1 =	slt.u32 s9, $0xF7A;
	s5 =	simm.s32 @!p2 $0x0  }
0x1d: {  	s5 =	simm.s32 @p1 $0x1;
	p0 =	seq.s32 s7, s2  }
0x1e: {  	s7 =	smul.u32 @!p0 $0xF7A, s2;
	p2 =	seq.s32 @!p0 s5, $0x0  }
0x1f: {  	s9 =	smul.u32 $0xF7A, s1;
	s8 =	simm.s32 @!p0 $0x1BF5;
	p2 =	por !p2, p0  }
0x20: {  	[sflag:s8] =	ssyncset.s32 @!p0 $0xFFFFF086;
	s6 =	sadd.s32 @!p0 s3, s7;
	s7 =	simm.s32 @!p0 $0x108  }
0x21: {  	s3 =	sadd.s32 s3, s9;
	s6 =	sadd.s32 @!p0 $0x88, s6;
	s7 =	simm.s32 @p2 $0x1082  }
0x22: {  	[simem:s7], [sflag:s8] =	dma.local @!p0 [hbm:s6], $0xF7A  }
0x23: {  	s9 =	sor.u32 $0xD0000000, s2;
	s6 =	simm.s32 $0x108;
	_ =	swait.ge @!p0 [sflag:s8], $0x0  }
0x24: {  	s3 =	sadd.s32 $0x88, s3;
	s6 =	simm.s32 @!p1 $0x1082;
	[sflag:s4] =	ssyncset.s32 $0xFFFFF086  }
0x25: {  	[simem:s6], [sflag:s4] =	dma.local [hbm:s3], $0xF7A  }
0x26: {  	[smem:$0x3F83] =	sst s1;
	(tag) =	ssettag s2;
	_ =	strace s9  }
0x27: {  	s1 =	sld [smem:$0x3F93]  }
0x28: {  	s2 =	sld [smem:$0x3F94]  }
0x29: {  	s4 =	sld [smem:$0x3F96]  }
0x2a: {  	p0 =	seq.s32 s5, $0x0;
	s5 =	sld [smem:$0x3F97]  }
0x2b: {  	s6 =	sld [smem:$0x3F98]  }
0x2c: {  	s7 =	sld [smem:$0x3F99]  }
0x2d: {  	s3 =	simm.s32 $0x108;
	s8 =	sld [smem:$0x3F9A]  }
0x2e: {  	s3 =	simm.s32 @!p0 $0x1082;
	s9 =	sld [smem:$0x3F9B]  }
0x2f: {  	lr =	sadd.s32 s0, s3;
	s0 =	sld [smem:$0x3F92]  }
0x30: {  	s3 =	sld [smem:$0x3F95]  }
0x31: {  	[smem:$0x3F9E] =	sst s10  }
0x32: {  	s10 =	sld [smem:$0x3F9C];
	_ =	sdelay $0x3  }
0x33: {  	p0 =	seq.s32 s10, $0x1;
	s10 =	sld [smem:$0x3F9E];
	_ =	sdelay $0x3  }
0x34: {  	[smem:$0x3F9E] =	sst s10  }
0x35: {  	s10 =	sld [smem:$0x3F9D];
	_ =	sdelay $0x3  }
0x36: {  	p1 =	seq.s32 s10, $0x1;
	s10 =	sld [smem:$0x3F9E];
	_ =	sdelay $0x3  }
0x37: {  	[smem:$0x3F9E] =	sst s10  }
0x38: {  	s10 =	sld [smem:$0x3F9F]  }
0x39: {  	_ = 	snop;
	(pc) =	sbr.ind lr, $3  }
0x3a: {  	_ = 	snop  }
0x3b: {  	_ = 	snop  }
0x3c: {  	p2 =	seq.s32 s10, $0x1;
	s10 =	sld [smem:$0x3F9E]  }
0x3d: {  	_ =	shalt  }
0x3e: {  	_ =	shalt  }
0x3f: {  	_ =	shalt  }
0x40: {  	_ =	shalt  }
0x41: {  	_ =	shalt  }
0x42: {  	_ =	shalt  }
0x43: {  	_ =	shalt  }
0x44: {  	_ =	shalt  }
0x45: {  	_ =	shalt  }
0x46: {  	_ =	shalt  }
0x47: {  	_ =	shalt  }
0x48: {  	_ =	shalt  }
0x49: {  	_ =	shalt  }
0x4a: {  	_ =	shalt  }
0x4b: {  	_ =	shalt  }
0x4c: {  	_ =	shalt  }
0x4d: {  	_ =	shalt  }
0x4e: {  	_ =	shalt  }
0x4f: {  	_ =	shalt  }
0x50: {  	_ =	shalt  }
0x51: {  	_ =	shalt  }
0x52: {  	_ =	shalt  }
0x53: {  	_ =	shalt  }
0x54: {  	_ =	shalt  }
0x55: {  	_ =	shalt  }
0x56: {  	_ =	shalt  }
0x57: {  	_ =	shalt  }
0x58: {  	_ =	shalt  }
0x59: {  	_ =	shalt  }
0x5a: {  	_ =	shalt  }
0x5b: {  	_ =	shalt  }
0x5c: {  	_ =	shalt  }
0x5d: {  	_ =	shalt  }
0x5e: {  	_ =	shalt  }
0x5f: {  	_ =	shalt  }
0x60: {  	_ =	shalt  }
0x61: {  	_ =	shalt  }
0x62: {  	_ =	shalt  }
0x63: {  	_ =	shalt  }
0x64: {  	_ =	shalt  }
0x65: {  	_ =	shalt  }
0x66: {  	_ =	shalt  }
0x67: {  	_ =	shalt  }
0x68: {  	_ =	shalt  }
0x69: {  	_ =	shalt  }
0x6a: {  	_ =	shalt  }
0x6b: {  	_ =	shalt  }
0x6c: {  	_ =	shalt  }
0x6d: {  	_ =	shalt  }
0x6e: {  	_ =	shalt  }
0x6f: {  	_ =	shalt  }
0x70: {  	_ =	shalt  }
0x71: {  	_ =	shalt  }
0x72: {  	_ =	shalt  }
0x73: {  	_ =	shalt  }
0x74: {  	_ =	shalt  }
0x75: {  	_ =	shalt  }
0x76: {  	_ =	shalt  }
0x77: {  	_ =	shalt  }
0x78: {  	_ =	shalt  }
0x79: {  	_ =	shalt  }
0x7a: {  	_ =	shalt  }
0x7b: {  	_ =	shalt  }
0x7c: {  	_ =	shalt  }
0x7d: {  	_ =	shalt  }
0x7e: {  	_ =	shalt  }
0x7f: {  	_ =	shalt  }
0x80: {  	_ =	shalt  }
0x81: {  	_ =	shalt  }
0x82: {  	_ =	shalt  }
0x83: {  	_ =	shalt  }
0x84: {  	_ =	shalt  }
0x85: {  	_ =	shalt  }
0x86: {  	_ =	shalt  }
0x87: {  	_ =	shalt  }
.Lfunc_end0:
.L_simem_size_0:
called_computation.1_lowered:
.L_overlay_start_0:
0x88: {  	s2 =	sld [smem:$0x3FD9]  }
0x89: {  	s3 =	sld [smem:$0x3FFE];
	_ =	sdelay $0x1  }
0x8a: {  	s1 =	srdreg.scid  }
0x8b: {  	s0 =	sand.u32 $0x1, s1  }
0x8c: {  	s16 =	sshll.u32 s0, $0xA;
	s2 =	sadd.s32 s3, s2  }
0x8d: {  	s2 =	sadd.s32 s2, s16  }
0x8e: {  	[smem:$0x3FAA] =	sst s2  }
0x8f: {  	_ = 	snop  }
0x90: {  	(tm) =	ssettm $0x1  }
0x91: {  	s17 =	sld [smem:$0x3FFB];
	_ =	sdelay $0x3  }
0x92: {  	_ =	strace s17  }
0x93: {  	s2 =	sld [smem:$0x3FFC];
	_ =	sdelay $0x3  }
0x94: {  	_ =	strace s2  }
0x95: {  	s2 =	sld [smem:$0x3FFD];
	_ =	sdelay $0x3  }
0x96: {  	_ =	strace s2  }
0x97: {  	_ =	strace $0x8FFFFFFF  }
0x98: {  	s18 =	sld [smem:$0x3FDB];
	_ =	sdelay $0x1  }
0x99: {  	s19 =	simm.s32 $_scs_section_size  }
0x9a: {  	s4 =	simm.s32 $_size__tile_overlayer_lowered;
	s5 =	simm.s32 $_tile_overlayer_lowered  }
0x9b: {  	s22 =	simm.s32 $0x1BFF;
	s21 =	sshll.u32 s5, $0x1;
	s2 =	sadd.s32 s19, s18  }
0x9c: {  	s6 =	simm.s32 $0x0;
	s20 =	sshll.u32 s4, $0x1;
	s4 =	sadd.s32 s21, s2  }
0x9d: {  	[timem:s6], [sflag:s22] =	dma.local [hbm:s4], s20  }
0x9e: {  	_ =	swait.ge [sflag:s22], s20  }
0x9f: {  	s3 =	ssub.s32 $0x0, s20;
	[sflag:s22] =	ssyncset.done $0x0  }
0xa0: {  	[sflag:s22] =	ssyncadd.s32 s3;
	_ =	sdelay $0x1  }
0xa1: {  	s23 =	simm.s32 $0x1B8B  }
0xa2: {  	_ =	swait.ge [sflag:s23], $0x1  }
0xa3: {  	[sflag:s23] =	ssyncset.done $0x0  }
0xa4: {  	s25 =	simm.s32 $0x1B8E;
	s24 =	sld [smem:$0x3FFE];
	[sflag:s23] =	ssyncadd.s32 $0xFFFFFFFF  }
0xa5: {  	s26 =	simm.s32 $execute0_lowered;
	[smem:$0x3FD2] =	sst s25  }
0xa6: {  	s4 =	sshll.u32 s26, $0x1;
	_ =	strace $0x80000049;
	[dreg:$0x1] =	wrdreg $0xFFFFFFFF  }
0xa7: {  	s28 =	simm.s32 $_size_execute0_lowered;
	s2 =	sadd.s32 s2, s4;
	[dreg:$0x0] =	wrdreg $0x0  }
0xa8: {  	s4 =	sshll.u32 s28, $0x1;
	[dreg:$0x2] =	wrdreg s2  }
0xa9: {  	[dreg:$0x3] =	wrdreg s4  }
0xaa: {  	[dreg:$0x4] =	wrdreg $0xC0  }
0xab: {  	_ =	task [dreg:s6], $0x5FFFF  }
0xac: {  	[dreg:$0x1] =	wrdreg $0xFFFFFFFF  }
0xad: {  	[dreg:$0x0] =	wrdreg $0x60  }
0xae: {  	[dreg:$0x2] =	wrdreg s24  }
0xaf: {  	[dreg:$0x3] =	wrdreg $0x92000  }
0xb0: {  	[dreg:$0x4] =	wrdreg $0x9  }
0xb1: {  	_ =	task.clear_ibuf [dreg:s6], $0x5FFFF;
	_ =	strace $0x90000049  }
0xb2: {  	s29 =	simm.s32 $0x9;
	_ =	strace $0x8000004B  }
0xb3: {  	_ =	swait.ge [sflag:s29], $0x1  }
0xb4: {  	[sflag:s29] =	ssyncadd.s32 $0xFFFFFFFF  }
0xb5: {  	_ =	strace $0x9000004B  }
0xb6: {  	_ =	sfence  }
0xb7: {  	s30 =	sld [smem:$0x0];
	_ =	sdelay $0x2  }
0xb8: {  	s31 =	sshll.u32 s1, $0xD;
	s1 =	sshrl.u32 s1, $0x2  }
0xb9: {  	s3 =	sand.u32 $0x4000, s31;
	s1 =	sadd.s32 s1, s30  }
0xba: {  	s0 =	sor.u32 s3, s0;
	s1 =	sshll.u32 s1, $0x11  }
0xbb: {  	s0 =	sor.u32 s1, s0  }
0xbc: {  	s0 =	sadd.s32 $0x8F2B, s0  }
0xbd: {  	[sflag:s0] =	ssyncadd.remote.s32 $0x1  }
0xbe: {  	_ =	sfence.sel $0xFFFF  }
0xbf: {  	[dreg:$0x0] =	wrdreg $0xFFFFFFFF;
	(pc) =	sbr.abs _section_cstart, $3  }
0xc0: {  	[dreg:$0x1] =	wrdreg $0xFFFFFFFF  }
0xc1: {  	_ =	task.clear_ibuf [dreg:s6], $0x2FFFF;
	_ =	strace $0x9FFFFFFF  }
0xc2: {  	(tm) =	ssettm $0x7FFFFFFF  }
0xc3: {  	_ =	shalt  }
tec
execute0_lowered:
.L_overlay_start_1:
0x0: {  	(tag) =	ssettag $0x1  }
0x1: {  	s5 =	rddreg [dreg:$0x0]  }
0x2: {  	s2 =	rddreg [dreg:$0x1]  }
0x3: {  	s0 =	rddreg [dreg:$0x2]  }
0x4: {  	s4 =	srdreg.scid;
	s1 =	stileid.u32;
	s3 =	simm.s32 $0x0  }
0x5: {  	s12 =	simm.s32 $0x50;
	s13 =	simm.s32 $0x4000;
	s14 =	simm.s32 $0x4200  }
0x6: {  	s15 =	simm.s32 $0x4080;
	s16 =	simm.s32 $0x6A00;
	s17 =	simm.s32 $0x1  }
0x7: {  	s18 =	simm.s32 $0x4100;
	s19 =	simm.s32 $0x2;
	s20 =	simm.s32 $0x4180  }
0x8: {  	s21 =	simm.s32 $0x0;
	s6 =	sand.u32 $0x1, s4;
	s7 =	smul.u32 $0x13C00, s1  }
0x9: {  	[smem:$0x7FF] =	sst s3;
	s4 =	sadd.s32 $0x17000, s5;
	s11 =	smul.u32 $0x4F000, s1  }
0xa: {  	s26 =	sshll.u32 s1, $0xC;
	s31 =	sshll.u32 s1, $0x6;
	s8 =	smul.u32 $0x13C000, s6  }
0xb: {  	_ =	strace $0x8000004A;
	s9 =	sshll.u32 s6, $0xB;
	s6 =	ssub.s32 $0x2, s6  }
0xc: {  	s10 =	sshrl.u32 s7, $0x3;
	s24 =	sadd.s32 s9, s5;
	s28 =	sshrl.u32 s6, $0x1  }
0xd: {  	s30 =	sshrl.u32 s11, $0x2;
	s9 =	simm.s32 $0x3;
	s7 =	sadd.s32 s7, s8  }
0xe: {  	s25 =	sadd.s32 s10, s5;
	s8 =	sadd.s32 s26, s24;
	s29 =	ssub.s32 s6, s28  }
0xf: {  	s11 =	sadd.s32 s30, s2;
	s10 =	sor.u32 $0x1C03, s31;
	s7 =	sshrl.u32 s7, $0x3  }
0x10: {  	s6 =	sadd.s32 $0x3E800, s25;
	s11 =	sshrl.u32 s11, $0x3;
	s7 =	sadd.s32 s7, s5  }
0x11: {  	s5 =	sadd.s32 $0x7000, s8;
	s8 =	smax.u32 s29, $0x1;
	s7 =	sadd.s32 $0x66000, s7  }
.LBB2_1:
0x12: {  	[tilespmem:s3], [sflag:$0x3] =	stream.linear.gather [hbm4b:s5+s3], $0x3E80, $0x38;
	[tilespmem:$0x1CE00] =	vst v63  }
0x13: {  	_ =	swait.ge [sflag:s9], $0x3E80  }
0x14: {  	[sflag:s9] =	ssyncset.done $0x0  }
0x15: {  	[sflag:s9] =	ssyncadd.s32 $0xFFFFC180  }
0x16: {  	[spmem:s11], [sflag:s10] =	dma.local [hbm:s6], $0x2780  }
0x17: {  	_ =	swait.ge [sflag:s9], $0x2780  }
0x18: {  	[sflag:s9] =	ssyncset.done $0x0  }
0x19: {  	[sflag:s9] =	ssyncadd.s32 $0xFFFFD880  }
0x1a: {  	[bflag:$0x0] =	sbarrier.arrive $0xFFFF  }
0x1b: {  	v0 =	vld [tilespmem:$0x0];
	_ =	sdelay $0x1  }
0x1c: {  	v1 =	vld [tilespmem:$0x10];
	_ =	sdelay $0x1  }
0x1d: {  	v2 =	vld [tilespmem:$0x20]  }
0x1e: {  	v3 =	vand.u32 $0xFFFF, v0  }
0x1f: {  	v0 =	vshrl.u32 v0, $0x10;
	[tilespmem:$0x4000] =	vst v3;
	v3 =	vld [tilespmem:$0x30]  }
0x20: {  	[tilespmem:$0x4100] =	vst v0;
	v0 =	vand.u32 $0xFFFF, v1  }
0x21: {  	[tilespmem:$0x4010] =	vst v0;
	v0 =	vshrl.u32 v1, $0x10;
	v1 =	vld [tilespmem:$0x40]  }
0x22: {  	[tilespmem:$0x4110] =	vst v0;
	v0 =	vand.u32 $0xFFFF, v2  }
0x23: {  	[tilespmem:$0x4020] =	vst v0;
	v0 =	vshrl.u32 v2, $0x10  }
0x24: {  	[tilespmem:$0x4120] =	vst v0;
	v0 =	vand.u32 $0xFFFF, v3  }
0x25: {  	[tilespmem:$0x4030] =	vst v0;
	v0 =	vshrl.u32 v3, $0x10  }
0x26: {  	[tilespmem:$0x4130] =	vst v0;
	v0 =	vand.u32 $0xFFFF, v1  }
0x27: {  	[tilespmem:$0x4040] =	vst v0;
	v0 =	vshrl.u32 v1, $0x10  }
0x28: {  	[tilespmem:$0x4140] =	vst v0  }
0x29: {  	[tilespmem:s14], [sflag:$0x1] =	stream.indirect.gather [hbm4b:s4+s12], $0x80, s13, s12, $0xb8;
	[tilespmem:$0x1CE00] =	vst v63  }
0x2a: {  	v0 =	vld [tilespmem:$0x80];
	_ =	sdelay $0x1  }
0x2b: {  	v1 =	vld [tilespmem:$0x90];
	_ =	sdelay $0x1  }
0x2c: {  	v2 =	vld [tilespmem:$0xA0]  }
0x2d: {  	v3 =	vand.u32 $0xFFFF, v0  }
0x2e: {  	v0 =	vshrl.u32 v0, $0x10;
	[tilespmem:$0x4080] =	vst v3;
	v3 =	vld [tilespmem:$0xB0]  }
0x2f: {  	[tilespmem:$0x4180] =	vst v0;
	v0 =	vand.u32 $0xFFFF, v1  }
0x30: {  	[tilespmem:$0x4090] =	vst v0;
	v0 =	vshrl.u32 v1, $0x10;
	v1 =	vld [tilespmem:$0xC0]  }
0x31: {  	[tilespmem:$0x4190] =	vst v0;
	v0 =	vand.u32 $0xFFFF, v2  }
0x32: {  	[tilespmem:$0x40A0] =	vst v0;
	v0 =	vshrl.u32 v2, $0x10  }
0x33: {  	[tilespmem:$0x41A0] =	vst v0;
	v0 =	vand.u32 $0xFFFF, v3  }
0x34: {  	[tilespmem:$0x40B0] =	vst v0;
	v0 =	vshrl.u32 v3, $0x10  }
0x35: {  	[tilespmem:$0x41B0] =	vst v0;
	v0 =	vand.u32 $0xFFFF, v1  }
0x36: {  	[tilespmem:$0x40C0] =	vst v0;
	v0 =	vshrl.u32 v1, $0x10  }
0x37: {  	[tilespmem:$0x41C0] =	vst v0  }
0x38: {  	[tilespmem:s16], [sflag:$0x2] =	stream.indirect.gather [hbm4b:s4+s12], $0x80, s15, s12, $0xb8;
	[tilespmem:$0x1CE00] =	vst v63  }
0x39: {  	_ =	swait.ge [sflag:s17], $0x2800  }
0x3a: {  	[sflag:s17] =	ssyncset.done $0x0  }
0x3b: {  	[sflag:s17] =	ssyncadd.s32 $0xFFFFD800  }
0x3c: {  	[spmem:s2] =	stream.indirect.scatter.add.f32 [tilespmem:s14], [sflag:$0x3], $0x80, s18, s12, $0xb8;
	[tilespmem:$0x1CE00] =	vst v63  }
0x3d: {  	_ =	swait.ge [sflag:s9], $0x2800  }
0x3e: {  	[sflag:s9] =	ssyncset.done $0x0  }
0x3f: {  	s22 =	simm.s32 $0x1C0;
	[sflag:s9] =	ssyncadd.s32 $0xFFFFD800  }
0x40: {  	v0 =	vld [tilespmem:s22+$0xFFFFFF40];
	_ =	sdelay $0x4  }
0x41: {  	v1 =	vand.u32 $0xFFFF, v0  }
0x42: {  	v0 =	vshrl.u32 v0, $0x10;
	[tilespmem:$0x4000] =	vst v1  }
0x43: {  	[tilespmem:$0x4100] =	vst v0  }
0x44: {  	v0 =	vld [tilespmem:s22+$0xFFFFFF50];
	_ =	sdelay $0x4  }
0x45: {  	v1 =	vand.u32 $0xFFFF, v0  }
0x46: {  	v0 =	vshrl.u32 v0, $0x10;
	[tilespmem:$0x4010] =	vst v1  }
0x47: {  	[tilespmem:$0x4110] =	vst v0  }
0x48: {  	v0 =	vld [tilespmem:s22+$0xFFFFFF60];
	_ =	sdelay $0x4  }
0x49: {  	v1 =	vand.u32 $0xFFFF, v0  }
0x4a: {  	v0 =	vshrl.u32 v0, $0x10;
	[tilespmem:$0x4020] =	vst v1  }
0x4b: {  	[tilespmem:$0x4120] =	vst v0  }
0x4c: {  	v0 =	vld [tilespmem:s22+$0xFFFFFF70];
	_ =	sdelay $0x4  }
0x4d: {  	v1 =	vand.u32 $0xFFFF, v0  }
0x4e: {  	v0 =	vshrl.u32 v0, $0x10;
	[tilespmem:$0x4030] =	vst v1  }
0x4f: {  	[tilespmem:$0x4130] =	vst v0  }
0x50: {  	v0 =	vld [tilespmem:s22+$0xFFFFFF80];
	_ =	sdelay $0x4  }
0x51: {  	v1 =	vand.u32 $0xFFFF, v0  }
0x52: {  	v0 =	vshrl.u32 v0, $0x10;
	[tilespmem:$0x4040] =	vst v1  }
0x53: {  	[tilespmem:$0x4140] =	vst v0  }
0x54: {  	[tilespmem:s14], [sflag:$0x1] =	stream.indirect.gather [hbm4b:s4+s12], $0x80, s13, s12, $0xb8;
	[tilespmem:$0x1CE00] =	vst v63  }
0x55: {  	_ =	swait.ge [sflag:s19], $0x2800  }
0x56: {  	[sflag:s19] =	ssyncset.done $0x0  }
0x57: {  	[sflag:s19] =	ssyncadd.s32 $0xFFFFD800  }
0x58: {  	[spmem:s2] =	stream.indirect.scatter.add.f32 [tilespmem:s16], [sflag:$0x3], $0x80, s20, s12, $0xb8;
	[tilespmem:$0x1CE00] =	vst v63  }
0x59: {  	_ =	swait.ge [sflag:s9], $0x2800  }
0x5a: {  	[sflag:s9] =	ssyncset.done $0x0  }
0x5b: {  	[sflag:s9] =	ssyncadd.s32 $0xFFFFD800  }
0x5c: {  	v0 =	vld [tilespmem:s22+$0xFFFFFFC0];
	_ =	sdelay $0x4  }
0x5d: {  	v1 =	vand.u32 $0xFFFF, v0  }
0x5e: {  	v0 =	vshrl.u32 v0, $0x10;
	[tilespmem:$0x4080] =	vst v1  }
0x5f: {  	[tilespmem:$0x4180] =	vst v0  }
0x60: {  	v0 =	vld [tilespmem:s22+$0xFFFFFFD0];
	_ =	sdelay $0x4  }
0x61: {  	v1 =	vand.u32 $0xFFFF, v0  }
0x62: {  	v0 =	vshrl.u32 v0, $0x10;
	[tilespmem:$0x4090] =	vst v1  }
0x63: {  	[tilespmem:$0x4190] =	vst v0  }
0x64: {  	v0 =	vld [tilespmem:s22+$0xFFFFFFE0];
	_ =	sdelay $0x4  }
0x65: {  	v1 =	vand.u32 $0xFFFF, v0  }
0x66: {  	v0 =	vshrl.u32 v0, $0x10;
	[tilespmem:$0x40A0] =	vst v1  }
0x67: {  	[tilespmem:$0x41A0] =	vst v0  }
0x68: {  	v0 =	vld [tilespmem:s22+$0xFFFFFFF0];
	_ =	sdelay $0x4  }
0x69: {  	s23 =	simm.s32 $0xB00;
	v1 =	vand.u32 $0xFFFF, v0;
	v0 =	vshrl.u32 v0, $0x10  }
.LBB2_2:
0x6a: {  	p0 =	sne.s32 s23, $0xF700;
	[tilespmem:$0x40B0] =	vst v1;
	s24 =	smov.u32 s23;
	s23 =	sadd.s32 $0x400, s23  }
0x6b: {  	[tilespmem:$0x41B0] =	vst v0  }
0x6c: {  	v0 =	vld [tilespmem:s22+$0x0];
	_ =	sdelay $0x4  }
0x6d: {  	v1 =	vand.u32 $0xFFFF, v0;
	v0 =	vshrl.u32 v0, $0x10  }
0x6e: {  	[tilespmem:$0x40C0] =	vst v1  }
0x6f: {  	[tilespmem:$0x41C0] =	vst v0  }
0x70: {  	[tilespmem:s16], [sflag:$0x2] =	stream.indirect.gather [hbm4b:s4+s12], $0x80, s15, s12, $0xb8;
	[tilespmem:$0x1CE00] =	vst v63  }
0x71: {  	_ =	swait.ge [sflag:s17], $0x2800  }
0x72: {  	[sflag:s17] =	ssyncset.done $0x0  }
0x73: {  	[sflag:s17] =	ssyncadd.s32 $0xFFFFD800  }
0x74: {  	[spmem:s2] =	stream.indirect.scatter.add.f32 [tilespmem:s14], [sflag:$0x3], $0x80, s18, s12, $0xb8;
	[tilespmem:$0x1CE00] =	vst v63  }
0x75: {  	_ =	swait.ge [sflag:s9], $0x2800  }
0x76: {  	[sflag:s9] =	ssyncset.done $0x0  }
0x77: {  	s22 =	sshra.s32 s24, $0x2;
	[sflag:s9] =	ssyncadd.s32 $0xFFFFD800  }
0x78: {  	v0 =	vld [tilespmem:s22+$0xFFFFFF40];
	_ =	sdelay $0x4  }
0x79: {  	v1 =	vand.u32 $0xFFFF, v0;
	v0 =	vshrl.u32 v0, $0x10  }
0x7a: {  	[tilespmem:$0x4000] =	vst v1  }
0x7b: {  	[tilespmem:$0x4100] =	vst v0  }
0x7c: {  	v0 =	vld [tilespmem:s22+$0xFFFFFF50];
	_ =	sdelay $0x4  }
0x7d: {  	v1 =	vand.u32 $0xFFFF, v0;
	v0 =	vshrl.u32 v0, $0x10  }
0x7e: {  	[tilespmem:$0x4010] =	vst v1  }
0x7f: {  	[tilespmem:$0x4110] =	vst v0  }
0x80: {  	v0 =	vld [tilespmem:s22+$0xFFFFFF60];
	_ =	sdelay $0x4  }
0x81: {  	v1 =	vand.u32 $0xFFFF, v0;
	v0 =	vshrl.u32 v0, $0x10  }
0x82: {  	[tilespmem:$0x4020] =	vst v1  }
0x83: {  	[tilespmem:$0x4120] =	vst v0  }
0x84: {  	v0 =	vld [tilespmem:s22+$0xFFFFFF70];
	_ =	sdelay $0x4  }
0x85: {  	v1 =	vand.u32 $0xFFFF, v0;
	v0 =	vshrl.u32 v0, $0x10  }
0x86: {  	[tilespmem:$0x4030] =	vst v1  }
0x87: {  	[tilespmem:$0x4130] =	vst v0  }
0x88: {  	v0 =	vld [tilespmem:s22+$0xFFFFFF80];
	_ =	sdelay $0x4  }
0x89: {  	v1 =	vand.u32 $0xFFFF, v0;
	v0 =	vshrl.u32 v0, $0x10  }
0x8a: {  	[tilespmem:$0x4040] =	vst v1  }
0x8b: {  	[tilespmem:$0x4140] =	vst v0  }
0x8c: {  	[tilespmem:s14], [sflag:$0x1] =	stream.indirect.gather [hbm4b:s4+s12], $0x80, s13, s12, $0xb8;
	[tilespmem:$0x1CE00] =	vst v63  }
0x8d: {  	_ =	swait.ge [sflag:s19], $0x2800  }
0x8e: {  	[sflag:s19] =	ssyncset.done $0x0  }
0x8f: {  	[sflag:s19] =	ssyncadd.s32 $0xFFFFD800  }
0x90: {  	[spmem:s2] =	stream.indirect.scatter.add.f32 [tilespmem:s16], [sflag:$0x3], $0x80, s20, s12, $0xb8;
	[tilespmem:$0x1CE00] =	vst v63  }
0x91: {  	_ =	swait.ge [sflag:s9], $0x2800  }
0x92: {  	[sflag:s9] =	ssyncset.done $0x0  }
0x93: {  	[sflag:s9] =	ssyncadd.s32 $0xFFFFD800  }
0x94: {  	v0 =	vld [tilespmem:s22+$0xFFFFFFC0];
	_ =	sdelay $0x4  }
0x95: {  	v1 =	vand.u32 $0xFFFF, v0;
	v0 =	vshrl.u32 v0, $0x10  }
0x96: {  	[tilespmem:$0x4080] =	vst v1  }
0x97: {  	[tilespmem:$0x4180] =	vst v0  }
0x98: {  	v0 =	vld [tilespmem:s22+$0xFFFFFFD0];
	_ =	sdelay $0x4  }
0x99: {  	v1 =	vand.u32 $0xFFFF, v0;
	v0 =	vshrl.u32 v0, $0x10  }
0x9a: {  	[tilespmem:$0x4090] =	vst v1  }
0x9b: {  	[tilespmem:$0x4190] =	vst v0  }
0x9c: {  	v0 =	vld [tilespmem:s22+$0xFFFFFFE0];
	_ =	sdelay $0x4  }
0x9d: {  	v1 =	vand.u32 $0xFFFF, v0;
	v0 =	vshrl.u32 v0, $0x10  }
0x9e: {  	[tilespmem:$0x40A0] =	vst v1  }
0x9f: {  	[tilespmem:$0x41A0] =	vst v0  }
0xa0: {  	v0 =	vld [tilespmem:s22+$0xFFFFFFF0]  }
.Ltmp0:
0xa1: {  	(pc) =	sbr.rel @p0 .LBB2_2-.Ltmp0, $2  }
0xa2: {  	_ =	sdelay $0x2  }
0xa3: {  	v1 =	vand.u32 $0xFFFF, v0;
	v0 =	vshrl.u32 v0, $0x10  }
0xa4: {  	[tilespmem:$0x40B0] =	vst v1  }
0xa5: {  	[tilespmem:$0x41B0] =	vst v0  }
0xa6: {  	v0 =	vld [tilespmem:s22+$0x0];
	_ =	sdelay $0x4  }
0xa7: {  	v51 =	vand.u32 $0xFFFF, v0  }
0xa8: {  	v0 =	vshrl.u32 v0, $0x10;
	[tilespmem:$0x40C0] =	vst v51  }
0xa9: {  	[tilespmem:$0x41C0] =	vst v0  }
0xaa: {  	[tilespmem:s16], [sflag:$0x2] =	stream.indirect.gather [hbm4b:s4+s12], $0x80, s15, s12, $0xb8;
	[tilespmem:$0x1CE00] =	vst v63  }
0xab: {  	_ =	swait.ge [sflag:s17], $0x2800  }
0xac: {  	[sflag:s17] =	ssyncset.done $0x0  }
0xad: {  	[sflag:s17] =	ssyncadd.s32 $0xFFFFD800  }
0xae: {  	[spmem:s2] =	stream.indirect.scatter.add.f32 [tilespmem:s14], [sflag:$0x3], $0x80, s18, s12, $0xb8;
	[tilespmem:$0x1CE00] =	vst v63  }
0xaf: {  	_ =	swait.ge [sflag:s9], $0x2800  }
0xb0: {  	[sflag:s9] =	ssyncset.done $0x0  }
0xb1: {  	[sflag:s9] =	ssyncadd.s32 $0xFFFFD800  }
0xb2: {  	v52 =	vld [tilespmem:$0x3E00];
	_ =	sdelay $0x1  }
0xb3: {  	v53 =	vld [tilespmem:$0x3E10];
	_ =	sdelay $0x1  }
0xb4: {  	v2 =	vld [tilespmem:$0x3E20]  }
0xb5: {  	v3 =	vand.u32 $0xFFFF, v52  }
0xb6: {  	v54 =	vld [tilespmem:$0x3E30];
	v0 =	vshrl.u32 v52, $0x10;
	[tilespmem:$0x4000] =	vst v3  }
0xb7: {  	v55 =	vand.u32 $0xFFFF, v53;
	[tilespmem:$0x4100] =	vst v0  }
0xb8: {  	v57 =	vld [tilespmem:$0x3E40];
	v56 =	vshrl.u32 v53, $0x10;
	[tilespmem:$0x4010] =	vst v55  }
0xb9: {  	v58 =	vand.u32 $0xFFFF, v2;
	[tilespmem:$0x4110] =	vst v56  }
0xba: {  	v59 =	vshrl.u32 v2, $0x10;
	[tilespmem:$0x4020] =	vst v58  }
0xbb: {  	v60 =	vand.u32 $0xFFFF, v54;
	[tilespmem:$0x4120] =	vst v59  }
0xbc: {  	v61 =	vshrl.u32 v54, $0x10;
	[tilespmem:$0x4030] =	vst v60  }
0xbd: {  	v62 =	vand.u32 $0xFFFF, v57;
	[tilespmem:$0x4130] =	vst v61  }
0xbe: {  	v63 =	vshrl.u32 v57, $0x10;
	[tilespmem:$0x4040] =	vst v62  }
0xbf: {  	[tilespmem:$0x4140] =	vst v63  }
0xc0: {  	[tilespmem:s14], [sflag:$0x1] =	stream.indirect.gather [hbm4b:s4+s12], $0x80, s13, s12, $0xb8;
	[tilespmem:$0x1CE00] =	vst v63  }
0xc1: {  	_ =	swait.ge [sflag:s19], $0x2800  }
0xc2: {  	[sflag:s19] =	ssyncset.done $0x0  }
0xc3: {  	[sflag:s19] =	ssyncadd.s32 $0xFFFFD800  }
0xc4: {  	[spmem:s2] =	stream.indirect.scatter.add.f32 [tilespmem:s16], [sflag:$0x3], $0x80, s20, s12, $0xb8;
	[tilespmem:$0x1CE00] =	vst v63  }
0xc5: {  	_ =	swait.ge [sflag:s9], $0x2800  }
0xc6: {  	[sflag:s9] =	ssyncset.done $0x0  }
0xc7: {  	[sflag:s9] =	ssyncadd.s32 $0xFFFFD800  }
0xc8: {  	_ =	swait.ge [sflag:s17], $0x2800  }
0xc9: {  	[sflag:s17] =	ssyncset.done $0x0  }
0xca: {  	[sflag:s17] =	ssyncadd.s32 $0xFFFFD800  }
0xcb: {  	[spmem:s2] =	stream.indirect.scatter.add.f32 [tilespmem:s14], [sflag:$0x3], $0x80, s18, s12, $0xb8;
	[tilespmem:$0x1CE00] =	vst v63  }
0xcc: {  	_ =	swait.ge [sflag:s9], $0x2800  }
0xcd: {  	s21 =	sadd.s32 $0x1, s21;
	[sflag:s9] =	ssyncset.done $0x0  }
0xce: {  	p0 =	sne.s32 s21, s8;
	[sflag:s9] =	ssyncadd.s32 $0xFFFFD800  }
.Ltmp1:
0xcf: {  	[bflag:$0x0] =	sbarrier.arrive $0xFFFF;
	(pc) =	sbr.rel @p0 .LBB2_1-.Ltmp1, $4  }
0xd0: {  	[hbm:s7], [sflag:s10] =	dma.local [spmem:s11], $0x2780  }
0xd1: {  	_ =	swait.ge [sflag:s9], $0x2780  }
0xd2: {  	[sflag:s9] =	ssyncset.done $0x0  }
0xd3: {  	[sflag:s9] =	ssyncadd.s32 $0xFFFFD880  }
0xd4: {  	_ =	sfence.sel $0x180000  }
0xd5: {  	[bflag:$0x0] =	sbarrier.arrive $0xFFFF  }
0xd6: {  	p0 =	sne.s32 s1, $0x0;
	_ =	strace $0x9000004A  }
0xd7: {  	s0 =	sadd.s32 @!p0 $0x100000, s0;
	[bflag:$0x2] =	sbarrier.arrive $0xFFFF  }
0xd8: {  	[sflag:s0] =	ssyncadd.tile.s32 @!p0 $0x1;
	_ =	shalt  }
.Lfunc_end2:
_tile_overlayer_lowered:
.L_overlay_start_2:
0xd9: {  	(tag) =	ssettag $0x2  }
0xda: {  	s0 =	rddreg [dreg:$0x0];
	s2 =	stileid.u32  }
0xdb: {  	s1 =	rddreg [dreg:$0x1];
	p0 =	sne.s32 s2, $0x0  }
0xdc: {  	s3 =	rddreg [dreg:$0x2];
	[bflag:$0x3] =	sbarrier.arrive $0xFFFF;
	s2 =	simm.s32 @!p0 $0x1C03  }
0xdd: {  	[timem:s3], [sflag:s2] =	dma.local @!p0 [hbm:s0], s1  }
0xde: {  	s0 =	simm.s32 @!p0 $0x3  }
0xdf: {  	_ =	swait.ge @!p0 [sflag:s0], s1  }
0xe0: {  	s1 =	ssub.s32 @!p0 $0x0, s1;
	[sflag:s0] =	ssyncset.done @!p0 $0x0  }
0xe1: {  	[sflag:s0] =	ssyncadd.s32 @!p0 s1  }
0xe2: {  	[bflag:$0x3] =	sbarrier.arrive $0xFFFF  }
0xe3: {  	_ =	shalt  }

// kernel: kernel.20.cloned.1.call-start
scs
__scs_entry_jumppad:
0x0: {  	(pc) =	sbr.rel $0x88, $3  }
0x1: {  	(tag) =	ssettag $0x0;
	lr =	simm.s32 $0x1  }
0x2: {  	[smem:$0x3F83] =	sst lr;
	_ =	strace $0xD0000000  }
0x3: {  	_ = 	snop  }
0x4: {  	_ = 	snop  }
0x5: {  	_ = 	snop  }
0x6: {  	_ = 	snop  }
0x7: {  	_ = 	snop  }
__scs_overlays_trampoline_lowered:
0x8: {  	[smem:$0x3F92] =	sst s0  }
0x9: {  	[smem:$0x3F93] =	sst s1  }
0xa: {  	[smem:$0x3F94] =	sst s2  }
0xb: {  	[smem:$0x3F95] =	sst s3  }
0xc: {  	[smem:$0x3F96] =	sst s4  }
0xd: {  	[smem:$0x3F97] =	sst s5  }
0xe: {  	[smem:$0x3F98] =	sst s6  }
0xf: {  	[smem:$0x3F99] =	sst s7  }
0x10: {  	[smem:$0x3F9A] =	sst s8  }
0x11: {  	[smem:$0x3F9B] =	sst s9;
	s0 =	simm.s32 @!p0 $0x0  }
0x12: {  	s1 =	sld [smem:$0x3F81];
	s0 =	simm.s32 @p0 $0x1  }
0x13: {  	[smem:$0x3F9C] =	sst s0;
	s0 =	simm.s32 @!p1 $0x0  }
0x14: {  	s2 =	sld [smem:$0x3F80];
	s0 =	simm.s32 @p1 $0x1  }
0x15: {  	[smem:$0x3F9D] =	sst s0;
	s0 =	simm.s32 @!p2 $0x0  }
0x16: {  	s3 =	sld [smem:$0x3FDB];
	s0 =	simm.s32 @p2 $0x1  }
0x17: {  	s4 =	simm.s32 $0x1BF5;
	[smem:$0x3F9F] =	sst s0  }
0x18: {  	s0 =	sld [smem:$0x3F82];
	_ =	swait.ge [sflag:s4], $0x0  }
0x19: {  	s7 =	sld [smem:$0x3F83]  }
0x1a: {  	s8 =	sadd.s32 $0xFFFFE003, lr  }
0x1b: {  	s9 =	sadd.s32 $0xFFFFFEF7, lr;
	s5 =	simm.s32 $0xFFFFFFFF;
	p2 =	slt.u32 s8, $0xFFFFF086  }
0x1c: {  	p1 =	slt.u32 s9, $0xF7A;
	s5 =	simm.s32 @!p2 $0x0  }
0x1d: {  	s5 =	simm.s32 @p1 $0x1;
	p0 =	seq.s32 s7, s2  }
0x1e: {  	s7 =	smul.u32 @!p0 $0xF7A, s2;
	p2 =	seq.s32 @!p0 s5, $0x0  }
0x1f: {  	s9 =	smul.u32 $0xF7A, s1;
	s8 =	simm.s32 @!p0 $0x1BF5;
	p2 =	por !p2, p0  }
0x20: {  	[sflag:s8] =	ssyncset.s32 @!p0 $0xFFFFF086;
	s6 =	sadd.s32 @!p0 s3, s7;
	s7 =	simm.s32 @!p0 $0x108  }
0x21: {  	s3 =	sadd.s32 s3, s9;
	s6 =	sadd.s32 @!p0 $0x88, s6;
	s7 =	simm.s32 @p2 $0x1082  }
0x22: {  	[simem:s7], [sflag:s8] =	dma.local @!p0 [hbm:s6], $0xF7A  }
0x23: {  	s9 =	sor.u32 $0xD0000000, s2;
	s6 =	simm.s32 $0x108;
	_ =	swait.ge @!p0 [sflag:s8], $0x0  }
0x24: {  	s3 =	sadd.s32 $0x88, s3;
	s6 =	simm.s32 @!p1 $0x1082;
	[sflag:s4] =	ssyncset.s32 $0xFFFFF086  }
0x25: {  	[simem:s6], [sflag:s4] =	dma.local [hbm:s3], $0xF7A  }
0x26: {  	[smem:$0x3F83] =	sst s1;
	(tag) =	ssettag s2;
	_ =	strace s9  }
0x27: {  	s1 =	sld [smem:$0x3F93]  }
0x28: {  	s2 =	sld [smem:$0x3F94]  }
0x29: {  	s4 =	sld [smem:$0x3F96]  }
0x2a: {  	p0 =	seq.s32 s5, $0x0;
	s5 =	sld [smem:$0x3F97]  }
0x2b: {  	s6 =	sld [smem:$0x3F98]  }
0x2c: {  	s7 =	sld [smem:$0x3F99]  }
0x2d: {  	s3 =	simm.s32 $0x108;
	s8 =	sld [smem:$0x3F9A]  }
0x2e: {  	s3 =	simm.s32 @!p0 $0x1082;
	s9 =	sld [smem:$0x3F9B]  }
0x2f: {  	lr =	sadd.s32 s0, s3;
	s0 =	sld [smem:$0x3F92]  }
0x30: {  	s3 =	sld [smem:$0x3F95]  }
0x31: {  	[smem:$0x3F9E] =	sst s10  }
0x32: {  	s10 =	sld [smem:$0x3F9C];
	_ =	sdelay $0x3  }
0x33: {  	p0 =	seq.s32 s10, $0x1;
	s10 =	sld [smem:$0x3F9E];
	_ =	sdelay $0x3  }
0x34: {  	[smem:$0x3F9E] =	sst s10  }
0x35: {  	s10 =	sld [smem:$0x3F9D];
	_ =	sdelay $0x3  }
0x36: {  	p1 =	seq.s32 s10, $0x1;
	s10 =	sld [smem:$0x3F9E];
	_ =	sdelay $0x3  }
0x37: {  	[smem:$0x3F9E] =	sst s10  }
0x38: {  	s10 =	sld [smem:$0x3F9F]  }
0x39: {  	_ = 	snop;
	(pc) =	sbr.ind lr, $3  }
0x3a: {  	_ = 	snop  }
0x3b: {  	_ = 	snop  }
0x3c: {  	p2 =	seq.s32 s10, $0x1;
	s10 =	sld [smem:$0x3F9E]  }
0x3d: {  	_ =	shalt  }
0x3e: {  	_ =	shalt  }
0x3f: {  	_ =	shalt  }
0x40: {  	_ =	shalt  }
0x41: {  	_ =	shalt  }
0x42: {  	_ =	shalt  }
0x43: {  	_ =	shalt  }
0x44: {  	_ =	shalt  }
0x45: {  	_ =	shalt  }
0x46: {  	_ =	shalt  }
0x47: {  	_ =	shalt  }
0x48: {  	_ =	shalt  }
0x49: {  	_ =	shalt  }
0x4a: {  	_ =	shalt  }
0x4b: {  	_ =	shalt  }
0x4c: {  	_ =	shalt  }
0x4d: {  	_ =	shalt  }
0x4e: {  	_ =	shalt  }
0x4f: {  	_ =	shalt  }
0x50: {  	_ =	shalt  }
0x51: {  	_ =	shalt  }
0x52: {  	_ =	shalt  }
0x53: {  	_ =	shalt  }
0x54: {  	_ =	shalt  }
0x55: {  	_ =	shalt  }
0x56: {  	_ =	shalt  }
0x57: {  	_ =	shalt  }
0x58: {  	_ =	shalt  }
0x59: {  	_ =	shalt  }
0x5a: {  	_ =	shalt  }
0x5b: {  	_ =	shalt  }
0x5c: {  	_ =	shalt  }
0x5d: {  	_ =	shalt  }
0x5e: {  	_ =	shalt  }
0x5f: {  	_ =	shalt  }
0x60: {  	_ =	shalt  }
0x61: {  	_ =	shalt  }
0x62: {  	_ =	shalt  }
0x63: {  	_ =	shalt  }
0x64: {  	_ =	shalt  }
0x65: {  	_ =	shalt  }
0x66: {  	_ =	shalt  }
0x67: {  	_ =	shalt  }
0x68: {  	_ =	shalt  }
0x69: {  	_ =	shalt  }
0x6a: {  	_ =	shalt  }
0x6b: {  	_ =	shalt  }
0x6c: {  	_ =	shalt  }
0x6d: {  	_ =	shalt  }
0x6e: {  	_ =	shalt  }
0x6f: {  	_ =	shalt  }
0x70: {  	_ =	shalt  }
0x71: {  	_ =	shalt  }
0x72: {  	_ =	shalt  }
0x73: {  	_ =	shalt  }
0x74: {  	_ =	shalt  }
0x75: {  	_ =	shalt  }
0x76: {  	_ =	shalt  }
0x77: {  	_ =	shalt  }
0x78: {  	_ =	shalt  }
0x79: {  	_ =	shalt  }
0x7a: {  	_ =	shalt  }
0x7b: {  	_ =	shalt  }
0x7c: {  	_ =	shalt  }
0x7d: {  	_ =	shalt  }
0x7e: {  	_ =	shalt  }
0x7f: {  	_ =	shalt  }
0x80: {  	_ =	shalt  }
0x81: {  	_ =	shalt  }
0x82: {  	_ =	shalt  }
0x83: {  	_ =	shalt  }
0x84: {  	_ =	shalt  }
0x85: {  	_ =	shalt  }
0x86: {  	_ =	shalt  }
0x87: {  	_ =	shalt  }
.Lfunc_end0:
.L_simem_size_0:
called_computation.2_lowered:
.L_overlay_start_0:
0x88: {  	s2 =	sld [smem:$0x3FD9]  }
0x89: {  	s3 =	sld [smem:$0x3FFE];
	_ =	sdelay $0x1  }
0x8a: {  	s1 =	srdreg.scid  }
0x8b: {  	s0 =	sand.u32 $0x1, s1  }
0x8c: {  	s16 =	sshll.u32 s0, $0xA;
	s2 =	sadd.s32 s3, s2  }
0x8d: {  	s2 =	sadd.s32 s2, s16  }
0x8e: {  	[smem:$0x3FAA] =	sst s2  }
0x8f: {  	_ = 	snop  }
0x90: {  	(tm) =	ssettm $0x1  }
0x91: {  	s17 =	sld [smem:$0x3FFB];
	_ =	sdelay $0x3  }
0x92: {  	_ =	strace s17  }
0x93: {  	s2 =	sld [smem:$0x3FFC];
	_ =	sdelay $0x3  }
0x94: {  	_ =	strace s2  }
0x95: {  	s2 =	sld [smem:$0x3FFD];
	_ =	sdelay $0x3  }
0x96: {  	_ =	strace s2  }
0x97: {  	_ =	strace $0x8FFFFFFF  }
0x98: {  	s18 =	sld [smem:$0x3FDB];
	_ =	sdelay $0x1  }
0x99: {  	s19 =	simm.s32 $_scs_section_size  }
0x9a: {  	s4 =	simm.s32 $_size__tile_overlayer_lowered;
	s5 =	simm.s32 $_tile_overlayer_lowered  }
0x9b: {  	s22 =	simm.s32 $0x1BFF;
	s21 =	sshll.u32 s5, $0x1;
	s2 =	sadd.s32 s19, s18  }
0x9c: {  	s6 =	simm.s32 $0x0;
	s20 =	sshll.u32 s4, $0x1;
	s4 =	sadd.s32 s21, s2  }
0x9d: {  	[timem:s6], [sflag:s22] =	dma.local [hbm:s4], s20  }
0x9e: {  	_ =	swait.ge [sflag:s22], s20  }
0x9f: {  	s3 =	ssub.s32 $0x0, s20;
	[sflag:s22] =	ssyncset.done $0x0  }
0xa0: {  	[sflag:s22] =	ssyncadd.s32 s3;
	_ =	sdelay $0x1  }
0xa1: {  	s23 =	simm.s32 $0x1B8B  }
0xa2: {  	_ =	swait.ge [sflag:s23], $0x1  }
0xa3: {  	[sflag:s23] =	ssyncset.done $0x0  }
0xa4: {  	s25 =	simm.s32 $0x1B8E;
	s24 =	sld [smem:$0x3FFE];
	[sflag:s23] =	ssyncadd.s32 $0xFFFFFFFF  }
0xa5: {  	s26 =	simm.s32 $execute0_lowered;
	[smem:$0x3FD2] =	sst s25  }
0xa6: {  	s4 =	sshll.u32 s26, $0x1;
	_ =	strace $0x8000004C;
	[dreg:$0x1] =	wrdreg $0xFFFFFFFF  }
0xa7: {  	s28 =	simm.s32 $_size_execute0_lowered;
	s2 =	sadd.s32 s2, s4;
	[dreg:$0x0] =	wrdreg $0x0  }
0xa8: {  	s4 =	sshll.u32 s28, $0x1;
	[dreg:$0x2] =	wrdreg s2  }
0xa9: {  	[dreg:$0x3] =	wrdreg s4  }
0xaa: {  	[dreg:$0x4] =	wrdreg $0xC0  }
0xab: {  	_ =	task [dreg:s6], $0x5FFFF  }
0xac: {  	[dreg:$0x1] =	wrdreg $0xFFFFFFFF  }
0xad: {  	[dreg:$0x0] =	wrdreg $0x60  }
0xae: {  	[dreg:$0x2] =	wrdreg s24  }
0xaf: {  	[dreg:$0x3] =	wrdreg $0x92000  }
0xb0: {  	[dreg:$0x4] =	wrdreg $0x9  }
0xb1: {  	_ =	task.clear_ibuf [dreg:s6], $0x5FFFF;
	_ =	strace $0x9000004C  }
0xb2: {  	s29 =	simm.s32 $0x9;
	_ =	strace $0x8000004E  }
0xb3: {  	_ =	swait.ge [sflag:s29], $0x1  }
0xb4: {  	[sflag:s29] =	ssyncadd.s32 $0xFFFFFFFF  }
0xb5: {  	_ =	strace $0x9000004E  }
0xb6: {  	_ =	sfence  }
0xb7: {  	s30 =	sld [smem:$0x0];
	_ =	sdelay $0x2  }
0xb8: {  	s31 =	sshll.u32 s1, $0xD;
	s1 =	sshrl.u32 s1, $0x2  }
0xb9: {  	s3 =	sand.u32 $0x4000, s31;
	s1 =	sadd.s32 s1, s30  }
0xba: {  	s0 =	sor.u32 s3, s0;
	s1 =	sshll.u32 s1, $0x11  }
0xbb: {  	s0 =	sor.u32 s1, s0  }
0xbc: {  	s0 =	sadd.s32 $0x8F2B, s0  }
0xbd: {  	[sflag:s0] =	ssyncadd.remote.s32 $0x1  }
0xbe: {  	_ =	sfence.sel $0xFFFF  }
0xbf: {  	[dreg:$0x0] =	wrdreg $0xFFFFFFFF;
	(pc) =	sbr.abs _section_cstart, $3  }
0xc0: {  	[dreg:$0x1] =	wrdreg $0xFFFFFFFF  }
0xc1: {  	_ =	task.clear_ibuf [dreg:s6], $0x2FFFF;
	_ =	strace $0x9FFFFFFF  }
0xc2: {  	(tm) =	ssettm $0x7FFFFFFF  }
0xc3: {  	_ =	shalt  }
tec
execute0_lowered:
.L_overlay_start_1:
0x0: {  	(tag) =	ssettag $0x1  }
0x1: {  	s5 =	rddreg [dreg:$0x0]  }
0x2: {  	s2 =	rddreg [dreg:$0x1]  }
0x3: {  	s0 =	rddreg [dreg:$0x2]  }
0x4: {  	s4 =	srdreg.scid;
	s1 =	stileid.u32;
	s3 =	simm.s32 $0x0  }
0x5: {  	s12 =	simm.s32 $0x50;
	s13 =	simm.s32 $0x4000;
	s14 =	simm.s32 $0x4200  }
0x6: {  	s15 =	simm.s32 $0x4080;
	s16 =	simm.s32 $0x6A00;
	s17 =	simm.s32 $0x1  }
0x7: {  	s18 =	simm.s32 $0x4100;
	s19 =	simm.s32 $0x2;
	s20 =	simm.s32 $0x4180  }
0x8: {  	s21 =	simm.s32 $0x0;
	s6 =	sand.u32 $0x1, s4;
	s7 =	smul.u32 $0x13C00, s1  }
0x9: {  	[smem:$0x7FF] =	sst s3;
	s4 =	sadd.s32 $0x17000, s5;
	s11 =	smul.u32 $0x4F000, s1  }
0xa: {  	s26 =	sshll.u32 s1, $0xC;
	s31 =	sshll.u32 s1, $0x6;
	s8 =	smul.u32 $0x13C000, s6  }
0xb: {  	_ =	strace $0x8000004D;
	s9 =	sshll.u32 s6, $0xB;
	s6 =	ssub.s32 $0x2, s6  }
0xc: {  	s10 =	sshrl.u32 s7, $0x3;
	s24 =	sadd.s32 s9, s5;
	s28 =	sshrl.u32 s6, $0x1  }
0xd: {  	s30 =	sshrl.u32 s11, $0x2;
	s9 =	simm.s32 $0x3;
	s7 =	sadd.s32 s7, s8  }
0xe: {  	s25 =	sadd.s32 s10, s5;
	s8 =	sadd.s32 s26, s24;
	s29 =	ssub.s32 s6, s28  }
0xf: {  	s11 =	sadd.s32 s30, s2;
	s10 =	sor.u32 $0x1C03, s31;
	s7 =	sshrl.u32 s7, $0x3  }
0x10: {  	s6 =	sadd.s32 $0x3E800, s25;
	s11 =	sshrl.u32 s11, $0x3;
	s7 =	sadd.s32 s7, s5  }
0x11: {  	s5 =	sadd.s32 $0x7000, s8;
	s8 =	smax.u32 s29, $0x1;
	s7 =	sadd.s32 $0x66000, s7  }
.LBB2_1:
0x12: {  	[tilespmem:s3], [sflag:$0x3] =	stream.linear.gather [hbm4b:s5+s3], $0x3E80, $0x38;
	[tilespmem:$0x1CE00] =	vst v63  }
0x13: {  	_ =	swait.ge [sflag:s9], $0x3E80  }
0x14: {  	[sflag:s9] =	ssyncset.done $0x0  }
0x15: {  	[sflag:s9] =	ssyncadd.s32 $0xFFFFC180  }
0x16: {  	[spmem:s11], [sflag:s10] =	dma.local [hbm:s6], $0x2780  }
0x17: {  	_ =	swait.ge [sflag:s9], $0x2780  }
0x18: {  	[sflag:s9] =	ssyncset.done $0x0  }
0x19: {  	[sflag:s9] =	ssyncadd.s32 $0xFFFFD880  }
0x1a: {  	[bflag:$0x0] =	sbarrier.arrive $0xFFFF  }
0x1b: {  	v0 =	vld [tilespmem:$0x0];
	_ =	sdelay $0x1  }
0x1c: {  	v1 =	vld [tilespmem:$0x10];
	_ =	sdelay $0x1  }
0x1d: {  	v2 =	vld [tilespmem:$0x20]  }
0x1e: {  	v3 =	vand.u32 $0xFFFF, v0  }
0x1f: {  	v0 =	vshrl.u32 v0, $0x10;
	[tilespmem:$0x4000] =	vst v3;
	v3 =	vld [tilespmem:$0x30]  }
0x20: {  	[tilespmem:$0x4100] =	vst v0;
	v0 =	vand.u32 $0xFFFF, v1  }
0x21: {  	[tilespmem:$0x4010] =	vst v0;
	v0 =	vshrl.u32 v1, $0x10;
	v1 =	vld [tilespmem:$0x40]  }
0x22: {  	[tilespmem:$0x4110] =	vst v0;
	v0 =	vand.u32 $0xFFFF, v2  }
0x23: {  	[tilespmem:$0x4020] =	vst v0;
	v0 =	vshrl.u32 v2, $0x10  }
0x24: {  	[tilespmem:$0x4120] =	vst v0;
	v0 =	vand.u32 $0xFFFF, v3  }
0x25: {  	[tilespmem:$0x4030] =	vst v0;
	v0 =	vshrl.u32 v3, $0x10  }
0x26: {  	[tilespmem:$0x4130] =	vst v0;
	v0 =	vand.u32 $0xFFFF, v1  }
0x27: {  	[tilespmem:$0x4040] =	vst v0;
	v0 =	vshrl.u32 v1, $0x10  }
0x28: {  	[tilespmem:$0x4140] =	vst v0  }
0x29: {  	[tilespmem:s14], [sflag:$0x1] =	stream.indirect.gather [hbm4b:s4+s12], $0x80, s13, s12, $0xb8;
	[tilespmem:$0x1CE00] =	vst v63  }
0x2a: {  	v0 =	vld [tilespmem:$0x80];
	_ =	sdelay $0x1  }
0x2b: {  	v1 =	vld [tilespmem:$0x90];
	_ =	sdelay $0x1  }
0x2c: {  	v2 =	vld [tilespmem:$0xA0]  }
0x2d: {  	v3 =	vand.u32 $0xFFFF, v0  }
0x2e: {  	v0 =	vshrl.u32 v0, $0x10;
	[tilespmem:$0x4080] =	vst v3;
	v3 =	vld [tilespmem:$0xB0]  }
0x2f: {  	[tilespmem:$0x4180] =	vst v0;
	v0 =	vand.u32 $0xFFFF, v1  }
0x30: {  	[tilespmem:$0x4090] =	vst v0;
	v0 =	vshrl.u32 v1, $0x10;
	v1 =	vld [tilespmem:$0xC0]  }
0x31: {  	[tilespmem:$0x4190] =	vst v0;
	v0 =	vand.u32 $0xFFFF, v2  }
0x32: {  	[tilespmem:$0x40A0] =	vst v0;
	v0 =	vshrl.u32 v2, $0x10  }
0x33: {  	[tilespmem:$0x41A0] =	vst v0;
	v0 =	vand.u32 $0xFFFF, v3  }
0x34: {  	[tilespmem:$0x40B0] =	vst v0;
	v0 =	vshrl.u32 v3, $0x10  }
0x35: {  	[tilespmem:$0x41B0] =	vst v0;
	v0 =	vand.u32 $0xFFFF, v1  }
0x36: {  	[tilespmem:$0x40C0] =	vst v0;
	v0 =	vshrl.u32 v1, $0x10  }
0x37: {  	[tilespmem:$0x41C0] =	vst v0  }
0x38: {  	[tilespmem:s16], [sflag:$0x2] =	stream.indirect.gather [hbm4b:s4+s12], $0x80, s15, s12, $0xb8;
	[tilespmem:$0x1CE00] =	vst v63  }
0x39: {  	_ =	swait.ge [sflag:s17], $0x2800  }
0x3a: {  	[sflag:s17] =	ssyncset.done $0x0  }
0x3b: {  	[sflag:s17] =	ssyncadd.s32 $0xFFFFD800  }
0x3c: {  	[spmem:s2] =	stream.indirect.scatter.add.f32 [tilespmem:s14], [sflag:$0x3], $0x80, s18, s12, $0xb8;
	[tilespmem:$0x1CE00] =	vst v63  }
0x3d: {  	_ =	swait.ge [sflag:s9], $0x2800  }
0x3e: {  	[sflag:s9] =	ssyncset.done $0x0  }
0x3f: {  	s22 =	simm.s32 $0x1C0;
	[sflag:s9] =	ssyncadd.s32 $0xFFFFD800  }
0x40: {  	v0 =	vld [tilespmem:s22+$0xFFFFFF40];
	_ =	sdelay $0x4  }
0x41: {  	v1 =	vand.u32 $0xFFFF, v0  }
0x42: {  	v0 =	vshrl.u32 v0, $0x10;
	[tilespmem:$0x4000] =	vst v1  }
0x43: {  	[tilespmem:$0x4100] =	vst v0  }
0x44: {  	v0 =	vld [tilespmem:s22+$0xFFFFFF50];
	_ =	sdelay $0x4  }
0x45: {  	v1 =	vand.u32 $0xFFFF, v0  }
0x46: {  	v0 =	vshrl.u32 v0, $0x10;
	[tilespmem:$0x4010] =	vst v1  }
0x47: {  	[tilespmem:$0x4110] =	vst v0  }
0x48: {  	v0 =	vld [tilespmem:s22+$0xFFFFFF60];
	_ =	sdelay $0x4  }
0x49: {  	v1 =	vand.u32 $0xFFFF, v0  }
0x4a: {  	v0 =	vshrl.u32 v0, $0x10;
	[tilespmem:$0x4020] =	vst v1  }
0x4b: {  	[tilespmem:$0x4120] =	vst v0  }
0x4c: {  	v0 =	vld [tilespmem:s22+$0xFFFFFF70];
	_ =	sdelay $0x4  }
0x4d: {  	v1 =	vand.u32 $0xFFFF, v0  }
0x4e: {  	v0 =	vshrl.u32 v0, $0x10;
	[tilespmem:$0x4030] =	vst v1  }
0x4f: {  	[tilespmem:$0x4130] =	vst v0  }
0x50: {  	v0 =	vld [tilespmem:s22+$0xFFFFFF80];
	_ =	sdelay $0x4  }
0x51: {  	v1 =	vand.u32 $0xFFFF, v0  }
0x52: {  	v0 =	vshrl.u32 v0, $0x10;
	[tilespmem:$0x4040] =	vst v1  }
0x53: {  	[tilespmem:$0x4140] =	vst v0  }
0x54: {  	[tilespmem:s14], [sflag:$0x1] =	stream.indirect.gather [hbm4b:s4+s12], $0x80, s13, s12, $0xb8;
	[tilespmem:$0x1CE00] =	vst v63  }
0x55: {  	_ =	swait.ge [sflag:s19], $0x2800  }
0x56: {  	[sflag:s19] =	ssyncset.done $0x0  }
0x57: {  	[sflag:s19] =	ssyncadd.s32 $0xFFFFD800  }
0x58: {  	[spmem:s2] =	stream.indirect.scatter.add.f32 [tilespmem:s16], [sflag:$0x3], $0x80, s20, s12, $0xb8;
	[tilespmem:$0x1CE00] =	vst v63  }
0x59: {  	_ =	swait.ge [sflag:s9], $0x2800  }
0x5a: {  	[sflag:s9] =	ssyncset.done $0x0  }
0x5b: {  	[sflag:s9] =	ssyncadd.s32 $0xFFFFD800  }
0x5c: {  	v0 =	vld [tilespmem:s22+$0xFFFFFFC0];
	_ =	sdelay $0x4  }
0x5d: {  	v1 =	vand.u32 $0xFFFF, v0  }
0x5e: {  	v0 =	vshrl.u32 v0, $0x10;
	[tilespmem:$0x4080] =	vst v1  }
0x5f: {  	[tilespmem:$0x4180] =	vst v0  }
0x60: {  	v0 =	vld [tilespmem:s22+$0xFFFFFFD0];
	_ =	sdelay $0x4  }
0x61: {  	v1 =	vand.u32 $0xFFFF, v0  }
0x62: {  	v0 =	vshrl.u32 v0, $0x10;
	[tilespmem:$0x4090] =	vst v1  }
0x63: {  	[tilespmem:$0x4190] =	vst v0  }
0x64: {  	v0 =	vld [tilespmem:s22+$0xFFFFFFE0];
	_ =	sdelay $0x4  }
0x65: {  	v1 =	vand.u32 $0xFFFF, v0  }
0x66: {  	v0 =	vshrl.u32 v0, $0x10;
	[tilespmem:$0x40A0] =	vst v1  }
0x67: {  	[tilespmem:$0x41A0] =	vst v0  }
0x68: {  	v0 =	vld [tilespmem:s22+$0xFFFFFFF0];
	_ =	sdelay $0x4  }
0x69: {  	s23 =	simm.s32 $0xB00;
	v1 =	vand.u32 $0xFFFF, v0;
	v0 =	vshrl.u32 v0, $0x10  }
.LBB2_2:
0x6a: {  	p0 =	sne.s32 s23, $0xF700;
	[tilespmem:$0x40B0] =	vst v1;
	s24 =	smov.u32 s23;
	s23 =	sadd.s32 $0x400, s23  }
0x6b: {  	[tilespmem:$0x41B0] =	vst v0  }
0x6c: {  	v0 =	vld [tilespmem:s22+$0x0];
	_ =	sdelay $0x4  }
0x6d: {  	v1 =	vand.u32 $0xFFFF, v0;
	v0 =	vshrl.u32 v0, $0x10  }
0x6e: {  	[tilespmem:$0x40C0] =	vst v1  }
0x6f: {  	[tilespmem:$0x41C0] =	vst v0  }
0x70: {  	[tilespmem:s16], [sflag:$0x2] =	stream.indirect.gather [hbm4b:s4+s12], $0x80, s15, s12, $0xb8;
	[tilespmem:$0x1CE00] =	vst v63  }
0x71: {  	_ =	swait.ge [sflag:s17], $0x2800  }
0x72: {  	[sflag:s17] =	ssyncset.done $0x0  }
0x73: {  	[sflag:s17] =	ssyncadd.s32 $0xFFFFD800  }
0x74: {  	[spmem:s2] =	stream.indirect.scatter.add.f32 [tilespmem:s14], [sflag:$0x3], $0x80, s18, s12, $0xb8;
	[tilespmem:$0x1CE00] =	vst v63  }
0x75: {  	_ =	swait.ge [sflag:s9], $0x2800  }
0x76: {  	[sflag:s9] =	ssyncset.done $0x0  }
0x77: {  	s22 =	sshra.s32 s24, $0x2;
	[sflag:s9] =	ssyncadd.s32 $0xFFFFD800  }
0x78: {  	v0 =	vld [tilespmem:s22+$0xFFFFFF40];
	_ =	sdelay $0x4  }
0x79: {  	v1 =	vand.u32 $0xFFFF, v0;
	v0 =	vshrl.u32 v0, $0x10  }
0x7a: {  	[tilespmem:$0x4000] =	vst v1  }
0x7b: {  	[tilespmem:$0x4100] =	vst v0  }
0x7c: {  	v0 =	vld [tilespmem:s22+$0xFFFFFF50];
	_ =	sdelay $0x4  }
0x7d: {  	v1 =	vand.u32 $0xFFFF, v0;
	v0 =	vshrl.u32 v0, $0x10  }
0x7e: {  	[tilespmem:$0x4010] =	vst v1  }
0x7f: {  	[tilespmem:$0x4110] =	vst v0  }
0x80: {  	v0 =	vld [tilespmem:s22+$0xFFFFFF60];
	_ =	sdelay $0x4  }
0x81: {  	v1 =	vand.u32 $0xFFFF, v0;
	v0 =	vshrl.u32 v0, $0x10  }
0x82: {  	[tilespmem:$0x4020] =	vst v1  }
0x83: {  	[tilespmem:$0x4120] =	vst v0  }
0x84: {  	v0 =	vld [tilespmem:s22+$0xFFFFFF70];
	_ =	sdelay $0x4  }
0x85: {  	v1 =	vand.u32 $0xFFFF, v0;
	v0 =	vshrl.u32 v0, $0x10  }
0x86: {  	[tilespmem:$0x4030] =	vst v1  }
0x87: {  	[tilespmem:$0x4130] =	vst v0  }
0x88: {  	v0 =	vld [tilespmem:s22+$0xFFFFFF80];
	_ =	sdelay $0x4  }
0x89: {  	v1 =	vand.u32 $0xFFFF, v0;
	v0 =	vshrl.u32 v0, $0x10  }
0x8a: {  	[tilespmem:$0x4040] =	vst v1  }
0x8b: {  	[tilespmem:$0x4140] =	vst v0  }
0x8c: {  	[tilespmem:s14], [sflag:$0x1] =	stream.indirect.gather [hbm4b:s4+s12], $0x80, s13, s12, $0xb8;
	[tilespmem:$0x1CE00] =	vst v63  }
0x8d: {  	_ =	swait.ge [sflag:s19], $0x2800  }
0x8e: {  	[sflag:s19] =	ssyncset.done $0x0  }
0x8f: {  	[sflag:s19] =	ssyncadd.s32 $0xFFFFD800  }
0x90: {  	[spmem:s2] =	stream.indirect.scatter.add.f32 [tilespmem:s16], [sflag:$0x3], $0x80, s20, s12, $0xb8;
	[tilespmem:$0x1CE00] =	vst v63  }
0x91: {  	_ =	swait.ge [sflag:s9], $0x2800  }
0x92: {  	[sflag:s9] =	ssyncset.done $0x0  }
0x93: {  	[sflag:s9] =	ssyncadd.s32 $0xFFFFD800  }
0x94: {  	v0 =	vld [tilespmem:s22+$0xFFFFFFC0];
	_ =	sdelay $0x4  }
0x95: {  	v1 =	vand.u32 $0xFFFF, v0;
	v0 =	vshrl.u32 v0, $0x10  }
0x96: {  	[tilespmem:$0x4080] =	vst v1  }
0x97: {  	[tilespmem:$0x4180] =	vst v0  }
0x98: {  	v0 =	vld [tilespmem:s22+$0xFFFFFFD0];
	_ =	sdelay $0x4  }
0x99: {  	v1 =	vand.u32 $0xFFFF, v0;
	v0 =	vshrl.u32 v0, $0x10  }
0x9a: {  	[tilespmem:$0x4090] =	vst v1  }
0x9b: {  	[tilespmem:$0x4190] =	vst v0  }
0x9c: {  	v0 =	vld [tilespmem:s22+$0xFFFFFFE0];
	_ =	sdelay $0x4  }
0x9d: {  	v1 =	vand.u32 $0xFFFF, v0;
	v0 =	vshrl.u32 v0, $0x10  }
0x9e: {  	[tilespmem:$0x40A0] =	vst v1  }
0x9f: {  	[tilespmem:$0x41A0] =	vst v0  }
0xa0: {  	v0 =	vld [tilespmem:s22+$0xFFFFFFF0]  }
.Ltmp0:
0xa1: {  	(pc) =	sbr.rel @p0 .LBB2_2-.Ltmp0, $2  }
0xa2: {  	_ =	sdelay $0x2  }
0xa3: {  	v1 =	vand.u32 $0xFFFF, v0;
	v0 =	vshrl.u32 v0, $0x10  }
0xa4: {  	[tilespmem:$0x40B0] =	vst v1  }
0xa5: {  	[tilespmem:$0x41B0] =	vst v0  }
0xa6: {  	v0 =	vld [tilespmem:s22+$0x0];
	_ =	sdelay $0x4  }
0xa7: {  	v51 =	vand.u32 $0xFFFF, v0  }
0xa8: {  	v0 =	vshrl.u32 v0, $0x10;
	[tilespmem:$0x40C0] =	vst v51  }
0xa9: {  	[tilespmem:$0x41C0] =	vst v0  }
0xaa: {  	[tilespmem:s16], [sflag:$0x2] =	stream.indirect.gather [hbm4b:s4+s12], $0x80, s15, s12, $0xb8;
	[tilespmem:$0x1CE00] =	vst v63  }
0xab: {  	_ =	swait.ge [sflag:s17], $0x2800  }
0xac: {  	[sflag:s17] =	ssyncset.done $0x0  }
0xad: {  	[sflag:s17] =	ssyncadd.s32 $0xFFFFD800  }
0xae: {  	[spmem:s2] =	stream.indirect.scatter.add.f32 [tilespmem:s14], [sflag:$0x3], $0x80, s18, s12, $0xb8;
	[tilespmem:$0x1CE00] =	vst v63  }
0xaf: {  	_ =	swait.ge [sflag:s9], $0x2800  }
0xb0: {  	[sflag:s9] =	ssyncset.done $0x0  }
0xb1: {  	[sflag:s9] =	ssyncadd.s32 $0xFFFFD800  }
0xb2: {  	v52 =	vld [tilespmem:$0x3E00];
	_ =	sdelay $0x1  }
0xb3: {  	v53 =	vld [tilespmem:$0x3E10];
	_ =	sdelay $0x1  }
0xb4: {  	v2 =	vld [tilespmem:$0x3E20]  }
0xb5: {  	v3 =	vand.u32 $0xFFFF, v52  }
0xb6: {  	v54 =	vld [tilespmem:$0x3E30];
	v0 =	vshrl.u32 v52, $0x10;
	[tilespmem:$0x4000] =	vst v3  }
0xb7: {  	v55 =	vand.u32 $0xFFFF, v53;
	[tilespmem:$0x4100] =	vst v0  }
0xb8: {  	v57 =	vld [tilespmem:$0x3E40];
	v56 =	vshrl.u32 v53, $0x10;
	[tilespmem:$0x4010] =	vst v55  }
0xb9: {  	v58 =	vand.u32 $0xFFFF, v2;
	[tilespmem:$0x4110] =	vst v56  }
0xba: {  	v59 =	vshrl.u32 v2, $0x10;
	[tilespmem:$0x4020] =	vst v58  }
0xbb: {  	v60 =	vand.u32 $0xFFFF, v54;
	[tilespmem:$0x4120] =	vst v59  }
0xbc: {  	v61 =	vshrl.u32 v54, $0x10;
	[tilespmem:$0x4030] =	vst v60  }
0xbd: {  	v62 =	vand.u32 $0xFFFF, v57;
	[tilespmem:$0x4130] =	vst v61  }
0xbe: {  	v63 =	vshrl.u32 v57, $0x10;
	[tilespmem:$0x4040] =	vst v62  }
0xbf: {  	[tilespmem:$0x4140] =	vst v63  }
0xc0: {  	[tilespmem:s14], [sflag:$0x1] =	stream.indirect.gather [hbm4b:s4+s12], $0x80, s13, s12, $0xb8;
	[tilespmem:$0x1CE00] =	vst v63  }
0xc1: {  	_ =	swait.ge [sflag:s19], $0x2800  }
0xc2: {  	[sflag:s19] =	ssyncset.done $0x0  }
0xc3: {  	[sflag:s19] =	ssyncadd.s32 $0xFFFFD800  }
0xc4: {  	[spmem:s2] =	stream.indirect.scatter.add.f32 [tilespmem:s16], [sflag:$0x3], $0x80, s20, s12, $0xb8;
	[tilespmem:$0x1CE00] =	vst v63  }
0xc5: {  	_ =	swait.ge [sflag:s9], $0x2800  }
0xc6: {  	[sflag:s9] =	ssyncset.done $0x0  }
0xc7: {  	[sflag:s9] =	ssyncadd.s32 $0xFFFFD800  }
0xc8: {  	_ =	swait.ge [sflag:s17], $0x2800  }
0xc9: {  	[sflag:s17] =	ssyncset.done $0x0  }
0xca: {  	[sflag:s17] =	ssyncadd.s32 $0xFFFFD800  }
0xcb: {  	[spmem:s2] =	stream.indirect.scatter.add.f32 [tilespmem:s14], [sflag:$0x3], $0x80, s18, s12, $0xb8;
	[tilespmem:$0x1CE00] =	vst v63  }
0xcc: {  	_ =	swait.ge [sflag:s9], $0x2800  }
0xcd: {  	s21 =	sadd.s32 $0x1, s21;
	[sflag:s9] =	ssyncset.done $0x0  }
0xce: {  	p0 =	sne.s32 s21, s8;
	[sflag:s9] =	ssyncadd.s32 $0xFFFFD800  }
.Ltmp1:
0xcf: {  	[bflag:$0x0] =	sbarrier.arrive $0xFFFF;
	(pc) =	sbr.rel @p0 .LBB2_1-.Ltmp1, $4  }
0xd0: {  	[hbm:s7], [sflag:s10] =	dma.local [spmem:s11], $0x2780  }
0xd1: {  	_ =	swait.ge [sflag:s9], $0x2780  }
0xd2: {  	[sflag:s9] =	ssyncset.done $0x0  }
0xd3: {  	[sflag:s9] =	ssyncadd.s32 $0xFFFFD880  }
0xd4: {  	_ =	sfence.sel $0x180000  }
0xd5: {  	[bflag:$0x0] =	sbarrier.arrive $0xFFFF  }
0xd6: {  	p0 =	sne.s32 s1, $0x0;
	_ =	strace $0x9000004D  }
0xd7: {  	s0 =	sadd.s32 @!p0 $0x100000, s0;
	[bflag:$0x2] =	sbarrier.arrive $0xFFFF  }
0xd8: {  	[sflag:s0] =	ssyncadd.tile.s32 @!p0 $0x1;
	_ =	shalt  }
.Lfunc_end2:
_tile_overlayer_lowered:
.L_overlay_start_2:
0xd9: {  	(tag) =	ssettag $0x2  }
0xda: {  	s0 =	rddreg [dreg:$0x0];
	s2 =	stileid.u32  }
0xdb: {  	s1 =	rddreg [dreg:$0x1];
	p0 =	sne.s32 s2, $0x0  }
0xdc: {  	s3 =	rddreg [dreg:$0x2];
	[bflag:$0x3] =	sbarrier.arrive $0xFFFF;
	s2 =	simm.s32 @!p0 $0x1C03  }
0xdd: {  	[timem:s3], [sflag:s2] =	dma.local @!p0 [hbm:s0], s1  }
0xde: {  	s0 =	simm.s32 @!p0 $0x3  }
0xdf: {  	_ =	swait.ge @!p0 [sflag:s0], s1  }
0xe0: {  	s1 =	ssub.s32 @!p0 $0x0, s1;
	[sflag:s0] =	ssyncset.done @!p0 $0x0  }
0xe1: {  	[sflag:s0] =	ssyncadd.s32 @!p0 s1  }
0xe2: {  	[bflag:$0x3] =	sbarrier.arrive $0xFFFF  }
0xe3: {  	_ =	shalt  }

// kernel: kernel.23.cloned.1.call-start
scs
__scs_entry_jumppad:
0x0: {  	(pc) =	sbr.rel $0x88, $3  }
0x1: {  	(tag) =	ssettag $0x0;
	lr =	simm.s32 $0x1  }
0x2: {  	[smem:$0x3F83] =	sst lr;
	_ =	strace $0xD0000000  }
0x3: {  	_ = 	snop  }
0x4: {  	_ = 	snop  }
0x5: {  	_ = 	snop  }
0x6: {  	_ = 	snop  }
0x7: {  	_ = 	snop  }
__scs_overlays_trampoline_lowered:
0x8: {  	[smem:$0x3F92] =	sst s0  }
0x9: {  	[smem:$0x3F93] =	sst s1  }
0xa: {  	[smem:$0x3F94] =	sst s2  }
0xb: {  	[smem:$0x3F95] =	sst s3  }
0xc: {  	[smem:$0x3F96] =	sst s4  }
0xd: {  	[smem:$0x3F97] =	sst s5  }
0xe: {  	[smem:$0x3F98] =	sst s6  }
0xf: {  	[smem:$0x3F99] =	sst s7  }
0x10: {  	[smem:$0x3F9A] =	sst s8  }
0x11: {  	[smem:$0x3F9B] =	sst s9;
	s0 =	simm.s32 @!p0 $0x0  }
0x12: {  	s1 =	sld [smem:$0x3F81];
	s0 =	simm.s32 @p0 $0x1  }
0x13: {  	[smem:$0x3F9C] =	sst s0;
	s0 =	simm.s32 @!p1 $0x0  }
0x14: {  	s2 =	sld [smem:$0x3F80];
	s0 =	simm.s32 @p1 $0x1  }
0x15: {  	[smem:$0x3F9D] =	sst s0;
	s0 =	simm.s32 @!p2 $0x0  }
0x16: {  	s3 =	sld [smem:$0x3FDB];
	s0 =	simm.s32 @p2 $0x1  }
0x17: {  	s4 =	simm.s32 $0x1BF5;
	[smem:$0x3F9F] =	sst s0  }
0x18: {  	s0 =	sld [smem:$0x3F82];
	_ =	swait.ge [sflag:s4], $0x0  }
0x19: {  	s7 =	sld [smem:$0x3F83]  }
0x1a: {  	s8 =	sadd.s32 $0xFFFFE003, lr  }
0x1b: {  	s9 =	sadd.s32 $0xFFFFFEF7, lr;
	s5 =	simm.s32 $0xFFFFFFFF;
	p2 =	slt.u32 s8, $0xFFFFF086  }
0x1c: {  	p1 =	slt.u32 s9, $0xF7A;
	s5 =	simm.s32 @!p2 $0x0  }
0x1d: {  	s5 =	simm.s32 @p1 $0x1;
	p0 =	seq.s32 s7, s2  }
0x1e: {  	s7 =	smul.u32 @!p0 $0xF7A, s2;
	p2 =	seq.s32 @!p0 s5, $0x0  }
0x1f: {  	s9 =	smul.u32 $0xF7A, s1;
	s8 =	simm.s32 @!p0 $0x1BF5;
	p2 =	por !p2, p0  }
0x20: {  	[sflag:s8] =	ssyncset.s32 @!p0 $0xFFFFF086;
	s6 =	sadd.s32 @!p0 s3, s7;
	s7 =	simm.s32 @!p0 $0x108  }
0x21: {  	s3 =	sadd.s32 s3, s9;
	s6 =	sadd.s32 @!p0 $0x88, s6;
	s7 =	simm.s32 @p2 $0x1082  }
0x22: {  	[simem:s7], [sflag:s8] =	dma.local @!p0 [hbm:s6], $0xF7A  }
0x23: {  	s9 =	sor.u32 $0xD0000000, s2;
	s6 =	simm.s32 $0x108;
	_ =	swait.ge @!p0 [sflag:s8], $0x0  }
0x24: {  	s3 =	sadd.s32 $0x88, s3;
	s6 =	simm.s32 @!p1 $0x1082;
	[sflag:s4] =	ssyncset.s32 $0xFFFFF086  }
0x25: {  	[simem:s6], [sflag:s4] =	dma.local [hbm:s3], $0xF7A  }
0x26: {  	[smem:$0x3F83] =	sst s1;
	(tag) =	ssettag s2;
	_ =	strace s9  }
0x27: {  	s1 =	sld [smem:$0x3F93]  }
0x28: {  	s2 =	sld [smem:$0x3F94]  }
0x29: {  	s4 =	sld [smem:$0x3F96]  }
0x2a: {  	p0 =	seq.s32 s5, $0x0;
	s5 =	sld [smem:$0x3F97]  }
0x2b: {  	s6 =	sld [smem:$0x3F98]  }
0x2c: {  	s7 =	sld [smem:$0x3F99]  }
0x2d: {  	s3 =	simm.s32 $0x108;
	s8 =	sld [smem:$0x3F9A]  }
0x2e: {  	s3 =	simm.s32 @!p0 $0x1082;
	s9 =	sld [smem:$0x3F9B]  }
0x2f: {  	lr =	sadd.s32 s0, s3;
	s0 =	sld [smem:$0x3F92]  }
0x30: {  	s3 =	sld [smem:$0x3F95]  }
0x31: {  	[smem:$0x3F9E] =	sst s10  }
0x32: {  	s10 =	sld [smem:$0x3F9C];
	_ =	sdelay $0x3  }
0x33: {  	p0 =	seq.s32 s10, $0x1;
	s10 =	sld [smem:$0x3F9E];
	_ =	sdelay $0x3  }
0x34: {  	[smem:$0x3F9E] =	sst s10  }
0x35: {  	s10 =	sld [smem:$0x3F9D];
	_ =	sdelay $0x3  }
0x36: {  	p1 =	seq.s32 s10, $0x1;
	s10 =	sld [smem:$0x3F9E];
	_ =	sdelay $0x3  }
0x37: {  	[smem:$0x3F9E] =	sst s10  }
0x38: {  	s10 =	sld [smem:$0x3F9F]  }
0x39: {  	_ = 	snop;
	(pc) =	sbr.ind lr, $3  }
0x3a: {  	_ = 	snop  }
0x3b: {  	_ = 	snop  }
0x3c: {  	p2 =	seq.s32 s10, $0x1;
	s10 =	sld [smem:$0x3F9E]  }
0x3d: {  	_ =	shalt  }
0x3e: {  	_ =	shalt  }
0x3f: {  	_ =	shalt  }
0x40: {  	_ =	shalt  }
0x41: {  	_ =	shalt  }
0x42: {  	_ =	shalt  }
0x43: {  	_ =	shalt  }
0x44: {  	_ =	shalt  }
0x45: {  	_ =	shalt  }
0x46: {  	_ =	shalt  }
0x47: {  	_ =	shalt  }
0x48: {  	_ =	shalt  }
0x49: {  	_ =	shalt  }
0x4a: {  	_ =	shalt  }
0x4b: {  	_ =	shalt  }
0x4c: {  	_ =	shalt  }
0x4d: {  	_ =	shalt  }
0x4e: {  	_ =	shalt  }
0x4f: {  	_ =	shalt  }
0x50: {  	_ =	shalt  }
0x51: {  	_ =	shalt  }
0x52: {  	_ =	shalt  }
0x53: {  	_ =	shalt  }
0x54: {  	_ =	shalt  }
0x55: {  	_ =	shalt  }
0x56: {  	_ =	shalt  }
0x57: {  	_ =	shalt  }
0x58: {  	_ =	shalt  }
0x59: {  	_ =	shalt  }
0x5a: {  	_ =	shalt  }
0x5b: {  	_ =	shalt  }
0x5c: {  	_ =	shalt  }
0x5d: {  	_ =	shalt  }
0x5e: {  	_ =	shalt  }
0x5f: {  	_ =	shalt  }
0x60: {  	_ =	shalt  }
0x61: {  	_ =	shalt  }
0x62: {  	_ =	shalt  }
0x63: {  	_ =	shalt  }
0x64: {  	_ =	shalt  }
0x65: {  	_ =	shalt  }
0x66: {  	_ =	shalt  }
0x67: {  	_ =	shalt  }
0x68: {  	_ =	shalt  }
0x69: {  	_ =	shalt  }
0x6a: {  	_ =	shalt  }
0x6b: {  	_ =	shalt  }
0x6c: {  	_ =	shalt  }
0x6d: {  	_ =	shalt  }
0x6e: {  	_ =	shalt  }
0x6f: {  	_ =	shalt  }
0x70: {  	_ =	shalt  }
0x71: {  	_ =	shalt  }
0x72: {  	_ =	shalt  }
0x73: {  	_ =	shalt  }
0x74: {  	_ =	shalt  }
0x75: {  	_ =	shalt  }
0x76: {  	_ =	shalt  }
0x77: {  	_ =	shalt  }
0x78: {  	_ =	shalt  }
0x79: {  	_ =	shalt  }
0x7a: {  	_ =	shalt  }
0x7b: {  	_ =	shalt  }
0x7c: {  	_ =	shalt  }
0x7d: {  	_ =	shalt  }
0x7e: {  	_ =	shalt  }
0x7f: {  	_ =	shalt  }
0x80: {  	_ =	shalt  }
0x81: {  	_ =	shalt  }
0x82: {  	_ =	shalt  }
0x83: {  	_ =	shalt  }
0x84: {  	_ =	shalt  }
0x85: {  	_ =	shalt  }
0x86: {  	_ =	shalt  }
0x87: {  	_ =	shalt  }
.Lfunc_end0:
.L_simem_size_0:
called_computation.3_lowered:
.L_overlay_start_0:
0x88: {  	s2 =	sld [smem:$0x3FD9]  }
0x89: {  	s3 =	sld [smem:$0x3FFE];
	_ =	sdelay $0x1  }
0x8a: {  	s1 =	srdreg.scid  }
0x8b: {  	s0 =	sand.u32 $0x1, s1  }
0x8c: {  	s16 =	sshll.u32 s0, $0xA;
	s2 =	sadd.s32 s3, s2  }
0x8d: {  	s2 =	sadd.s32 s2, s16  }
0x8e: {  	[smem:$0x3FAA] =	sst s2  }
0x8f: {  	_ = 	snop  }
0x90: {  	(tm) =	ssettm $0x1  }
0x91: {  	s17 =	sld [smem:$0x3FFB];
	_ =	sdelay $0x3  }
0x92: {  	_ =	strace s17  }
0x93: {  	s2 =	sld [smem:$0x3FFC];
	_ =	sdelay $0x3  }
0x94: {  	_ =	strace s2  }
0x95: {  	s2 =	sld [smem:$0x3FFD];
	_ =	sdelay $0x3  }
0x96: {  	_ =	strace s2  }
0x97: {  	_ =	strace $0x8FFFFFFF  }
0x98: {  	s18 =	sld [smem:$0x3FDB];
	_ =	sdelay $0x1  }
0x99: {  	s19 =	simm.s32 $_scs_section_size  }
0x9a: {  	s4 =	simm.s32 $_size__tile_overlayer_lowered;
	s5 =	simm.s32 $_tile_overlayer_lowered  }
0x9b: {  	s22 =	simm.s32 $0x1BFF;
	s21 =	sshll.u32 s5, $0x1;
	s2 =	sadd.s32 s19, s18  }
0x9c: {  	s6 =	simm.s32 $0x0;
	s20 =	sshll.u32 s4, $0x1;
	s4 =	sadd.s32 s21, s2  }
0x9d: {  	[timem:s6], [sflag:s22] =	dma.local [hbm:s4], s20  }
0x9e: {  	_ =	swait.ge [sflag:s22], s20  }
0x9f: {  	s3 =	ssub.s32 $0x0, s20;
	[sflag:s22] =	ssyncset.done $0x0  }
0xa0: {  	[sflag:s22] =	ssyncadd.s32 s3;
	_ =	sdelay $0x1  }
0xa1: {  	s23 =	simm.s32 $0x1B8B  }
0xa2: {  	_ =	swait.ge [sflag:s23], $0x1  }
0xa3: {  	[sflag:s23] =	ssyncset.done $0x0  }
0xa4: {  	s25 =	simm.s32 $0x1B8E;
	s24 =	sld [smem:$0x3FFE];
	[sflag:s23] =	ssyncadd.s32 $0xFFFFFFFF  }
0xa5: {  	s26 =	simm.s32 $execute0_lowered;
	[smem:$0x3FD2] =	sst s25  }
0xa6: {  	s4 =	sshll.u32 s26, $0x1;
	_ =	strace $0x8000004F;
	[dreg:$0x1] =	wrdreg $0xFFFFFFFF  }
0xa7: {  	s28 =	simm.s32 $_size_execute0_lowered;
	s2 =	sadd.s32 s2, s4;
	[dreg:$0x0] =	wrdreg $0x0  }
0xa8: {  	s4 =	sshll.u32 s28, $0x1;
	[dreg:$0x2] =	wrdreg s2  }
0xa9: {  	[dreg:$0x3] =	wrdreg s4  }
0xaa: {  	[dreg:$0x4] =	wrdreg $0xC0  }
0xab: {  	_ =	task [dreg:s6], $0x5FFFF  }
0xac: {  	[dreg:$0x1] =	wrdreg $0xFFFFFFFF  }
0xad: {  	[dreg:$0x0] =	wrdreg $0x60  }
0xae: {  	[dreg:$0x2] =	wrdreg s24  }
0xaf: {  	[dreg:$0x3] =	wrdreg $0x92000  }
0xb0: {  	[dreg:$0x4] =	wrdreg $0x9  }
0xb1: {  	_ =	task.clear_ibuf [dreg:s6], $0x5FFFF;
	_ =	strace $0x9000004F  }
0xb2: {  	s29 =	simm.s32 $0x9;
	_ =	strace $0x80000051  }
0xb3: {  	_ =	swait.ge [sflag:s29], $0x1  }
0xb4: {  	[sflag:s29] =	ssyncadd.s32 $0xFFFFFFFF  }
0xb5: {  	_ =	strace $0x90000051  }
0xb6: {  	_ =	sfence  }
0xb7: {  	s30 =	sld [smem:$0x0];
	_ =	sdelay $0x2  }
0xb8: {  	s31 =	sshll.u32 s1, $0xD;
	s1 =	sshrl.u32 s1, $0x2  }
0xb9: {  	s3 =	sand.u32 $0x4000, s31;
	s1 =	sadd.s32 s1, s30  }
0xba: {  	s0 =	sor.u32 s3, s0;
	s1 =	sshll.u32 s1, $0x11  }
0xbb: {  	s0 =	sor.u32 s1, s0  }
0xbc: {  	s0 =	sadd.s32 $0x8F2B, s0  }
0xbd: {  	[sflag:s0] =	ssyncadd.remote.s32 $0x1  }
0xbe: {  	_ =	sfence.sel $0xFFFF  }
0xbf: {  	[dreg:$0x0] =	wrdreg $0xFFFFFFFF;
	(pc) =	sbr.abs _section_cstart, $3  }
0xc0: {  	[dreg:$0x1] =	wrdreg $0xFFFFFFFF  }
0xc1: {  	_ =	task.clear_ibuf [dreg:s6], $0x2FFFF;
	_ =	strace $0x9FFFFFFF  }
0xc2: {  	(tm) =	ssettm $0x7FFFFFFF  }
0xc3: {  	_ =	shalt  }
tec
execute0_lowered:
.L_overlay_start_1:
0x0: {  	(tag) =	ssettag $0x1  }
0x1: {  	s5 =	rddreg [dreg:$0x0]  }
0x2: {  	s2 =	rddreg [dreg:$0x1]  }
0x3: {  	s0 =	rddreg [dreg:$0x2]  }
0x4: {  	s4 =	srdreg.scid;
	s1 =	stileid.u32;
	s3 =	simm.s32 $0x0  }
0x5: {  	s12 =	simm.s32 $0x50;
	s13 =	simm.s32 $0x4000;
	s14 =	simm.s32 $0x4200  }
0x6: {  	s15 =	simm.s32 $0x4080;
	s16 =	simm.s32 $0x6A00;
	s17 =	simm.s32 $0x1  }
0x7: {  	s18 =	simm.s32 $0x4100;
	s19 =	simm.s32 $0x2;
	s20 =	simm.s32 $0x4180  }
0x8: {  	s21 =	simm.s32 $0x0;
	s6 =	sand.u32 $0x1, s4;
	s7 =	smul.u32 $0x13C00, s1  }
0x9: {  	[smem:$0x7FF] =	sst s3;
	s4 =	sadd.s32 $0x17000, s5;
	s11 =	smul.u32 $0x4F000, s1  }
0xa: {  	s26 =	sshll.u32 s1, $0xC;
	s31 =	sshll.u32 s1, $0x6;
	s8 =	smul.u32 $0x13C000, s6  }
0xb: {  	_ =	strace $0x80000050;
	s9 =	sshll.u32 s6, $0xB;
	s6 =	ssub.s32 $0x2, s6  }
0xc: {  	s10 =	sshrl.u32 s7, $0x3;
	s24 =	sadd.s32 s9, s5;
	s28 =	sshrl.u32 s6, $0x1  }
0xd: {  	s30 =	sshrl.u32 s11, $0x2;
	s9 =	simm.s32 $0x3;
	s7 =	sadd.s32 s7, s8  }
0xe: {  	s25 =	sadd.s32 s10, s5;
	s8 =	sadd.s32 s26, s24;
	s29 =	ssub.s32 s6, s28  }
0xf: {  	s11 =	sadd.s32 s30, s2;
	s10 =	sor.u32 $0x1C03, s31;
	s7 =	sshrl.u32 s7, $0x3  }
0x10: {  	s6 =	sadd.s32 $0x3E800, s25;
	s11 =	sshrl.u32 s11, $0x3;
	s7 =	sadd.s32 s7, s5  }
0x11: {  	s5 =	sadd.s32 $0x7000, s8;
	s8 =	smax.u32 s29, $0x1;
	s7 =	sadd.s32 $0x66000, s7  }
.LBB2_1:
0x12: {  	[tilespmem:s3], [sflag:$0x3] =	stream.linear.gather [hbm4b:s5+s3], $0x3E80, $0x38;
	[tilespmem:$0x1CE00] =	vst v63  }
0x13: {  	_ =	swait.ge [sflag:s9], $0x3E80  }
0x14: {  	[sflag:s9] =	ssyncset.done $0x0  }
0x15: {  	[sflag:s9] =	ssyncadd.s32 $0xFFFFC180  }
0x16: {  	[spmem:s11], [sflag:s10] =	dma.local [hbm:s6], $0x2780  }
0x17: {  	_ =	swait.ge [sflag:s9], $0x2780  }
0x18: {  	[sflag:s9] =	ssyncset.done $0x0  }
0x19: {  	[sflag:s9] =	ssyncadd.s32 $0xFFFFD880  }
0x1a: {  	[bflag:$0x0] =	sbarrier.arrive $0xFFFF  }
0x1b: {  	v0 =	vld [tilespmem:$0x0];
	_ =	sdelay $0x1  }
0x1c: {  	v1 =	vld [tilespmem:$0x10];
	_ =	sdelay $0x1  }
0x1d: {  	v2 =	vld [tilespmem:$0x20]  }
0x1e: {  	v3 =	vand.u32 $0xFFFF, v0  }
0x1f: {  	v0 =	vshrl.u32 v0, $0x10;
	[tilespmem:$0x4000] =	vst v3;
	v3 =	vld [tilespmem:$0x30]  }
0x20: {  	[tilespmem:$0x4100] =	vst v0;
	v0 =	vand.u32 $0xFFFF, v1  }
0x21: {  	[tilespmem:$0x4010] =	vst v0;
	v0 =	vshrl.u32 v1, $0x10;
	v1 =	vld [tilespmem:$0x40]  }
0x22: {  	[tilespmem:$0x4110] =	vst v0;
	v0 =	vand.u32 $0xFFFF, v2  }
0x23: {  	[tilespmem:$0x4020] =	vst v0;
	v0 =	vshrl.u32 v2, $0x10  }
0x24: {  	[tilespmem:$0x4120] =	vst v0;
	v0 =	vand.u32 $0xFFFF, v3  }
0x25: {  	[tilespmem:$0x4030] =	vst v0;
	v0 =	vshrl.u32 v3, $0x10  }
0x26: {  	[tilespmem:$0x4130] =	vst v0;
	v0 =	vand.u32 $0xFFFF, v1  }
0x27: {  	[tilespmem:$0x4040] =	vst v0;
	v0 =	vshrl.u32 v1, $0x10  }
0x28: {  	[tilespmem:$0x4140] =	vst v0  }
0x29: {  	[tilespmem:s14], [sflag:$0x1] =	stream.indirect.gather [hbm4b:s4+s12], $0x80, s13, s12, $0xb8;
	[tilespmem:$0x1CE00] =	vst v63  }
0x2a: {  	v0 =	vld [tilespmem:$0x80];
	_ =	sdelay $0x1  }
0x2b: {  	v1 =	vld [tilespmem:$0x90];
	_ =	sdelay $0x1  }
0x2c: {  	v2 =	vld [tilespmem:$0xA0]  }
0x2d: {  	v3 =	vand.u32 $0xFFFF, v0  }
0x2e: {  	v0 =	vshrl.u32 v0, $0x10;
	[tilespmem:$0x4080] =	vst v3;
	v3 =	vld [tilespmem:$0xB0]  }
0x2f: {  	[tilespmem:$0x4180] =	vst v0;
	v0 =	vand.u32 $0xFFFF, v1  }
0x30: {  	[tilespmem:$0x4090] =	vst v0;
	v0 =	vshrl.u32 v1, $0x10;
	v1 =	vld [tilespmem:$0xC0]  }
0x31: {  	[tilespmem:$0x4190] =	vst v0;
	v0 =	vand.u32 $0xFFFF, v2  }
0x32: {  	[tilespmem:$0x40A0] =	vst v0;
	v0 =	vshrl.u32 v2, $0x10  }
0x33: {  	[tilespmem:$0x41A0] =	vst v0;
	v0 =	vand.u32 $0xFFFF, v3  }
0x34: {  	[tilespmem:$0x40B0] =	vst v0;
	v0 =	vshrl.u32 v3, $0x10  }
0x35: {  	[tilespmem:$0x41B0] =	vst v0;
	v0 =	vand.u32 $0xFFFF, v1  }
0x36: {  	[tilespmem:$0x40C0] =	vst v0;
	v0 =	vshrl.u32 v1, $0x10  }
0x37: {  	[tilespmem:$0x41C0] =	vst v0  }
0x38: {  	[tilespmem:s16], [sflag:$0x2] =	stream.indirect.gather [hbm4b:s4+s12], $0x80, s15, s12, $0xb8;
	[tilespmem:$0x1CE00] =	vst v63  }
0x39: {  	_ =	swait.ge [sflag:s17], $0x2800  }
0x3a: {  	[sflag:s17] =	ssyncset.done $0x0  }
0x3b: {  	[sflag:s17] =	ssyncadd.s32 $0xFFFFD800  }
0x3c: {  	[spmem:s2] =	stream.indirect.scatter.add.f32 [tilespmem:s14], [sflag:$0x3], $0x80, s18, s12, $0xb8;
	[tilespmem:$0x1CE00] =	vst v63  }
0x3d: {  	_ =	swait.ge [sflag:s9], $0x2800  }
0x3e: {  	[sflag:s9] =	ssyncset.done $0x0  }
0x3f: {  	s22 =	simm.s32 $0x1C0;
	[sflag:s9] =	ssyncadd.s32 $0xFFFFD800  }
0x40: {  	v0 =	vld [tilespmem:s22+$0xFFFFFF40];
	_ =	sdelay $0x4  }
0x41: {  	v1 =	vand.u32 $0xFFFF, v0  }
0x42: {  	v0 =	vshrl.u32 v0, $0x10;
	[tilespmem:$0x4000] =	vst v1  }
0x43: {  	[tilespmem:$0x4100] =	vst v0  }
0x44: {  	v0 =	vld [tilespmem:s22+$0xFFFFFF50];
	_ =	sdelay $0x4  }
0x45: {  	v1 =	vand.u32 $0xFFFF, v0  }
0x46: {  	v0 =	vshrl.u32 v0, $0x10;
	[tilespmem:$0x4010] =	vst v1  }
0x47: {  	[tilespmem:$0x4110] =	vst v0  }
0x48: {  	v0 =	vld [tilespmem:s22+$0xFFFFFF60];
	_ =	sdelay $0x4  }
0x49: {  	v1 =	vand.u32 $0xFFFF, v0  }
0x4a: {  	v0 =	vshrl.u32 v0, $0x10;
	[tilespmem:$0x4020] =	vst v1  }
0x4b: {  	[tilespmem:$0x4120] =	vst v0  }
0x4c: {  	v0 =	vld [tilespmem:s22+$0xFFFFFF70];
	_ =	sdelay $0x4  }
0x4d: {  	v1 =	vand.u32 $0xFFFF, v0  }
0x4e: {  	v0 =	vshrl.u32 v0, $0x10;
	[tilespmem:$0x4030] =	vst v1  }
0x4f: {  	[tilespmem:$0x4130] =	vst v0  }
0x50: {  	v0 =	vld [tilespmem:s22+$0xFFFFFF80];
	_ =	sdelay $0x4  }
0x51: {  	v1 =	vand.u32 $0xFFFF, v0  }
0x52: {  	v0 =	vshrl.u32 v0, $0x10;
	[tilespmem:$0x4040] =	vst v1  }
0x53: {  	[tilespmem:$0x4140] =	vst v0  }
0x54: {  	[tilespmem:s14], [sflag:$0x1] =	stream.indirect.gather [hbm4b:s4+s12], $0x80, s13, s12, $0xb8;
	[tilespmem:$0x1CE00] =	vst v63  }
0x55: {  	_ =	swait.ge [sflag:s19], $0x2800  }
0x56: {  	[sflag:s19] =	ssyncset.done $0x0  }
0x57: {  	[sflag:s19] =	ssyncadd.s32 $0xFFFFD800  }
0x58: {  	[spmem:s2] =	stream.indirect.scatter.add.f32 [tilespmem:s16], [sflag:$0x3], $0x80, s20, s12, $0xb8;
	[tilespmem:$0x1CE00] =	vst v63  }
0x59: {  	_ =	swait.ge [sflag:s9], $0x2800  }
0x5a: {  	[sflag:s9] =	ssyncset.done $0x0  }
0x5b: {  	[sflag:s9] =	ssyncadd.s32 $0xFFFFD800  }
0x5c: {  	v0 =	vld [tilespmem:s22+$0xFFFFFFC0];
	_ =	sdelay $0x4  }
0x5d: {  	v1 =	vand.u32 $0xFFFF, v0  }
0x5e: {  	v0 =	vshrl.u32 v0, $0x10;
	[tilespmem:$0x4080] =	vst v1  }
0x5f: {  	[tilespmem:$0x4180] =	vst v0  }
0x60: {  	v0 =	vld [tilespmem:s22+$0xFFFFFFD0];
	_ =	sdelay $0x4  }
0x61: {  	v1 =	vand.u32 $0xFFFF, v0  }
0x62: {  	v0 =	vshrl.u32 v0, $0x10;
	[tilespmem:$0x4090] =	vst v1  }
0x63: {  	[tilespmem:$0x4190] =	vst v0  }
0x64: {  	v0 =	vld [tilespmem:s22+$0xFFFFFFE0];
	_ =	sdelay $0x4  }
0x65: {  	v1 =	vand.u32 $0xFFFF, v0  }
0x66: {  	v0 =	vshrl.u32 v0, $0x10;
	[tilespmem:$0x40A0] =	vst v1  }
0x67: {  	[tilespmem:$0x41A0] =	vst v0  }
0x68: {  	v0 =	vld [tilespmem:s22+$0xFFFFFFF0];
	_ =	sdelay $0x4  }
0x69: {  	s23 =	simm.s32 $0xB00;
	v1 =	vand.u32 $0xFFFF, v0;
	v0 =	vshrl.u32 v0, $0x10  }
.LBB2_2:
0x6a: {  	p0 =	sne.s32 s23, $0xF700;
	[tilespmem:$0x40B0] =	vst v1;
	s24 =	smov.u32 s23;
	s23 =	sadd.s32 $0x400, s23  }
0x6b: {  	[tilespmem:$0x41B0] =	vst v0  }
0x6c: {  	v0 =	vld [tilespmem:s22+$0x0];
	_ =	sdelay $0x4  }
0x6d: {  	v1 =	vand.u32 $0xFFFF, v0;
	v0 =	vshrl.u32 v0, $0x10  }
0x6e: {  	[tilespmem:$0x40C0] =	vst v1  }
0x6f: {  	[tilespmem:$0x41C0] =	vst v0  }
0x70: {  	[tilespmem:s16], [sflag:$0x2] =	stream.indirect.gather [hbm4b:s4+s12], $0x80, s15, s12, $0xb8;
	[tilespmem:$0x1CE00] =	vst v63  }
0x71: {  	_ =	swait.ge [sflag:s17], $0x2800  }
0x72: {  	[sflag:s17] =	ssyncset.done $0x0  }
0x73: {  	[sflag:s17] =	ssyncadd.s32 $0xFFFFD800  }
0x74: {  	[spmem:s2] =	stream.indirect.scatter.add.f32 [tilespmem:s14], [sflag:$0x3], $0x80, s18, s12, $0xb8;
	[tilespmem:$0x1CE00] =	vst v63  }
0x75: {  	_ =	swait.ge [sflag:s9], $0x2800  }
0x76: {  	[sflag:s9] =	ssyncset.done $0x0  }
0x77: {  	s22 =	sshra.s32 s24, $0x2;
	[sflag:s9] =	ssyncadd.s32 $0xFFFFD800  }
0x78: {  	v0 =	vld [tilespmem:s22+$0xFFFFFF40];
	_ =	sdelay $0x4  }
0x79: {  	v1 =	vand.u32 $0xFFFF, v0;
	v0 =	vshrl.u32 v0, $0x10  }
0x7a: {  	[tilespmem:$0x4000] =	vst v1  }
0x7b: {  	[tilespmem:$0x4100] =	vst v0  }
0x7c: {  	v0 =	vld [tilespmem:s22+$0xFFFFFF50];
	_ =	sdelay $0x4  }
0x7d: {  	v1 =	vand.u32 $0xFFFF, v0;
	v0 =	vshrl.u32 v0, $0x10  }
0x7e: {  	[tilespmem:$0x4010] =	vst v1  }
0x7f: {  	[tilespmem:$0x4110] =	vst v0  }
0x80: {  	v0 =	vld [tilespmem:s22+$0xFFFFFF60];
	_ =	sdelay $0x4  }
0x81: {  	v1 =	vand.u32 $0xFFFF, v0;
	v0 =	vshrl.u32 v0, $0x10  }
0x82: {  	[tilespmem:$0x4020] =	vst v1  }
0x83: {  	[tilespmem:$0x4120] =	vst v0  }
0x84: {  	v0 =	vld [tilespmem:s22+$0xFFFFFF70];
	_ =	sdelay $0x4  }
0x85: {  	v1 =	vand.u32 $0xFFFF, v0;
	v0 =	vshrl.u32 v0, $0x10  }
0x86: {  	[tilespmem:$0x4030] =	vst v1  }
0x87: {  	[tilespmem:$0x4130] =	vst v0  }
0x88: {  	v0 =	vld [tilespmem:s22+$0xFFFFFF80];
	_ =	sdelay $0x4  }
0x89: {  	v1 =	vand.u32 $0xFFFF, v0;
	v0 =	vshrl.u32 v0, $0x10  }
0x8a: {  	[tilespmem:$0x4040] =	vst v1  }
0x8b: {  	[tilespmem:$0x4140] =	vst v0  }
0x8c: {  	[tilespmem:s14], [sflag:$0x1] =	stream.indirect.gather [hbm4b:s4+s12], $0x80, s13, s12, $0xb8;
	[tilespmem:$0x1CE00] =	vst v63  }
0x8d: {  	_ =	swait.ge [sflag:s19], $0x2800  }
0x8e: {  	[sflag:s19] =	ssyncset.done $0x0  }
0x8f: {  	[sflag:s19] =	ssyncadd.s32 $0xFFFFD800  }
0x90: {  	[spmem:s2] =	stream.indirect.scatter.add.f32 [tilespmem:s16], [sflag:$0x3], $0x80, s20, s12, $0xb8;
	[tilespmem:$0x1CE00] =	vst v63  }
0x91: {  	_ =	swait.ge [sflag:s9], $0x2800  }
0x92: {  	[sflag:s9] =	ssyncset.done $0x0  }
0x93: {  	[sflag:s9] =	ssyncadd.s32 $0xFFFFD800  }
0x94: {  	v0 =	vld [tilespmem:s22+$0xFFFFFFC0];
	_ =	sdelay $0x4  }
0x95: {  	v1 =	vand.u32 $0xFFFF, v0;
	v0 =	vshrl.u32 v0, $0x10  }
0x96: {  	[tilespmem:$0x4080] =	vst v1  }
0x97: {  	[tilespmem:$0x4180] =	vst v0  }
0x98: {  	v0 =	vld [tilespmem:s22+$0xFFFFFFD0];
	_ =	sdelay $0x4  }
0x99: {  	v1 =	vand.u32 $0xFFFF, v0;
	v0 =	vshrl.u32 v0, $0x10  }
0x9a: {  	[tilespmem:$0x4090] =	vst v1  }
0x9b: {  	[tilespmem:$0x4190] =	vst v0  }
0x9c: {  	v0 =	vld [tilespmem:s22+$0xFFFFFFE0];
	_ =	sdelay $0x4  }
0x9d: {  	v1 =	vand.u32 $0xFFFF, v0;
	v0 =	vshrl.u32 v0, $0x10  }
0x9e: {  	[tilespmem:$0x40A0] =	vst v1  }
0x9f: {  	[tilespmem:$0x41A0] =	vst v0  }
0xa0: {  	v0 =	vld [tilespmem:s22+$0xFFFFFFF0]  }
.Ltmp0:
0xa1: {  	(pc) =	sbr.rel @p0 .LBB2_2-.Ltmp0, $2  }
0xa2: {  	_ =	sdelay $0x2  }
0xa3: {  	v1 =	vand.u32 $0xFFFF, v0;
	v0 =	vshrl.u32 v0, $0x10  }
0xa4: {  	[tilespmem:$0x40B0] =	vst v1  }
0xa5: {  	[tilespmem:$0x41B0] =	vst v0  }
0xa6: {  	v0 =	vld [tilespmem:s22+$0x0];
	_ =	sdelay $0x4  }
0xa7: {  	v51 =	vand.u32 $0xFFFF, v0  }
0xa8: {  	v0 =	vshrl.u32 v0, $0x10;
	[tilespmem:$0x40C0] =	vst v51  }
0xa9: {  	[tilespmem:$0x41C0] =	vst v0  }
0xaa: {  	[tilespmem:s16], [sflag:$0x2] =	stream.indirect.gather [hbm4b:s4+s12], $0x80, s15, s12, $0xb8;
	[tilespmem:$0x1CE00] =	vst v63  }
0xab: {  	_ =	swait.ge [sflag:s17], $0x2800  }
0xac: {  	[sflag:s17] =	ssyncset.done $0x0  }
0xad: {  	[sflag:s17] =	ssyncadd.s32 $0xFFFFD800  }
0xae: {  	[spmem:s2] =	stream.indirect.scatter.add.f32 [tilespmem:s14], [sflag:$0x3], $0x80, s18, s12, $0xb8;
	[tilespmem:$0x1CE00] =	vst v63  }
0xaf: {  	_ =	swait.ge [sflag:s9], $0x2800  }
0xb0: {  	[sflag:s9] =	ssyncset.done $0x0  }
0xb1: {  	[sflag:s9] =	ssyncadd.s32 $0xFFFFD800  }
0xb2: {  	v52 =	vld [tilespmem:$0x3E00];
	_ =	sdelay $0x1  }
0xb3: {  	v53 =	vld [tilespmem:$0x3E10];
	_ =	sdelay $0x1  }
0xb4: {  	v2 =	vld [tilespmem:$0x3E20]  }
0xb5: {  	v3 =	vand.u32 $0xFFFF, v52  }
0xb6: {  	v54 =	vld [tilespmem:$0x3E30];
	v0 =	vshrl.u32 v52, $0x10;
	[tilespmem:$0x4000] =	vst v3  }
0xb7: {  	v55 =	vand.u32 $0xFFFF, v53;
	[tilespmem:$0x4100] =	vst v0  }
0xb8: {  	v57 =	vld [tilespmem:$0x3E40];
	v56 =	vshrl.u32 v53, $0x10;
	[tilespmem:$0x4010] =	vst v55  }
0xb9: {  	v58 =	vand.u32 $0xFFFF, v2;
	[tilespmem:$0x4110] =	vst v56  }
0xba: {  	v59 =	vshrl.u32 v2, $0x10;
	[tilespmem:$0x4020] =	vst v58  }
0xbb: {  	v60 =	vand.u32 $0xFFFF, v54;
	[tilespmem:$0x4120] =	vst v59  }
0xbc: {  	v61 =	vshrl.u32 v54, $0x10;
	[tilespmem:$0x4030] =	vst v60  }
0xbd: {  	v62 =	vand.u32 $0xFFFF, v57;
	[tilespmem:$0x4130] =	vst v61  }
0xbe: {  	v63 =	vshrl.u32 v57, $0x10;
	[tilespmem:$0x4040] =	vst v62  }
0xbf: {  	[tilespmem:$0x4140] =	vst v63  }
0xc0: {  	[tilespmem:s14], [sflag:$0x1] =	stream.indirect.gather [hbm4b:s4+s12], $0x80, s13, s12, $0xb8;
	[tilespmem:$0x1CE00] =	vst v63  }
0xc1: {  	_ =	swait.ge [sflag:s19], $0x2800  }
0xc2: {  	[sflag:s19] =	ssyncset.done $0x0  }
0xc3: {  	[sflag:s19] =	ssyncadd.s32 $0xFFFFD800  }
0xc4: {  	[spmem:s2] =	stream.indirect.scatter.add.f32 [tilespmem:s16], [sflag:$0x3], $0x80, s20, s12, $0xb8;
	[tilespmem:$0x1CE00] =	vst v63  }
0xc5: {  	_ =	swait.ge [sflag:s9], $0x2800  }
0xc6: {  	[sflag:s9] =	ssyncset.done $0x0  }
0xc7: {  	[sflag:s9] =	ssyncadd.s32 $0xFFFFD800  }
0xc8: {  	_ =	swait.ge [sflag:s17], $0x2800  }
0xc9: {  	[sflag:s17] =	ssyncset.done $0x0  }
0xca: {  	[sflag:s17] =	ssyncadd.s32 $0xFFFFD800  }
0xcb: {  	[spmem:s2] =	stream.indirect.scatter.add.f32 [tilespmem:s14], [sflag:$0x3], $0x80, s18, s12, $0xb8;
	[tilespmem:$0x1CE00] =	vst v63  }
0xcc: {  	_ =	swait.ge [sflag:s9], $0x2800  }
0xcd: {  	s21 =	sadd.s32 $0x1, s21;
	[sflag:s9] =	ssyncset.done $0x0  }
0xce: {  	p0 =	sne.s32 s21, s8;
	[sflag:s9] =	ssyncadd.s32 $0xFFFFD800  }
.Ltmp1:
0xcf: {  	[bflag:$0x0] =	sbarrier.arrive $0xFFFF;
	(pc) =	sbr.rel @p0 .LBB2_1-.Ltmp1, $4  }
0xd0: {  	[hbm:s7], [sflag:s10] =	dma.local [spmem:s11], $0x2780  }
0xd1: {  	_ =	swait.ge [sflag:s9], $0x2780  }
0xd2: {  	[sflag:s9] =	ssyncset.done $0x0  }
0xd3: {  	[sflag:s9] =	ssyncadd.s32 $0xFFFFD880  }
0xd4: {  	_ =	sfence.sel $0x180000  }
0xd5: {  	[bflag:$0x0] =	sbarrier.arrive $0xFFFF  }
0xd6: {  	p0 =	sne.s32 s1, $0x0;
	_ =	strace $0x90000050  }
0xd7: {  	s0 =	sadd.s32 @!p0 $0x100000, s0;
	[bflag:$0x2] =	sbarrier.arrive $0xFFFF  }
0xd8: {  	[sflag:s0] =	ssyncadd.tile.s32 @!p0 $0x1;
	_ =	shalt  }
.Lfunc_end2:
_tile_overlayer_lowered:
.L_overlay_start_2:
0xd9: {  	(tag) =	ssettag $0x2  }
0xda: {  	s0 =	rddreg [dreg:$0x0];
	s2 =	stileid.u32  }
0xdb: {  	s1 =	rddreg [dreg:$0x1];
	p0 =	sne.s32 s2, $0x0  }
0xdc: {  	s3 =	rddreg [dreg:$0x2];
	[bflag:$0x3] =	sbarrier.arrive $0xFFFF;
	s2 =	simm.s32 @!p0 $0x1C03  }
0xdd: {  	[timem:s3], [sflag:s2] =	dma.local @!p0 [hbm:s0], s1  }
0xde: {  	s0 =	simm.s32 @!p0 $0x3  }
0xdf: {  	_ =	swait.ge @!p0 [sflag:s0], s1  }
0xe0: {  	s1 =	ssub.s32 @!p0 $0x0, s1;
	[sflag:s0] =	ssyncset.done @!p0 $0x0  }
0xe1: {  	[sflag:s0] =	ssyncadd.s32 @!p0 s1  }
0xe2: {  	[bflag:$0x3] =	sbarrier.arrive $0xFFFF  }
0xe3: {  	_ =	shalt  }

// kernel: kernel.26.cloned.1.call-start
scs
__scs_entry_jumppad:
0x0: {  	(pc) =	sbr.rel $0x88, $3  }
0x1: {  	(tag) =	ssettag $0x0;
	lr =	simm.s32 $0x1  }
0x2: {  	[smem:$0x3F83] =	sst lr;
	_ =	strace $0xD0000000  }
0x3: {  	_ = 	snop  }
0x4: {  	_ = 	snop  }
0x5: {  	_ = 	snop  }
0x6: {  	_ = 	snop  }
0x7: {  	_ = 	snop  }
__scs_overlays_trampoline_lowered:
0x8: {  	[smem:$0x3F92] =	sst s0  }
0x9: {  	[smem:$0x3F93] =	sst s1  }
0xa: {  	[smem:$0x3F94] =	sst s2  }
0xb: {  	[smem:$0x3F95] =	sst s3  }
0xc: {  	[smem:$0x3F96] =	sst s4  }
0xd: {  	[smem:$0x3F97] =	sst s5  }
0xe: {  	[smem:$0x3F98] =	sst s6  }
0xf: {  	[smem:$0x3F99] =	sst s7  }
0x10: {  	[smem:$0x3F9A] =	sst s8  }
0x11: {  	[smem:$0x3F9B] =	sst s9;
	s0 =	simm.s32 @!p0 $0x0  }
0x12: {  	s1 =	sld [smem:$0x3F81];
	s0 =	simm.s32 @p0 $0x1  }
0x13: {  	[smem:$0x3F9C] =	sst s0;
	s0 =	simm.s32 @!p1 $0x0  }
0x14: {  	s2 =	sld [smem:$0x3F80];
	s0 =	simm.s32 @p1 $0x1  }
0x15: {  	[smem:$0x3F9D] =	sst s0;
	s0 =	simm.s32 @!p2 $0x0  }
0x16: {  	s3 =	sld [smem:$0x3FDB];
	s0 =	simm.s32 @p2 $0x1  }
0x17: {  	s4 =	simm.s32 $0x1BF5;
	[smem:$0x3F9F] =	sst s0  }
0x18: {  	s0 =	sld [smem:$0x3F82];
	_ =	swait.ge [sflag:s4], $0x0  }
0x19: {  	s7 =	sld [smem:$0x3F83]  }
0x1a: {  	s8 =	sadd.s32 $0xFFFFE003, lr  }
0x1b: {  	s9 =	sadd.s32 $0xFFFFFEF7, lr;
	s5 =	simm.s32 $0xFFFFFFFF;
	p2 =	slt.u32 s8, $0xFFFFF086  }
0x1c: {  	p1 =	slt.u32 s9, $0xF7A;
	s5 =	simm.s32 @!p2 $0x0  }
0x1d: {  	s5 =	simm.s32 @p1 $0x1;
	p0 =	seq.s32 s7, s2  }
0x1e: {  	s7 =	smul.u32 @!p0 $0xF7A, s2;
	p2 =	seq.s32 @!p0 s5, $0x0  }
0x1f: {  	s9 =	smul.u32 $0xF7A, s1;
	s8 =	simm.s32 @!p0 $0x1BF5;
	p2 =	por !p2, p0  }
0x20: {  	[sflag:s8] =	ssyncset.s32 @!p0 $0xFFFFF086;
	s6 =	sadd.s32 @!p0 s3, s7;
	s7 =	simm.s32 @!p0 $0x108  }
0x21: {  	s3 =	sadd.s32 s3, s9;
	s6 =	sadd.s32 @!p0 $0x88, s6;
	s7 =	simm.s32 @p2 $0x1082  }
0x22: {  	[simem:s7], [sflag:s8] =	dma.local @!p0 [hbm:s6], $0xF7A  }
0x23: {  	s9 =	sor.u32 $0xD0000000, s2;
	s6 =	simm.s32 $0x108;
	_ =	swait.ge @!p0 [sflag:s8], $0x0  }
0x24: {  	s3 =	sadd.s32 $0x88, s3;
	s6 =	simm.s32 @!p1 $0x1082;
	[sflag:s4] =	ssyncset.s32 $0xFFFFF086  }
0x25: {  	[simem:s6], [sflag:s4] =	dma.local [hbm:s3], $0xF7A  }
0x26: {  	[smem:$0x3F83] =	sst s1;
	(tag) =	ssettag s2;
	_ =	strace s9  }
0x27: {  	s1 =	sld [smem:$0x3F93]  }
0x28: {  	s2 =	sld [smem:$0x3F94]  }
0x29: {  	s4 =	sld [smem:$0x3F96]  }
0x2a: {  	p0 =	seq.s32 s5, $0x0;
	s5 =	sld [smem:$0x3F97]  }
0x2b: {  	s6 =	sld [smem:$0x3F98]  }
0x2c: {  	s7 =	sld [smem:$0x3F99]  }
0x2d: {  	s3 =	simm.s32 $0x108;
	s8 =	sld [smem:$0x3F9A]  }
0x2e: {  	s3 =	simm.s32 @!p0 $0x1082;
	s9 =	sld [smem:$0x3F9B]  }
0x2f: {  	lr =	sadd.s32 s0, s3;
	s0 =	sld [smem:$0x3F92]  }
0x30: {  	s3 =	sld [smem:$0x3F95]  }
0x31: {  	[smem:$0x3F9E] =	sst s10  }
0x32: {  	s10 =	sld [smem:$0x3F9C];
	_ =	sdelay $0x3  }
0x33: {  	p0 =	seq.s32 s10, $0x1;
	s10 =	sld [smem:$0x3F9E];
	_ =	sdelay $0x3  }
0x34: {  	[smem:$0x3F9E] =	sst s10  }
0x35: {  	s10 =	sld [smem:$0x3F9D];
	_ =	sdelay $0x3  }
0x36: {  	p1 =	seq.s32 s10, $0x1;
	s10 =	sld [smem:$0x3F9E];
	_ =	sdelay $0x3  }
0x37: {  	[smem:$0x3F9E] =	sst s10  }
0x38: {  	s10 =	sld [smem:$0x3F9F]  }
0x39: {  	_ = 	snop;
	(pc) =	sbr.ind lr, $3  }
0x3a: {  	_ = 	snop  }
0x3b: {  	_ = 	snop  }
0x3c: {  	p2 =	seq.s32 s10, $0x1;
	s10 =	sld [smem:$0x3F9E]  }
0x3d: {  	_ =	shalt  }
0x3e: {  	_ =	shalt  }
0x3f: {  	_ =	shalt  }
0x40: {  	_ =	shalt  }
0x41: {  	_ =	shalt  }
0x42: {  	_ =	shalt  }
0x43: {  	_ =	shalt  }
0x44: {  	_ =	shalt  }
0x45: {  	_ =	shalt  }
0x46: {  	_ =	shalt  }
0x47: {  	_ =	shalt  }
0x48: {  	_ =	shalt  }
0x49: {  	_ =	shalt  }
0x4a: {  	_ =	shalt  }
0x4b: {  	_ =	shalt  }
0x4c: {  	_ =	shalt  }
0x4d: {  	_ =	shalt  }
0x4e: {  	_ =	shalt  }
0x4f: {  	_ =	shalt  }
0x50: {  	_ =	shalt  }
0x51: {  	_ =	shalt  }
0x52: {  	_ =	shalt  }
0x53: {  	_ =	shalt  }
0x54: {  	_ =	shalt  }
0x55: {  	_ =	shalt  }
0x56: {  	_ =	shalt  }
0x57: {  	_ =	shalt  }
0x58: {  	_ =	shalt  }
0x59: {  	_ =	shalt  }
0x5a: {  	_ =	shalt  }
0x5b: {  	_ =	shalt  }
0x5c: {  	_ =	shalt  }
0x5d: {  	_ =	shalt  }
0x5e: {  	_ =	shalt  }
0x5f: {  	_ =	shalt  }
0x60: {  	_ =	shalt  }
0x61: {  	_ =	shalt  }
0x62: {  	_ =	shalt  }
0x63: {  	_ =	shalt  }
0x64: {  	_ =	shalt  }
0x65: {  	_ =	shalt  }
0x66: {  	_ =	shalt  }
0x67: {  	_ =	shalt  }
0x68: {  	_ =	shalt  }
0x69: {  	_ =	shalt  }
0x6a: {  	_ =	shalt  }
0x6b: {  	_ =	shalt  }
0x6c: {  	_ =	shalt  }
0x6d: {  	_ =	shalt  }
0x6e: {  	_ =	shalt  }
0x6f: {  	_ =	shalt  }
0x70: {  	_ =	shalt  }
0x71: {  	_ =	shalt  }
0x72: {  	_ =	shalt  }
0x73: {  	_ =	shalt  }
0x74: {  	_ =	shalt  }
0x75: {  	_ =	shalt  }
0x76: {  	_ =	shalt  }
0x77: {  	_ =	shalt  }
0x78: {  	_ =	shalt  }
0x79: {  	_ =	shalt  }
0x7a: {  	_ =	shalt  }
0x7b: {  	_ =	shalt  }
0x7c: {  	_ =	shalt  }
0x7d: {  	_ =	shalt  }
0x7e: {  	_ =	shalt  }
0x7f: {  	_ =	shalt  }
0x80: {  	_ =	shalt  }
0x81: {  	_ =	shalt  }
0x82: {  	_ =	shalt  }
0x83: {  	_ =	shalt  }
0x84: {  	_ =	shalt  }
0x85: {  	_ =	shalt  }
0x86: {  	_ =	shalt  }
0x87: {  	_ =	shalt  }
.Lfunc_end0:
.L_simem_size_0:
called_computation.4_lowered:
.L_overlay_start_0:
0x88: {  	s2 =	sld [smem:$0x3FD9]  }
0x89: {  	s3 =	sld [smem:$0x3FFE];
	_ =	sdelay $0x1  }
0x8a: {  	s1 =	srdreg.scid  }
0x8b: {  	s0 =	sand.u32 $0x1, s1  }
0x8c: {  	s16 =	sshll.u32 s0, $0xA;
	s2 =	sadd.s32 s3, s2  }
0x8d: {  	s2 =	sadd.s32 s2, s16  }
0x8e: {  	[smem:$0x3FAA] =	sst s2  }
0x8f: {  	_ = 	snop  }
0x90: {  	(tm) =	ssettm $0x1  }
0x91: {  	s17 =	sld [smem:$0x3FFB];
	_ =	sdelay $0x3  }
0x92: {  	_ =	strace s17  }
0x93: {  	s2 =	sld [smem:$0x3FFC];
	_ =	sdelay $0x3  }
0x94: {  	_ =	strace s2  }
0x95: {  	s2 =	sld [smem:$0x3FFD];
	_ =	sdelay $0x3  }
0x96: {  	_ =	strace s2  }
0x97: {  	_ =	strace $0x8FFFFFFF  }
0x98: {  	s18 =	sld [smem:$0x3FDB];
	_ =	sdelay $0x1  }
0x99: {  	s19 =	simm.s32 $_scs_section_size  }
0x9a: {  	s4 =	simm.s32 $_size__tile_overlayer_lowered;
	s5 =	simm.s32 $_tile_overlayer_lowered  }
0x9b: {  	s22 =	simm.s32 $0x1BFF;
	s21 =	sshll.u32 s5, $0x1;
	s2 =	sadd.s32 s19, s18  }
0x9c: {  	s6 =	simm.s32 $0x0;
	s20 =	sshll.u32 s4, $0x1;
	s4 =	sadd.s32 s21, s2  }
0x9d: {  	[timem:s6], [sflag:s22] =	dma.local [hbm:s4], s20  }
0x9e: {  	_ =	swait.ge [sflag:s22], s20  }
0x9f: {  	s3 =	ssub.s32 $0x0, s20;
	[sflag:s22] =	ssyncset.done $0x0  }
0xa0: {  	[sflag:s22] =	ssyncadd.s32 s3;
	_ =	sdelay $0x1  }
0xa1: {  	s23 =	simm.s32 $0x1B8B  }
0xa2: {  	_ =	swait.ge [sflag:s23], $0x1  }
0xa3: {  	[sflag:s23] =	ssyncset.done $0x0  }
0xa4: {  	s25 =	simm.s32 $0x1B8E;
	s24 =	sld [smem:$0x3FFE];
	[sflag:s23] =	ssyncadd.s32 $0xFFFFFFFF  }
0xa5: {  	s26 =	simm.s32 $execute0_lowered;
	[smem:$0x3FD2] =	sst s25  }
0xa6: {  	s4 =	sshll.u32 s26, $0x1;
	_ =	strace $0x80000052;
	[dreg:$0x1] =	wrdreg $0xFFFFFFFF  }
0xa7: {  	s28 =	simm.s32 $_size_execute0_lowered;
	s2 =	sadd.s32 s2, s4;
	[dreg:$0x0] =	wrdreg $0x0  }
0xa8: {  	s4 =	sshll.u32 s28, $0x1;
	[dreg:$0x2] =	wrdreg s2  }
0xa9: {  	[dreg:$0x3] =	wrdreg s4  }
0xaa: {  	[dreg:$0x4] =	wrdreg $0xC0  }
0xab: {  	_ =	task [dreg:s6], $0x5FFFF  }
0xac: {  	[dreg:$0x1] =	wrdreg $0xFFFFFFFF  }
0xad: {  	[dreg:$0x0] =	wrdreg $0x60  }
0xae: {  	[dreg:$0x2] =	wrdreg s24  }
0xaf: {  	[dreg:$0x3] =	wrdreg $0x92000  }
0xb0: {  	[dreg:$0x4] =	wrdreg $0x9  }
0xb1: {  	_ =	task.clear_ibuf [dreg:s6], $0x5FFFF;
	_ =	strace $0x90000052  }
0xb2: {  	s29 =	simm.s32 $0x9;
	_ =	strace $0x80000054  }
0xb3: {  	_ =	swait.ge [sflag:s29], $0x1  }
0xb4: {  	[sflag:s29] =	ssyncadd.s32 $0xFFFFFFFF  }
0xb5: {  	_ =	strace $0x90000054  }
0xb6: {  	_ =	sfence  }
0xb7: {  	s30 =	sld [smem:$0x0];
	_ =	sdelay $0x2  }
0xb8: {  	s31 =	sshll.u32 s1, $0xD;
	s1 =	sshrl.u32 s1, $0x2  }
0xb9: {  	s3 =	sand.u32 $0x4000, s31;
	s1 =	sadd.s32 s1, s30  }
0xba: {  	s0 =	sor.u32 s3, s0;
	s1 =	sshll.u32 s1, $0x11  }
0xbb: {  	s0 =	sor.u32 s1, s0  }
0xbc: {  	s0 =	sadd.s32 $0x8F2B, s0  }
0xbd: {  	[sflag:s0] =	ssyncadd.remote.s32 $0x1  }
0xbe: {  	_ =	sfence.sel $0xFFFF  }
0xbf: {  	[dreg:$0x0] =	wrdreg $0xFFFFFFFF;
	(pc) =	sbr.abs _section_cstart, $3  }
0xc0: {  	[dreg:$0x1] =	wrdreg $0xFFFFFFFF  }
0xc1: {  	_ =	task.clear_ibuf [dreg:s6], $0x2FFFF;
	_ =	strace $0x9FFFFFFF  }
0xc2: {  	(tm) =	ssettm $0x7FFFFFFF  }
0xc3: {  	_ =	shalt  }
tec
execute0_lowered:
.L_overlay_start_1:
0x0: {  	(tag) =	ssettag $0x1  }
0x1: {  	s5 =	rddreg [dreg:$0x0]  }
0x2: {  	s2 =	rddreg [dreg:$0x1]  }
0x3: {  	s0 =	rddreg [dreg:$0x2]  }
0x4: {  	s4 =	srdreg.scid;
	s1 =	stileid.u32;
	s3 =	simm.s32 $0x0  }
0x5: {  	s12 =	simm.s32 $0x50;
	s13 =	simm.s32 $0x4000;
	s14 =	simm.s32 $0x4200  }
0x6: {  	s15 =	simm.s32 $0x4080;
	s16 =	simm.s32 $0x6A00;
	s17 =	simm.s32 $0x1  }
0x7: {  	s18 =	simm.s32 $0x4100;
	s19 =	simm.s32 $0x2;
	s20 =	simm.s32 $0x4180  }
0x8: {  	s21 =	simm.s32 $0x0;
	s6 =	sand.u32 $0x1, s4;
	s7 =	smul.u32 $0x13C00, s1  }
0x9: {  	[smem:$0x7FF] =	sst s3;
	s4 =	sadd.s32 $0x17000, s5;
	s11 =	smul.u32 $0x4F000, s1  }
0xa: {  	s26 =	sshll.u32 s1, $0xC;
	s31 =	sshll.u32 s1, $0x6;
	s8 =	smul.u32 $0x13C000, s6  }
0xb: {  	_ =	strace $0x80000053;
	s9 =	sshll.u32 s6, $0xB;
	s6 =	ssub.s32 $0x2, s6  }
0xc: {  	s10 =	sshrl.u32 s7, $0x3;
	s24 =	sadd.s32 s9, s5;
	s28 =	sshrl.u32 s6, $0x1  }
0xd: {  	s30 =	sshrl.u32 s11, $0x2;
	s9 =	simm.s32 $0x3;
	s7 =	sadd.s32 s7, s8  }
0xe: {  	s25 =	sadd.s32 s10, s5;
	s8 =	sadd.s32 s26, s24;
	s29 =	ssub.s32 s6, s28  }
0xf: {  	s11 =	sadd.s32 s30, s2;
	s10 =	sor.u32 $0x1C03, s31;
	s7 =	sshrl.u32 s7, $0x3  }
0x10: {  	s6 =	sadd.s32 $0x3E800, s25;
	s11 =	sshrl.u32 s11, $0x3;
	s7 =	sadd.s32 s7, s5  }
0x11: {  	s5 =	sadd.s32 $0x7000, s8;
	s8 =	smax.u32 s29, $0x1;
	s7 =	sadd.s32 $0x66000, s7  }
.LBB2_1:
0x12: {  	[tilespmem:s3], [sflag:$0x3] =	stream.linear.gather [hbm4b:s5+s3], $0x3E80, $0x38;
	[tilespmem:$0x1CE00] =	vst v63  }
0x13: {  	_ =	swait.ge [sflag:s9], $0x3E80  }
0x14: {  	[sflag:s9] =	ssyncset.done $0x0  }
0x15: {  	[sflag:s9] =	ssyncadd.s32 $0xFFFFC180  }
0x16: {  	[spmem:s11], [sflag:s10] =	dma.local [hbm:s6], $0x2780  }
0x17: {  	_ =	swait.ge [sflag:s9], $0x2780  }
0x18: {  	[sflag:s9] =	ssyncset.done $0x0  }
0x19: {  	[sflag:s9] =	ssyncadd.s32 $0xFFFFD880  }
0x1a: {  	[bflag:$0x0] =	sbarrier.arrive $0xFFFF  }
0x1b: {  	v0 =	vld [tilespmem:$0x0];
	_ =	sdelay $0x1  }
0x1c: {  	v1 =	vld [tilespmem:$0x10];
	_ =	sdelay $0x1  }
0x1d: {  	v2 =	vld [tilespmem:$0x20]  }
0x1e: {  	v3 =	vand.u32 $0xFFFF, v0  }
0x1f: {  	v0 =	vshrl.u32 v0, $0x10;
	[tilespmem:$0x4000] =	vst v3;
	v3 =	vld [tilespmem:$0x30]  }
0x20: {  	[tilespmem:$0x4100] =	vst v0;
	v0 =	vand.u32 $0xFFFF, v1  }
0x21: {  	[tilespmem:$0x4010] =	vst v0;
	v0 =	vshrl.u32 v1, $0x10;
	v1 =	vld [tilespmem:$0x40]  }
0x22: {  	[tilespmem:$0x4110] =	vst v0;
	v0 =	vand.u32 $0xFFFF, v2  }
0x23: {  	[tilespmem:$0x4020] =	vst v0;
	v0 =	vshrl.u32 v2, $0x10  }
0x24: {  	[tilespmem:$0x4120] =	vst v0;
	v0 =	vand.u32 $0xFFFF, v3  }
0x25: {  	[tilespmem:$0x4030] =	vst v0;
	v0 =	vshrl.u32 v3, $0x10  }
0x26: {  	[tilespmem:$0x4130] =	vst v0;
	v0 =	vand.u32 $0xFFFF, v1  }
0x27: {  	[tilespmem:$0x4040] =	vst v0;
	v0 =	vshrl.u32 v1, $0x10  }
0x28: {  	[tilespmem:$0x4140] =	vst v0  }
0x29: {  	[tilespmem:s14], [sflag:$0x1] =	stream.indirect.gather [hbm4b:s4+s12], $0x80, s13, s12, $0xb8;
	[tilespmem:$0x1CE00] =	vst v63  }
0x2a: {  	v0 =	vld [tilespmem:$0x80];
	_ =	sdelay $0x1  }
0x2b: {  	v1 =	vld [tilespmem:$0x90];
	_ =	sdelay $0x1  }
0x2c: {  	v2 =	vld [tilespmem:$0xA0]  }
0x2d: {  	v3 =	vand.u32 $0xFFFF, v0  }
0x2e: {  	v0 =	vshrl.u32 v0, $0x10;
	[tilespmem:$0x4080] =	vst v3;
	v3 =	vld [tilespmem:$0xB0]  }
0x2f: {  	[tilespmem:$0x4180] =	vst v0;
	v0 =	vand.u32 $0xFFFF, v1  }
0x30: {  	[tilespmem:$0x4090] =	vst v0;
	v0 =	vshrl.u32 v1, $0x10;
	v1 =	vld [tilespmem:$0xC0]  }
0x31: {  	[tilespmem:$0x4190] =	vst v0;
	v0 =	vand.u32 $0xFFFF, v2  }
0x32: {  	[tilespmem:$0x40A0] =	vst v0;
	v0 =	vshrl.u32 v2, $0x10  }
0x33: {  	[tilespmem:$0x41A0] =	vst v0;
	v0 =	vand.u32 $0xFFFF, v3  }
0x34: {  	[tilespmem:$0x40B0] =	vst v0;
	v0 =	vshrl.u32 v3, $0x10  }
0x35: {  	[tilespmem:$0x41B0] =	vst v0;
	v0 =	vand.u32 $0xFFFF, v1  }
0x36: {  	[tilespmem:$0x40C0] =	vst v0;
	v0 =	vshrl.u32 v1, $0x10  }
0x37: {  	[tilespmem:$0x41C0] =	vst v0  }
0x38: {  	[tilespmem:s16], [sflag:$0x2] =	stream.indirect.gather [hbm4b:s4+s12], $0x80, s15, s12, $0xb8;
	[tilespmem:$0x1CE00] =	vst v63  }
0x39: {  	_ =	swait.ge [sflag:s17], $0x2800  }
0x3a: {  	[sflag:s17] =	ssyncset.done $0x0  }
0x3b: {  	[sflag:s17] =	ssyncadd.s32 $0xFFFFD800  }
0x3c: {  	[spmem:s2] =	stream.indirect.scatter.add.f32 [tilespmem:s14], [sflag:$0x3], $0x80, s18, s12, $0xb8;
	[tilespmem:$0x1CE00] =	vst v63  }
0x3d: {  	_ =	swait.ge [sflag:s9], $0x2800  }
0x3e: {  	[sflag:s9] =	ssyncset.done $0x0  }
0x3f: {  	s22 =	simm.s32 $0x1C0;
	[sflag:s9] =	ssyncadd.s32 $0xFFFFD800  }
0x40: {  	v0 =	vld [tilespmem:s22+$0xFFFFFF40];
	_ =	sdelay $0x4  }
0x41: {  	v1 =	vand.u32 $0xFFFF, v0  }
0x42: {  	v0 =	vshrl.u32 v0, $0x10;
	[tilespmem:$0x4000] =	vst v1  }
0x43: {  	[tilespmem:$0x4100] =	vst v0  }
0x44: {  	v0 =	vld [tilespmem:s22+$0xFFFFFF50];
	_ =	sdelay $0x4  }
0x45: {  	v1 =	vand.u32 $0xFFFF, v0  }
0x46: {  	v0 =	vshrl.u32 v0, $0x10;
	[tilespmem:$0x4010] =	vst v1  }
0x47: {  	[tilespmem:$0x4110] =	vst v0  }
0x48: {  	v0 =	vld [tilespmem:s22+$0xFFFFFF60];
	_ =	sdelay $0x4  }
0x49: {  	v1 =	vand.u32 $0xFFFF, v0  }
0x4a: {  	v0 =	vshrl.u32 v0, $0x10;
	[tilespmem:$0x4020] =	vst v1  }
0x4b: {  	[tilespmem:$0x4120] =	vst v0  }
0x4c: {  	v0 =	vld [tilespmem:s22+$0xFFFFFF70];
	_ =	sdelay $0x4  }
0x4d: {  	v1 =	vand.u32 $0xFFFF, v0  }
0x4e: {  	v0 =	vshrl.u32 v0, $0x10;
	[tilespmem:$0x4030] =	vst v1  }
0x4f: {  	[tilespmem:$0x4130] =	vst v0  }
0x50: {  	v0 =	vld [tilespmem:s22+$0xFFFFFF80];
	_ =	sdelay $0x4  }
0x51: {  	v1 =	vand.u32 $0xFFFF, v0  }
0x52: {  	v0 =	vshrl.u32 v0, $0x10;
	[tilespmem:$0x4040] =	vst v1  }
0x53: {  	[tilespmem:$0x4140] =	vst v0  }
0x54: {  	[tilespmem:s14], [sflag:$0x1] =	stream.indirect.gather [hbm4b:s4+s12], $0x80, s13, s12, $0xb8;
	[tilespmem:$0x1CE00] =	vst v63  }
0x55: {  	_ =	swait.ge [sflag:s19], $0x2800  }
0x56: {  	[sflag:s19] =	ssyncset.done $0x0  }
0x57: {  	[sflag:s19] =	ssyncadd.s32 $0xFFFFD800  }
0x58: {  	[spmem:s2] =	stream.indirect.scatter.add.f32 [tilespmem:s16], [sflag:$0x3], $0x80, s20, s12, $0xb8;
	[tilespmem:$0x1CE00] =	vst v63  }
0x59: {  	_ =	swait.ge [sflag:s9], $0x2800  }
0x5a: {  	[sflag:s9] =	ssyncset.done $0x0  }
0x5b: {  	[sflag:s9] =	ssyncadd.s32 $0xFFFFD800  }
0x5c: {  	v0 =	vld [tilespmem:s22+$0xFFFFFFC0];
	_ =	sdelay $0x4  }
0x5d: {  	v1 =	vand.u32 $0xFFFF, v0  }
0x5e: {  	v0 =	vshrl.u32 v0, $0x10;
	[tilespmem:$0x4080] =	vst v1  }
0x5f: {  	[tilespmem:$0x4180] =	vst v0  }
0x60: {  	v0 =	vld [tilespmem:s22+$0xFFFFFFD0];
	_ =	sdelay $0x4  }
0x61: {  	v1 =	vand.u32 $0xFFFF, v0  }
0x62: {  	v0 =	vshrl.u32 v0, $0x10;
	[tilespmem:$0x4090] =	vst v1  }
0x63: {  	[tilespmem:$0x4190] =	vst v0  }
0x64: {  	v0 =	vld [tilespmem:s22+$0xFFFFFFE0];
	_ =	sdelay $0x4  }
0x65: {  	v1 =	vand.u32 $0xFFFF, v0  }
0x66: {  	v0 =	vshrl.u32 v0, $0x10;
	[tilespmem:$0x40A0] =	vst v1  }
0x67: {  	[tilespmem:$0x41A0] =	vst v0  }
0x68: {  	v0 =	vld [tilespmem:s22+$0xFFFFFFF0];
	_ =	sdelay $0x4  }
0x69: {  	s23 =	simm.s32 $0xB00;
	v1 =	vand.u32 $0xFFFF, v0;
	v0 =	vshrl.u32 v0, $0x10  }
.LBB2_2:
0x6a: {  	p0 =	sne.s32 s23, $0xF700;
	[tilespmem:$0x40B0] =	vst v1;
	s24 =	smov.u32 s23;
	s23 =	sadd.s32 $0x400, s23  }
0x6b: {  	[tilespmem:$0x41B0] =	vst v0  }
0x6c: {  	v0 =	vld [tilespmem:s22+$0x0];
	_ =	sdelay $0x4  }
0x6d: {  	v1 =	vand.u32 $0xFFFF, v0;
	v0 =	vshrl.u32 v0, $0x10  }
0x6e: {  	[tilespmem:$0x40C0] =	vst v1  }
0x6f: {  	[tilespmem:$0x41C0] =	vst v0  }
0x70: {  	[tilespmem:s16], [sflag:$0x2] =	stream.indirect.gather [hbm4b:s4+s12], $0x80, s15, s12, $0xb8;
	[tilespmem:$0x1CE00] =	vst v63  }
0x71: {  	_ =	swait.ge [sflag:s17], $0x2800  }
0x72: {  	[sflag:s17] =	ssyncset.done $0x0  }
0x73: {  	[sflag:s17] =	ssyncadd.s32 $0xFFFFD800  }
0x74: {  	[spmem:s2] =	stream.indirect.scatter.add.f32 [tilespmem:s14], [sflag:$0x3], $0x80, s18, s12, $0xb8;
	[tilespmem:$0x1CE00] =	vst v63  }
0x75: {  	_ =	swait.ge [sflag:s9], $0x2800  }
0x76: {  	[sflag:s9] =	ssyncset.done $0x0  }
0x77: {  	s22 =	sshra.s32 s24, $0x2;
	[sflag:s9] =	ssyncadd.s32 $0xFFFFD800  }
0x78: {  	v0 =	vld [tilespmem:s22+$0xFFFFFF40];
	_ =	sdelay $0x4  }
0x79: {  	v1 =	vand.u32 $0xFFFF, v0;
	v0 =	vshrl.u32 v0, $0x10  }
0x7a: {  	[tilespmem:$0x4000] =	vst v1  }
0x7b: {  	[tilespmem:$0x4100] =	vst v0  }
0x7c: {  	v0 =	vld [tilespmem:s22+$0xFFFFFF50];
	_ =	sdelay $0x4  }
0x7d: {  	v1 =	vand.u32 $0xFFFF, v0;
	v0 =	vshrl.u32 v0, $0x10  }
0x7e: {  	[tilespmem:$0x4010] =	vst v1  }
0x7f: {  	[tilespmem:$0x4110] =	vst v0  }
0x80: {  	v0 =	vld [tilespmem:s22+$0xFFFFFF60];
	_ =	sdelay $0x4  }
0x81: {  	v1 =	vand.u32 $0xFFFF, v0;
	v0 =	vshrl.u32 v0, $0x10  }
0x82: {  	[tilespmem:$0x4020] =	vst v1  }
0x83: {  	[tilespmem:$0x4120] =	vst v0  }
0x84: {  	v0 =	vld [tilespmem:s22+$0xFFFFFF70];
	_ =	sdelay $0x4  }
0x85: {  	v1 =	vand.u32 $0xFFFF, v0;
	v0 =	vshrl.u32 v0, $0x10  }
0x86: {  	[tilespmem:$0x4030] =	vst v1  }
0x87: {  	[tilespmem:$0x4130] =	vst v0  }
0x88: {  	v0 =	vld [tilespmem:s22+$0xFFFFFF80];
	_ =	sdelay $0x4  }
0x89: {  	v1 =	vand.u32 $0xFFFF, v0;
	v0 =	vshrl.u32 v0, $0x10  }
0x8a: {  	[tilespmem:$0x4040] =	vst v1  }
0x8b: {  	[tilespmem:$0x4140] =	vst v0  }
0x8c: {  	[tilespmem:s14], [sflag:$0x1] =	stream.indirect.gather [hbm4b:s4+s12], $0x80, s13, s12, $0xb8;
	[tilespmem:$0x1CE00] =	vst v63  }
0x8d: {  	_ =	swait.ge [sflag:s19], $0x2800  }
0x8e: {  	[sflag:s19] =	ssyncset.done $0x0  }
0x8f: {  	[sflag:s19] =	ssyncadd.s32 $0xFFFFD800  }
0x90: {  	[spmem:s2] =	stream.indirect.scatter.add.f32 [tilespmem:s16], [sflag:$0x3], $0x80, s20, s12, $0xb8;
	[tilespmem:$0x1CE00] =	vst v63  }
0x91: {  	_ =	swait.ge [sflag:s9], $0x2800  }
0x92: {  	[sflag:s9] =	ssyncset.done $0x0  }
0x93: {  	[sflag:s9] =	ssyncadd.s32 $0xFFFFD800  }
0x94: {  	v0 =	vld [tilespmem:s22+$0xFFFFFFC0];
	_ =	sdelay $0x4  }
0x95: {  	v1 =	vand.u32 $0xFFFF, v0;
	v0 =	vshrl.u32 v0, $0x10  }
0x96: {  	[tilespmem:$0x4080] =	vst v1  }
0x97: {  	[tilespmem:$0x4180] =	vst v0  }
0x98: {  	v0 =	vld [tilespmem:s22+$0xFFFFFFD0];
	_ =	sdelay $0x4  }
0x99: {  	v1 =	vand.u32 $0xFFFF, v0;
	v0 =	vshrl.u32 v0, $0x10  }
0x9a: {  	[tilespmem:$0x4090] =	vst v1  }
0x9b: {  	[tilespmem:$0x4190] =	vst v0  }
0x9c: {  	v0 =	vld [tilespmem:s22+$0xFFFFFFE0];
	_ =	sdelay $0x4  }
0x9d: {  	v1 =	vand.u32 $0xFFFF, v0;
	v0 =	vshrl.u32 v0, $0x10  }
0x9e: {  	[tilespmem:$0x40A0] =	vst v1  }
0x9f: {  	[tilespmem:$0x41A0] =	vst v0  }
0xa0: {  	v0 =	vld [tilespmem:s22+$0xFFFFFFF0]  }
.Ltmp0:
0xa1: {  	(pc) =	sbr.rel @p0 .LBB2_2-.Ltmp0, $2  }
0xa2: {  	_ =	sdelay $0x2  }
0xa3: {  	v1 =	vand.u32 $0xFFFF, v0;
	v0 =	vshrl.u32 v0, $0x10  }
0xa4: {  	[tilespmem:$0x40B0] =	vst v1  }
0xa5: {  	[tilespmem:$0x41B0] =	vst v0  }
0xa6: {  	v0 =	vld [tilespmem:s22+$0x0];
	_ =	sdelay $0x4  }
0xa7: {  	v51 =	vand.u32 $0xFFFF, v0  }
0xa8: {  	v0 =	vshrl.u32 v0, $0x10;
	[tilespmem:$0x40C0] =	vst v51  }
0xa9: {  	[tilespmem:$0x41C0] =	vst v0  }
0xaa: {  	[tilespmem:s16], [sflag:$0x2] =	stream.indirect.gather [hbm4b:s4+s12], $0x80, s15, s12, $0xb8;
	[tilespmem:$0x1CE00] =	vst v63  }
0xab: {  	_ =	swait.ge [sflag:s17], $0x2800  }
0xac: {  	[sflag:s17] =	ssyncset.done $0x0  }
0xad: {  	[sflag:s17] =	ssyncadd.s32 $0xFFFFD800  }
0xae: {  	[spmem:s2] =	stream.indirect.scatter.add.f32 [tilespmem:s14], [sflag:$0x3], $0x80, s18, s12, $0xb8;
	[tilespmem:$0x1CE00] =	vst v63  }
0xaf: {  	_ =	swait.ge [sflag:s9], $0x2800  }
0xb0: {  	[sflag:s9] =	ssyncset.done $0x0  }
0xb1: {  	[sflag:s9] =	ssyncadd.s32 $0xFFFFD800  }
0xb2: {  	v52 =	vld [tilespmem:$0x3E00];
	_ =	sdelay $0x1  }
0xb3: {  	v53 =	vld [tilespmem:$0x3E10];
	_ =	sdelay $0x1  }
0xb4: {  	v2 =	vld [tilespmem:$0x3E20]  }
0xb5: {  	v3 =	vand.u32 $0xFFFF, v52  }
0xb6: {  	v54 =	vld [tilespmem:$0x3E30];
	v0 =	vshrl.u32 v52, $0x10;
	[tilespmem:$0x4000] =	vst v3  }
0xb7: {  	v55 =	vand.u32 $0xFFFF, v53;
	[tilespmem:$0x4100] =	vst v0  }
0xb8: {  	v57 =	vld [tilespmem:$0x3E40];
	v56 =	vshrl.u32 v53, $0x10;
	[tilespmem:$0x4010] =	vst v55  }
0xb9: {  	v58 =	vand.u32 $0xFFFF, v2;
	[tilespmem:$0x4110] =	vst v56  }
0xba: {  	v59 =	vshrl.u32 v2, $0x10;
	[tilespmem:$0x4020] =	vst v58  }
0xbb: {  	v60 =	vand.u32 $0xFFFF, v54;
	[tilespmem:$0x4120] =	vst v59  }
0xbc: {  	v61 =	vshrl.u32 v54, $0x10;
	[tilespmem:$0x4030] =	vst v60  }
0xbd: {  	v62 =	vand.u32 $0xFFFF, v57;
	[tilespmem:$0x4130] =	vst v61  }
0xbe: {  	v63 =	vshrl.u32 v57, $0x10;
	[tilespmem:$0x4040] =	vst v62  }
0xbf: {  	[tilespmem:$0x4140] =	vst v63  }
0xc0: {  	[tilespmem:s14], [sflag:$0x1] =	stream.indirect.gather [hbm4b:s4+s12], $0x80, s13, s12, $0xb8;
	[tilespmem:$0x1CE00] =	vst v63  }
0xc1: {  	_ =	swait.ge [sflag:s19], $0x2800  }
0xc2: {  	[sflag:s19] =	ssyncset.done $0x0  }
0xc3: {  	[sflag:s19] =	ssyncadd.s32 $0xFFFFD800  }
0xc4: {  	[spmem:s2] =	stream.indirect.scatter.add.f32 [tilespmem:s16], [sflag:$0x3], $0x80, s20, s12, $0xb8;
	[tilespmem:$0x1CE00] =	vst v63  }
0xc5: {  	_ =	swait.ge [sflag:s9], $0x2800  }
0xc6: {  	[sflag:s9] =	ssyncset.done $0x0  }
0xc7: {  	[sflag:s9] =	ssyncadd.s32 $0xFFFFD800  }
0xc8: {  	_ =	swait.ge [sflag:s17], $0x2800  }
0xc9: {  	[sflag:s17] =	ssyncset.done $0x0  }
0xca: {  	[sflag:s17] =	ssyncadd.s32 $0xFFFFD800  }
0xcb: {  	[spmem:s2] =	stream.indirect.scatter.add.f32 [tilespmem:s14], [sflag:$0x3], $0x80, s18, s12, $0xb8;
	[tilespmem:$0x1CE00] =	vst v63  }
0xcc: {  	_ =	swait.ge [sflag:s9], $0x2800  }
0xcd: {  	s21 =	sadd.s32 $0x1, s21;
	[sflag:s9] =	ssyncset.done $0x0  }
0xce: {  	p0 =	sne.s32 s21, s8;
	[sflag:s9] =	ssyncadd.s32 $0xFFFFD800  }
.Ltmp1:
0xcf: {  	[bflag:$0x0] =	sbarrier.arrive $0xFFFF;
	(pc) =	sbr.rel @p0 .LBB2_1-.Ltmp1, $4  }
0xd0: {  	[hbm:s7], [sflag:s10] =	dma.local [spmem:s11], $0x2780  }
0xd1: {  	_ =	swait.ge [sflag:s9], $0x2780  }
0xd2: {  	[sflag:s9] =	ssyncset.done $0x0  }
0xd3: {  	[sflag:s9] =	ssyncadd.s32 $0xFFFFD880  }
0xd4: {  	_ =	sfence.sel $0x180000  }
0xd5: {  	[bflag:$0x0] =	sbarrier.arrive $0xFFFF  }
0xd6: {  	p0 =	sne.s32 s1, $0x0;
	_ =	strace $0x90000053  }
0xd7: {  	s0 =	sadd.s32 @!p0 $0x100000, s0;
	[bflag:$0x2] =	sbarrier.arrive $0xFFFF  }
0xd8: {  	[sflag:s0] =	ssyncadd.tile.s32 @!p0 $0x1;
	_ =	shalt  }
.Lfunc_end2:
_tile_overlayer_lowered:
.L_overlay_start_2:
0xd9: {  	(tag) =	ssettag $0x2  }
0xda: {  	s0 =	rddreg [dreg:$0x0];
	s2 =	stileid.u32  }
0xdb: {  	s1 =	rddreg [dreg:$0x1];
	p0 =	sne.s32 s2, $0x0  }
0xdc: {  	s3 =	rddreg [dreg:$0x2];
	[bflag:$0x3] =	sbarrier.arrive $0xFFFF;
	s2 =	simm.s32 @!p0 $0x1C03  }
0xdd: {  	[timem:s3], [sflag:s2] =	dma.local @!p0 [hbm:s0], s1  }
0xde: {  	s0 =	simm.s32 @!p0 $0x3  }
0xdf: {  	_ =	swait.ge @!p0 [sflag:s0], s1  }
0xe0: {  	s1 =	ssub.s32 @!p0 $0x0, s1;
	[sflag:s0] =	ssyncset.done @!p0 $0x0  }
0xe1: {  	[sflag:s0] =	ssyncadd.s32 @!p0 s1  }
0xe2: {  	[bflag:$0x3] =	sbarrier.arrive $0xFFFF  }
0xe3: {  	_ =	shalt  }

</sc_bundles>
